<compile_context>
chip_gen: v7x
topology: tpu7x:2x2x1
jax: 0.10.2.dev20260603
libtpu: 0.0.44.dev20260713+nightly
codegen_flags: <defaults>
</compile_context>

<pallas_src>
import functools

import jax
import jax.numpy as jnp
from jax import lax
from jax.experimental import pallas as pl
from jax.experimental.pallas import tpu as pltpu
from jax.experimental.pallas import tpu_sc as plsc

N = 10000
E = 320000
HID = 256
G = 64

NTILES = 16
CHUNK = 128
GRP = 8
CHUNKS = 160
CHUNKS32 = 80
E_PAD = NTILES * CHUNKS * CHUNK
ACC_ROWS = 10240
RPT = ACC_ROWS // NTILES

BM = 1000
NBLK = N // BM



_MESH = plsc.VectorSubcoreMesh(core_axis_name="c", subcore_axis_name="s")


def _zero_acc(rows, acc, s):
  def zrow(i, carry):
    for j in range(128 // 16):
      rows[i, pl.ds(j * 16, 16)] = jnp.zeros((16,), jnp.float32)
    return carry

  lax.fori_loop(0, CHUNK, zrow, 0)
  base = s * RPT
  for k in range(RPT // CHUNK):
    pltpu.sync_copy(rows, acc.at[pl.ds(base + k * CHUNK, CHUNK)])


@functools.partial(
    pl.kernel,
    mesh=_MESH,
    out_type=[
        jax.ShapeDtypeStruct((ACC_ROWS, 128), jnp.float32),
        jax.ShapeDtypeStruct((ACC_ROWS, 128), jnp.float32),
    ],
    scratch_types=[
        pltpu.VMEM((GRP, CHUNK), jnp.int32),
        pltpu.VMEM((GRP, CHUNK), jnp.int32),
        pltpu.VMEM((CHUNK, 128), jnp.float32),
        pltpu.VMEM_SHARED((ACC_ROWS, 128), jnp.float32),
    ],
)
def _agg_edge_split(x_hbm, src_hbm, dst_hbm, out0, out1,
                    srcv, dstv, rows, acc):
  c = lax.axis_index("c")
  s = lax.axis_index("s")
  wid = c * NTILES + s

  _zero_acc(rows, acc, s)
  plsc.subcore_barrier()

  def group(g, carry):
    pltpu.sync_copy(src_hbm.at[wid, pl.ds(g * GRP, GRP)], srcv)
    pltpu.sync_copy(dst_hbm.at[wid, pl.ds(g * GRP, GRP)], dstv)
    for j in range(GRP):
      pltpu.sync_copy(x_hbm.at[srcv.at[j]], rows)
      pltpu.sync_copy(rows, acc.at[dstv.at[j]], add=True)
    return carry

  lax.fori_loop(0, CHUNKS32 // GRP, group, 0)

  plsc.subcore_barrier()
  base = s * RPT

  @pl.when(c == 0)
  def _():
    pltpu.sync_copy(acc.at[pl.ds(base, RPT)], out0.at[pl.ds(base, RPT)])

  @pl.when(c == 1)
  def _():
    pltpu.sync_copy(acc.at[pl.ds(base, RPT)], out1.at[pl.ds(base, RPT)])


@functools.partial(
    pl.kernel,
    mesh=_MESH,
    out_type=[
        jax.ShapeDtypeStruct((ACC_ROWS, 128), jnp.float32),
        jax.ShapeDtypeStruct((ACC_ROWS, 128), jnp.float32),
    ],
    scratch_types=[
        pltpu.VMEM((GRP, CHUNK), jnp.int32),
        pltpu.VMEM((GRP, CHUNK), jnp.int32),
        pltpu.VMEM((CHUNK, 128), jnp.float32),
        pltpu.VMEM_SHARED((ACC_ROWS, 128), jnp.float32),
    ],
)
def _agg_feat_split(x0_hbm, x1_hbm, src_hbm, dst_hbm, out0, out1,
                    srcv, dstv, rows, acc):
  c = lax.axis_index("c")
  s = lax.axis_index("s")

  def run(x_t, out_t):
    _zero_acc(rows, acc, s)
    plsc.subcore_barrier()

    def group(g, carry):
      pltpu.sync_copy(src_hbm.at[s, pl.ds(g * GRP, GRP)], srcv)
      pltpu.sync_copy(dst_hbm.at[s, pl.ds(g * GRP, GRP)], dstv)
      for j in range(GRP):
        pltpu.sync_copy(x_t.at[srcv.at[j]], rows)
        pltpu.sync_copy(rows, acc.at[dstv.at[j]], add=True)
      return carry

    lax.fori_loop(0, CHUNKS // GRP, group, 0)

    plsc.subcore_barrier()
    base = s * RPT
    pltpu.sync_copy(acc.at[pl.ds(base, RPT)], out_t.at[pl.ds(base, RPT)])

  @pl.when(c == 0)
  def _():
    run(x0_hbm, out0)

  @pl.when(c == 1)
  def _():
    run(x1_hbm, out1)



def _mlp_a_common(i, sfull, war, bar, h1r, statr):
  h1 = lax.dot_general(sfull, war[...], (((1,), (1,)), ((), ())),
                       preferred_element_type=jnp.float32) + bar[...]
  h1r[...] = h1

  @pl.when(i == 0)
  def _():
    statr[...] = jnp.zeros_like(statr)

  part = jnp.concatenate(
      [h1.sum(axis=0, keepdims=True),
       (h1 * h1).sum(axis=0, keepdims=True),
       jnp.zeros((6, HID), jnp.float32)], axis=0)
  statr[...] += part


def _mlp_a1_body(xr, a0r, a1r, war, bar, h1r, statr):
  _mlp_a_common(pl.program_id(0), xr[...] + a0r[...] + a1r[...],
                war, bar, h1r, statr)


_mlp_a1 = pl.pallas_call(
    _mlp_a1_body,
    grid=(NBLK,),
    in_specs=[
        pl.BlockSpec((BM, 128), lambda i: (i, 0)),
        pl.BlockSpec((BM, 128), lambda i: (i, 0)),
        pl.BlockSpec((BM, 128), lambda i: (i, 0)),
        pl.BlockSpec((HID, 128), lambda i: (0, 0)),
        pl.BlockSpec((1, HID), lambda i: (0, 0)),
    ],
    out_specs=[
        pl.BlockSpec((BM, HID), lambda i: (i, 0)),
        pl.BlockSpec((8, HID), lambda i: (0, 0)),
    ],
    out_shape=[
        jax.ShapeDtypeStruct((N, HID), jnp.float32),
        jax.ShapeDtypeStruct((8, HID), jnp.float32),
    ],
)


def _mlp_a2_body(x0r, x1r, a0r, a1r, war, bar, h1r, statr):
  sfull = jnp.concatenate([x0r[...] + a0r[...], x1r[...] + a1r[...]], axis=1)
  _mlp_a_common(pl.program_id(0), sfull, war, bar, h1r, statr)


_mlp_a2 = pl.pallas_call(
    _mlp_a2_body,
    grid=(NBLK,),
    in_specs=[
        pl.BlockSpec((BM, 128), lambda i: (i, 0)),
        pl.BlockSpec((BM, 128), lambda i: (i, 0)),
        pl.BlockSpec((BM, 128), lambda i: (i, 0)),
        pl.BlockSpec((BM, 128), lambda i: (i, 0)),
        pl.BlockSpec((HID, HID), lambda i: (0, 0)),
        pl.BlockSpec((1, HID), lambda i: (0, 0)),
    ],
    out_specs=[
        pl.BlockSpec((BM, HID), lambda i: (i, 0)),
        pl.BlockSpec((8, HID), lambda i: (0, 0)),
    ],
    out_shape=[
        jax.ShapeDtypeStruct((N, HID), jnp.float32),
        jax.ShapeDtypeStruct((8, HID), jnp.float32),
    ],
)



def _mlp_b_body(h1r, statr, gr, ber, wbr, bbr, o0r, o1r):
  st = statr[...]
  mean = st[0:1, :] * (1.0 / N)
  var = st[1:2, :] * (1.0 / N) - mean * mean
  s1 = gr[...] * lax.rsqrt(var + 1e-5)
  s2 = ber[...] - mean * s1
  y = jnp.maximum(h1r[...] * s1 + s2, 0.0)
  h2 = lax.dot_general(y, wbr[...], (((1,), (1,)), ((), ())),
                       preferred_element_type=jnp.float32) + bbr[...]
  h2 = jnp.maximum(h2, 0.0)
  o0r[...] = h2[:, :HID // 2]
  o1r[...] = h2[:, HID // 2:]


_mlp_b = pl.pallas_call(
    _mlp_b_body,
    grid=(NBLK,),
    in_specs=[
        pl.BlockSpec((BM, HID), lambda i: (i, 0)),
        pl.BlockSpec((8, HID), lambda i: (0, 0)),
        pl.BlockSpec((1, HID), lambda i: (0, 0)),
        pl.BlockSpec((1, HID), lambda i: (0, 0)),
        pl.BlockSpec((HID, HID), lambda i: (0, 0)),
        pl.BlockSpec((1, HID), lambda i: (0, 0)),
    ],
    out_specs=[
        pl.BlockSpec((BM, HID // 2), lambda i: (i, 0)),
        pl.BlockSpec((BM, HID // 2), lambda i: (i, 0)),
    ],
    out_shape=[
        jax.ShapeDtypeStruct((N, HID // 2), jnp.float32),
        jax.ShapeDtypeStruct((N, HID // 2), jnp.float32),
    ],
)



def _pool_body(h0r, h1r, br, wl1r, bl1r, wl2r, bl2r, outr, accr):
  i = pl.program_id(0)

  @pl.when(i == 0)
  def _():
    accr[...] = jnp.zeros_like(accr)

  h = jnp.concatenate([h0r[...], h1r[...]], axis=1)
  b = br[0, 0, :]
  onehot = (lax.broadcasted_iota(jnp.int32, (G, BM), 0)
            == b[None, :]).astype(jnp.float32)
  accr[...] += lax.dot_general(onehot, h, (((1,), (0,)), ((), ())),
                               preferred_element_type=jnp.float32)

  @pl.when(i == NBLK - 1)
  def _():
    p = accr[...]
    y = lax.dot_general(p, wl1r[...], (((1,), (1,)), ((), ())),
                        preferred_element_type=jnp.float32) + bl1r[...]
    y = jnp.maximum(y, 0.0)
    out = lax.dot_general(y, wl2r[...], (((1,), (1,)), ((), ())),
                          preferred_element_type=jnp.float32) + bl2r[...]
    outr[...] = out


_pool = pl.pallas_call(
    _pool_body,
    grid=(NBLK,),
    in_specs=[
        pl.BlockSpec((BM, HID // 2), lambda i: (i, 0)),
        pl.BlockSpec((BM, HID // 2), lambda i: (i, 0)),
        pl.BlockSpec((1, 1, BM), lambda i: (i, 0, 0)),
        pl.BlockSpec((HID, HID), lambda i: (0, 0)),
        pl.BlockSpec((1, HID), lambda i: (0, 0)),
        pl.BlockSpec((128, HID), lambda i: (0, 0)),
        pl.BlockSpec((1, 128), lambda i: (0, 0)),
    ],
    out_specs=pl.BlockSpec((G, 128), lambda i: (0, 0)),
    out_shape=jax.ShapeDtypeStruct((G, 128), jnp.float32),
    scratch_shapes=[pltpu.VMEM((G, HID), jnp.float32)],
)



def kernel(x, edge_index, batch, W1a, b1a, g1, be1, W1b, b1b,
           W2a, b2a, g2, be2, W2b, b2b, W3a, b3a, g3, be3, W3b, b3b,
           Wl1, bl1, Wl2, bl2):
  src = edge_index[0].astype(jnp.int32)
  dst = edge_index[1].astype(jnp.int32)

  def pad_edges(v, n_pad_to, shape, is_dst):
    pad_i = jnp.arange(n_pad_to - E, dtype=jnp.int32)
    fill = (N + pad_i % (ACC_ROWS - N)) if is_dst else (pad_i % 16)
    return jnp.concatenate([v, fill]).reshape(shape)

  srcr16 = pad_edges(src, E_PAD, (NTILES, CHUNKS, CHUNK), False)
  dstr16 = pad_edges(dst, E_PAD, (NTILES, CHUNKS, CHUNK), True)
  srcr32 = srcr16.reshape(32, CHUNKS32, CHUNK)
  dstr32 = dstr16.reshape(32, CHUNKS32, CHUNK)

  def rr(v):
    return v.reshape(1, HID)

  a0, a1 = _agg_edge_split(x, srcr32, dstr32)
  h1, st = _mlp_a1(x, a0, a1, W1a, rr(b1a))
  h0, h1_ = _mlp_b(h1, st, rr(g1), rr(be1), W1b, rr(b1b))

  a0, a1 = _agg_feat_split(h0, h1_, srcr16, dstr16)
  h1, st = _mlp_a2(h0, h1_, a0, a1, W2a, rr(b2a))
  h0, h1_ = _mlp_b(h1, st, rr(g2), rr(be2), W2b, rr(b2b))

  a0, a1 = _agg_feat_split(h0, h1_, srcr16, dstr16)
  h1, st = _mlp_a2(h0, h1_, a0, a1, W3a, rr(b3a))
  h0, h1_ = _mlp_b(h1, st, rr(g3), rr(be3), W3b, rr(b3b))

  batch3 = batch.astype(jnp.int32).reshape(NBLK, 1, BM)
  wl2p = jnp.zeros((128, HID), jnp.float32).at[0].set(Wl2[0])
  bl2p = jnp.zeros((1, 128), jnp.float32).at[0, 0].set(bl2[0])
  out = _pool(h0, h1_, batch3, Wl1, rr(bl1), wl2p, bl2p)
  return out[:, :1]

# --- scband reference (transcript-rebuilt; emitter-appended) ---
"""Pipeline reference for scband-gin-51651276702330 (READ-ONLY COPY).

The authoritative reference and input builder live on the scoring server;
editing this copy changes nothing except your own understanding.
"""

import jax, jax.numpy as jnp
import numpy as np

N = 10000
E = 320000
IN = 128
HID = 256
OUT = 1
G = 64


def _bn(h, g, b):
    # BatchNorm1d with batch statistics (training-style forward), eps=1e-5
    m = h.mean(axis=0)
    v = h.var(axis=0)
    return (h - m) / jnp.sqrt(v + 1e-5) * g + b


def _gin_conv(x, src, dst, Wa, ba, g, be, Wb, bb):
    # GINConv with eps=0: nn((1+eps)*x + sum_{j in N(i)} x_j)
    agg = jnp.zeros_like(x).at[dst].add(x[src])
    h = x + agg
    h = h @ Wa.T + ba
    h = _bn(h, g, be)
    h = jax.nn.relu(h)
    h = h @ Wb.T + bb
    h = jax.nn.relu(h)
    return h


def setup_inputs(seed: int = 0):
    key = jax.random.key(seed)
    ks = jax.random.split(key, 16)

    def lin(k, o, i):
        return jax.random.normal(k, (o, i), dtype=jnp.float32) * (1.0 / np.sqrt(i))

    inp = {}
    inp['x'] = jax.random.normal(ks[0], (N, IN), dtype=jnp.float32)
    inp['edge_index'] = jax.random.randint(ks[1], (2, E), 0, N)
    inp['batch'] = jnp.sort(jax.random.randint(ks[2], (N,), 0, G))
    # conv1 MLP: Linear(IN,HID), BN(HID), ReLU, Linear(HID,HID), ReLU
    inp['W1a'] = lin(ks[3], HID, IN)
    inp['b1a'] = jnp.zeros((HID,), jnp.float32)
    inp['g1'] = jnp.ones((HID,), jnp.float32)
    inp['be1'] = jnp.zeros((HID,), jnp.float32)
    inp['W1b'] = lin(ks[4], HID, HID)
    inp['b1b'] = jnp.zeros((HID,), jnp.float32)
    # conv2 MLP
    inp['W2a'] = lin(ks[5], HID, HID)
    inp['b2a'] = jnp.zeros((HID,), jnp.float32)
    inp['g2'] = jnp.ones((HID,), jnp.float32)
    inp['be2'] = jnp.zeros((HID,), jnp.float32)
    inp['W2b'] = lin(ks[6], HID, HID)
    inp['b2b'] = jnp.zeros((HID,), jnp.float32)
    # conv3 MLP
    inp['W3a'] = lin(ks[7], HID, HID)
    inp['b3a'] = jnp.zeros((HID,), jnp.float32)
    inp['g3'] = jnp.ones((HID,), jnp.float32)
    inp['be3'] = jnp.zeros((HID,), jnp.float32)
    inp['W3b'] = lin(ks[8], HID, HID)
    inp['b3b'] = jnp.zeros((HID,), jnp.float32)
    # readout linears
    inp['Wl1'] = lin(ks[9], HID, HID)
    inp['bl1'] = jnp.zeros((HID,), jnp.float32)
    inp['Wl2'] = lin(ks[10], OUT, HID)
    inp['bl2'] = jnp.zeros((OUT,), jnp.float32)
    return inp


def reference(x, edge_index, batch, W1a, b1a, g1, be1, W1b, b1b, W2a, b2a, g2, be2, W2b, b2b, W3a, b3a, g3, be3, W3b, b3b, Wl1, bl1, Wl2, bl2):
    src = edge_index[0]
    dst = edge_index[1]
    h = _gin_conv(x, src, dst, W1a, b1a, g1, be1, W1b, b1b)
    h = jax.nn.relu(h)
    h = _gin_conv(h, src, dst, W2a, b2a, g2, be2, W2b, b2b)
    h = jax.nn.relu(h)
    h = _gin_conv(h, src, dst, W3a, b3a, g3, be3, W3b, b3b)
    # global_add_pool over per-graph batch assignment
    h = jax.ops.segment_sum(h, batch, num_segments=G)
    h = h @ Wl1.T + bl1
    h = jax.nn.relu(h)
    # dropout is identity in deterministic/eval forward
    h = h @ Wl2.T + bl2
    return h

if __name__ == "__main__":
    import jax
    _d = setup_inputs()
    print(jax.jit(kernel)(*tuple(_d.values())))

</pallas_src>

<mosaic_0001>
#map = affine_map<(d0, d1) -> (0, 0)>
#map1 = affine_map<(d0, d1) -> (0, 0, 0)>
module attributes {stable_mosaic.version = 14 : i64} {
  func.func @_agg_feat_split(%arg0: i32, %arg1: i32, %arg2: memref<10000x128xf32, #tpu.memory_space<hbm>>, %arg3: memref<10000x128xf32, #tpu.memory_space<hbm>>, %arg4: memref<16x160x128xi32, #tpu.memory_space<hbm>>, %arg5: memref<16x160x128xi32, #tpu.memory_space<hbm>>, %arg6: memref<10240x128xf32, #tpu.memory_space<hbm>>, %arg7: memref<10240x128xf32, #tpu.memory_space<hbm>>, %arg8: memref<8x128xi32, #tpu.memory_space<vmem>>, %arg9: memref<8x128xi32, #tpu.memory_space<vmem>>, %arg10: memref<128x128xf32, #tpu.memory_space<vmem>>, %arg11: memref<10240x128xf32, #tpu.memory_space<vmem_shared>>) attributes {dimension_semantics = [#tpu.dimension_semantics<core_parallel>, #tpu.dimension_semantics<subcore_parallel>], iteration_bounds = array<i64: 2, 16>, scalar_prefetch = 0 : i64, scratch_operands = 4 : i64, tpu.core_type = #tpu.core_type<sc_vector_subcore>, window_params = [{transform_indices = #map}, {transform_indices = #map}, {transform_indices = #map1}, {transform_indices = #map1}, {transform_indices = #map}, {transform_indices = #map}]} {
    %eq3A = arith.constant 0 : i32
    %eq3A_0 = arith.cmpi eq, %arg0, %eq3A : i32
    %convert_element_type3A = arith.extui %eq3A_0 : i1 to i32
    %cond3A = arith.constant 0 : i32
    %cond3A_1 = arith.cmpi ne, %convert_element_type3A, %cond3A : i32
    scf.if %cond3A_1 {
      %scan3A = arith.constant 0 : i32
      %scan3A_7 = arith.constant 0 : i32
      %scan3A_8 = arith.constant 128 : i32
      %scan3A_9 = arith.addi %scan3A_7, %scan3A_8 : i32
      %scan3A_10 = arith.constant 1 : i32
      scf.for %scan3A_31 = %scan3A_7 to %scan3A_9 step %scan3A_10  : i32 {
        %broadcast_in_dim3A = arith.constant 0.000000e+00 : f32
        %broadcast_in_dim3A_32 = vector.broadcast %broadcast_in_dim3A : f32 to vector<16xf32>
        %swap3A = arith.index_cast %scan3A_31 : i32 to index
        %swap3A_33 = arith.constant 0 : index
        %swap3A_34 = tpu.vector_load %arg10[%swap3A, %swap3A_33] {strides = array<i32>} : memref<128x128xf32, #tpu.memory_space<vmem>>, vector<1x16xf32>,
        %swap3A_35 = vector.shape_cast %swap3A_34 : vector<1x16xf32> to vector<16xf32>
        %swap3A_36 = vector.shape_cast %broadcast_in_dim3A_32 : vector<16xf32> to vector<1x16xf32>
        tpu.vector_store %arg10[%swap3A, %swap3A_33], %swap3A_36 {strides = array<i32>} : memref<128x128xf32, #tpu.memory_space<vmem>>, vector<1x16xf32>,
        %broadcast_in_dim3A_37 = arith.constant 0.000000e+00 : f32
        %broadcast_in_dim3A_38 = vector.broadcast %broadcast_in_dim3A_37 : f32 to vector<16xf32>
        %swap3A_39 = arith.index_cast %scan3A_31 : i32 to index
        %swap3A_40 = arith.constant 16 : index
        %swap3A_41 = tpu.vector_load %arg10[%swap3A_39, %swap3A_40] {strides = array<i32>} : memref<128x128xf32, #tpu.memory_space<vmem>>, vector<1x16xf32>,
        %swap3A_42 = vector.shape_cast %swap3A_41 : vector<1x16xf32> to vector<16xf32>
        %swap3A_43 = vector.shape_cast %broadcast_in_dim3A_38 : vector<16xf32> to vector<1x16xf32>
        tpu.vector_store %arg10[%swap3A_39, %swap3A_40], %swap3A_43 {strides = array<i32>} : memref<128x128xf32, #tpu.memory_space<vmem>>, vector<1x16xf32>,
        %broadcast_in_dim3A_44 = arith.constant 0.000000e+00 : f32
        %broadcast_in_dim3A_45 = vector.broadcast %broadcast_in_dim3A_44 : f32 to vector<16xf32>
        %swap3A_46 = arith.index_cast %scan3A_31 : i32 to index
        %swap3A_47 = arith.constant 32 : index
        %swap3A_48 = tpu.vector_load %arg10[%swap3A_46, %swap3A_47] {strides = array<i32>} : memref<128x128xf32, #tpu.memory_space<vmem>>, vector<1x16xf32>,
        %swap3A_49 = vector.shape_cast %swap3A_48 : vector<1x16xf32> to vector<16xf32>
        %swap3A_50 = vector.shape_cast %broadcast_in_dim3A_45 : vector<16xf32> to vector<1x16xf32>
        tpu.vector_store %arg10[%swap3A_46, %swap3A_47], %swap3A_50 {strides = array<i32>} : memref<128x128xf32, #tpu.memory_space<vmem>>, vector<1x16xf32>,
        %broadcast_in_dim3A_51 = arith.constant 0.000000e+00 : f32
        %broadcast_in_dim3A_52 = vector.broadcast %broadcast_in_dim3A_51 : f32 to vector<16xf32>
        %swap3A_53 = arith.index_cast %scan3A_31 : i32 to index
        %swap3A_54 = arith.constant 48 : index
        %swap3A_55 = tpu.vector_load %arg10[%swap3A_53, %swap3A_54] {strides = array<i32>} : memref<128x128xf32, #tpu.memory_space<vmem>>, vector<1x16xf32>,
        %swap3A_56 = vector.shape_cast %swap3A_55 : vector<1x16xf32> to vector<16xf32>
        %swap3A_57 = vector.shape_cast %broadcast_in_dim3A_52 : vector<16xf32> to vector<1x16xf32>
        tpu.vector_store %arg10[%swap3A_53, %swap3A_54], %swap3A_57 {strides = array<i32>} : memref<128x128xf32, #tpu.memory_space<vmem>>, vector<1x16xf32>,
        %broadcast_in_dim3A_58 = arith.constant 0.000000e+00 : f32
        %broadcast_in_dim3A_59 = vector.broadcast %broadcast_in_dim3A_58 : f32 to vector<16xf32>
        %swap3A_60 = arith.index_cast %scan3A_31 : i32 to index
        %swap3A_61 = arith.constant 64 : index
        %swap3A_62 = tpu.vector_load %arg10[%swap3A_60, %swap3A_61] {strides = array<i32>} : memref<128x128xf32, #tpu.memory_space<vmem>>, vector<1x16xf32>,
        %swap3A_63 = vector.shape_cast %swap3A_62 : vector<1x16xf32> to vector<16xf32>
        %swap3A_64 = vector.shape_cast %broadcast_in_dim3A_59 : vector<16xf32> to vector<1x16xf32>
        tpu.vector_store %arg10[%swap3A_60, %swap3A_61], %swap3A_64 {strides = array<i32>} : memref<128x128xf32, #tpu.memory_space<vmem>>, vector<1x16xf32>,
        %broadcast_in_dim3A_65 = arith.constant 0.000000e+00 : f32
        %broadcast_in_dim3A_66 = vector.broadcast %broadcast_in_dim3A_65 : f32 to vector<16xf32>
        %swap3A_67 = arith.index_cast %scan3A_31 : i32 to index
        %swap3A_68 = arith.constant 80 : index
        %swap3A_69 = tpu.vector_load %arg10[%swap3A_67, %swap3A_68] {strides = array<i32>} : memref<128x128xf32, #tpu.memory_space<vmem>>, vector<1x16xf32>,
        %swap3A_70 = vector.shape_cast %swap3A_69 : vector<1x16xf32> to vector<16xf32>
        %swap3A_71 = vector.shape_cast %broadcast_in_dim3A_66 : vector<16xf32> to vector<1x16xf32>
        tpu.vector_store %arg10[%swap3A_67, %swap3A_68], %swap3A_71 {strides = array<i32>} : memref<128x128xf32, #tpu.memory_space<vmem>>, vector<1x16xf32>,
        %broadcast_in_dim3A_72 = arith.constant 0.000000e+00 : f32
        %broadcast_in_dim3A_73 = vector.broadcast %broadcast_in_dim3A_72 : f32 to vector<16xf32>
        %swap3A_74 = arith.index_cast %scan3A_31 : i32 to index
        %swap3A_75 = arith.constant 96 : index
        %swap3A_76 = tpu.vector_load %arg10[%swap3A_74, %swap3A_75] {strides = array<i32>} : memref<128x128xf32, #tpu.memory_space<vmem>>, vector<1x16xf32>,
        %swap3A_77 = vector.shape_cast %swap3A_76 : vector<1x16xf32> to vector<16xf32>
        %swap3A_78 = vector.shape_cast %broadcast_in_dim3A_73 : vector<16xf32> to vector<1x16xf32>
        tpu.vector_store %arg10[%swap3A_74, %swap3A_75], %swap3A_78 {strides = array<i32>} : memref<128x128xf32, #tpu.memory_space<vmem>>, vector<1x16xf32>,
        %broadcast_in_dim3A_79 = arith.constant 0.000000e+00 : f32
        %broadcast_in_dim3A_80 = vector.broadcast %broadcast_in_dim3A_79 : f32 to vector<16xf32>
        %swap3A_81 = arith.index_cast %scan3A_31 : i32 to index
        %swap3A_82 = arith.constant 112 : index
        %swap3A_83 = tpu.vector_load %arg10[%swap3A_81, %swap3A_82] {strides = array<i32>} : memref<128x128xf32, #tpu.memory_space<vmem>>, vector<1x16xf32>,
        %swap3A_84 = vector.shape_cast %swap3A_83 : vector<1x16xf32> to vector<16xf32>
        %swap3A_85 = vector.shape_cast %broadcast_in_dim3A_80 : vector<16xf32> to vector<1x16xf32>
        tpu.vector_store %arg10[%swap3A_81, %swap3A_82], %swap3A_85 {strides = array<i32>} : memref<128x128xf32, #tpu.memory_space<vmem>>, vector<1x16xf32>,
      }
      %scan3A_11 = arith.constant 128 : i32
      %mul3A = arith.constant 640 : i32
      %mul3A_12 = arith.muli %arg1, %mul3A : i32
      %add3A = arith.constant 0 : i32
      %add3A_13 = arith.addi %mul3A_12, %add3A : i32
      "tpu.region"() ({
        %run_scoped3A = tpu.sem_alloc : memref<!tpu.dma_semaphore, #tpu.memory_space<semaphore_mem>>
        %dma_start3A = arith.constant 0 : i32
        %dma_start3A_31 = tpu.memref_slice %arg11[%add3A_13, %dma_start3A] : memref<10240x128xf32, #tpu.memory_space<vmem_shared>> -> memref<128x128xf32, #tpu.memory_space<vmem_shared>>
        %dma_start3A_32 = arith.constant 0 : i32
        %dma_start3A_33 = tpu.memref_slice %arg11[%add3A_13, %dma_start3A_32] : memref<10240x128xf32, #tpu.memory_space<vmem_shared>> -> memref<128x128xf32, #tpu.memory_space<vmem_shared>>
        tpu.enqueue_dma source(%arg10 : memref<128x128xf32, #tpu.memory_space<vmem>>) target(%dma_start3A_33 : memref<128x128xf32, #tpu.memory_space<vmem_shared>>) target_semaphore(%run_scoped3A : memref<!tpu.dma_semaphore, #tpu.memory_space<semaphore_mem>>)
        %dma_wait3A = arith.constant 0 : i32
        %dma_wait3A_34 = tpu.memref_slice %arg11[%add3A_13, %dma_wait3A] : memref<10240x128xf32, #tpu.memory_space<vmem_shared>> -> memref<128x128xf32, #tpu.memory_space<vmem_shared>>
        %dma_wait3A_35 = arith.constant 0 : i32
        %dma_wait3A_36 = tpu.memref_slice %arg11[%add3A_13, %dma_wait3A_35] : memref<10240x128xf32, #tpu.memory_space<vmem_shared>> -> memref<128x128xf32, #tpu.memory_space<vmem_shared>>
        tpu.wait_dma2 semaphore(%run_scoped3A : memref<!tpu.dma_semaphore, #tpu.memory_space<semaphore_mem>>) src(%arg10 : memref<128x128xf32, #tpu.memory_space<vmem>>) dst(%dma_wait3A_36 : memref<128x128xf32, #tpu.memory_space<vmem_shared>>)
        tpu.yield
      }) : () -> ()
      %add3A_14 = arith.constant 128 : i32
      %add3A_15 = arith.addi %mul3A_12, %add3A_14 : i32
      "tpu.region"() ({
        %run_scoped3A = tpu.sem_alloc : memref<!tpu.dma_semaphore, #tpu.memory_space<semaphore_mem>>
        %dma_start3A = arith.constant 0 : i32
        %dma_start3A_31 = tpu.memref_slice %arg11[%add3A_15, %dma_start3A] : memref<10240x128xf32, #tpu.memory_space<vmem_shared>> -> memref<128x128xf32, #tpu.memory_space<vmem_shared>>
        %dma_start3A_32 = arith.constant 0 : i32
        %dma_start3A_33 = tpu.memref_slice %arg11[%add3A_15, %dma_start3A_32] : memref<10240x128xf32, #tpu.memory_space<vmem_shared>> -> memref<128x128xf32, #tpu.memory_space<vmem_shared>>
        tpu.enqueue_dma source(%arg10 : memref<128x128xf32, #tpu.memory_space<vmem>>) target(%dma_start3A_33 : memref<128x128xf32, #tpu.memory_space<vmem_shared>>) target_semaphore(%run_scoped3A : memref<!tpu.dma_semaphore, #tpu.memory_space<semaphore_mem>>)
        %dma_wait3A = arith.constant 0 : i32
        %dma_wait3A_34 = tpu.memref_slice %arg11[%add3A_15, %dma_wait3A] : memref<10240x128xf32, #tpu.memory_space<vmem_shared>> -> memref<128x128xf32, #tpu.memory_space<vmem_shared>>
        %dma_wait3A_35 = arith.constant 0 : i32
        %dma_wait3A_36 = tpu.memref_slice %arg11[%add3A_15, %dma_wait3A_35] : memref<10240x128xf32, #tpu.memory_space<vmem_shared>> -> memref<128x128xf32, #tpu.memory_space<vmem_shared>>
        tpu.wait_dma2 semaphore(%run_scoped3A : memref<!tpu.dma_semaphore, #tpu.memory_space<semaphore_mem>>) src(%arg10 : memref<128x128xf32, #tpu.memory_space<vmem>>) dst(%dma_wait3A_36 : memref<128x128xf32, #tpu.memory_space<vmem_shared>>)
        tpu.yield
      }) : () -> ()
      %add3A_16 = arith.constant 256 : i32
      %add3A_17 = arith.addi %mul3A_12, %add3A_16 : i32
      "tpu.region"() ({
        %run_scoped3A = tpu.sem_alloc : memref<!tpu.dma_semaphore, #tpu.memory_space<semaphore_mem>>
        %dma_start3A = arith.constant 0 : i32
        %dma_start3A_31 = tpu.memref_slice %arg11[%add3A_17, %dma_start3A] : memref<10240x128xf32, #tpu.memory_space<vmem_shared>> -> memref<128x128xf32, #tpu.memory_space<vmem_shared>>
        %dma_start3A_32 = arith.constant 0 : i32
        %dma_start3A_33 = tpu.memref_slice %arg11[%add3A_17, %dma_start3A_32] : memref<10240x128xf32, #tpu.memory_space<vmem_shared>> -> memref<128x128xf32, #tpu.memory_space<vmem_shared>>
        tpu.enqueue_dma source(%arg10 : memref<128x128xf32, #tpu.memory_space<vmem>>) target(%dma_start3A_33 : memref<128x128xf32, #tpu.memory_space<vmem_shared>>) target_semaphore(%run_scoped3A : memref<!tpu.dma_semaphore, #tpu.memory_space<semaphore_mem>>)
        %dma_wait3A = arith.constant 0 : i32
        %dma_wait3A_34 = tpu.memref_slice %arg11[%add3A_17, %dma_wait3A] : memref<10240x128xf32, #tpu.memory_space<vmem_shared>> -> memref<128x128xf32, #tpu.memory_space<vmem_shared>>
        %dma_wait3A_35 = arith.constant 0 : i32
        %dma_wait3A_36 = tpu.memref_slice %arg11[%add3A_17, %dma_wait3A_35] : memref<10240x128xf32, #tpu.memory_space<vmem_shared>> -> memref<128x128xf32, #tpu.memory_space<vmem_shared>>
        tpu.wait_dma2 semaphore(%run_scoped3A : memref<!tpu.dma_semaphore, #tpu.memory_space<semaphore_mem>>) src(%arg10 : memref<128x128xf32, #tpu.memory_space<vmem>>) dst(%dma_wait3A_36 : memref<128x128xf32, #tpu.memory_space<vmem_shared>>)
        tpu.yield
      }) : () -> ()
      %add3A_18 = arith.constant 384 : i32
      %add3A_19 = arith.addi %mul3A_12, %add3A_18 : i32
      "tpu.region"() ({
        %run_scoped3A = tpu.sem_alloc : memref<!tpu.dma_semaphore, #tpu.memory_space<semaphore_mem>>
        %dma_start3A = arith.constant 0 : i32
        %dma_start3A_31 = tpu.memref_slice %arg11[%add3A_19, %dma_start3A] : memref<10240x128xf32, #tpu.memory_space<vmem_shared>> -> memref<128x128xf32, #tpu.memory_space<vmem_shared>>
        %dma_start3A_32 = arith.constant 0 : i32
        %dma_start3A_33 = tpu.memref_slice %arg11[%add3A_19, %dma_start3A_32] : memref<10240x128xf32, #tpu.memory_space<vmem_shared>> -> memref<128x128xf32, #tpu.memory_space<vmem_shared>>
        tpu.enqueue_dma source(%arg10 : memref<128x128xf32, #tpu.memory_space<vmem>>) target(%dma_start3A_33 : memref<128x128xf32, #tpu.memory_space<vmem_shared>>) target_semaphore(%run_scoped3A : memref<!tpu.dma_semaphore, #tpu.memory_space<semaphore_mem>>)
        %dma_wait3A = arith.constant 0 : i32
        %dma_wait3A_34 = tpu.memref_slice %arg11[%add3A_19, %dma_wait3A] : memref<10240x128xf32, #tpu.memory_space<vmem_shared>> -> memref<128x128xf32, #tpu.memory_space<vmem_shared>>
        %dma_wait3A_35 = arith.constant 0 : i32
        %dma_wait3A_36 = tpu.memref_slice %arg11[%add3A_19, %dma_wait3A_35] : memref<10240x128xf32, #tpu.memory_space<vmem_shared>> -> memref<128x128xf32, #tpu.memory_space<vmem_shared>>
        tpu.wait_dma2 semaphore(%run_scoped3A : memref<!tpu.dma_semaphore, #tpu.memory_space<semaphore_mem>>) src(%arg10 : memref<128x128xf32, #tpu.memory_space<vmem>>) dst(%dma_wait3A_36 : memref<128x128xf32, #tpu.memory_space<vmem_shared>>)
        tpu.yield
      }) : () -> ()
      %add3A_20 = arith.constant 512 : i32
      %add3A_21 = arith.addi %mul3A_12, %add3A_20 : i32
      "tpu.region"() ({
        %run_scoped3A = tpu.sem_alloc : memref<!tpu.dma_semaphore, #tpu.memory_space<semaphore_mem>>
        %dma_start3A = arith.constant 0 : i32
        %dma_start3A_31 = tpu.memref_slice %arg11[%add3A_21, %dma_start3A] : memref<10240x128xf32, #tpu.memory_space<vmem_shared>> -> memref<128x128xf32, #tpu.memory_space<vmem_shared>>
        %dma_start3A_32 = arith.constant 0 : i32
        %dma_start3A_33 = tpu.memref_slice %arg11[%add3A_21, %dma_start3A_32] : memref<10240x128xf32, #tpu.memory_space<vmem_shared>> -> memref<128x128xf32, #tpu.memory_space<vmem_shared>>
        tpu.enqueue_dma source(%arg10 : memref<128x128xf32, #tpu.memory_space<vmem>>) target(%dma_start3A_33 : memref<128x128xf32, #tpu.memory_space<vmem_shared>>) target_semaphore(%run_scoped3A : memref<!tpu.dma_semaphore, #tpu.memory_space<semaphore_mem>>)
        %dma_wait3A = arith.constant 0 : i32
        %dma_wait3A_34 = tpu.memref_slice %arg11[%add3A_21, %dma_wait3A] : memref<10240x128xf32, #tpu.memory_space<vmem_shared>> -> memref<128x128xf32, #tpu.memory_space<vmem_shared>>
        %dma_wait3A_35 = arith.constant 0 : i32
        %dma_wait3A_36 = tpu.memref_slice %arg11[%add3A_21, %dma_wait3A_35] : memref<10240x128xf32, #tpu.memory_space<vmem_shared>> -> memref<128x128xf32, #tpu.memory_space<vmem_shared>>
        tpu.wait_dma2 semaphore(%run_scoped3A : memref<!tpu.dma_semaphore, #tpu.memory_space<semaphore_mem>>) src(%arg10 : memref<128x128xf32, #tpu.memory_space<vmem>>) dst(%dma_wait3A_36 : memref<128x128xf32, #tpu.memory_space<vmem_shared>>)
        tpu.yield
      }) : () -> ()
      %barrier3A = arith.constant 0 : index
      tpu.barrier barrier_id(%barrier3A)
      %scan3A_22 = arith.constant 0 : i32
      %scan3A_23 = arith.constant 0 : i32
      %scan3A_24 = arith.constant 20 : i32
      %scan3A_25 = arith.addi %scan3A_23, %scan3A_24 : i32
      %scan3A_26 = arith.constant 1 : i32
      scf.for %scan3A_31 = %scan3A_23 to %scan3A_25 step %scan3A_26  : i32 {
        %mul3A_32 = arith.constant 8 : i32
        %mul3A_33 = arith.muli %scan3A_31, %mul3A_32 : i32
        "tpu.region"() ({
          %run_scoped3A_51 = tpu.sem_alloc : memref<!tpu.dma_semaphore, #tpu.memory_space<semaphore_mem>>
          %dma_start3A = arith.constant 0 : i32
          %dma_start3A_52 = tpu.memref_slice %arg4[%arg1, %mul3A_33, %dma_start3A] : memref<16x160x128xi32, #tpu.memory_space<hbm>> -> memref<1x8x128xi32, #tpu.memory_space<hbm>>
          %dma_start3A_53 = tpu.memref_squeeze %dma_start3A_52 : memref<1x8x128xi32, #tpu.memory_space<hbm>> -> memref<8x128xi32, #tpu.memory_space<hbm>>
          %dma_start3A_54 = arith.constant 0 : i32
          %dma_start3A_55 = tpu.memref_slice %arg4[%arg1, %mul3A_33, %dma_start3A_54] : memref<16x160x128xi32, #tpu.memory_space<hbm>> -> memref<1x8x128xi32, #tpu.memory_space<hbm>>
          %dma_start3A_56 = tpu.memref_squeeze %dma_start3A_55 : memref<1x8x128xi32, #tpu.memory_space<hbm>> -> memref<8x128xi32, #tpu.memory_space<hbm>>
          tpu.enqueue_dma source(%dma_start3A_56 : memref<8x128xi32, #tpu.memory_space<hbm>>) target(%arg8 : memref<8x128xi32, #tpu.memory_space<vmem>>) target_semaphore(%run_scoped3A_51 : memref<!tpu.dma_semaphore, #tpu.memory_space<semaphore_mem>>)
          %dma_wait3A = arith.constant 0 : i32
          %dma_wait3A_57 = tpu.memref_slice %arg4[%arg1, %mul3A_33, %dma_wait3A] : memref<16x160x128xi32, #tpu.memory_space<hbm>> -> memref<1x8x128xi32, #tpu.memory_space<hbm>>
          %dma_wait3A_58 = tpu.memref_squeeze %dma_wait3A_57 : memref<1x8x128xi32, #tpu.memory_space<hbm>> -> memref<8x128xi32, #tpu.memory_space<hbm>>
          %dma_wait3A_59 = arith.constant 0 : i32
          %dma_wait3A_60 = tpu.memref_slice %arg4[%arg1, %mul3A_33, %dma_wait3A_59] : memref<16x160x128xi32, #tpu.memory_space<hbm>> -> memref<1x8x128xi32, #tpu.memory_space<hbm>>
          %dma_wait3A_61 = tpu.memref_squeeze %dma_wait3A_60 : memref<1x8x128xi32, #tpu.memory_space<hbm>> -> memref<8x128xi32, #tpu.memory_space<hbm>>
          tpu.wait_dma2 semaphore(%run_scoped3A_51 : memref<!tpu.dma_semaphore, #tpu.memory_space<semaphore_mem>>) src(%dma_wait3A_61 : memref<8x128xi32, #tpu.memory_space<hbm>>) dst(%arg8 : memref<8x128xi32, #tpu.memory_space<vmem>>)
          tpu.yield
        }) : () -> ()
        %mul3A_34 = arith.constant 8 : i32
        %mul3A_35 = arith.muli %scan3A_31, %mul3A_34 : i32
        "tpu.region"() ({
          %run_scoped3A_51 = tpu.sem_alloc : memref<!tpu.dma_semaphore, #tpu.memory_space<semaphore_mem>>
          %dma_start3A = arith.constant 0 : i32
          %dma_start3A_52 = tpu.memref_slice %arg5[%arg1, %mul3A_35, %dma_start3A] : memref<16x160x128xi32, #tpu.memory_space<hbm>> -> memref<1x8x128xi32, #tpu.memory_space<hbm>>
          %dma_start3A_53 = tpu.memref_squeeze %dma_start3A_52 : memref<1x8x128xi32, #tpu.memory_space<hbm>> -> memref<8x128xi32, #tpu.memory_space<hbm>>
          %dma_start3A_54 = arith.constant 0 : i32
          %dma_start3A_55 = tpu.memref_slice %arg5[%arg1, %mul3A_35, %dma_start3A_54] : memref<16x160x128xi32, #tpu.memory_space<hbm>> -> memref<1x8x128xi32, #tpu.memory_space<hbm>>
          %dma_start3A_56 = tpu.memref_squeeze %dma_start3A_55 : memref<1x8x128xi32, #tpu.memory_space<hbm>> -> memref<8x128xi32, #tpu.memory_space<hbm>>
          tpu.enqueue_dma source(%dma_start3A_56 : memref<8x128xi32, #tpu.memory_space<hbm>>) target(%arg9 : memref<8x128xi32, #tpu.memory_space<vmem>>) target_semaphore(%run_scoped3A_51 : memref<!tpu.dma_semaphore, #tpu.memory_space<semaphore_mem>>)
          %dma_wait3A = arith.constant 0 : i32
          %dma_wait3A_57 = tpu.memref_slice %arg5[%arg1, %mul3A_35, %dma_wait3A] : memref<16x160x128xi32, #tpu.memory_space<hbm>> -> memref<1x8x128xi32, #tpu.memory_space<hbm>>
          %dma_wait3A_58 = tpu.memref_squeeze %dma_wait3A_57 : memref<1x8x128xi32, #tpu.memory_space<hbm>> -> memref<8x128xi32, #tpu.memory_space<hbm>>
          %dma_wait3A_59 = arith.constant 0 : i32
          %dma_wait3A_60 = tpu.memref_slice %arg5[%arg1, %mul3A_35, %dma_wait3A_59] : memref<16x160x128xi32, #tpu.memory_space<hbm>> -> memref<1x8x128xi32, #tpu.memory_space<hbm>>
          %dma_wait3A_61 = tpu.memref_squeeze %dma_wait3A_60 : memref<1x8x128xi32, #tpu.memory_space<hbm>> -> memref<8x128xi32, #tpu.memory_space<hbm>>
          tpu.wait_dma2 semaphore(%run_scoped3A_51 : memref<!tpu.dma_semaphore, #tpu.memory_space<semaphore_mem>>) src(%dma_wait3A_61 : memref<8x128xi32, #tpu.memory_space<hbm>>) dst(%arg9 : memref<8x128xi32, #tpu.memory_space<vmem>>)
          tpu.yield
        }) : () -> ()
        %run_scoped3A = arith.constant 0 : i32
        "tpu.region"() ({
          %run_scoped3A_51 = tpu.sem_alloc : memref<!tpu.dma_semaphore, #tpu.memory_space<semaphore_mem>>
          %dma_start3A = arith.constant 0 : i32
          %dma_start3A_52 = tpu.memref_slice %arg8[%run_scoped3A, %dma_start3A] : memref<8x128xi32, #tpu.memory_space<vmem>> -> memref<1x128xi32, #tpu.memory_space<vmem>>
          %dma_start3A_53 = tpu.memref_squeeze %dma_start3A_52 : memref<1x128xi32, #tpu.memory_space<vmem>> -> memref<128xi32, #tpu.memory_space<vmem>>
          %dma_start3A_54 = arith.constant 0 : i32
          %dma_start3A_55 = arith.constant 0 : i32
          %dma_start3A_56 = tpu.memref_slice %arg2[%dma_start3A_54, %dma_start3A_55] : memref<10000x128xf32, #tpu.memory_space<hbm>> -> memref<10000x128xf32, #tpu.memory_space<hbm>>
          tpu.enqueue_indirect_dma source(%dma_start3A_56 : memref<10000x128xf32, #tpu.memory_space<hbm>>) target(%arg10 : memref<128x128xf32, #tpu.memory_space<vmem>>) offsets(%dma_start3A_53 : memref<128xi32, #tpu.memory_space<vmem>>) semaphore(%run_scoped3A_51 : memref<!tpu.dma_semaphore, #tpu.memory_space<semaphore_mem>>)
          %dma_wait3A = arith.constant 0 : i32
          %dma_wait3A_57 = tpu.memref_slice %arg8[%run_scoped3A, %dma_wait3A] : memref<8x128xi32, #tpu.memory_space<vmem>> -> memref<1x128xi32, #tpu.memory_space<vmem>>
          %dma_wait3A_58 = tpu.memref_squeeze %dma_wait3A_57 : memref<1x128xi32, #tpu.memory_space<vmem>> -> memref<128xi32, #tpu.memory_space<vmem>>
          %dma_wait3A_59 = arith.constant 0 : i32
          %dma_wait3A_60 = arith.constant 0 : i32
          %dma_wait3A_61 = tpu.memref_slice %arg2[%dma_wait3A_59, %dma_wait3A_60] : memref<10000x128xf32, #tpu.memory_space<hbm>> -> memref<10000x128xf32, #tpu.memory_space<hbm>>
          tpu.wait_indirect_dma semaphore(%run_scoped3A_51 : memref<!tpu.dma_semaphore, #tpu.memory_space<semaphore_mem>>) src(%dma_wait3A_61 : memref<10000x128xf32, #tpu.memory_space<hbm>>) dst(%arg10 : memref<128x128xf32, #tpu.memory_space<vmem>>)
          tpu.yield
        }) : () -> ()
        %run_scoped3A_36 = arith.constant 0 : i32
        "tpu.region"() ({
          %run_scoped3A_51 = tpu.sem_alloc : memref<!tpu.dma_semaphore, #tpu.memory_space<semaphore_mem>>
          %dma_start3A = arith.constant 0 : i32
          %dma_start3A_52 = tpu.memref_slice %arg9[%run_scoped3A_36, %dma_start3A] : memref<8x128xi32, #tpu.memory_space<vmem>> -> memref<1x128xi32, #tpu.memory_space<vmem>>
          %dma_start3A_53 = tpu.memref_squeeze %dma_start3A_52 : memref<1x128xi32, #tpu.memory_space<vmem>> -> memref<128xi32, #tpu.memory_space<vmem>>
          %dma_start3A_54 = arith.constant 0 : i32
          %dma_start3A_55 = arith.constant 0 : i32
          %dma_start3A_56 = tpu.memref_slice %arg11[%dma_start3A_54, %dma_start3A_55] : memref<10240x128xf32, #tpu.memory_space<vmem_shared>> -> memref<10240x128xf32, #tpu.memory_space<vmem_shared>>
          tpu.enqueue_indirect_dma source(%arg10 : memref<128x128xf32, #tpu.memory_space<vmem>>) target(%dma_start3A_56 : memref<10240x128xf32, #tpu.memory_space<vmem_shared>>) offsets(%dma_start3A_53 : memref<128xi32, #tpu.memory_space<vmem>>) semaphore(%run_scoped3A_51 : memref<!tpu.dma_semaphore, #tpu.memory_space<semaphore_mem>>) {add = true}
          %dma_wait3A = arith.constant 0 : i32
          %dma_wait3A_57 = tpu.memref_slice %arg9[%run_scoped3A_36, %dma_wait3A] : memref<8x128xi32, #tpu.memory_space<vmem>> -> memref<1x128xi32, #tpu.memory_space<vmem>>
          %dma_wait3A_58 = tpu.memref_squeeze %dma_wait3A_57 : memref<1x128xi32, #tpu.memory_space<vmem>> -> memref<128xi32, #tpu.memory_space<vmem>>
          %dma_wait3A_59 = arith.constant 0 : i32
          %dma_wait3A_60 = arith.constant 0 : i32
          %dma_wait3A_61 = tpu.memref_slice %arg11[%dma_wait3A_59, %dma_wait3A_60] : memref<10240x128xf32, #tpu.memory_space<vmem_shared>> -> memref<10240x128xf32, #tpu.memory_space<vmem_shared>>
          tpu.wait_indirect_dma semaphore(%run_scoped3A_51 : memref<!tpu.dma_semaphore, #tpu.memory_space<semaphore_mem>>) src(%arg10 : memref<128x128xf32, #tpu.memory_space<vmem>>) dst(%dma_wait3A_61 : memref<10240x128xf32, #tpu.memory_space<vmem_shared>>)
          tpu.yield
        }) : () -> ()
        %run_scoped3A_37 = arith.constant 1 : i32
        "tpu.region"() ({
          %run_scoped3A_51 = tpu.sem_alloc : memref<!tpu.dma_semaphore, #tpu.memory_space<semaphore_mem>>
          %dma_start3A = arith.constant 0 : i32
          %dma_start3A_52 = tpu.memref_slice %arg8[%run_scoped3A_37, %dma_start3A] : memref<8x128xi32, #tpu.memory_space<vmem>> -> memref<1x128xi32, #tpu.memory_space<vmem>>
          %dma_start3A_53 = tpu.memref_squeeze %dma_start3A_52 : memref<1x128xi32, #tpu.memory_space<vmem>> -> memref<128xi32, #tpu.memory_space<vmem>>
          %dma_start3A_54 = arith.constant 0 : i32
          %dma_start3A_55 = arith.constant 0 : i32
          %dma_start3A_56 = tpu.memref_slice %arg2[%dma_start3A_54, %dma_start3A_55] : memref<10000x128xf32, #tpu.memory_space<hbm>> -> memref<10000x128xf32, #tpu.memory_space<hbm>>
          tpu.enqueue_indirect_dma source(%dma_start3A_56 : memref<10000x128xf32, #tpu.memory_space<hbm>>) target(%arg10 : memref<128x128xf32, #tpu.memory_space<vmem>>) offsets(%dma_start3A_53 : memref<128xi32, #tpu.memory_space<vmem>>) semaphore(%run_scoped3A_51 : memref<!tpu.dma_semaphore, #tpu.memory_space<semaphore_mem>>)
          %dma_wait3A = arith.constant 0 : i32
          %dma_wait3A_57 = tpu.memref_slice %arg8[%run_scoped3A_37, %dma_wait3A] : memref<8x128xi32, #tpu.memory_space<vmem>> -> memref<1x128xi32, #tpu.memory_space<vmem>>
          %dma_wait3A_58 = tpu.memref_squeeze %dma_wait3A_57 : memref<1x128xi32, #tpu.memory_space<vmem>> -> memref<128xi32, #tpu.memory_space<vmem>>
          %dma_wait3A_59 = arith.constant 0 : i32
          %dma_wait3A_60 = arith.constant 0 : i32
          %dma_wait3A_61 = tpu.memref_slice %arg2[%dma_wait3A_59, %dma_wait3A_60] : memref<10000x128xf32, #tpu.memory_space<hbm>> -> memref<10000x128xf32, #tpu.memory_space<hbm>>
          tpu.wait_indirect_dma semaphore(%run_scoped3A_51 : memref<!tpu.dma_semaphore, #tpu.memory_space<semaphore_mem>>) src(%dma_wait3A_61 : memref<10000x128xf32, #tpu.memory_space<hbm>>) dst(%arg10 : memref<128x128xf32, #tpu.memory_space<vmem>>)
          tpu.yield
        }) : () -> ()
        %run_scoped3A_38 = arith.constant 1 : i32
        "tpu.region"() ({
          %run_scoped3A_51 = tpu.sem_alloc : memref<!tpu.dma_semaphore, #tpu.memory_space<semaphore_mem>>
          %dma_start3A = arith.constant 0 : i32
          %dma_start3A_52 = tpu.memref_slice %arg9[%run_scoped3A_38, %dma_start3A] : memref<8x128xi32, #tpu.memory_space<vmem>> -> memref<1x128xi32, #tpu.memory_space<vmem>>
          %dma_start3A_53 = tpu.memref_squeeze %dma_start3A_52 : memref<1x128xi32, #tpu.memory_space<vmem>> -> memref<128xi32, #tpu.memory_space<vmem>>
          %dma_start3A_54 = arith.constant 0 : i32
          %dma_start3A_55 = arith.constant 0 : i32
          %dma_start3A_56 = tpu.memref_slice %arg11[%dma_start3A_54, %dma_start3A_55] : memref<10240x128xf32, #tpu.memory_space<vmem_shared>> -> memref<10240x128xf32, #tpu.memory_space<vmem_shared>>
          tpu.enqueue_indirect_dma source(%arg10 : memref<128x128xf32, #tpu.memory_space<vmem>>) target(%dma_start3A_56 : memref<10240x128xf32, #tpu.memory_space<vmem_shared>>) offsets(%dma_start3A_53 : memref<128xi32, #tpu.memory_space<vmem>>) semaphore(%run_scoped3A_51 : memref<!tpu.dma_semaphore, #tpu.memory_space<semaphore_mem>>) {add = true}
          %dma_wait3A = arith.constant 0 : i32
          %dma_wait3A_57 = tpu.memref_slice %arg9[%run_scoped3A_38, %dma_wait3A] : memref<8x128xi32, #tpu.memory_space<vmem>> -> memref<1x128xi32, #tpu.memory_space<vmem>>
          %dma_wait3A_58 = tpu.memref_squeeze %dma_wait3A_57 : memref<1x128xi32, #tpu.memory_space<vmem>> -> memref<128xi32, #tpu.memory_space<vmem>>
          %dma_wait3A_59 = arith.constant 0 : i32
          %dma_wait3A_60 = arith.constant 0 : i32
          %dma_wait3A_61 = tpu.memref_slice %arg11[%dma_wait3A_59, %dma_wait3A_60] : memref<10240x128xf32, #tpu.memory_space<vmem_shared>> -> memref<10240x128xf32, #tpu.memory_space<vmem_shared>>
          tpu.wait_indirect_dma semaphore(%run_scoped3A_51 : memref<!tpu.dma_semaphore, #tpu.memory_space<semaphore_mem>>) src(%arg10 : memref<128x128xf32, #tpu.memory_space<vmem>>) dst(%dma_wait3A_61 : memref<10240x128xf32, #tpu.memory_space<vmem_shared>>)
          tpu.yield
        }) : () -> ()
        %run_scoped3A_39 = arith.constant 2 : i32
        "tpu.region"() ({
          %run_scoped3A_51 = tpu.sem_alloc : memref<!tpu.dma_semaphore, #tpu.memory_space<semaphore_mem>>
          %dma_start3A = arith.constant 0 : i32
          %dma_start3A_52 = tpu.memref_slice %arg8[%run_scoped3A_39, %dma_start3A] : memref<8x128xi32, #tpu.memory_space<vmem>> -> memref<1x128xi32, #tpu.memory_space<vmem>>
          %dma_start3A_53 = tpu.memref_squeeze %dma_start3A_52 : memref<1x128xi32, #tpu.memory_space<vmem>> -> memref<128xi32, #tpu.memory_space<vmem>>
          %dma_start3A_54 = arith.constant 0 : i32
          %dma_start3A_55 = arith.constant 0 : i32
          %dma_start3A_56 = tpu.memref_slice %arg2[%dma_start3A_54, %dma_start3A_55] : memref<10000x128xf32, #tpu.memory_space<hbm>> -> memref<10000x128xf32, #tpu.memory_space<hbm>>
          tpu.enqueue_indirect_dma source(%dma_start3A_56 : memref<10000x128xf32, #tpu.memory_space<hbm>>) target(%arg10 : memref<128x128xf32, #tpu.memory_space<vmem>>) offsets(%dma_start3A_53 : memref<128xi32, #tpu.memory_space<vmem>>) semaphore(%run_scoped3A_51 : memref<!tpu.dma_semaphore, #tpu.memory_space<semaphore_mem>>)
          %dma_wait3A = arith.constant 0 : i32
          %dma_wait3A_57 = tpu.memref_slice %arg8[%run_scoped3A_39, %dma_wait3A] : memref<8x128xi32, #tpu.memory_space<vmem>> -> memref<1x128xi32, #tpu.memory_space<vmem>>
          %dma_wait3A_58 = tpu.memref_squeeze %dma_wait3A_57 : memref<1x128xi32, #tpu.memory_space<vmem>> -> memref<128xi32, #tpu.memory_space<vmem>>
          %dma_wait3A_59 = arith.constant 0 : i32
          %dma_wait3A_60 = arith.constant 0 : i32
          %dma_wait3A_61 = tpu.memref_slice %arg2[%dma_wait3A_59, %dma_wait3A_60] : memref<10000x128xf32, #tpu.memory_space<hbm>> -> memref<10000x128xf32, #tpu.memory_space<hbm>>
          tpu.wait_indirect_dma semaphore(%run_scoped3A_51 : memref<!tpu.dma_semaphore, #tpu.memory_space<semaphore_mem>>) src(%dma_wait3A_61 : memref<10000x128xf32, #tpu.memory_space<hbm>>) dst(%arg10 : memref<128x128xf32, #tpu.memory_space<vmem>>)
          tpu.yield
        }) : () -> ()
        %run_scoped3A_40 = arith.constant 2 : i32
        "tpu.region"() ({
          %run_scoped3A_51 = tpu.sem_alloc : memref<!tpu.dma_semaphore, #tpu.memory_space<semaphore_mem>>
          %dma_start3A = arith.constant 0 : i32
          %dma_start3A_52 = tpu.memref_slice %arg9[%run_scoped3A_40, %dma_start3A] : memref<8x128xi32, #tpu.memory_space<vmem>> -> memref<1x128xi32, #tpu.memory_space<vmem>>
          %dma_start3A_53 = tpu.memref_squeeze %dma_start3A_52 : memref<1x128xi32, #tpu.memory_space<vmem>> -> memref<128xi32, #tpu.memory_space<vmem>>
          %dma_start3A_54 = arith.constant 0 : i32
          %dma_start3A_55 = arith.constant 0 : i32
          %dma_start3A_56 = tpu.memref_slice %arg11[%dma_start3A_54, %dma_start3A_55] : memref<10240x128xf32, #tpu.memory_space<vmem_shared>> -> memref<10240x128xf32, #tpu.memory_space<vmem_shared>>
          tpu.enqueue_indirect_dma source(%arg10 : memref<128x128xf32, #tpu.memory_space<vmem>>) target(%dma_start3A_56 : memref<10240x128xf32, #tpu.memory_space<vmem_shared>>) offsets(%dma_start3A_53 : memref<128xi32, #tpu.memory_space<vmem>>) semaphore(%run_scoped3A_51 : memref<!tpu.dma_semaphore, #tpu.memory_space<semaphore_mem>>) {add = true}
          %dma_wait3A = arith.constant 0 : i32
          %dma_wait3A_57 = tpu.memref_slice %arg9[%run_scoped3A_40, %dma_wait3A] : memref<8x128xi32, #tpu.memory_space<vmem>> -> memref<1x128xi32, #tpu.memory_space<vmem>>
          %dma_wait3A_58 = tpu.memref_squeeze %dma_wait3A_57 : memref<1x128xi32, #tpu.memory_space<vmem>> -> memref<128xi32, #tpu.memory_space<vmem>>
          %dma_wait3A_59 = arith.constant 0 : i32
          %dma_wait3A_60 = arith.constant 0 : i32
          %dma_wait3A_61 = tpu.memref_slice %arg11[%dma_wait3A_59, %dma_wait3A_60] : memref<10240x128xf32, #tpu.memory_space<vmem_shared>> -> memref<10240x128xf32, #tpu.memory_space<vmem_shared>>
          tpu.wait_indirect_dma semaphore(%run_scoped3A_51 : memref<!tpu.dma_semaphore, #tpu.memory_space<semaphore_mem>>) src(%arg10 : memref<128x128xf32, #tpu.memory_space<vmem>>) dst(%dma_wait3A_61 : memref<10240x128xf32, #tpu.memory_space<vmem_shared>>)
          tpu.yield
        }) : () -> ()
        %run_scoped3A_41 = arith.constant 3 : i32
        "tpu.region"() ({
          %run_scoped3A_51 = tpu.sem_alloc : memref<!tpu.dma_semaphore, #tpu.memory_space<semaphore_mem>>
          %dma_start3A = arith.constant 0 : i32
          %dma_start3A_52 = tpu.memref_slice %arg8[%run_scoped3A_41, %dma_start3A] : memref<8x128xi32, #tpu.memory_space<vmem>> -> memref<1x128xi32, #tpu.memory_space<vmem>>
          %dma_start3A_53 = tpu.memref_squeeze %dma_start3A_52 : memref<1x128xi32, #tpu.memory_space<vmem>> -> memref<128xi32, #tpu.memory_space<vmem>>
          %dma_start3A_54 = arith.constant 0 : i32
          %dma_start3A_55 = arith.constant 0 : i32
          %dma_start3A_56 = tpu.memref_slice %arg2[%dma_start3A_54, %dma_start3A_55] : memref<10000x128xf32, #tpu.memory_space<hbm>> -> memref<10000x128xf32, #tpu.memory_space<hbm>>
          tpu.enqueue_indirect_dma source(%dma_start3A_56 : memref<10000x128xf32, #tpu.memory_space<hbm>>) target(%arg10 : memref<128x128xf32, #tpu.memory_space<vmem>>) offsets(%dma_start3A_53 : memref<128xi32, #tpu.memory_space<vmem>>) semaphore(%run_scoped3A_51 : memref<!tpu.dma_semaphore, #tpu.memory_space<semaphore_mem>>)
          %dma_wait3A = arith.constant 0 : i32
          %dma_wait3A_57 = tpu.memref_slice %arg8[%run_scoped3A_41, %dma_wait3A] : memref<8x128xi32, #tpu.memory_space<vmem>> -> memref<1x128xi32, #tpu.memory_space<vmem>>
          %dma_wait3A_58 = tpu.memref_squeeze %dma_wait3A_57 : memref<1x128xi32, #tpu.memory_space<vmem>> -> memref<128xi32, #tpu.memory_space<vmem>>
          %dma_wait3A_59 = arith.constant 0 : i32
          %dma_wait3A_60 = arith.constant 0 : i32
          %dma_wait3A_61 = tpu.memref_slice %arg2[%dma_wait3A_59, %dma_wait3A_60] : memref<10000x128xf32, #tpu.memory_space<hbm>> -> memref<10000x128xf32, #tpu.memory_space<hbm>>
          tpu.wait_indirect_dma semaphore(%run_scoped3A_51 : memref<!tpu.dma_semaphore, #tpu.memory_space<semaphore_mem>>) src(%dma_wait3A_61 : memref<10000x128xf32, #tpu.memory_space<hbm>>) dst(%arg10 : memref<128x128xf32, #tpu.memory_space<vmem>>)
          tpu.yield
        }) : () -> ()
        %run_scoped3A_42 = arith.constant 3 : i32
        "tpu.region"() ({
          %run_scoped3A_51 = tpu.sem_alloc : memref<!tpu.dma_semaphore, #tpu.memory_space<semaphore_mem>>
          %dma_start3A = arith.constant 0 : i32
          %dma_start3A_52 = tpu.memref_slice %arg9[%run_scoped3A_42, %dma_start3A] : memref<8x128xi32, #tpu.memory_space<vmem>> -> memref<1x128xi32, #tpu.memory_space<vmem>>
          %dma_start3A_53 = tpu.memref_squeeze %dma_start3A_52 : memref<1x128xi32, #tpu.memory_space<vmem>> -> memref<128xi32, #tpu.memory_space<vmem>>
          %dma_start3A_54 = arith.constant 0 : i32
          %dma_start3A_55 = arith.constant 0 : i32
          %dma_start3A_56 = tpu.memref_slice %arg11[%dma_start3A_54, %dma_start3A_55] : memref<10240x128xf32, #tpu.memory_space<vmem_shared>> -> memref<10240x128xf32, #tpu.memory_space<vmem_shared>>
          tpu.enqueue_indirect_dma source(%arg10 : memref<128x128xf32, #tpu.memory_space<vmem>>) target(%dma_start3A_56 : memref<10240x128xf32, #tpu.memory_space<vmem_shared>>) offsets(%dma_start3A_53 : memref<128xi32, #tpu.memory_space<vmem>>) semaphore(%run_scoped3A_51 : memref<!tpu.dma_semaphore, #tpu.memory_space<semaphore_mem>>) {add = true}
          %dma_wait3A = arith.constant 0 : i32
          %dma_wait3A_57 = tpu.memref_slice %arg9[%run_scoped3A_42, %dma_wait3A] : memref<8x128xi32, #tpu.memory_space<vmem>> -> memref<1x128xi32, #tpu.memory_space<vmem>>
          %dma_wait3A_58 = tpu.memref_squeeze %dma_wait3A_57 : memref<1x128xi32, #tpu.memory_space<vmem>> -> memref<128xi32, #tpu.memory_space<vmem>>
          %dma_wait3A_59 = arith.constant 0 : i32
          %dma_wait3A_60 = arith.constant 0 : i32
          %dma_wait3A_61 = tpu.memref_slice %arg11[%dma_wait3A_59, %dma_wait3A_60] : memref<10240x128xf32, #tpu.memory_space<vmem_shared>> -> memref<10240x128xf32, #tpu.memory_space<vmem_shared>>
          tpu.wait_indirect_dma semaphore(%run_scoped3A_51 : memref<!tpu.dma_semaphore, #tpu.memory_space<semaphore_mem>>) src(%arg10 : memref<128x128xf32, #tpu.memory_space<vmem>>) dst(%dma_wait3A_61 : memref<10240x128xf32, #tpu.memory_space<vmem_shared>>)
          tpu.yield
        }) : () -> ()
        %run_scoped3A_43 = arith.constant 4 : i32
        "tpu.region"() ({
          %run_scoped3A_51 = tpu.sem_alloc : memref<!tpu.dma_semaphore, #tpu.memory_space<semaphore_mem>>
          %dma_start3A = arith.constant 0 : i32
          %dma_start3A_52 = tpu.memref_slice %arg8[%run_scoped3A_43, %dma_start3A] : memref<8x128xi32, #tpu.memory_space<vmem>> -> memref<1x128xi32, #tpu.memory_space<vmem>>
          %dma_start3A_53 = tpu.memref_squeeze %dma_start3A_52 : memref<1x128xi32, #tpu.memory_space<vmem>> -> memref<128xi32, #tpu.memory_space<vmem>>
          %dma_start3A_54 = arith.constant 0 : i32
          %dma_start3A_55 = arith.constant 0 : i32
          %dma_start3A_56 = tpu.memref_slice %arg2[%dma_start3A_54, %dma_start3A_55] : memref<10000x128xf32, #tpu.memory_space<hbm>> -> memref<10000x128xf32, #tpu.memory_space<hbm>>
          tpu.enqueue_indirect_dma source(%dma_start3A_56 : memref<10000x128xf32, #tpu.memory_space<hbm>>) target(%arg10 : memref<128x128xf32, #tpu.memory_space<vmem>>) offsets(%dma_start3A_53 : memref<128xi32, #tpu.memory_space<vmem>>) semaphore(%run_scoped3A_51 : memref<!tpu.dma_semaphore, #tpu.memory_space<semaphore_mem>>)
          %dma_wait3A = arith.constant 0 : i32
          %dma_wait3A_57 = tpu.memref_slice %arg8[%run_scoped3A_43, %dma_wait3A] : memref<8x128xi32, #tpu.memory_space<vmem>> -> memref<1x128xi32, #tpu.memory_space<vmem>>
          %dma_wait3A_58 = tpu.memref_squeeze %dma_wait3A_57 : memref<1x128xi32, #tpu.memory_space<vmem>> -> memref<128xi32, #tpu.memory_space<vmem>>
          %dma_wait3A_59 = arith.constant 0 : i32
          %dma_wait3A_60 = arith.constant 0 : i32
          %dma_wait3A_61 = tpu.memref_slice %arg2[%dma_wait3A_59, %dma_wait3A_60] : memref<10000x128xf32, #tpu.memory_space<hbm>> -> memref<10000x128xf32, #tpu.memory_space<hbm>>
          tpu.wait_indirect_dma semaphore(%run_scoped3A_51 : memref<!tpu.dma_semaphore, #tpu.memory_space<semaphore_mem>>) src(%dma_wait3A_61 : memref<10000x128xf32, #tpu.memory_space<hbm>>) dst(%arg10 : memref<128x128xf32, #tpu.memory_space<vmem>>)
          tpu.yield
        }) : () -> ()
        %run_scoped3A_44 = arith.constant 4 : i32
        "tpu.region"() ({
          %run_scoped3A_51 = tpu.sem_alloc : memref<!tpu.dma_semaphore, #tpu.memory_space<semaphore_mem>>
          %dma_start3A = arith.constant 0 : i32
          %dma_start3A_52 = tpu.memref_slice %arg9[%run_scoped3A_44, %dma_start3A] : memref<8x128xi32, #tpu.memory_space<vmem>> -> memref<1x128xi32, #tpu.memory_space<vmem>>
          %dma_start3A_53 = tpu.memref_squeeze %dma_start3A_52 : memref<1x128xi32, #tpu.memory_space<vmem>> -> memref<128xi32, #tpu.memory_space<vmem>>
          %dma_start3A_54 = arith.constant 0 : i32
          %dma_start3A_55 = arith.constant 0 : i32
          %dma_start3A_56 = tpu.memref_slice %arg11[%dma_start3A_54, %dma_start3A_55] : memref<10240x128xf32, #tpu.memory_space<vmem_shared>> -> memref<10240x128xf32, #tpu.memory_space<vmem_shared>>
          tpu.enqueue_indirect_dma source(%arg10 : memref<128x128xf32, #tpu.memory_space<vmem>>) target(%dma_start3A_56 : memref<10240x128xf32, #tpu.memory_space<vmem_shared>>) offsets(%dma_start3A_53 : memref<128xi32, #tpu.memory_space<vmem>>) semaphore(%run_scoped3A_51 : memref<!tpu.dma_semaphore, #tpu.memory_space<semaphore_mem>>) {add = true}
          %dma_wait3A = arith.constant 0 : i32
          %dma_wait3A_57 = tpu.memref_slice %arg9[%run_scoped3A_44, %dma_wait3A] : memref<8x128xi32, #tpu.memory_space<vmem>> -> memref<1x128xi32, #tpu.memory_space<vmem>>
          %dma_wait3A_58 = tpu.memref_squeeze %dma_wait3A_57 : memref<1x128xi32, #tpu.memory_space<vmem>> -> memref<128xi32, #tpu.memory_space<vmem>>
          %dma_wait3A_59 = arith.constant 0 : i32
          %dma_wait3A_60 = arith.constant 0 : i32
          %dma_wait3A_61 = tpu.memref_slice %arg11[%dma_wait3A_59, %dma_wait3A_60] : memref<10240x128xf32, #tpu.memory_space<vmem_shared>> -> memref<10240x128xf32, #tpu.memory_space<vmem_shared>>
          tpu.wait_indirect_dma semaphore(%run_scoped3A_51 : memref<!tpu.dma_semaphore, #tpu.memory_space<semaphore_mem>>) src(%arg10 : memref<128x128xf32, #tpu.memory_space<vmem>>) dst(%dma_wait3A_61 : memref<10240x128xf32, #tpu.memory_space<vmem_shared>>)
          tpu.yield
        }) : () -> ()
        %run_scoped3A_45 = arith.constant 5 : i32
        "tpu.region"() ({
          %run_scoped3A_51 = tpu.sem_alloc : memref<!tpu.dma_semaphore, #tpu.memory_space<semaphore_mem>>
          %dma_start3A = arith.constant 0 : i32
          %dma_start3A_52 = tpu.memref_slice %arg8[%run_scoped3A_45, %dma_start3A] : memref<8x128xi32, #tpu.memory_space<vmem>> -> memref<1x128xi32, #tpu.memory_space<vmem>>
          %dma_start3A_53 = tpu.memref_squeeze %dma_start3A_52 : memref<1x128xi32, #tpu.memory_space<vmem>> -> memref<128xi32, #tpu.memory_space<vmem>>
          %dma_start3A_54 = arith.constant 0 : i32
          %dma_start3A_55 = arith.constant 0 : i32
          %dma_start3A_56 = tpu.memref_slice %arg2[%dma_start3A_54, %dma_start3A_55] : memref<10000x128xf32, #tpu.memory_space<hbm>> -> memref<10000x128xf32, #tpu.memory_space<hbm>>
          tpu.enqueue_indirect_dma source(%dma_start3A_56 : memref<10000x128xf32, #tpu.memory_space<hbm>>) target(%arg10 : memref<128x128xf32, #tpu.memory_space<vmem>>) offsets(%dma_start3A_53 : memref<128xi32, #tpu.memory_space<vmem>>) semaphore(%run_scoped3A_51 : memref<!tpu.dma_semaphore, #tpu.memory_space<semaphore_mem>>)
          %dma_wait3A = arith.constant 0 : i32
          %dma_wait3A_57 = tpu.memref_slice %arg8[%run_scoped3A_45, %dma_wait3A] : memref<8x128xi32, #tpu.memory_space<vmem>> -> memref<1x128xi32, #tpu.memory_space<vmem>>
          %dma_wait3A_58 = tpu.memref_squeeze %dma_wait3A_57 : memref<1x128xi32, #tpu.memory_space<vmem>> -> memref<128xi32, #tpu.memory_space<vmem>>
          %dma_wait3A_59 = arith.constant 0 : i32
          %dma_wait3A_60 = arith.constant 0 : i32
          %dma_wait3A_61 = tpu.memref_slice %arg2[%dma_wait3A_59, %dma_wait3A_60] : memref<10000x128xf32, #tpu.memory_space<hbm>> -> memref<10000x128xf32, #tpu.memory_space<hbm>>
          tpu.wait_indirect_dma semaphore(%run_scoped3A_51 : memref<!tpu.dma_semaphore, #tpu.memory_space<semaphore_mem>>) src(%dma_wait3A_61 : memref<10000x128xf32, #tpu.memory_space<hbm>>) dst(%arg10 : memref<128x128xf32, #tpu.memory_space<vmem>>)
          tpu.yield
        }) : () -> ()
        %run_scoped3A_46 = arith.constant 5 : i32
        "tpu.region"() ({
          %run_scoped3A_51 = tpu.sem_alloc : memref<!tpu.dma_semaphore, #tpu.memory_space<semaphore_mem>>
          %dma_start3A = arith.constant 0 : i32
          %dma_start3A_52 = tpu.memref_slice %arg9[%run_scoped3A_46, %dma_start3A] : memref<8x128xi32, #tpu.memory_space<vmem>> -> memref<1x128xi32, #tpu.memory_space<vmem>>
          %dma_start3A_53 = tpu.memref_squeeze %dma_start3A_52 : memref<1x128xi32, #tpu.memory_space<vmem>> -> memref<128xi32, #tpu.memory_space<vmem>>
          %dma_start3A_54 = arith.constant 0 : i32
          %dma_start3A_55 = arith.constant 0 : i32
          %dma_start3A_56 = tpu.memref_slice %arg11[%dma_start3A_54, %dma_start3A_55] : memref<10240x128xf32, #tpu.memory_space<vmem_shared>> -> memref<10240x128xf32, #tpu.memory_space<vmem_shared>>
          tpu.enqueue_indirect_dma source(%arg10 : memref<128x128xf32, #tpu.memory_space<vmem>>) target(%dma_start3A_56 : memref<10240x128xf32, #tpu.memory_space<vmem_shared>>) offsets(%dma_start3A_53 : memref<128xi32, #tpu.memory_space<vmem>>) semaphore(%run_scoped3A_51 : memref<!tpu.dma_semaphore, #tpu.memory_space<semaphore_mem>>) {add = true}
          %dma_wait3A = arith.constant 0 : i32
          %dma_wait3A_57 = tpu.memref_slice %arg9[%run_scoped3A_46, %dma_wait3A] : memref<8x128xi32, #tpu.memory_space<vmem>> -> memref<1x128xi32, #tpu.memory_space<vmem>>
          %dma_wait3A_58 = tpu.memref_squeeze %dma_wait3A_57 : memref<1x128xi32, #tpu.memory_space<vmem>> -> memref<128xi32, #tpu.memory_space<vmem>>
          %dma_wait3A_59 = arith.constant 0 : i32
          %dma_wait3A_60 = arith.constant 0 : i32
          %dma_wait3A_61 = tpu.memref_slice %arg11[%dma_wait3A_59, %dma_wait3A_60] : memref<10240x128xf32, #tpu.memory_space<vmem_shared>> -> memref<10240x128xf32, #tpu.memory_space<vmem_shared>>
          tpu.wait_indirect_dma semaphore(%run_scoped3A_51 : memref<!tpu.dma_semaphore, #tpu.memory_space<semaphore_mem>>) src(%arg10 : memref<128x128xf32, #tpu.memory_space<vmem>>) dst(%dma_wait3A_61 : memref<10240x128xf32, #tpu.memory_space<vmem_shared>>)
          tpu.yield
        }) : () -> ()
        %run_scoped3A_47 = arith.constant 6 : i32
        "tpu.region"() ({
          %run_scoped3A_51 = tpu.sem_alloc : memref<!tpu.dma_semaphore, #tpu.memory_space<semaphore_mem>>
          %dma_start3A = arith.constant 0 : i32
          %dma_start3A_52 = tpu.memref_slice %arg8[%run_scoped3A_47, %dma_start3A] : memref<8x128xi32, #tpu.memory_space<vmem>> -> memref<1x128xi32, #tpu.memory_space<vmem>>
          %dma_start3A_53 = tpu.memref_squeeze %dma_start3A_52 : memref<1x128xi32, #tpu.memory_space<vmem>> -> memref<128xi32, #tpu.memory_space<vmem>>
          %dma_start3A_54 = arith.constant 0 : i32
          %dma_start3A_55 = arith.constant 0 : i32
          %dma_start3A_56 = tpu.memref_slice %arg2[%dma_start3A_54, %dma_start3A_55] : memref<10000x128xf32, #tpu.memory_space<hbm>> -> memref<10000x128xf32, #tpu.memory_space<hbm>>
          tpu.enqueue_indirect_dma source(%dma_start3A_56 : memref<10000x128xf32, #tpu.memory_space<hbm>>) target(%arg10 : memref<128x128xf32, #tpu.memory_space<vmem>>) offsets(%dma_start3A_53 : memref<128xi32, #tpu.memory_space<vmem>>) semaphore(%run_scoped3A_51 : memref<!tpu.dma_semaphore, #tpu.memory_space<semaphore_mem>>)
          %dma_wait3A = arith.constant 0 : i32
          %dma_wait3A_57 = tpu.memref_slice %arg8[%run_scoped3A_47, %dma_wait3A] : memref<8x128xi32, #tpu.memory_space<vmem>> -> memref<1x128xi32, #tpu.memory_space<vmem>>
          %dma_wait3A_58 = tpu.memref_squeeze %dma_wait3A_57 : memref<1x128xi32, #tpu.memory_space<vmem>> -> memref<128xi32, #tpu.memory_space<vmem>>
          %dma_wait3A_59 = arith.constant 0 : i32
          %dma_wait3A_60 = arith.constant 0 : i32
          %dma_wait3A_61 = tpu.memref_slice %arg2[%dma_wait3A_59, %dma_wait3A_60] : memref<10000x128xf32, #tpu.memory_space<hbm>> -> memref<10000x128xf32, #tpu.memory_space<hbm>>
          tpu.wait_indirect_dma semaphore(%run_scoped3A_51 : memref<!tpu.dma_semaphore, #tpu.memory_space<semaphore_mem>>) src(%dma_wait3A_61 : memref<10000x128xf32, #tpu.memory_space<hbm>>) dst(%arg10 : memref<128x128xf32, #tpu.memory_space<vmem>>)
          tpu.yield
        }) : () -> ()
        %run_scoped3A_48 = arith.constant 6 : i32
        "tpu.region"() ({
          %run_scoped3A_51 = tpu.sem_alloc : memref<!tpu.dma_semaphore, #tpu.memory_space<semaphore_mem>>
          %dma_start3A = arith.constant 0 : i32
          %dma_start3A_52 = tpu.memref_slice %arg9[%run_scoped3A_48, %dma_start3A] : memref<8x128xi32, #tpu.memory_space<vmem>> -> memref<1x128xi32, #tpu.memory_space<vmem>>
          %dma_start3A_53 = tpu.memref_squeeze %dma_start3A_52 : memref<1x128xi32, #tpu.memory_space<vmem>> -> memref<128xi32, #tpu.memory_space<vmem>>
          %dma_start3A_54 = arith.constant 0 : i32
          %dma_start3A_55 = arith.constant 0 : i32
          %dma_start3A_56 = tpu.memref_slice %arg11[%dma_start3A_54, %dma_start3A_55] : memref<10240x128xf32, #tpu.memory_space<vmem_shared>> -> memref<10240x128xf32, #tpu.memory_space<vmem_shared>>
          tpu.enqueue_indirect_dma source(%arg10 : memref<128x128xf32, #tpu.memory_space<vmem>>) target(%dma_start3A_56 : memref<10240x128xf32, #tpu.memory_space<vmem_shared>>) offsets(%dma_start3A_53 : memref<128xi32, #tpu.memory_space<vmem>>) semaphore(%run_scoped3A_51 : memref<!tpu.dma_semaphore, #tpu.memory_space<semaphore_mem>>) {add = true}
          %dma_wait3A = arith.constant 0 : i32
          %dma_wait3A_57 = tpu.memref_slice %arg9[%run_scoped3A_48, %dma_wait3A] : memref<8x128xi32, #tpu.memory_space<vmem>> -> memref<1x128xi32, #tpu.memory_space<vmem>>
          %dma_wait3A_58 = tpu.memref_squeeze %dma_wait3A_57 : memref<1x128xi32, #tpu.memory_space<vmem>> -> memref<128xi32, #tpu.memory_space<vmem>>
          %dma_wait3A_59 = arith.constant 0 : i32
          %dma_wait3A_60 = arith.constant 0 : i32
          %dma_wait3A_61 = tpu.memref_slice %arg11[%dma_wait3A_59, %dma_wait3A_60] : memref<10240x128xf32, #tpu.memory_space<vmem_shared>> -> memref<10240x128xf32, #tpu.memory_space<vmem_shared>>
          tpu.wait_indirect_dma semaphore(%run_scoped3A_51 : memref<!tpu.dma_semaphore, #tpu.memory_space<semaphore_mem>>) src(%arg10 : memref<128x128xf32, #tpu.memory_space<vmem>>) dst(%dma_wait3A_61 : memref<10240x128xf32, #tpu.memory_space<vmem_shared>>)
          tpu.yield
        }) : () -> ()
        %run_scoped3A_49 = arith.constant 7 : i32
        "tpu.region"() ({
          %run_scoped3A_51 = tpu.sem_alloc : memref<!tpu.dma_semaphore, #tpu.memory_space<semaphore_mem>>
          %dma_start3A = arith.constant 0 : i32
          %dma_start3A_52 = tpu.memref_slice %arg8[%run_scoped3A_49, %dma_start3A] : memref<8x128xi32, #tpu.memory_space<vmem>> -> memref<1x128xi32, #tpu.memory_space<vmem>>
          %dma_start3A_53 = tpu.memref_squeeze %dma_start3A_52 : memref<1x128xi32, #tpu.memory_space<vmem>> -> memref<128xi32, #tpu.memory_space<vmem>>
          %dma_start3A_54 = arith.constant 0 : i32
          %dma_start3A_55 = arith.constant 0 : i32
          %dma_start3A_56 = tpu.memref_slice %arg2[%dma_start3A_54, %dma_start3A_55] : memref<10000x128xf32, #tpu.memory_space<hbm>> -> memref<10000x128xf32, #tpu.memory_space<hbm>>
          tpu.enqueue_indirect_dma source(%dma_start3A_56 : memref<10000x128xf32, #tpu.memory_space<hbm>>) target(%arg10 : memref<128x128xf32, #tpu.memory_space<vmem>>) offsets(%dma_start3A_53 : memref<128xi32, #tpu.memory_space<vmem>>) semaphore(%run_scoped3A_51 : memref<!tpu.dma_semaphore, #tpu.memory_space<semaphore_mem>>)
          %dma_wait3A = arith.constant 0 : i32
          %dma_wait3A_57 = tpu.memref_slice %arg8[%run_scoped3A_49, %dma_wait3A] : memref<8x128xi32, #tpu.memory_space<vmem>> -> memref<1x128xi32, #tpu.memory_space<vmem>>
          %dma_wait3A_58 = tpu.memref_squeeze %dma_wait3A_57 : memref<1x128xi32, #tpu.memory_space<vmem>> -> memref<128xi32, #tpu.memory_space<vmem>>
          %dma_wait3A_59 = arith.constant 0 : i32
          %dma_wait3A_60 = arith.constant 0 : i32
          %dma_wait3A_61 = tpu.memref_slice %arg2[%dma_wait3A_59, %dma_wait3A_60] : memref<10000x128xf32, #tpu.memory_space<hbm>> -> memref<10000x128xf32, #tpu.memory_space<hbm>>
          tpu.wait_indirect_dma semaphore(%run_scoped3A_51 : memref<!tpu.dma_semaphore, #tpu.memory_space<semaphore_mem>>) src(%dma_wait3A_61 : memref<10000x128xf32, #tpu.memory_space<hbm>>) dst(%arg10 : memref<128x128xf32, #tpu.memory_space<vmem>>)
          tpu.yield
        }) : () -> ()
        %run_scoped3A_50 = arith.constant 7 : i32
        "tpu.region"() ({
          %run_scoped3A_51 = tpu.sem_alloc : memref<!tpu.dma_semaphore, #tpu.memory_space<semaphore_mem>>
          %dma_start3A = arith.constant 0 : i32
          %dma_start3A_52 = tpu.memref_slice %arg9[%run_scoped3A_50, %dma_start3A] : memref<8x128xi32, #tpu.memory_space<vmem>> -> memref<1x128xi32, #tpu.memory_space<vmem>>
          %dma_start3A_53 = tpu.memref_squeeze %dma_start3A_52 : memref<1x128xi32, #tpu.memory_space<vmem>> -> memref<128xi32, #tpu.memory_space<vmem>>
          %dma_start3A_54 = arith.constant 0 : i32
          %dma_start3A_55 = arith.constant 0 : i32
          %dma_start3A_56 = tpu.memref_slice %arg11[%dma_start3A_54, %dma_start3A_55] : memref<10240x128xf32, #tpu.memory_space<vmem_shared>> -> memref<10240x128xf32, #tpu.memory_space<vmem_shared>>
          tpu.enqueue_indirect_dma source(%arg10 : memref<128x128xf32, #tpu.memory_space<vmem>>) target(%dma_start3A_56 : memref<10240x128xf32, #tpu.memory_space<vmem_shared>>) offsets(%dma_start3A_53 : memref<128xi32, #tpu.memory_space<vmem>>) semaphore(%run_scoped3A_51 : memref<!tpu.dma_semaphore, #tpu.memory_space<semaphore_mem>>) {add = true}
          %dma_wait3A = arith.constant 0 : i32
          %dma_wait3A_57 = tpu.memref_slice %arg9[%run_scoped3A_50, %dma_wait3A] : memref<8x128xi32, #tpu.memory_space<vmem>> -> memref<1x128xi32, #tpu.memory_space<vmem>>
          %dma_wait3A_58 = tpu.memref_squeeze %dma_wait3A_57 : memref<1x128xi32, #tpu.memory_space<vmem>> -> memref<128xi32, #tpu.memory_space<vmem>>
          %dma_wait3A_59 = arith.constant 0 : i32
          %dma_wait3A_60 = arith.constant 0 : i32
          %dma_wait3A_61 = tpu.memref_slice %arg11[%dma_wait3A_59, %dma_wait3A_60] : memref<10240x128xf32, #tpu.memory_space<vmem_shared>> -> memref<10240x128xf32, #tpu.memory_space<vmem_shared>>
          tpu.wait_indirect_dma semaphore(%run_scoped3A_51 : memref<!tpu.dma_semaphore, #tpu.memory_space<semaphore_mem>>) src(%arg10 : memref<128x128xf32, #tpu.memory_space<vmem>>) dst(%dma_wait3A_61 : memref<10240x128xf32, #tpu.memory_space<vmem_shared>>)
          tpu.yield
        }) : () -> ()
      }
      %scan3A_27 = arith.constant 20 : i32
      %barrier3A_28 = arith.constant 0 : index
      tpu.barrier barrier_id(%barrier3A_28)
      %mul3A_29 = arith.constant 640 : i32
      %mul3A_30 = arith.muli %arg1, %mul3A_29 : i32
      "tpu.region"() ({
        %run_scoped3A = tpu.sem_alloc : memref<!tpu.dma_semaphore, #tpu.memory_space<semaphore_mem>>
        %dma_start3A = arith.constant 0 : i32
        %dma_start3A_31 = tpu.memref_slice %arg6[%mul3A_30, %dma_start3A] : memref<10240x128xf32, #tpu.memory_space<hbm>> -> memref<640x128xf32, #tpu.memory_space<hbm>>
        %dma_start3A_32 = arith.constant 0 : i32
        %dma_start3A_33 = tpu.memref_slice %arg11[%mul3A_30, %dma_start3A_32] : memref<10240x128xf32, #tpu.memory_space<vmem_shared>> -> memref<640x128xf32, #tpu.memory_space<vmem_shared>>
        tpu.enqueue_dma source(%dma_start3A_33 : memref<640x128xf32, #tpu.memory_space<vmem_shared>>) target(%dma_start3A_31 : memref<640x128xf32, #tpu.memory_space<hbm>>) target_semaphore(%run_scoped3A : memref<!tpu.dma_semaphore, #tpu.memory_space<semaphore_mem>>)
        %dma_wait3A = arith.constant 0 : i32
        %dma_wait3A_34 = tpu.memref_slice %arg6[%mul3A_30, %dma_wait3A] : memref<10240x128xf32, #tpu.memory_space<hbm>> -> memref<640x128xf32, #tpu.memory_space<hbm>>
        %dma_wait3A_35 = arith.constant 0 : i32
        %dma_wait3A_36 = tpu.memref_slice %arg11[%mul3A_30, %dma_wait3A_35] : memref<10240x128xf32, #tpu.memory_space<vmem_shared>> -> memref<640x128xf32, #tpu.memory_space<vmem_shared>>
        tpu.wait_dma2 semaphore(%run_scoped3A : memref<!tpu.dma_semaphore, #tpu.memory_space<semaphore_mem>>) src(%dma_wait3A_36 : memref<640x128xf32, #tpu.memory_space<vmem_shared>>) dst(%dma_wait3A_34 : memref<640x128xf32, #tpu.memory_space<hbm>>)
        tpu.yield
      }) : () -> ()
    } else {
    }
    %eq3A_2 = arith.constant 1 : i32
    %eq3A_3 = arith.cmpi eq, %arg0, %eq3A_2 : i32
    %convert_element_type3A_4 = arith.extui %eq3A_3 : i1 to i32
    %cond3A_5 = arith.constant 0 : i32
    %cond3A_6 = arith.cmpi ne, %convert_element_type3A_4, %cond3A_5 : i32
    scf.if %cond3A_6 {
      %scan3A = arith.constant 0 : i32
      %scan3A_7 = arith.constant 0 : i32
      %scan3A_8 = arith.constant 128 : i32
      %scan3A_9 = arith.addi %scan3A_7, %scan3A_8 : i32
      %scan3A_10 = arith.constant 1 : i32
      scf.for %scan3A_31 = %scan3A_7 to %scan3A_9 step %scan3A_10  : i32 {
        %broadcast_in_dim3A = arith.constant 0.000000e+00 : f32
        %broadcast_in_dim3A_32 = vector.broadcast %broadcast_in_dim3A : f32 to vector<16xf32>
        %swap3A = arith.index_cast %scan3A_31 : i32 to index
        %swap3A_33 = arith.constant 0 : index
        %swap3A_34 = tpu.vector_load %arg10[%swap3A, %swap3A_33] {strides = array<i32>} : memref<128x128xf32, #tpu.memory_space<vmem>>, vector<1x16xf32>,
        %swap3A_35 = vector.shape_cast %swap3A_34 : vector<1x16xf32> to vector<16xf32>
        %swap3A_36 = vector.shape_cast %broadcast_in_dim3A_32 : vector<16xf32> to vector<1x16xf32>
        tpu.vector_store %arg10[%swap3A, %swap3A_33], %swap3A_36 {strides = array<i32>} : memref<128x128xf32, #tpu.memory_space<vmem>>, vector<1x16xf32>,
        %broadcast_in_dim3A_37 = arith.constant 0.000000e+00 : f32
        %broadcast_in_dim3A_38 = vector.broadcast %broadcast_in_dim3A_37 : f32 to vector<16xf32>
        %swap3A_39 = arith.index_cast %scan3A_31 : i32 to index
        %swap3A_40 = arith.constant 16 : index
        %swap3A_41 = tpu.vector_load %arg10[%swap3A_39, %swap3A_40] {strides = array<i32>} : memref<128x128xf32, #tpu.memory_space<vmem>>, vector<1x16xf32>,
        %swap3A_42 = vector.shape_cast %swap3A_41 : vector<1x16xf32> to vector<16xf32>
        %swap3A_43 = vector.shape_cast %broadcast_in_dim3A_38 : vector<16xf32> to vector<1x16xf32>
        tpu.vector_store %arg10[%swap3A_39, %swap3A_40], %swap3A_43 {strides = array<i32>} : memref<128x128xf32, #tpu.memory_space<vmem>>, vector<1x16xf32>,
        %broadcast_in_dim3A_44 = arith.constant 0.000000e+00 : f32
        %broadcast_in_dim3A_45 = vector.broadcast %broadcast_in_dim3A_44 : f32 to vector<16xf32>
        %swap3A_46 = arith.index_cast %scan3A_31 : i32 to index
        %swap3A_47 = arith.constant 32 : index
        %swap3A_48 = tpu.vector_load %arg10[%swap3A_46, %swap3A_47] {strides = array<i32>} : memref<128x128xf32, #tpu.memory_space<vmem>>, vector<1x16xf32>,
        %swap3A_49 = vector.shape_cast %swap3A_48 : vector<1x16xf32> to vector<16xf32>
        %swap3A_50 = vector.shape_cast %broadcast_in_dim3A_45 : vector<16xf32> to vector<1x16xf32>
        tpu.vector_store %arg10[%swap3A_46, %swap3A_47], %swap3A_50 {strides = array<i32>} : memref<128x128xf32, #tpu.memory_space<vmem>>, vector<1x16xf32>,
        %broadcast_in_dim3A_51 = arith.constant 0.000000e+00 : f32
        %broadcast_in_dim3A_52 = vector.broadcast %broadcast_in_dim3A_51 : f32 to vector<16xf32>
        %swap3A_53 = arith.index_cast %scan3A_31 : i32 to index
        %swap3A_54 = arith.constant 48 : index
        %swap3A_55 = tpu.vector_load %arg10[%swap3A_53, %swap3A_54] {strides = array<i32>} : memref<128x128xf32, #tpu.memory_space<vmem>>, vector<1x16xf32>,
        %swap3A_56 = vector.shape_cast %swap3A_55 : vector<1x16xf32> to vector<16xf32>
        %swap3A_57 = vector.shape_cast %broadcast_in_dim3A_52 : vector<16xf32> to vector<1x16xf32>
        tpu.vector_store %arg10[%swap3A_53, %swap3A_54], %swap3A_57 {strides = array<i32>} : memref<128x128xf32, #tpu.memory_space<vmem>>, vector<1x16xf32>,
        %broadcast_in_dim3A_58 = arith.constant 0.000000e+00 : f32
        %broadcast_in_dim3A_59 = vector.broadcast %broadcast_in_dim3A_58 : f32 to vector<16xf32>
        %swap3A_60 = arith.index_cast %scan3A_31 : i32 to index
        %swap3A_61 = arith.constant 64 : index
        %swap3A_62 = tpu.vector_load %arg10[%swap3A_60, %swap3A_61] {strides = array<i32>} : memref<128x128xf32, #tpu.memory_space<vmem>>, vector<1x16xf32>,
        %swap3A_63 = vector.shape_cast %swap3A_62 : vector<1x16xf32> to vector<16xf32>
        %swap3A_64 = vector.shape_cast %broadcast_in_dim3A_59 : vector<16xf32> to vector<1x16xf32>
        tpu.vector_store %arg10[%swap3A_60, %swap3A_61], %swap3A_64 {strides = array<i32>} : memref<128x128xf32, #tpu.memory_space<vmem>>, vector<1x16xf32>,
        %broadcast_in_dim3A_65 = arith.constant 0.000000e+00 : f32
        %broadcast_in_dim3A_66 = vector.broadcast %broadcast_in_dim3A_65 : f32 to vector<16xf32>
        %swap3A_67 = arith.index_cast %scan3A_31 : i32 to index
        %swap3A_68 = arith.constant 80 : index
        %swap3A_69 = tpu.vector_load %arg10[%swap3A_67, %swap3A_68] {strides = array<i32>} : memref<128x128xf32, #tpu.memory_space<vmem>>, vector<1x16xf32>,
        %swap3A_70 = vector.shape_cast %swap3A_69 : vector<1x16xf32> to vector<16xf32>
        %swap3A_71 = vector.shape_cast %broadcast_in_dim3A_66 : vector<16xf32> to vector<1x16xf32>
        tpu.vector_store %arg10[%swap3A_67, %swap3A_68], %swap3A_71 {strides = array<i32>} : memref<128x128xf32, #tpu.memory_space<vmem>>, vector<1x16xf32>,
        %broadcast_in_dim3A_72 = arith.constant 0.000000e+00 : f32
        %broadcast_in_dim3A_73 = vector.broadcast %broadcast_in_dim3A_72 : f32 to vector<16xf32>
        %swap3A_74 = arith.index_cast %scan3A_31 : i32 to index
        %swap3A_75 = arith.constant 96 : index
        %swap3A_76 = tpu.vector_load %arg10[%swap3A_74, %swap3A_75] {strides = array<i32>} : memref<128x128xf32, #tpu.memory_space<vmem>>, vector<1x16xf32>,
        %swap3A_77 = vector.shape_cast %swap3A_76 : vector<1x16xf32> to vector<16xf32>
        %swap3A_78 = vector.shape_cast %broadcast_in_dim3A_73 : vector<16xf32> to vector<1x16xf32>
        tpu.vector_store %arg10[%swap3A_74, %swap3A_75], %swap3A_78 {strides = array<i32>} : memref<128x128xf32, #tpu.memory_space<vmem>>, vector<1x16xf32>,
        %broadcast_in_dim3A_79 = arith.constant 0.000000e+00 : f32
        %broadcast_in_dim3A_80 = vector.broadcast %broadcast_in_dim3A_79 : f32 to vector<16xf32>
        %swap3A_81 = arith.index_cast %scan3A_31 : i32 to index
        %swap3A_82 = arith.constant 112 : index
        %swap3A_83 = tpu.vector_load %arg10[%swap3A_81, %swap3A_82] {strides = array<i32>} : memref<128x128xf32, #tpu.memory_space<vmem>>, vector<1x16xf32>,
        %swap3A_84 = vector.shape_cast %swap3A_83 : vector<1x16xf32> to vector<16xf32>
        %swap3A_85 = vector.shape_cast %broadcast_in_dim3A_80 : vector<16xf32> to vector<1x16xf32>
        tpu.vector_store %arg10[%swap3A_81, %swap3A_82], %swap3A_85 {strides = array<i32>} : memref<128x128xf32, #tpu.memory_space<vmem>>, vector<1x16xf32>,
      }
      %scan3A_11 = arith.constant 128 : i32
      %mul3A = arith.constant 640 : i32
      %mul3A_12 = arith.muli %arg1, %mul3A : i32
      %add3A = arith.constant 0 : i32
      %add3A_13 = arith.addi %mul3A_12, %add3A : i32
      "tpu.region"() ({
        %run_scoped3A = tpu.sem_alloc : memref<!tpu.dma_semaphore, #tpu.memory_space<semaphore_mem>>
        %dma_start3A = arith.constant 0 : i32
        %dma_start3A_31 = tpu.memref_slice %arg11[%add3A_13, %dma_start3A] : memref<10240x128xf32, #tpu.memory_space<vmem_shared>> -> memref<128x128xf32, #tpu.memory_space<vmem_shared>>
        %dma_start3A_32 = arith.constant 0 : i32
        %dma_start3A_33 = tpu.memref_slice %arg11[%add3A_13, %dma_start3A_32] : memref<10240x128xf32, #tpu.memory_space<vmem_shared>> -> memref<128x128xf32, #tpu.memory_space<vmem_shared>>
        tpu.enqueue_dma source(%arg10 : memref<128x128xf32, #tpu.memory_space<vmem>>) target(%dma_start3A_33 : memref<128x128xf32, #tpu.memory_space<vmem_shared>>) target_semaphore(%run_scoped3A : memref<!tpu.dma_semaphore, #tpu.memory_space<semaphore_mem>>)
        %dma_wait3A = arith.constant 0 : i32
        %dma_wait3A_34 = tpu.memref_slice %arg11[%add3A_13, %dma_wait3A] : memref<10240x128xf32, #tpu.memory_space<vmem_shared>> -> memref<128x128xf32, #tpu.memory_space<vmem_shared>>
        %dma_wait3A_35 = arith.constant 0 : i32
        %dma_wait3A_36 = tpu.memref_slice %arg11[%add3A_13, %dma_wait3A_35] : memref<10240x128xf32, #tpu.memory_space<vmem_shared>> -> memref<128x128xf32, #tpu.memory_space<vmem_shared>>
        tpu.wait_dma2 semaphore(%run_scoped3A : memref<!tpu.dma_semaphore, #tpu.memory_space<semaphore_mem>>) src(%arg10 : memref<128x128xf32, #tpu.memory_space<vmem>>) dst(%dma_wait3A_36 : memref<128x128xf32, #tpu.memory_space<vmem_shared>>)
        tpu.yield
      }) : () -> ()
      %add3A_14 = arith.constant 128 : i32
      %add3A_15 = arith.addi %mul3A_12, %add3A_14 : i32
      "tpu.region"() ({
        %run_scoped3A = tpu.sem_alloc : memref<!tpu.dma_semaphore, #tpu.memory_space<semaphore_mem>>
        %dma_start3A = arith.constant 0 : i32
        %dma_start3A_31 = tpu.memref_slice %arg11[%add3A_15, %dma_start3A] : memref<10240x128xf32, #tpu.memory_space<vmem_shared>> -> memref<128x128xf32, #tpu.memory_space<vmem_shared>>
        %dma_start3A_32 = arith.constant 0 : i32
        %dma_start3A_33 = tpu.memref_slice %arg11[%add3A_15, %dma_start3A_32] : memref<10240x128xf32, #tpu.memory_space<vmem_shared>> -> memref<128x128xf32, #tpu.memory_space<vmem_shared>>
        tpu.enqueue_dma source(%arg10 : memref<128x128xf32, #tpu.memory_space<vmem>>) target(%dma_start3A_33 : memref<128x128xf32, #tpu.memory_space<vmem_shared>>) target_semaphore(%run_scoped3A : memref<!tpu.dma_semaphore, #tpu.memory_space<semaphore_mem>>)
        %dma_wait3A = arith.constant 0 : i32
        %dma_wait3A_34 = tpu.memref_slice %arg11[%add3A_15, %dma_wait3A] : memref<10240x128xf32, #tpu.memory_space<vmem_shared>> -> memref<128x128xf32, #tpu.memory_space<vmem_shared>>
        %dma_wait3A_35 = arith.constant 0 : i32
        %dma_wait3A_36 = tpu.memref_slice %arg11[%add3A_15, %dma_wait3A_35] : memref<10240x128xf32, #tpu.memory_space<vmem_shared>> -> memref<128x128xf32, #tpu.memory_space<vmem_shared>>
        tpu.wait_dma2 semaphore(%run_scoped3A : memref<!tpu.dma_semaphore, #tpu.memory_space<semaphore_mem>>) src(%arg10 : memref<128x128xf32, #tpu.memory_space<vmem>>) dst(%dma_wait3A_36 : memref<128x128xf32, #tpu.memory_space<vmem_shared>>)
        tpu.yield
      }) : () -> ()
      %add3A_16 = arith.constant 256 : i32
      %add3A_17 = arith.addi %mul3A_12, %add3A_16 : i32
      "tpu.region"() ({
        %run_scoped3A = tpu.sem_alloc : memref<!tpu.dma_semaphore, #tpu.memory_space<semaphore_mem>>
        %dma_start3A = arith.constant 0 : i32
        %dma_start3A_31 = tpu.memref_slice %arg11[%add3A_17, %dma_start3A] : memref<10240x128xf32, #tpu.memory_space<vmem_shared>> -> memref<128x128xf32, #tpu.memory_space<vmem_shared>>
        %dma_start3A_32 = arith.constant 0 : i32
        %dma_start3A_33 = tpu.memref_slice %arg11[%add3A_17, %dma_start3A_32] : memref<10240x128xf32, #tpu.memory_space<vmem_shared>> -> memref<128x128xf32, #tpu.memory_space<vmem_shared>>
        tpu.enqueue_dma source(%arg10 : memref<128x128xf32, #tpu.memory_space<vmem>>) target(%dma_start3A_33 : memref<128x128xf32, #tpu.memory_space<vmem_shared>>) target_semaphore(%run_scoped3A : memref<!tpu.dma_semaphore, #tpu.memory_space<semaphore_mem>>)
        %dma_wait3A = arith.constant 0 : i32
        %dma_wait3A_34 = tpu.memref_slice %arg11[%add3A_17, %dma_wait3A] : memref<10240x128xf32, #tpu.memory_space<vmem_shared>> -> memref<128x128xf32, #tpu.memory_space<vmem_shared>>
        %dma_wait3A_35 = arith.constant 0 : i32
        %dma_wait3A_36 = tpu.memref_slice %arg11[%add3A_17, %dma_wait3A_35] : memref<10240x128xf32, #tpu.memory_space<vmem_shared>> -> memref<128x128xf32, #tpu.memory_space<vmem_shared>>
        tpu.wait_dma2 semaphore(%run_scoped3A : memref<!tpu.dma_semaphore, #tpu.memory_space<semaphore_mem>>) src(%arg10 : memref<128x128xf32, #tpu.memory_space<vmem>>) dst(%dma_wait3A_36 : memref<128x128xf32, #tpu.memory_space<vmem_shared>>)
        tpu.yield
      }) : () -> ()
      %add3A_18 = arith.constant 384 : i32
      %add3A_19 = arith.addi %mul3A_12, %add3A_18 : i32
      "tpu.region"() ({
        %run_scoped3A = tpu.sem_alloc : memref<!tpu.dma_semaphore, #tpu.memory_space<semaphore_mem>>
        %dma_start3A = arith.constant 0 : i32
        %dma_start3A_31 = tpu.memref_slice %arg11[%add3A_19, %dma_start3A] : memref<10240x128xf32, #tpu.memory_space<vmem_shared>> -> memref<128x128xf32, #tpu.memory_space<vmem_shared>>
        %dma_start3A_32 = arith.constant 0 : i32
        %dma_start3A_33 = tpu.memref_slice %arg11[%add3A_19, %dma_start3A_32] : memref<10240x128xf32, #tpu.memory_space<vmem_shared>> -> memref<128x128xf32, #tpu.memory_space<vmem_shared>>
        tpu.enqueue_dma source(%arg10 : memref<128x128xf32, #tpu.memory_space<vmem>>) target(%dma_start3A_33 : memref<128x128xf32, #tpu.memory_space<vmem_shared>>) target_semaphore(%run_scoped3A : memref<!tpu.dma_semaphore, #tpu.memory_space<semaphore_mem>>)
        %dma_wait3A = arith.constant 0 : i32
        %dma_wait3A_34 = tpu.memref_slice %arg11[%add3A_19, %dma_wait3A] : memref<10240x128xf32, #tpu.memory_space<vmem_shared>> -> memref<128x128xf32, #tpu.memory_space<vmem_shared>>
        %dma_wait3A_35 = arith.constant 0 : i32
        %dma_wait3A_36 = tpu.memref_slice %arg11[%add3A_19, %dma_wait3A_35] : memref<10240x128xf32, #tpu.memory_space<vmem_shared>> -> memref<128x128xf32, #tpu.memory_space<vmem_shared>>
        tpu.wait_dma2 semaphore(%run_scoped3A : memref<!tpu.dma_semaphore, #tpu.memory_space<semaphore_mem>>) src(%arg10 : memref<128x128xf32, #tpu.memory_space<vmem>>) dst(%dma_wait3A_36 : memref<128x128xf32, #tpu.memory_space<vmem_shared>>)
        tpu.yield
      }) : () -> ()
      %add3A_20 = arith.constant 512 : i32
      %add3A_21 = arith.addi %mul3A_12, %add3A_20 : i32
      "tpu.region"() ({
        %run_scoped3A = tpu.sem_alloc : memref<!tpu.dma_semaphore, #tpu.memory_space<semaphore_mem>>
        %dma_start3A = arith.constant 0 : i32
        %dma_start3A_31 = tpu.memref_slice %arg11[%add3A_21, %dma_start3A] : memref<10240x128xf32, #tpu.memory_space<vmem_shared>> -> memref<128x128xf32, #tpu.memory_space<vmem_shared>>
        %dma_start3A_32 = arith.constant 0 : i32
        %dma_start3A_33 = tpu.memref_slice %arg11[%add3A_21, %dma_start3A_32] : memref<10240x128xf32, #tpu.memory_space<vmem_shared>> -> memref<128x128xf32, #tpu.memory_space<vmem_shared>>
        tpu.enqueue_dma source(%arg10 : memref<128x128xf32, #tpu.memory_space<vmem>>) target(%dma_start3A_33 : memref<128x128xf32, #tpu.memory_space<vmem_shared>>) target_semaphore(%run_scoped3A : memref<!tpu.dma_semaphore, #tpu.memory_space<semaphore_mem>>)
        %dma_wait3A = arith.constant 0 : i32
        %dma_wait3A_34 = tpu.memref_slice %arg11[%add3A_21, %dma_wait3A] : memref<10240x128xf32, #tpu.memory_space<vmem_shared>> -> memref<128x128xf32, #tpu.memory_space<vmem_shared>>
        %dma_wait3A_35 = arith.constant 0 : i32
        %dma_wait3A_36 = tpu.memref_slice %arg11[%add3A_21, %dma_wait3A_35] : memref<10240x128xf32, #tpu.memory_space<vmem_shared>> -> memref<128x128xf32, #tpu.memory_space<vmem_shared>>
        tpu.wait_dma2 semaphore(%run_scoped3A : memref<!tpu.dma_semaphore, #tpu.memory_space<semaphore_mem>>) src(%arg10 : memref<128x128xf32, #tpu.memory_space<vmem>>) dst(%dma_wait3A_36 : memref<128x128xf32, #tpu.memory_space<vmem_shared>>)
        tpu.yield
      }) : () -> ()
      %barrier3A = arith.constant 0 : index
      tpu.barrier barrier_id(%barrier3A)
      %scan3A_22 = arith.constant 0 : i32
      %scan3A_23 = arith.constant 0 : i32
      %scan3A_24 = arith.constant 20 : i32
      %scan3A_25 = arith.addi %scan3A_23, %scan3A_24 : i32
      %scan3A_26 = arith.constant 1 : i32
      scf.for %scan3A_31 = %scan3A_23 to %scan3A_25 step %scan3A_26  : i32 {
        %mul3A_32 = arith.constant 8 : i32
        %mul3A_33 = arith.muli %scan3A_31, %mul3A_32 : i32
        "tpu.region"() ({
          %run_scoped3A_51 = tpu.sem_alloc : memref<!tpu.dma_semaphore, #tpu.memory_space<semaphore_mem>>
          %dma_start3A = arith.constant 0 : i32
          %dma_start3A_52 = tpu.memref_slice %arg4[%arg1, %mul3A_33, %dma_start3A] : memref<16x160x128xi32, #tpu.memory_space<hbm>> -> memref<1x8x128xi32, #tpu.memory_space<hbm>>
          %dma_start3A_53 = tpu.memref_squeeze %dma_start3A_52 : memref<1x8x128xi32, #tpu.memory_space<hbm>> -> memref<8x128xi32, #tpu.memory_space<hbm>>
          %dma_start3A_54 = arith.constant 0 : i32
          %dma_start3A_55 = tpu.memref_slice %arg4[%arg1, %mul3A_33, %dma_start3A_54] : memref<16x160x128xi32, #tpu.memory_space<hbm>> -> memref<1x8x128xi32, #tpu.memory_space<hbm>>
          %dma_start3A_56 = tpu.memref_squeeze %dma_start3A_55 : memref<1x8x128xi32, #tpu.memory_space<hbm>> -> memref<8x128xi32, #tpu.memory_space<hbm>>
          tpu.enqueue_dma source(%dma_start3A_56 : memref<8x128xi32, #tpu.memory_space<hbm>>) target(%arg8 : memref<8x128xi32, #tpu.memory_space<vmem>>) target_semaphore(%run_scoped3A_51 : memref<!tpu.dma_semaphore, #tpu.memory_space<semaphore_mem>>)
          %dma_wait3A = arith.constant 0 : i32
          %dma_wait3A_57 = tpu.memref_slice %arg4[%arg1, %mul3A_33, %dma_wait3A] : memref<16x160x128xi32, #tpu.memory_space<hbm>> -> memref<1x8x128xi32, #tpu.memory_space<hbm>>
          %dma_wait3A_58 = tpu.memref_squeeze %dma_wait3A_57 : memref<1x8x128xi32, #tpu.memory_space<hbm>> -> memref<8x128xi32, #tpu.memory_space<hbm>>
          %dma_wait3A_59 = arith.constant 0 : i32
          %dma_wait3A_60 = tpu.memref_slice %arg4[%arg1, %mul3A_33, %dma_wait3A_59] : memref<16x160x128xi32, #tpu.memory_space<hbm>> -> memref<1x8x128xi32, #tpu.memory_space<hbm>>
          %dma_wait3A_61 = tpu.memref_squeeze %dma_wait3A_60 : memref<1x8x128xi32, #tpu.memory_space<hbm>> -> memref<8x128xi32, #tpu.memory_space<hbm>>
          tpu.wait_dma2 semaphore(%run_scoped3A_51 : memref<!tpu.dma_semaphore, #tpu.memory_space<semaphore_mem>>) src(%dma_wait3A_61 : memref<8x128xi32, #tpu.memory_space<hbm>>) dst(%arg8 : memref<8x128xi32, #tpu.memory_space<vmem>>)
          tpu.yield
        }) : () -> ()
        %mul3A_34 = arith.constant 8 : i32
        %mul3A_35 = arith.muli %scan3A_31, %mul3A_34 : i32
        "tpu.region"() ({
          %run_scoped3A_51 = tpu.sem_alloc : memref<!tpu.dma_semaphore, #tpu.memory_space<semaphore_mem>>
          %dma_start3A = arith.constant 0 : i32
          %dma_start3A_52 = tpu.memref_slice %arg5[%arg1, %mul3A_35, %dma_start3A] : memref<16x160x128xi32, #tpu.memory_space<hbm>> -> memref<1x8x128xi32, #tpu.memory_space<hbm>>
          %dma_start3A_53 = tpu.memref_squeeze %dma_start3A_52 : memref<1x8x128xi32, #tpu.memory_space<hbm>> -> memref<8x128xi32, #tpu.memory_space<hbm>>
          %dma_start3A_54 = arith.constant 0 : i32
          %dma_start3A_55 = tpu.memref_slice %arg5[%arg1, %mul3A_35, %dma_start3A_54] : memref<16x160x128xi32, #tpu.memory_space<hbm>> -> memref<1x8x128xi32, #tpu.memory_space<hbm>>
          %dma_start3A_56 = tpu.memref_squeeze %dma_start3A_55 : memref<1x8x128xi32, #tpu.memory_space<hbm>> -> memref<8x128xi32, #tpu.memory_space<hbm>>
          tpu.enqueue_dma source(%dma_start3A_56 : memref<8x128xi32, #tpu.memory_space<hbm>>) target(%arg9 : memref<8x128xi32, #tpu.memory_space<vmem>>) target_semaphore(%run_scoped3A_51 : memref<!tpu.dma_semaphore, #tpu.memory_space<semaphore_mem>>)
          %dma_wait3A = arith.constant 0 : i32
          %dma_wait3A_57 = tpu.memref_slice %arg5[%arg1, %mul3A_35, %dma_wait3A] : memref<16x160x128xi32, #tpu.memory_space<hbm>> -> memref<1x8x128xi32, #tpu.memory_space<hbm>>
          %dma_wait3A_58 = tpu.memref_squeeze %dma_wait3A_57 : memref<1x8x128xi32, #tpu.memory_space<hbm>> -> memref<8x128xi32, #tpu.memory_space<hbm>>
          %dma_wait3A_59 = arith.constant 0 : i32
          %dma_wait3A_60 = tpu.memref_slice %arg5[%arg1, %mul3A_35, %dma_wait3A_59] : memref<16x160x128xi32, #tpu.memory_space<hbm>> -> memref<1x8x128xi32, #tpu.memory_space<hbm>>
          %dma_wait3A_61 = tpu.memref_squeeze %dma_wait3A_60 : memref<1x8x128xi32, #tpu.memory_space<hbm>> -> memref<8x128xi32, #tpu.memory_space<hbm>>
          tpu.wait_dma2 semaphore(%run_scoped3A_51 : memref<!tpu.dma_semaphore, #tpu.memory_space<semaphore_mem>>) src(%dma_wait3A_61 : memref<8x128xi32, #tpu.memory_space<hbm>>) dst(%arg9 : memref<8x128xi32, #tpu.memory_space<vmem>>)
          tpu.yield
        }) : () -> ()
        %run_scoped3A = arith.constant 0 : i32
        "tpu.region"() ({
          %run_scoped3A_51 = tpu.sem_alloc : memref<!tpu.dma_semaphore, #tpu.memory_space<semaphore_mem>>
          %dma_start3A = arith.constant 0 : i32
          %dma_start3A_52 = tpu.memref_slice %arg8[%run_scoped3A, %dma_start3A] : memref<8x128xi32, #tpu.memory_space<vmem>> -> memref<1x128xi32, #tpu.memory_space<vmem>>
          %dma_start3A_53 = tpu.memref_squeeze %dma_start3A_52 : memref<1x128xi32, #tpu.memory_space<vmem>> -> memref<128xi32, #tpu.memory_space<vmem>>
          %dma_start3A_54 = arith.constant 0 : i32
          %dma_start3A_55 = arith.constant 0 : i32
          %dma_start3A_56 = tpu.memref_slice %arg3[%dma_start3A_54, %dma_start3A_55] : memref<10000x128xf32, #tpu.memory_space<hbm>> -> memref<10000x128xf32, #tpu.memory_space<hbm>>
          tpu.enqueue_indirect_dma source(%dma_start3A_56 : memref<10000x128xf32, #tpu.memory_space<hbm>>) target(%arg10 : memref<128x128xf32, #tpu.memory_space<vmem>>) offsets(%dma_start3A_53 : memref<128xi32, #tpu.memory_space<vmem>>) semaphore(%run_scoped3A_51 : memref<!tpu.dma_semaphore, #tpu.memory_space<semaphore_mem>>)
          %dma_wait3A = arith.constant 0 : i32
          %dma_wait3A_57 = tpu.memref_slice %arg8[%run_scoped3A, %dma_wait3A] : memref<8x128xi32, #tpu.memory_space<vmem>> -> memref<1x128xi32, #tpu.memory_space<vmem>>
          %dma_wait3A_58 = tpu.memref_squeeze %dma_wait3A_57 : memref<1x128xi32, #tpu.memory_space<vmem>> -> memref<128xi32, #tpu.memory_space<vmem>>
          %dma_wait3A_59 = arith.constant 0 : i32
          %dma_wait3A_60 = arith.constant 0 : i32
          %dma_wait3A_61 = tpu.memref_slice %arg3[%dma_wait3A_59, %dma_wait3A_60] : memref<10000x128xf32, #tpu.memory_space<hbm>> -> memref<10000x128xf32, #tpu.memory_space<hbm>>
          tpu.wait_indirect_dma semaphore(%run_scoped3A_51 : memref<!tpu.dma_semaphore, #tpu.memory_space<semaphore_mem>>) src(%dma_wait3A_61 : memref<10000x128xf32, #tpu.memory_space<hbm>>) dst(%arg10 : memref<128x128xf32, #tpu.memory_space<vmem>>)
          tpu.yield
        }) : () -> ()
        %run_scoped3A_36 = arith.constant 0 : i32
        "tpu.region"() ({
          %run_scoped3A_51 = tpu.sem_alloc : memref<!tpu.dma_semaphore, #tpu.memory_space<semaphore_mem>>
          %dma_start3A = arith.constant 0 : i32
          %dma_start3A_52 = tpu.memref_slice %arg9[%run_scoped3A_36, %dma_start3A] : memref<8x128xi32, #tpu.memory_space<vmem>> -> memref<1x128xi32, #tpu.memory_space<vmem>>
          %dma_start3A_53 = tpu.memref_squeeze %dma_start3A_52 : memref<1x128xi32, #tpu.memory_space<vmem>> -> memref<128xi32, #tpu.memory_space<vmem>>
          %dma_start3A_54 = arith.constant 0 : i32
          %dma_start3A_55 = arith.constant 0 : i32
          %dma_start3A_56 = tpu.memref_slice %arg11[%dma_start3A_54, %dma_start3A_55] : memref<10240x128xf32, #tpu.memory_space<vmem_shared>> -> memref<10240x128xf32, #tpu.memory_space<vmem_shared>>
          tpu.enqueue_indirect_dma source(%arg10 : memref<128x128xf32, #tpu.memory_space<vmem>>) target(%dma_start3A_56 : memref<10240x128xf32, #tpu.memory_space<vmem_shared>>) offsets(%dma_start3A_53 : memref<128xi32, #tpu.memory_space<vmem>>) semaphore(%run_scoped3A_51 : memref<!tpu.dma_semaphore, #tpu.memory_space<semaphore_mem>>) {add = true}
          %dma_wait3A = arith.constant 0 : i32
          %dma_wait3A_57 = tpu.memref_slice %arg9[%run_scoped3A_36, %dma_wait3A] : memref<8x128xi32, #tpu.memory_space<vmem>> -> memref<1x128xi32, #tpu.memory_space<vmem>>
          %dma_wait3A_58 = tpu.memref_squeeze %dma_wait3A_57 : memref<1x128xi32, #tpu.memory_space<vmem>> -> memref<128xi32, #tpu.memory_space<vmem>>
          %dma_wait3A_59 = arith.constant 0 : i32
          %dma_wait3A_60 = arith.constant 0 : i32
          %dma_wait3A_61 = tpu.memref_slice %arg11[%dma_wait3A_59, %dma_wait3A_60] : memref<10240x128xf32, #tpu.memory_space<vmem_shared>> -> memref<10240x128xf32, #tpu.memory_space<vmem_shared>>
          tpu.wait_indirect_dma semaphore(%run_scoped3A_51 : memref<!tpu.dma_semaphore, #tpu.memory_space<semaphore_mem>>) src(%arg10 : memref<128x128xf32, #tpu.memory_space<vmem>>) dst(%dma_wait3A_61 : memref<10240x128xf32, #tpu.memory_space<vmem_shared>>)
          tpu.yield
        }) : () -> ()
        %run_scoped3A_37 = arith.constant 1 : i32
        "tpu.region"() ({
          %run_scoped3A_51 = tpu.sem_alloc : memref<!tpu.dma_semaphore, #tpu.memory_space<semaphore_mem>>
          %dma_start3A = arith.constant 0 : i32
          %dma_start3A_52 = tpu.memref_slice %arg8[%run_scoped3A_37, %dma_start3A] : memref<8x128xi32, #tpu.memory_space<vmem>> -> memref<1x128xi32, #tpu.memory_space<vmem>>
          %dma_start3A_53 = tpu.memref_squeeze %dma_start3A_52 : memref<1x128xi32, #tpu.memory_space<vmem>> -> memref<128xi32, #tpu.memory_space<vmem>>
          %dma_start3A_54 = arith.constant 0 : i32
          %dma_start3A_55 = arith.constant 0 : i32
          %dma_start3A_56 = tpu.memref_slice %arg3[%dma_start3A_54, %dma_start3A_55] : memref<10000x128xf32, #tpu.memory_space<hbm>> -> memref<10000x128xf32, #tpu.memory_space<hbm>>
          tpu.enqueue_indirect_dma source(%dma_start3A_56 : memref<10000x128xf32, #tpu.memory_space<hbm>>) target(%arg10 : memref<128x128xf32, #tpu.memory_space<vmem>>) offsets(%dma_start3A_53 : memref<128xi32, #tpu.memory_space<vmem>>) semaphore(%run_scoped3A_51 : memref<!tpu.dma_semaphore, #tpu.memory_space<semaphore_mem>>)
          %dma_wait3A = arith.constant 0 : i32
          %dma_wait3A_57 = tpu.memref_slice %arg8[%run_scoped3A_37, %dma_wait3A] : memref<8x128xi32, #tpu.memory_space<vmem>> -> memref<1x128xi32, #tpu.memory_space<vmem>>
          %dma_wait3A_58 = tpu.memref_squeeze %dma_wait3A_57 : memref<1x128xi32, #tpu.memory_space<vmem>> -> memref<128xi32, #tpu.memory_space<vmem>>
          %dma_wait3A_59 = arith.constant 0 : i32
          %dma_wait3A_60 = arith.constant 0 : i32
          %dma_wait3A_61 = tpu.memref_slice %arg3[%dma_wait3A_59, %dma_wait3A_60] : memref<10000x128xf32, #tpu.memory_space<hbm>> -> memref<10000x128xf32, #tpu.memory_space<hbm>>
          tpu.wait_indirect_dma semaphore(%run_scoped3A_51 : memref<!tpu.dma_semaphore, #tpu.memory_space<semaphore_mem>>) src(%dma_wait3A_61 : memref<10000x128xf32, #tpu.memory_space<hbm>>) dst(%arg10 : memref<128x128xf32, #tpu.memory_space<vmem>>)
          tpu.yield
        }) : () -> ()
        %run_scoped3A_38 = arith.constant 1 : i32
        "tpu.region"() ({
          %run_scoped3A_51 = tpu.sem_alloc : memref<!tpu.dma_semaphore, #tpu.memory_space<semaphore_mem>>
          %dma_start3A = arith.constant 0 : i32
          %dma_start3A_52 = tpu.memref_slice %arg9[%run_scoped3A_38, %dma_start3A] : memref<8x128xi32, #tpu.memory_space<vmem>> -> memref<1x128xi32, #tpu.memory_space<vmem>>
          %dma_start3A_53 = tpu.memref_squeeze %dma_start3A_52 : memref<1x128xi32, #tpu.memory_space<vmem>> -> memref<128xi32, #tpu.memory_space<vmem>>
          %dma_start3A_54 = arith.constant 0 : i32
          %dma_start3A_55 = arith.constant 0 : i32
          %dma_start3A_56 = tpu.memref_slice %arg11[%dma_start3A_54, %dma_start3A_55] : memref<10240x128xf32, #tpu.memory_space<vmem_shared>> -> memref<10240x128xf32, #tpu.memory_space<vmem_shared>>
          tpu.enqueue_indirect_dma source(%arg10 : memref<128x128xf32, #tpu.memory_space<vmem>>) target(%dma_start3A_56 : memref<10240x128xf32, #tpu.memory_space<vmem_shared>>) offsets(%dma_start3A_53 : memref<128xi32, #tpu.memory_space<vmem>>) semaphore(%run_scoped3A_51 : memref<!tpu.dma_semaphore, #tpu.memory_space<semaphore_mem>>) {add = true}
          %dma_wait3A = arith.constant 0 : i32
          %dma_wait3A_57 = tpu.memref_slice %arg9[%run_scoped3A_38, %dma_wait3A] : memref<8x128xi32, #tpu.memory_space<vmem>> -> memref<1x128xi32, #tpu.memory_space<vmem>>
          %dma_wait3A_58 = tpu.memref_squeeze %dma_wait3A_57 : memref<1x128xi32, #tpu.memory_space<vmem>> -> memref<128xi32, #tpu.memory_space<vmem>>
          %dma_wait3A_59 = arith.constant 0 : i32
          %dma_wait3A_60 = arith.constant 0 : i32
          %dma_wait3A_61 = tpu.memref_slice %arg11[%dma_wait3A_59, %dma_wait3A_60] : memref<10240x128xf32, #tpu.memory_space<vmem_shared>> -> memref<10240x128xf32, #tpu.memory_space<vmem_shared>>
          tpu.wait_indirect_dma semaphore(%run_scoped3A_51 : memref<!tpu.dma_semaphore, #tpu.memory_space<semaphore_mem>>) src(%arg10 : memref<128x128xf32, #tpu.memory_space<vmem>>) dst(%dma_wait3A_61 : memref<10240x128xf32, #tpu.memory_space<vmem_shared>>)
          tpu.yield
        }) : () -> ()
        %run_scoped3A_39 = arith.constant 2 : i32
        "tpu.region"() ({
          %run_scoped3A_51 = tpu.sem_alloc : memref<!tpu.dma_semaphore, #tpu.memory_space<semaphore_mem>>
          %dma_start3A = arith.constant 0 : i32
          %dma_start3A_52 = tpu.memref_slice %arg8[%run_scoped3A_39, %dma_start3A] : memref<8x128xi32, #tpu.memory_space<vmem>> -> memref<1x128xi32, #tpu.memory_space<vmem>>
          %dma_start3A_53 = tpu.memref_squeeze %dma_start3A_52 : memref<1x128xi32, #tpu.memory_space<vmem>> -> memref<128xi32, #tpu.memory_space<vmem>>
          %dma_start3A_54 = arith.constant 0 : i32
          %dma_start3A_55 = arith.constant 0 : i32
          %dma_start3A_56 = tpu.memref_slice %arg3[%dma_start3A_54, %dma_start3A_55] : memref<10000x128xf32, #tpu.memory_space<hbm>> -> memref<10000x128xf32, #tpu.memory_space<hbm>>
          tpu.enqueue_indirect_dma source(%dma_start3A_56 : memref<10000x128xf32, #tpu.memory_space<hbm>>) target(%arg10 : memref<128x128xf32, #tpu.memory_space<vmem>>) offsets(%dma_start3A_53 : memref<128xi32, #tpu.memory_space<vmem>>) semaphore(%run_scoped3A_51 : memref<!tpu.dma_semaphore, #tpu.memory_space<semaphore_mem>>)
          %dma_wait3A = arith.constant 0 : i32
          %dma_wait3A_57 = tpu.memref_slice %arg8[%run_scoped3A_39, %dma_wait3A] : memref<8x128xi32, #tpu.memory_space<vmem>> -> memref<1x128xi32, #tpu.memory_space<vmem>>
          %dma_wait3A_58 = tpu.memref_squeeze %dma_wait3A_57 : memref<1x128xi32, #tpu.memory_space<vmem>> -> memref<128xi32, #tpu.memory_space<vmem>>
          %dma_wait3A_59 = arith.constant 0 : i32
          %dma_wait3A_60 = arith.constant 0 : i32
          %dma_wait3A_61 = tpu.memref_slice %arg3[%dma_wait3A_59, %dma_wait3A_60] : memref<10000x128xf32, #tpu.memory_space<hbm>> -> memref<10000x128xf32, #tpu.memory_space<hbm>>
          tpu.wait_indirect_dma semaphore(%run_scoped3A_51 : memref<!tpu.dma_semaphore, #tpu.memory_space<semaphore_mem>>) src(%dma_wait3A_61 : memref<10000x128xf32, #tpu.memory_space<hbm>>) dst(%arg10 : memref<128x128xf32, #tpu.memory_space<vmem>>)
          tpu.yield
        }) : () -> ()
        %run_scoped3A_40 = arith.constant 2 : i32
        "tpu.region"() ({
          %run_scoped3A_51 = tpu.sem_alloc : memref<!tpu.dma_semaphore, #tpu.memory_space<semaphore_mem>>
          %dma_start3A = arith.constant 0 : i32
          %dma_start3A_52 = tpu.memref_slice %arg9[%run_scoped3A_40, %dma_start3A] : memref<8x128xi32, #tpu.memory_space<vmem>> -> memref<1x128xi32, #tpu.memory_space<vmem>>
          %dma_start3A_53 = tpu.memref_squeeze %dma_start3A_52 : memref<1x128xi32, #tpu.memory_space<vmem>> -> memref<128xi32, #tpu.memory_space<vmem>>
          %dma_start3A_54 = arith.constant 0 : i32
          %dma_start3A_55 = arith.constant 0 : i32
          %dma_start3A_56 = tpu.memref_slice %arg11[%dma_start3A_54, %dma_start3A_55] : memref<10240x128xf32, #tpu.memory_space<vmem_shared>> -> memref<10240x128xf32, #tpu.memory_space<vmem_shared>>
          tpu.enqueue_indirect_dma source(%arg10 : memref<128x128xf32, #tpu.memory_space<vmem>>) target(%dma_start3A_56 : memref<10240x128xf32, #tpu.memory_space<vmem_shared>>) offsets(%dma_start3A_53 : memref<128xi32, #tpu.memory_space<vmem>>) semaphore(%run_scoped3A_51 : memref<!tpu.dma_semaphore, #tpu.memory_space<semaphore_mem>>) {add = true}
          %dma_wait3A = arith.constant 0 : i32
          %dma_wait3A_57 = tpu.memref_slice %arg9[%run_scoped3A_40, %dma_wait3A] : memref<8x128xi32, #tpu.memory_space<vmem>> -> memref<1x128xi32, #tpu.memory_space<vmem>>
          %dma_wait3A_58 = tpu.memref_squeeze %dma_wait3A_57 : memref<1x128xi32, #tpu.memory_space<vmem>> -> memref<128xi32, #tpu.memory_space<vmem>>
          %dma_wait3A_59 = arith.constant 0 : i32
          %dma_wait3A_60 = arith.constant 0 : i32
          %dma_wait3A_61 = tpu.memref_slice %arg11[%dma_wait3A_59, %dma_wait3A_60] : memref<10240x128xf32, #tpu.memory_space<vmem_shared>> -> memref<10240x128xf32, #tpu.memory_space<vmem_shared>>
          tpu.wait_indirect_dma semaphore(%run_scoped3A_51 : memref<!tpu.dma_semaphore, #tpu.memory_space<semaphore_mem>>) src(%arg10 : memref<128x128xf32, #tpu.memory_space<vmem>>) dst(%dma_wait3A_61 : memref<10240x128xf32, #tpu.memory_space<vmem_shared>>)
          tpu.yield
        }) : () -> ()
        %run_scoped3A_41 = arith.constant 3 : i32
        "tpu.region"() ({
          %run_scoped3A_51 = tpu.sem_alloc : memref<!tpu.dma_semaphore, #tpu.memory_space<semaphore_mem>>
          %dma_start3A = arith.constant 0 : i32
          %dma_start3A_52 = tpu.memref_slice %arg8[%run_scoped3A_41, %dma_start3A] : memref<8x128xi32, #tpu.memory_space<vmem>> -> memref<1x128xi32, #tpu.memory_space<vmem>>
          %dma_start3A_53 = tpu.memref_squeeze %dma_start3A_52 : memref<1x128xi32, #tpu.memory_space<vmem>> -> memref<128xi32, #tpu.memory_space<vmem>>
          %dma_start3A_54 = arith.constant 0 : i32
          %dma_start3A_55 = arith.constant 0 : i32
          %dma_start3A_56 = tpu.memref_slice %arg3[%dma_start3A_54, %dma_start3A_55] : memref<10000x128xf32, #tpu.memory_space<hbm>> -> memref<10000x128xf32, #tpu.memory_space<hbm>>
          tpu.enqueue_indirect_dma source(%dma_start3A_56 : memref<10000x128xf32, #tpu.memory_space<hbm>>) target(%arg10 : memref<128x128xf32, #tpu.memory_space<vmem>>) offsets(%dma_start3A_53 : memref<128xi32, #tpu.memory_space<vmem>>) semaphore(%run_scoped3A_51 : memref<!tpu.dma_semaphore, #tpu.memory_space<semaphore_mem>>)
          %dma_wait3A = arith.constant 0 : i32
          %dma_wait3A_57 = tpu.memref_slice %arg8[%run_scoped3A_41, %dma_wait3A] : memref<8x128xi32, #tpu.memory_space<vmem>> -> memref<1x128xi32, #tpu.memory_space<vmem>>
          %dma_wait3A_58 = tpu.memref_squeeze %dma_wait3A_57 : memref<1x128xi32, #tpu.memory_space<vmem>> -> memref<128xi32, #tpu.memory_space<vmem>>
          %dma_wait3A_59 = arith.constant 0 : i32
          %dma_wait3A_60 = arith.constant 0 : i32
          %dma_wait3A_61 = tpu.memref_slice %arg3[%dma_wait3A_59, %dma_wait3A_60] : memref<10000x128xf32, #tpu.memory_space<hbm>> -> memref<10000x128xf32, #tpu.memory_space<hbm>>
          tpu.wait_indirect_dma semaphore(%run_scoped3A_51 : memref<!tpu.dma_semaphore, #tpu.memory_space<semaphore_mem>>) src(%dma_wait3A_61 : memref<10000x128xf32, #tpu.memory_space<hbm>>) dst(%arg10 : memref<128x128xf32, #tpu.memory_space<vmem>>)
          tpu.yield
        }) : () -> ()
        %run_scoped3A_42 = arith.constant 3 : i32
        "tpu.region"() ({
          %run_scoped3A_51 = tpu.sem_alloc : memref<!tpu.dma_semaphore, #tpu.memory_space<semaphore_mem>>
          %dma_start3A = arith.constant 0 : i32
          %dma_start3A_52 = tpu.memref_slice %arg9[%run_scoped3A_42, %dma_start3A] : memref<8x128xi32, #tpu.memory_space<vmem>> -> memref<1x128xi32, #tpu.memory_space<vmem>>
          %dma_start3A_53 = tpu.memref_squeeze %dma_start3A_52 : memref<1x128xi32, #tpu.memory_space<vmem>> -> memref<128xi32, #tpu.memory_space<vmem>>
          %dma_start3A_54 = arith.constant 0 : i32
          %dma_start3A_55 = arith.constant 0 : i32
          %dma_start3A_56 = tpu.memref_slice %arg11[%dma_start3A_54, %dma_start3A_55] : memref<10240x128xf32, #tpu.memory_space<vmem_shared>> -> memref<10240x128xf32, #tpu.memory_space<vmem_shared>>
          tpu.enqueue_indirect_dma source(%arg10 : memref<128x128xf32, #tpu.memory_space<vmem>>) target(%dma_start3A_56 : memref<10240x128xf32, #tpu.memory_space<vmem_shared>>) offsets(%dma_start3A_53 : memref<128xi32, #tpu.memory_space<vmem>>) semaphore(%run_scoped3A_51 : memref<!tpu.dma_semaphore, #tpu.memory_space<semaphore_mem>>) {add = true}
          %dma_wait3A = arith.constant 0 : i32
          %dma_wait3A_57 = tpu.memref_slice %arg9[%run_scoped3A_42, %dma_wait3A] : memref<8x128xi32, #tpu.memory_space<vmem>> -> memref<1x128xi32, #tpu.memory_space<vmem>>
          %dma_wait3A_58 = tpu.memref_squeeze %dma_wait3A_57 : memref<1x128xi32, #tpu.memory_space<vmem>> -> memref<128xi32, #tpu.memory_space<vmem>>
          %dma_wait3A_59 = arith.constant 0 : i32
          %dma_wait3A_60 = arith.constant 0 : i32
          %dma_wait3A_61 = tpu.memref_slice %arg11[%dma_wait3A_59, %dma_wait3A_60] : memref<10240x128xf32, #tpu.memory_space<vmem_shared>> -> memref<10240x128xf32, #tpu.memory_space<vmem_shared>>
          tpu.wait_indirect_dma semaphore(%run_scoped3A_51 : memref<!tpu.dma_semaphore, #tpu.memory_space<semaphore_mem>>) src(%arg10 : memref<128x128xf32, #tpu.memory_space<vmem>>) dst(%dma_wait3A_61 : memref<10240x128xf32, #tpu.memory_space<vmem_shared>>)
          tpu.yield
        }) : () -> ()
        %run_scoped3A_43 = arith.constant 4 : i32
        "tpu.region"() ({
          %run_scoped3A_51 = tpu.sem_alloc : memref<!tpu.dma_semaphore, #tpu.memory_space<semaphore_mem>>
          %dma_start3A = arith.constant 0 : i32
          %dma_start3A_52 = tpu.memref_slice %arg8[%run_scoped3A_43, %dma_start3A] : memref<8x128xi32, #tpu.memory_space<vmem>> -> memref<1x128xi32, #tpu.memory_space<vmem>>
          %dma_start3A_53 = tpu.memref_squeeze %dma_start3A_52 : memref<1x128xi32, #tpu.memory_space<vmem>> -> memref<128xi32, #tpu.memory_space<vmem>>
          %dma_start3A_54 = arith.constant 0 : i32
          %dma_start3A_55 = arith.constant 0 : i32
          %dma_start3A_56 = tpu.memref_slice %arg3[%dma_start3A_54, %dma_start3A_55] : memref<10000x128xf32, #tpu.memory_space<hbm>> -> memref<10000x128xf32, #tpu.memory_space<hbm>>
          tpu.enqueue_indirect_dma source(%dma_start3A_56 : memref<10000x128xf32, #tpu.memory_space<hbm>>) target(%arg10 : memref<128x128xf32, #tpu.memory_space<vmem>>) offsets(%dma_start3A_53 : memref<128xi32, #tpu.memory_space<vmem>>) semaphore(%run_scoped3A_51 : memref<!tpu.dma_semaphore, #tpu.memory_space<semaphore_mem>>)
          %dma_wait3A = arith.constant 0 : i32
          %dma_wait3A_57 = tpu.memref_slice %arg8[%run_scoped3A_43, %dma_wait3A] : memref<8x128xi32, #tpu.memory_space<vmem>> -> memref<1x128xi32, #tpu.memory_space<vmem>>
          %dma_wait3A_58 = tpu.memref_squeeze %dma_wait3A_57 : memref<1x128xi32, #tpu.memory_space<vmem>> -> memref<128xi32, #tpu.memory_space<vmem>>
          %dma_wait3A_59 = arith.constant 0 : i32
          %dma_wait3A_60 = arith.constant 0 : i32
          %dma_wait3A_61 = tpu.memref_slice %arg3[%dma_wait3A_59, %dma_wait3A_60] : memref<10000x128xf32, #tpu.memory_space<hbm>> -> memref<10000x128xf32, #tpu.memory_space<hbm>>
          tpu.wait_indirect_dma semaphore(%run_scoped3A_51 : memref<!tpu.dma_semaphore, #tpu.memory_space<semaphore_mem>>) src(%dma_wait3A_61 : memref<10000x128xf32, #tpu.memory_space<hbm>>) dst(%arg10 : memref<128x128xf32, #tpu.memory_space<vmem>>)
          tpu.yield
        }) : () -> ()
        %run_scoped3A_44 = arith.constant 4 : i32
        "tpu.region"() ({
          %run_scoped3A_51 = tpu.sem_alloc : memref<!tpu.dma_semaphore, #tpu.memory_space<semaphore_mem>>
          %dma_start3A = arith.constant 0 : i32
          %dma_start3A_52 = tpu.memref_slice %arg9[%run_scoped3A_44, %dma_start3A] : memref<8x128xi32, #tpu.memory_space<vmem>> -> memref<1x128xi32, #tpu.memory_space<vmem>>
          %dma_start3A_53 = tpu.memref_squeeze %dma_start3A_52 : memref<1x128xi32, #tpu.memory_space<vmem>> -> memref<128xi32, #tpu.memory_space<vmem>>
          %dma_start3A_54 = arith.constant 0 : i32
          %dma_start3A_55 = arith.constant 0 : i32
          %dma_start3A_56 = tpu.memref_slice %arg11[%dma_start3A_54, %dma_start3A_55] : memref<10240x128xf32, #tpu.memory_space<vmem_shared>> -> memref<10240x128xf32, #tpu.memory_space<vmem_shared>>
          tpu.enqueue_indirect_dma source(%arg10 : memref<128x128xf32, #tpu.memory_space<vmem>>) target(%dma_start3A_56 : memref<10240x128xf32, #tpu.memory_space<vmem_shared>>) offsets(%dma_start3A_53 : memref<128xi32, #tpu.memory_space<vmem>>) semaphore(%run_scoped3A_51 : memref<!tpu.dma_semaphore, #tpu.memory_space<semaphore_mem>>) {add = true}
          %dma_wait3A = arith.constant 0 : i32
          %dma_wait3A_57 = tpu.memref_slice %arg9[%run_scoped3A_44, %dma_wait3A] : memref<8x128xi32, #tpu.memory_space<vmem>> -> memref<1x128xi32, #tpu.memory_space<vmem>>
          %dma_wait3A_58 = tpu.memref_squeeze %dma_wait3A_57 : memref<1x128xi32, #tpu.memory_space<vmem>> -> memref<128xi32, #tpu.memory_space<vmem>>
          %dma_wait3A_59 = arith.constant 0 : i32
          %dma_wait3A_60 = arith.constant 0 : i32
          %dma_wait3A_61 = tpu.memref_slice %arg11[%dma_wait3A_59, %dma_wait3A_60] : memref<10240x128xf32, #tpu.memory_space<vmem_shared>> -> memref<10240x128xf32, #tpu.memory_space<vmem_shared>>
          tpu.wait_indirect_dma semaphore(%run_scoped3A_51 : memref<!tpu.dma_semaphore, #tpu.memory_space<semaphore_mem>>) src(%arg10 : memref<128x128xf32, #tpu.memory_space<vmem>>) dst(%dma_wait3A_61 : memref<10240x128xf32, #tpu.memory_space<vmem_shared>>)
          tpu.yield
        }) : () -> ()
        %run_scoped3A_45 = arith.constant 5 : i32
        "tpu.region"() ({
          %run_scoped3A_51 = tpu.sem_alloc : memref<!tpu.dma_semaphore, #tpu.memory_space<semaphore_mem>>
          %dma_start3A = arith.constant 0 : i32
          %dma_start3A_52 = tpu.memref_slice %arg8[%run_scoped3A_45, %dma_start3A] : memref<8x128xi32, #tpu.memory_space<vmem>> -> memref<1x128xi32, #tpu.memory_space<vmem>>
          %dma_start3A_53 = tpu.memref_squeeze %dma_start3A_52 : memref<1x128xi32, #tpu.memory_space<vmem>> -> memref<128xi32, #tpu.memory_space<vmem>>
          %dma_start3A_54 = arith.constant 0 : i32
          %dma_start3A_55 = arith.constant 0 : i32
          %dma_start3A_56 = tpu.memref_slice %arg3[%dma_start3A_54, %dma_start3A_55] : memref<10000x128xf32, #tpu.memory_space<hbm>> -> memref<10000x128xf32, #tpu.memory_space<hbm>>
          tpu.enqueue_indirect_dma source(%dma_start3A_56 : memref<10000x128xf32, #tpu.memory_space<hbm>>) target(%arg10 : memref<128x128xf32, #tpu.memory_space<vmem>>) offsets(%dma_start3A_53 : memref<128xi32, #tpu.memory_space<vmem>>) semaphore(%run_scoped3A_51 : memref<!tpu.dma_semaphore, #tpu.memory_space<semaphore_mem>>)
          %dma_wait3A = arith.constant 0 : i32
          %dma_wait3A_57 = tpu.memref_slice %arg8[%run_scoped3A_45, %dma_wait3A] : memref<8x128xi32, #tpu.memory_space<vmem>> -> memref<1x128xi32, #tpu.memory_space<vmem>>
          %dma_wait3A_58 = tpu.memref_squeeze %dma_wait3A_57 : memref<1x128xi32, #tpu.memory_space<vmem>> -> memref<128xi32, #tpu.memory_space<vmem>>
          %dma_wait3A_59 = arith.constant 0 : i32
          %dma_wait3A_60 = arith.constant 0 : i32
          %dma_wait3A_61 = tpu.memref_slice %arg3[%dma_wait3A_59, %dma_wait3A_60] : memref<10000x128xf32, #tpu.memory_space<hbm>> -> memref<10000x128xf32, #tpu.memory_space<hbm>>
          tpu.wait_indirect_dma semaphore(%run_scoped3A_51 : memref<!tpu.dma_semaphore, #tpu.memory_space<semaphore_mem>>) src(%dma_wait3A_61 : memref<10000x128xf32, #tpu.memory_space<hbm>>) dst(%arg10 : memref<128x128xf32, #tpu.memory_space<vmem>>)
          tpu.yield
        }) : () -> ()
        %run_scoped3A_46 = arith.constant 5 : i32
        "tpu.region"() ({
          %run_scoped3A_51 = tpu.sem_alloc : memref<!tpu.dma_semaphore, #tpu.memory_space<semaphore_mem>>
          %dma_start3A = arith.constant 0 : i32
          %dma_start3A_52 = tpu.memref_slice %arg9[%run_scoped3A_46, %dma_start3A] : memref<8x128xi32, #tpu.memory_space<vmem>> -> memref<1x128xi32, #tpu.memory_space<vmem>>
          %dma_start3A_53 = tpu.memref_squeeze %dma_start3A_52 : memref<1x128xi32, #tpu.memory_space<vmem>> -> memref<128xi32, #tpu.memory_space<vmem>>
          %dma_start3A_54 = arith.constant 0 : i32
          %dma_start3A_55 = arith.constant 0 : i32
          %dma_start3A_56 = tpu.memref_slice %arg11[%dma_start3A_54, %dma_start3A_55] : memref<10240x128xf32, #tpu.memory_space<vmem_shared>> -> memref<10240x128xf32, #tpu.memory_space<vmem_shared>>
          tpu.enqueue_indirect_dma source(%arg10 : memref<128x128xf32, #tpu.memory_space<vmem>>) target(%dma_start3A_56 : memref<10240x128xf32, #tpu.memory_space<vmem_shared>>) offsets(%dma_start3A_53 : memref<128xi32, #tpu.memory_space<vmem>>) semaphore(%run_scoped3A_51 : memref<!tpu.dma_semaphore, #tpu.memory_space<semaphore_mem>>) {add = true}
          %dma_wait3A = arith.constant 0 : i32
          %dma_wait3A_57 = tpu.memref_slice %arg9[%run_scoped3A_46, %dma_wait3A] : memref<8x128xi32, #tpu.memory_space<vmem>> -> memref<1x128xi32, #tpu.memory_space<vmem>>
          %dma_wait3A_58 = tpu.memref_squeeze %dma_wait3A_57 : memref<1x128xi32, #tpu.memory_space<vmem>> -> memref<128xi32, #tpu.memory_space<vmem>>
          %dma_wait3A_59 = arith.constant 0 : i32
          %dma_wait3A_60 = arith.constant 0 : i32
          %dma_wait3A_61 = tpu.memref_slice %arg11[%dma_wait3A_59, %dma_wait3A_60] : memref<10240x128xf32, #tpu.memory_space<vmem_shared>> -> memref<10240x128xf32, #tpu.memory_space<vmem_shared>>
          tpu.wait_indirect_dma semaphore(%run_scoped3A_51 : memref<!tpu.dma_semaphore, #tpu.memory_space<semaphore_mem>>) src(%arg10 : memref<128x128xf32, #tpu.memory_space<vmem>>) dst(%dma_wait3A_61 : memref<10240x128xf32, #tpu.memory_space<vmem_shared>>)
          tpu.yield
        }) : () -> ()
        %run_scoped3A_47 = arith.constant 6 : i32
        "tpu.region"() ({
          %run_scoped3A_51 = tpu.sem_alloc : memref<!tpu.dma_semaphore, #tpu.memory_space<semaphore_mem>>
          %dma_start3A = arith.constant 0 : i32
          %dma_start3A_52 = tpu.memref_slice %arg8[%run_scoped3A_47, %dma_start3A] : memref<8x128xi32, #tpu.memory_space<vmem>> -> memref<1x128xi32, #tpu.memory_space<vmem>>
          %dma_start3A_53 = tpu.memref_squeeze %dma_start3A_52 : memref<1x128xi32, #tpu.memory_space<vmem>> -> memref<128xi32, #tpu.memory_space<vmem>>
          %dma_start3A_54 = arith.constant 0 : i32
          %dma_start3A_55 = arith.constant 0 : i32
          %dma_start3A_56 = tpu.memref_slice %arg3[%dma_start3A_54, %dma_start3A_55] : memref<10000x128xf32, #tpu.memory_space<hbm>> -> memref<10000x128xf32, #tpu.memory_space<hbm>>
          tpu.enqueue_indirect_dma source(%dma_start3A_56 : memref<10000x128xf32, #tpu.memory_space<hbm>>) target(%arg10 : memref<128x128xf32, #tpu.memory_space<vmem>>) offsets(%dma_start3A_53 : memref<128xi32, #tpu.memory_space<vmem>>) semaphore(%run_scoped3A_51 : memref<!tpu.dma_semaphore, #tpu.memory_space<semaphore_mem>>)
          %dma_wait3A = arith.constant 0 : i32
          %dma_wait3A_57 = tpu.memref_slice %arg8[%run_scoped3A_47, %dma_wait3A] : memref<8x128xi32, #tpu.memory_space<vmem>> -> memref<1x128xi32, #tpu.memory_space<vmem>>
          %dma_wait3A_58 = tpu.memref_squeeze %dma_wait3A_57 : memref<1x128xi32, #tpu.memory_space<vmem>> -> memref<128xi32, #tpu.memory_space<vmem>>
          %dma_wait3A_59 = arith.constant 0 : i32
          %dma_wait3A_60 = arith.constant 0 : i32
          %dma_wait3A_61 = tpu.memref_slice %arg3[%dma_wait3A_59, %dma_wait3A_60] : memref<10000x128xf32, #tpu.memory_space<hbm>> -> memref<10000x128xf32, #tpu.memory_space<hbm>>
          tpu.wait_indirect_dma semaphore(%run_scoped3A_51 : memref<!tpu.dma_semaphore, #tpu.memory_space<semaphore_mem>>) src(%dma_wait3A_61 : memref<10000x128xf32, #tpu.memory_space<hbm>>) dst(%arg10 : memref<128x128xf32, #tpu.memory_space<vmem>>)
          tpu.yield
        }) : () -> ()
        %run_scoped3A_48 = arith.constant 6 : i32
        "tpu.region"() ({
          %run_scoped3A_51 = tpu.sem_alloc : memref<!tpu.dma_semaphore, #tpu.memory_space<semaphore_mem>>
          %dma_start3A = arith.constant 0 : i32
          %dma_start3A_52 = tpu.memref_slice %arg9[%run_scoped3A_48, %dma_start3A] : memref<8x128xi32, #tpu.memory_space<vmem>> -> memref<1x128xi32, #tpu.memory_space<vmem>>
          %dma_start3A_53 = tpu.memref_squeeze %dma_start3A_52 : memref<1x128xi32, #tpu.memory_space<vmem>> -> memref<128xi32, #tpu.memory_space<vmem>>
          %dma_start3A_54 = arith.constant 0 : i32
          %dma_start3A_55 = arith.constant 0 : i32
          %dma_start3A_56 = tpu.memref_slice %arg11[%dma_start3A_54, %dma_start3A_55] : memref<10240x128xf32, #tpu.memory_space<vmem_shared>> -> memref<10240x128xf32, #tpu.memory_space<vmem_shared>>
          tpu.enqueue_indirect_dma source(%arg10 : memref<128x128xf32, #tpu.memory_space<vmem>>) target(%dma_start3A_56 : memref<10240x128xf32, #tpu.memory_space<vmem_shared>>) offsets(%dma_start3A_53 : memref<128xi32, #tpu.memory_space<vmem>>) semaphore(%run_scoped3A_51 : memref<!tpu.dma_semaphore, #tpu.memory_space<semaphore_mem>>) {add = true}
          %dma_wait3A = arith.constant 0 : i32
          %dma_wait3A_57 = tpu.memref_slice %arg9[%run_scoped3A_48, %dma_wait3A] : memref<8x128xi32, #tpu.memory_space<vmem>> -> memref<1x128xi32, #tpu.memory_space<vmem>>
          %dma_wait3A_58 = tpu.memref_squeeze %dma_wait3A_57 : memref<1x128xi32, #tpu.memory_space<vmem>> -> memref<128xi32, #tpu.memory_space<vmem>>
          %dma_wait3A_59 = arith.constant 0 : i32
          %dma_wait3A_60 = arith.constant 0 : i32
          %dma_wait3A_61 = tpu.memref_slice %arg11[%dma_wait3A_59, %dma_wait3A_60] : memref<10240x128xf32, #tpu.memory_space<vmem_shared>> -> memref<10240x128xf32, #tpu.memory_space<vmem_shared>>
          tpu.wait_indirect_dma semaphore(%run_scoped3A_51 : memref<!tpu.dma_semaphore, #tpu.memory_space<semaphore_mem>>) src(%arg10 : memref<128x128xf32, #tpu.memory_space<vmem>>) dst(%dma_wait3A_61 : memref<10240x128xf32, #tpu.memory_space<vmem_shared>>)
          tpu.yield
        }) : () -> ()
        %run_scoped3A_49 = arith.constant 7 : i32
        "tpu.region"() ({
          %run_scoped3A_51 = tpu.sem_alloc : memref<!tpu.dma_semaphore, #tpu.memory_space<semaphore_mem>>
          %dma_start3A = arith.constant 0 : i32
          %dma_start3A_52 = tpu.memref_slice %arg8[%run_scoped3A_49, %dma_start3A] : memref<8x128xi32, #tpu.memory_space<vmem>> -> memref<1x128xi32, #tpu.memory_space<vmem>>
          %dma_start3A_53 = tpu.memref_squeeze %dma_start3A_52 : memref<1x128xi32, #tpu.memory_space<vmem>> -> memref<128xi32, #tpu.memory_space<vmem>>
          %dma_start3A_54 = arith.constant 0 : i32
          %dma_start3A_55 = arith.constant 0 : i32
          %dma_start3A_56 = tpu.memref_slice %arg3[%dma_start3A_54, %dma_start3A_55] : memref<10000x128xf32, #tpu.memory_space<hbm>> -> memref<10000x128xf32, #tpu.memory_space<hbm>>
          tpu.enqueue_indirect_dma source(%dma_start3A_56 : memref<10000x128xf32, #tpu.memory_space<hbm>>) target(%arg10 : memref<128x128xf32, #tpu.memory_space<vmem>>) offsets(%dma_start3A_53 : memref<128xi32, #tpu.memory_space<vmem>>) semaphore(%run_scoped3A_51 : memref<!tpu.dma_semaphore, #tpu.memory_space<semaphore_mem>>)
          %dma_wait3A = arith.constant 0 : i32
          %dma_wait3A_57 = tpu.memref_slice %arg8[%run_scoped3A_49, %dma_wait3A] : memref<8x128xi32, #tpu.memory_space<vmem>> -> memref<1x128xi32, #tpu.memory_space<vmem>>
          %dma_wait3A_58 = tpu.memref_squeeze %dma_wait3A_57 : memref<1x128xi32, #tpu.memory_space<vmem>> -> memref<128xi32, #tpu.memory_space<vmem>>
          %dma_wait3A_59 = arith.constant 0 : i32
          %dma_wait3A_60 = arith.constant 0 : i32
          %dma_wait3A_61 = tpu.memref_slice %arg3[%dma_wait3A_59, %dma_wait3A_60] : memref<10000x128xf32, #tpu.memory_space<hbm>> -> memref<10000x128xf32, #tpu.memory_space<hbm>>
          tpu.wait_indirect_dma semaphore(%run_scoped3A_51 : memref<!tpu.dma_semaphore, #tpu.memory_space<semaphore_mem>>) src(%dma_wait3A_61 : memref<10000x128xf32, #tpu.memory_space<hbm>>) dst(%arg10 : memref<128x128xf32, #tpu.memory_space<vmem>>)
          tpu.yield
        }) : () -> ()
        %run_scoped3A_50 = arith.constant 7 : i32
        "tpu.region"() ({
          %run_scoped3A_51 = tpu.sem_alloc : memref<!tpu.dma_semaphore, #tpu.memory_space<semaphore_mem>>
          %dma_start3A = arith.constant 0 : i32
          %dma_start3A_52 = tpu.memref_slice %arg9[%run_scoped3A_50, %dma_start3A] : memref<8x128xi32, #tpu.memory_space<vmem>> -> memref<1x128xi32, #tpu.memory_space<vmem>>
          %dma_start3A_53 = tpu.memref_squeeze %dma_start3A_52 : memref<1x128xi32, #tpu.memory_space<vmem>> -> memref<128xi32, #tpu.memory_space<vmem>>
          %dma_start3A_54 = arith.constant 0 : i32
          %dma_start3A_55 = arith.constant 0 : i32
          %dma_start3A_56 = tpu.memref_slice %arg11[%dma_start3A_54, %dma_start3A_55] : memref<10240x128xf32, #tpu.memory_space<vmem_shared>> -> memref<10240x128xf32, #tpu.memory_space<vmem_shared>>
          tpu.enqueue_indirect_dma source(%arg10 : memref<128x128xf32, #tpu.memory_space<vmem>>) target(%dma_start3A_56 : memref<10240x128xf32, #tpu.memory_space<vmem_shared>>) offsets(%dma_start3A_53 : memref<128xi32, #tpu.memory_space<vmem>>) semaphore(%run_scoped3A_51 : memref<!tpu.dma_semaphore, #tpu.memory_space<semaphore_mem>>) {add = true}
          %dma_wait3A = arith.constant 0 : i32
          %dma_wait3A_57 = tpu.memref_slice %arg9[%run_scoped3A_50, %dma_wait3A] : memref<8x128xi32, #tpu.memory_space<vmem>> -> memref<1x128xi32, #tpu.memory_space<vmem>>
          %dma_wait3A_58 = tpu.memref_squeeze %dma_wait3A_57 : memref<1x128xi32, #tpu.memory_space<vmem>> -> memref<128xi32, #tpu.memory_space<vmem>>
          %dma_wait3A_59 = arith.constant 0 : i32
          %dma_wait3A_60 = arith.constant 0 : i32
          %dma_wait3A_61 = tpu.memref_slice %arg11[%dma_wait3A_59, %dma_wait3A_60] : memref<10240x128xf32, #tpu.memory_space<vmem_shared>> -> memref<10240x128xf32, #tpu.memory_space<vmem_shared>>
          tpu.wait_indirect_dma semaphore(%run_scoped3A_51 : memref<!tpu.dma_semaphore, #tpu.memory_space<semaphore_mem>>) src(%arg10 : memref<128x128xf32, #tpu.memory_space<vmem>>) dst(%dma_wait3A_61 : memref<10240x128xf32, #tpu.memory_space<vmem_shared>>)
          tpu.yield
        }) : () -> ()
      }
      %scan3A_27 = arith.constant 20 : i32
      %barrier3A_28 = arith.constant 0 : index
      tpu.barrier barrier_id(%barrier3A_28)
      %mul3A_29 = arith.constant 640 : i32
      %mul3A_30 = arith.muli %arg1, %mul3A_29 : i32
      "tpu.region"() ({
        %run_scoped3A = tpu.sem_alloc : memref<!tpu.dma_semaphore, #tpu.memory_space<semaphore_mem>>
        %dma_start3A = arith.constant 0 : i32
        %dma_start3A_31 = tpu.memref_slice %arg7[%mul3A_30, %dma_start3A] : memref<10240x128xf32, #tpu.memory_space<hbm>> -> memref<640x128xf32, #tpu.memory_space<hbm>>
        %dma_start3A_32 = arith.constant 0 : i32
        %dma_start3A_33 = tpu.memref_slice %arg11[%mul3A_30, %dma_start3A_32] : memref<10240x128xf32, #tpu.memory_space<vmem_shared>> -> memref<640x128xf32, #tpu.memory_space<vmem_shared>>
        tpu.enqueue_dma source(%dma_start3A_33 : memref<640x128xf32, #tpu.memory_space<vmem_shared>>) target(%dma_start3A_31 : memref<640x128xf32, #tpu.memory_space<hbm>>) target_semaphore(%run_scoped3A : memref<!tpu.dma_semaphore, #tpu.memory_space<semaphore_mem>>)
        %dma_wait3A = arith.constant 0 : i32
        %dma_wait3A_34 = tpu.memref_slice %arg7[%mul3A_30, %dma_wait3A] : memref<10240x128xf32, #tpu.memory_space<hbm>> -> memref<640x128xf32, #tpu.memory_space<hbm>>
        %dma_wait3A_35 = arith.constant 0 : i32
        %dma_wait3A_36 = tpu.memref_slice %arg11[%mul3A_30, %dma_wait3A_35] : memref<10240x128xf32, #tpu.memory_space<vmem_shared>> -> memref<640x128xf32, #tpu.memory_space<vmem_shared>>
        tpu.wait_dma2 semaphore(%run_scoped3A : memref<!tpu.dma_semaphore, #tpu.memory_space<semaphore_mem>>) src(%dma_wait3A_36 : memref<640x128xf32, #tpu.memory_space<vmem_shared>>) dst(%dma_wait3A_34 : memref<640x128xf32, #tpu.memory_space<hbm>>)
        tpu.yield
      }) : () -> ()
    } else {
    }
    return
  }
}

#map = affine_map<(d0, d1) -> (0, 0)>
#map1 = affine_map<(d0, d1) -> (0, 0, 0)>
module attributes {stable_mosaic.version = 14 : i64} {
  func.func @_agg_edge_split(%arg0: i32, %arg1: i32, %arg2: memref<10000x128xf32, #tpu.memory_space<hbm>>, %arg3: memref<32x80x128xi32, #tpu.memory_space<hbm>>, %arg4: memref<32x80x128xi32, #tpu.memory_space<hbm>>, %arg5: memref<10240x128xf32, #tpu.memory_space<hbm>>, %arg6: memref<10240x128xf32, #tpu.memory_space<hbm>>, %arg7: memref<8x128xi32, #tpu.memory_space<vmem>>, %arg8: memref<8x128xi32, #tpu.memory_space<vmem>>, %arg9: memref<128x128xf32, #tpu.memory_space<vmem>>, %arg10: memref<10240x128xf32, #tpu.memory_space<vmem_shared>>) attributes {dimension_semantics = [#tpu.dimension_semantics<core_parallel>, #tpu.dimension_semantics<subcore_parallel>], iteration_bounds = array<i64: 2, 16>, scalar_prefetch = 0 : i64, scratch_operands = 4 : i64, tpu.core_type = #tpu.core_type<sc_vector_subcore>, window_params = [{transform_indices = #map}, {transform_indices = #map1}, {transform_indices = #map1}, {transform_indices = #map}, {transform_indices = #map}]} {
    %mul3A = arith.constant 16 : i32
    %mul3A_0 = arith.muli %arg0, %mul3A : i32
    %add3A = arith.addi %mul3A_0, %arg1 : i32
    %scan3A = arith.constant 0 : i32
    %scan3A_1 = arith.constant 0 : i32
    %scan3A_2 = arith.constant 128 : i32
    %scan3A_3 = arith.addi %scan3A_1, %scan3A_2 : i32
    %scan3A_4 = arith.constant 1 : i32
    scf.for %scan3A_34 = %scan3A_1 to %scan3A_3 step %scan3A_4  : i32 {
      %broadcast_in_dim3A = arith.constant 0.000000e+00 : f32
      %broadcast_in_dim3A_35 = vector.broadcast %broadcast_in_dim3A : f32 to vector<16xf32>
      %swap3A = arith.index_cast %scan3A_34 : i32 to index
      %swap3A_36 = arith.constant 0 : index
      %swap3A_37 = tpu.vector_load %arg9[%swap3A, %swap3A_36] {strides = array<i32>} : memref<128x128xf32, #tpu.memory_space<vmem>>, vector<1x16xf32>,
      %swap3A_38 = vector.shape_cast %swap3A_37 : vector<1x16xf32> to vector<16xf32>
      %swap3A_39 = vector.shape_cast %broadcast_in_dim3A_35 : vector<16xf32> to vector<1x16xf32>
      tpu.vector_store %arg9[%swap3A, %swap3A_36], %swap3A_39 {strides = array<i32>} : memref<128x128xf32, #tpu.memory_space<vmem>>, vector<1x16xf32>,
      %broadcast_in_dim3A_40 = arith.constant 0.000000e+00 : f32
      %broadcast_in_dim3A_41 = vector.broadcast %broadcast_in_dim3A_40 : f32 to vector<16xf32>
      %swap3A_42 = arith.index_cast %scan3A_34 : i32 to index
      %swap3A_43 = arith.constant 16 : index
      %swap3A_44 = tpu.vector_load %arg9[%swap3A_42, %swap3A_43] {strides = array<i32>} : memref<128x128xf32, #tpu.memory_space<vmem>>, vector<1x16xf32>,
      %swap3A_45 = vector.shape_cast %swap3A_44 : vector<1x16xf32> to vector<16xf32>
      %swap3A_46 = vector.shape_cast %broadcast_in_dim3A_41 : vector<16xf32> to vector<1x16xf32>
      tpu.vector_store %arg9[%swap3A_42, %swap3A_43], %swap3A_46 {strides = array<i32>} : memref<128x128xf32, #tpu.memory_space<vmem>>, vector<1x16xf32>,
      %broadcast_in_dim3A_47 = arith.constant 0.000000e+00 : f32
      %broadcast_in_dim3A_48 = vector.broadcast %broadcast_in_dim3A_47 : f32 to vector<16xf32>
      %swap3A_49 = arith.index_cast %scan3A_34 : i32 to index
      %swap3A_50 = arith.constant 32 : index
      %swap3A_51 = tpu.vector_load %arg9[%swap3A_49, %swap3A_50] {strides = array<i32>} : memref<128x128xf32, #tpu.memory_space<vmem>>, vector<1x16xf32>,
      %swap3A_52 = vector.shape_cast %swap3A_51 : vector<1x16xf32> to vector<16xf32>
      %swap3A_53 = vector.shape_cast %broadcast_in_dim3A_48 : vector<16xf32> to vector<1x16xf32>
      tpu.vector_store %arg9[%swap3A_49, %swap3A_50], %swap3A_53 {strides = array<i32>} : memref<128x128xf32, #tpu.memory_space<vmem>>, vector<1x16xf32>,
      %broadcast_in_dim3A_54 = arith.constant 0.000000e+00 : f32
      %broadcast_in_dim3A_55 = vector.broadcast %broadcast_in_dim3A_54 : f32 to vector<16xf32>
      %swap3A_56 = arith.index_cast %scan3A_34 : i32 to index
      %swap3A_57 = arith.constant 48 : index
      %swap3A_58 = tpu.vector_load %arg9[%swap3A_56, %swap3A_57] {strides = array<i32>} : memref<128x128xf32, #tpu.memory_space<vmem>>, vector<1x16xf32>,
      %swap3A_59 = vector.shape_cast %swap3A_58 : vector<1x16xf32> to vector<16xf32>
      %swap3A_60 = vector.shape_cast %broadcast_in_dim3A_55 : vector<16xf32> to vector<1x16xf32>
      tpu.vector_store %arg9[%swap3A_56, %swap3A_57], %swap3A_60 {strides = array<i32>} : memref<128x128xf32, #tpu.memory_space<vmem>>, vector<1x16xf32>,
      %broadcast_in_dim3A_61 = arith.constant 0.000000e+00 : f32
      %broadcast_in_dim3A_62 = vector.broadcast %broadcast_in_dim3A_61 : f32 to vector<16xf32>
      %swap3A_63 = arith.index_cast %scan3A_34 : i32 to index
      %swap3A_64 = arith.constant 64 : index
      %swap3A_65 = tpu.vector_load %arg9[%swap3A_63, %swap3A_64] {strides = array<i32>} : memref<128x128xf32, #tpu.memory_space<vmem>>, vector<1x16xf32>,
      %swap3A_66 = vector.shape_cast %swap3A_65 : vector<1x16xf32> to vector<16xf32>
      %swap3A_67 = vector.shape_cast %broadcast_in_dim3A_62 : vector<16xf32> to vector<1x16xf32>
      tpu.vector_store %arg9[%swap3A_63, %swap3A_64], %swap3A_67 {strides = array<i32>} : memref<128x128xf32, #tpu.memory_space<vmem>>, vector<1x16xf32>,
      %broadcast_in_dim3A_68 = arith.constant 0.000000e+00 : f32
      %broadcast_in_dim3A_69 = vector.broadcast %broadcast_in_dim3A_68 : f32 to vector<16xf32>
      %swap3A_70 = arith.index_cast %scan3A_34 : i32 to index
      %swap3A_71 = arith.constant 80 : index
      %swap3A_72 = tpu.vector_load %arg9[%swap3A_70, %swap3A_71] {strides = array<i32>} : memref<128x128xf32, #tpu.memory_space<vmem>>, vector<1x16xf32>,
      %swap3A_73 = vector.shape_cast %swap3A_72 : vector<1x16xf32> to vector<16xf32>
      %swap3A_74 = vector.shape_cast %broadcast_in_dim3A_69 : vector<16xf32> to vector<1x16xf32>
      tpu.vector_store %arg9[%swap3A_70, %swap3A_71], %swap3A_74 {strides = array<i32>} : memref<128x128xf32, #tpu.memory_space<vmem>>, vector<1x16xf32>,
      %broadcast_in_dim3A_75 = arith.constant 0.000000e+00 : f32
      %broadcast_in_dim3A_76 = vector.broadcast %broadcast_in_dim3A_75 : f32 to vector<16xf32>
      %swap3A_77 = arith.index_cast %scan3A_34 : i32 to index
      %swap3A_78 = arith.constant 96 : index
      %swap3A_79 = tpu.vector_load %arg9[%swap3A_77, %swap3A_78] {strides = array<i32>} : memref<128x128xf32, #tpu.memory_space<vmem>>, vector<1x16xf32>,
      %swap3A_80 = vector.shape_cast %swap3A_79 : vector<1x16xf32> to vector<16xf32>
      %swap3A_81 = vector.shape_cast %broadcast_in_dim3A_76 : vector<16xf32> to vector<1x16xf32>
      tpu.vector_store %arg9[%swap3A_77, %swap3A_78], %swap3A_81 {strides = array<i32>} : memref<128x128xf32, #tpu.memory_space<vmem>>, vector<1x16xf32>,
      %broadcast_in_dim3A_82 = arith.constant 0.000000e+00 : f32
      %broadcast_in_dim3A_83 = vector.broadcast %broadcast_in_dim3A_82 : f32 to vector<16xf32>
      %swap3A_84 = arith.index_cast %scan3A_34 : i32 to index
      %swap3A_85 = arith.constant 112 : index
      %swap3A_86 = tpu.vector_load %arg9[%swap3A_84, %swap3A_85] {strides = array<i32>} : memref<128x128xf32, #tpu.memory_space<vmem>>, vector<1x16xf32>,
      %swap3A_87 = vector.shape_cast %swap3A_86 : vector<1x16xf32> to vector<16xf32>
      %swap3A_88 = vector.shape_cast %broadcast_in_dim3A_83 : vector<16xf32> to vector<1x16xf32>
      tpu.vector_store %arg9[%swap3A_84, %swap3A_85], %swap3A_88 {strides = array<i32>} : memref<128x128xf32, #tpu.memory_space<vmem>>, vector<1x16xf32>,
    }
    %scan3A_5 = arith.constant 128 : i32
    %mul3A_6 = arith.constant 640 : i32
    %mul3A_7 = arith.muli %arg1, %mul3A_6 : i32
    %add3A_8 = arith.constant 0 : i32
    %add3A_9 = arith.addi %mul3A_7, %add3A_8 : i32
    "tpu.region"() ({
      %run_scoped3A = tpu.sem_alloc : memref<!tpu.dma_semaphore, #tpu.memory_space<semaphore_mem>>
      %dma_start3A = arith.constant 0 : i32
      %dma_start3A_34 = tpu.memref_slice %arg10[%add3A_9, %dma_start3A] : memref<10240x128xf32, #tpu.memory_space<vmem_shared>> -> memref<128x128xf32, #tpu.memory_space<vmem_shared>>
      %dma_start3A_35 = arith.constant 0 : i32
      %dma_start3A_36 = tpu.memref_slice %arg10[%add3A_9, %dma_start3A_35] : memref<10240x128xf32, #tpu.memory_space<vmem_shared>> -> memref<128x128xf32, #tpu.memory_space<vmem_shared>>
      tpu.enqueue_dma source(%arg9 : memref<128x128xf32, #tpu.memory_space<vmem>>) target(%dma_start3A_36 : memref<128x128xf32, #tpu.memory_space<vmem_shared>>) target_semaphore(%run_scoped3A : memref<!tpu.dma_semaphore, #tpu.memory_space<semaphore_mem>>)
      %dma_wait3A = arith.constant 0 : i32
      %dma_wait3A_37 = tpu.memref_slice %arg10[%add3A_9, %dma_wait3A] : memref<10240x128xf32, #tpu.memory_space<vmem_shared>> -> memref<128x128xf32, #tpu.memory_space<vmem_shared>>
      %dma_wait3A_38 = arith.constant 0 : i32
      %dma_wait3A_39 = tpu.memref_slice %arg10[%add3A_9, %dma_wait3A_38] : memref<10240x128xf32, #tpu.memory_space<vmem_shared>> -> memref<128x128xf32, #tpu.memory_space<vmem_shared>>
      tpu.wait_dma2 semaphore(%run_scoped3A : memref<!tpu.dma_semaphore, #tpu.memory_space<semaphore_mem>>) src(%arg9 : memref<128x128xf32, #tpu.memory_space<vmem>>) dst(%dma_wait3A_39 : memref<128x128xf32, #tpu.memory_space<vmem_shared>>)
      tpu.yield
    }) : () -> ()
    %add3A_10 = arith.constant 128 : i32
    %add3A_11 = arith.addi %mul3A_7, %add3A_10 : i32
    "tpu.region"() ({
      %run_scoped3A = tpu.sem_alloc : memref<!tpu.dma_semaphore, #tpu.memory_space<semaphore_mem>>
      %dma_start3A = arith.constant 0 : i32
      %dma_start3A_34 = tpu.memref_slice %arg10[%add3A_11, %dma_start3A] : memref<10240x128xf32, #tpu.memory_space<vmem_shared>> -> memref<128x128xf32, #tpu.memory_space<vmem_shared>>
      %dma_start3A_35 = arith.constant 0 : i32
      %dma_start3A_36 = tpu.memref_slice %arg10[%add3A_11, %dma_start3A_35] : memref<10240x128xf32, #tpu.memory_space<vmem_shared>> -> memref<128x128xf32, #tpu.memory_space<vmem_shared>>
      tpu.enqueue_dma source(%arg9 : memref<128x128xf32, #tpu.memory_space<vmem>>) target(%dma_start3A_36 : memref<128x128xf32, #tpu.memory_space<vmem_shared>>) target_semaphore(%run_scoped3A : memref<!tpu.dma_semaphore, #tpu.memory_space<semaphore_mem>>)
      %dma_wait3A = arith.constant 0 : i32
      %dma_wait3A_37 = tpu.memref_slice %arg10[%add3A_11, %dma_wait3A] : memref<10240x128xf32, #tpu.memory_space<vmem_shared>> -> memref<128x128xf32, #tpu.memory_space<vmem_shared>>
      %dma_wait3A_38 = arith.constant 0 : i32
      %dma_wait3A_39 = tpu.memref_slice %arg10[%add3A_11, %dma_wait3A_38] : memref<10240x128xf32, #tpu.memory_space<vmem_shared>> -> memref<128x128xf32, #tpu.memory_space<vmem_shared>>
      tpu.wait_dma2 semaphore(%run_scoped3A : memref<!tpu.dma_semaphore, #tpu.memory_space<semaphore_mem>>) src(%arg9 : memref<128x128xf32, #tpu.memory_space<vmem>>) dst(%dma_wait3A_39 : memref<128x128xf32, #tpu.memory_space<vmem_shared>>)
      tpu.yield
    }) : () -> ()
    %add3A_12 = arith.constant 256 : i32
    %add3A_13 = arith.addi %mul3A_7, %add3A_12 : i32
    "tpu.region"() ({
      %run_scoped3A = tpu.sem_alloc : memref<!tpu.dma_semaphore, #tpu.memory_space<semaphore_mem>>
      %dma_start3A = arith.constant 0 : i32
      %dma_start3A_34 = tpu.memref_slice %arg10[%add3A_13, %dma_start3A] : memref<10240x128xf32, #tpu.memory_space<vmem_shared>> -> memref<128x128xf32, #tpu.memory_space<vmem_shared>>
      %dma_start3A_35 = arith.constant 0 : i32
      %dma_start3A_36 = tpu.memref_slice %arg10[%add3A_13, %dma_start3A_35] : memref<10240x128xf32, #tpu.memory_space<vmem_shared>> -> memref<128x128xf32, #tpu.memory_space<vmem_shared>>
      tpu.enqueue_dma source(%arg9 : memref<128x128xf32, #tpu.memory_space<vmem>>) target(%dma_start3A_36 : memref<128x128xf32, #tpu.memory_space<vmem_shared>>) target_semaphore(%run_scoped3A : memref<!tpu.dma_semaphore, #tpu.memory_space<semaphore_mem>>)
      %dma_wait3A = arith.constant 0 : i32
      %dma_wait3A_37 = tpu.memref_slice %arg10[%add3A_13, %dma_wait3A] : memref<10240x128xf32, #tpu.memory_space<vmem_shared>> -> memref<128x128xf32, #tpu.memory_space<vmem_shared>>
      %dma_wait3A_38 = arith.constant 0 : i32
      %dma_wait3A_39 = tpu.memref_slice %arg10[%add3A_13, %dma_wait3A_38] : memref<10240x128xf32, #tpu.memory_space<vmem_shared>> -> memref<128x128xf32, #tpu.memory_space<vmem_shared>>
      tpu.wait_dma2 semaphore(%run_scoped3A : memref<!tpu.dma_semaphore, #tpu.memory_space<semaphore_mem>>) src(%arg9 : memref<128x128xf32, #tpu.memory_space<vmem>>) dst(%dma_wait3A_39 : memref<128x128xf32, #tpu.memory_space<vmem_shared>>)
      tpu.yield
    }) : () -> ()
    %add3A_14 = arith.constant 384 : i32
    %add3A_15 = arith.addi %mul3A_7, %add3A_14 : i32
    "tpu.region"() ({
      %run_scoped3A = tpu.sem_alloc : memref<!tpu.dma_semaphore, #tpu.memory_space<semaphore_mem>>
      %dma_start3A = arith.constant 0 : i32
      %dma_start3A_34 = tpu.memref_slice %arg10[%add3A_15, %dma_start3A] : memref<10240x128xf32, #tpu.memory_space<vmem_shared>> -> memref<128x128xf32, #tpu.memory_space<vmem_shared>>
      %dma_start3A_35 = arith.constant 0 : i32
      %dma_start3A_36 = tpu.memref_slice %arg10[%add3A_15, %dma_start3A_35] : memref<10240x128xf32, #tpu.memory_space<vmem_shared>> -> memref<128x128xf32, #tpu.memory_space<vmem_shared>>
      tpu.enqueue_dma source(%arg9 : memref<128x128xf32, #tpu.memory_space<vmem>>) target(%dma_start3A_36 : memref<128x128xf32, #tpu.memory_space<vmem_shared>>) target_semaphore(%run_scoped3A : memref<!tpu.dma_semaphore, #tpu.memory_space<semaphore_mem>>)
      %dma_wait3A = arith.constant 0 : i32
      %dma_wait3A_37 = tpu.memref_slice %arg10[%add3A_15, %dma_wait3A] : memref<10240x128xf32, #tpu.memory_space<vmem_shared>> -> memref<128x128xf32, #tpu.memory_space<vmem_shared>>
      %dma_wait3A_38 = arith.constant 0 : i32
      %dma_wait3A_39 = tpu.memref_slice %arg10[%add3A_15, %dma_wait3A_38] : memref<10240x128xf32, #tpu.memory_space<vmem_shared>> -> memref<128x128xf32, #tpu.memory_space<vmem_shared>>
      tpu.wait_dma2 semaphore(%run_scoped3A : memref<!tpu.dma_semaphore, #tpu.memory_space<semaphore_mem>>) src(%arg9 : memref<128x128xf32, #tpu.memory_space<vmem>>) dst(%dma_wait3A_39 : memref<128x128xf32, #tpu.memory_space<vmem_shared>>)
      tpu.yield
    }) : () -> ()
    %add3A_16 = arith.constant 512 : i32
    %add3A_17 = arith.addi %mul3A_7, %add3A_16 : i32
    "tpu.region"() ({
      %run_scoped3A = tpu.sem_alloc : memref<!tpu.dma_semaphore, #tpu.memory_space<semaphore_mem>>
      %dma_start3A = arith.constant 0 : i32
      %dma_start3A_34 = tpu.memref_slice %arg10[%add3A_17, %dma_start3A] : memref<10240x128xf32, #tpu.memory_space<vmem_shared>> -> memref<128x128xf32, #tpu.memory_space<vmem_shared>>
      %dma_start3A_35 = arith.constant 0 : i32
      %dma_start3A_36 = tpu.memref_slice %arg10[%add3A_17, %dma_start3A_35] : memref<10240x128xf32, #tpu.memory_space<vmem_shared>> -> memref<128x128xf32, #tpu.memory_space<vmem_shared>>
      tpu.enqueue_dma source(%arg9 : memref<128x128xf32, #tpu.memory_space<vmem>>) target(%dma_start3A_36 : memref<128x128xf32, #tpu.memory_space<vmem_shared>>) target_semaphore(%run_scoped3A : memref<!tpu.dma_semaphore, #tpu.memory_space<semaphore_mem>>)
      %dma_wait3A = arith.constant 0 : i32
      %dma_wait3A_37 = tpu.memref_slice %arg10[%add3A_17, %dma_wait3A] : memref<10240x128xf32, #tpu.memory_space<vmem_shared>> -> memref<128x128xf32, #tpu.memory_space<vmem_shared>>
      %dma_wait3A_38 = arith.constant 0 : i32
      %dma_wait3A_39 = tpu.memref_slice %arg10[%add3A_17, %dma_wait3A_38] : memref<10240x128xf32, #tpu.memory_space<vmem_shared>> -> memref<128x128xf32, #tpu.memory_space<vmem_shared>>
      tpu.wait_dma2 semaphore(%run_scoped3A : memref<!tpu.dma_semaphore, #tpu.memory_space<semaphore_mem>>) src(%arg9 : memref<128x128xf32, #tpu.memory_space<vmem>>) dst(%dma_wait3A_39 : memref<128x128xf32, #tpu.memory_space<vmem_shared>>)
      tpu.yield
    }) : () -> ()
    %barrier3A = arith.constant 0 : index
    tpu.barrier barrier_id(%barrier3A)
    %scan3A_18 = arith.constant 0 : i32
    %scan3A_19 = arith.constant 0 : i32
    %scan3A_20 = arith.constant 10 : i32
    %scan3A_21 = arith.addi %scan3A_19, %scan3A_20 : i32
    %scan3A_22 = arith.constant 1 : i32
    scf.for %scan3A_34 = %scan3A_19 to %scan3A_21 step %scan3A_22  : i32 {
      %mul3A_35 = arith.constant 8 : i32
      %mul3A_36 = arith.muli %scan3A_34, %mul3A_35 : i32
      "tpu.region"() ({
        %run_scoped3A_54 = tpu.sem_alloc : memref<!tpu.dma_semaphore, #tpu.memory_space<semaphore_mem>>
        %dma_start3A = arith.constant 0 : i32
        %dma_start3A_55 = tpu.memref_slice %arg3[%add3A, %mul3A_36, %dma_start3A] : memref<32x80x128xi32, #tpu.memory_space<hbm>> -> memref<1x8x128xi32, #tpu.memory_space<hbm>>
        %dma_start3A_56 = tpu.memref_squeeze %dma_start3A_55 : memref<1x8x128xi32, #tpu.memory_space<hbm>> -> memref<8x128xi32, #tpu.memory_space<hbm>>
        %dma_start3A_57 = arith.constant 0 : i32
        %dma_start3A_58 = tpu.memref_slice %arg3[%add3A, %mul3A_36, %dma_start3A_57] : memref<32x80x128xi32, #tpu.memory_space<hbm>> -> memref<1x8x128xi32, #tpu.memory_space<hbm>>
        %dma_start3A_59 = tpu.memref_squeeze %dma_start3A_58 : memref<1x8x128xi32, #tpu.memory_space<hbm>> -> memref<8x128xi32, #tpu.memory_space<hbm>>
        tpu.enqueue_dma source(%dma_start3A_59 : memref<8x128xi32, #tpu.memory_space<hbm>>) target(%arg7 : memref<8x128xi32, #tpu.memory_space<vmem>>) target_semaphore(%run_scoped3A_54 : memref<!tpu.dma_semaphore, #tpu.memory_space<semaphore_mem>>)
        %dma_wait3A = arith.constant 0 : i32
        %dma_wait3A_60 = tpu.memref_slice %arg3[%add3A, %mul3A_36, %dma_wait3A] : memref<32x80x128xi32, #tpu.memory_space<hbm>> -> memref<1x8x128xi32, #tpu.memory_space<hbm>>
        %dma_wait3A_61 = tpu.memref_squeeze %dma_wait3A_60 : memref<1x8x128xi32, #tpu.memory_space<hbm>> -> memref<8x128xi32, #tpu.memory_space<hbm>>
        %dma_wait3A_62 = arith.constant 0 : i32
        %dma_wait3A_63 = tpu.memref_slice %arg3[%add3A, %mul3A_36, %dma_wait3A_62] : memref<32x80x128xi32, #tpu.memory_space<hbm>> -> memref<1x8x128xi32, #tpu.memory_space<hbm>>
        %dma_wait3A_64 = tpu.memref_squeeze %dma_wait3A_63 : memref<1x8x128xi32, #tpu.memory_space<hbm>> -> memref<8x128xi32, #tpu.memory_space<hbm>>
        tpu.wait_dma2 semaphore(%run_scoped3A_54 : memref<!tpu.dma_semaphore, #tpu.memory_space<semaphore_mem>>) src(%dma_wait3A_64 : memref<8x128xi32, #tpu.memory_space<hbm>>) dst(%arg7 : memref<8x128xi32, #tpu.memory_space<vmem>>)
        tpu.yield
      }) : () -> ()
      %mul3A_37 = arith.constant 8 : i32
      %mul3A_38 = arith.muli %scan3A_34, %mul3A_37 : i32
      "tpu.region"() ({
        %run_scoped3A_54 = tpu.sem_alloc : memref<!tpu.dma_semaphore, #tpu.memory_space<semaphore_mem>>
        %dma_start3A = arith.constant 0 : i32
        %dma_start3A_55 = tpu.memref_slice %arg4[%add3A, %mul3A_38, %dma_start3A] : memref<32x80x128xi32, #tpu.memory_space<hbm>> -> memref<1x8x128xi32, #tpu.memory_space<hbm>>
        %dma_start3A_56 = tpu.memref_squeeze %dma_start3A_55 : memref<1x8x128xi32, #tpu.memory_space<hbm>> -> memref<8x128xi32, #tpu.memory_space<hbm>>
        %dma_start3A_57 = arith.constant 0 : i32
        %dma_start3A_58 = tpu.memref_slice %arg4[%add3A, %mul3A_38, %dma_start3A_57] : memref<32x80x128xi32, #tpu.memory_space<hbm>> -> memref<1x8x128xi32, #tpu.memory_space<hbm>>
        %dma_start3A_59 = tpu.memref_squeeze %dma_start3A_58 : memref<1x8x128xi32, #tpu.memory_space<hbm>> -> memref<8x128xi32, #tpu.memory_space<hbm>>
        tpu.enqueue_dma source(%dma_start3A_59 : memref<8x128xi32, #tpu.memory_space<hbm>>) target(%arg8 : memref<8x128xi32, #tpu.memory_space<vmem>>) target_semaphore(%run_scoped3A_54 : memref<!tpu.dma_semaphore, #tpu.memory_space<semaphore_mem>>)
        %dma_wait3A = arith.constant 0 : i32
        %dma_wait3A_60 = tpu.memref_slice %arg4[%add3A, %mul3A_38, %dma_wait3A] : memref<32x80x128xi32, #tpu.memory_space<hbm>> -> memref<1x8x128xi32, #tpu.memory_space<hbm>>
        %dma_wait3A_61 = tpu.memref_squeeze %dma_wait3A_60 : memref<1x8x128xi32, #tpu.memory_space<hbm>> -> memref<8x128xi32, #tpu.memory_space<hbm>>
        %dma_wait3A_62 = arith.constant 0 : i32
        %dma_wait3A_63 = tpu.memref_slice %arg4[%add3A, %mul3A_38, %dma_wait3A_62] : memref<32x80x128xi32, #tpu.memory_space<hbm>> -> memref<1x8x128xi32, #tpu.memory_space<hbm>>
        %dma_wait3A_64 = tpu.memref_squeeze %dma_wait3A_63 : memref<1x8x128xi32, #tpu.memory_space<hbm>> -> memref<8x128xi32, #tpu.memory_space<hbm>>
        tpu.wait_dma2 semaphore(%run_scoped3A_54 : memref<!tpu.dma_semaphore, #tpu.memory_space<semaphore_mem>>) src(%dma_wait3A_64 : memref<8x128xi32, #tpu.memory_space<hbm>>) dst(%arg8 : memref<8x128xi32, #tpu.memory_space<vmem>>)
        tpu.yield
      }) : () -> ()
      %run_scoped3A = arith.constant 0 : i32
      "tpu.region"() ({
        %run_scoped3A_54 = tpu.sem_alloc : memref<!tpu.dma_semaphore, #tpu.memory_space<semaphore_mem>>
        %dma_start3A = arith.constant 0 : i32
        %dma_start3A_55 = tpu.memref_slice %arg7[%run_scoped3A, %dma_start3A] : memref<8x128xi32, #tpu.memory_space<vmem>> -> memref<1x128xi32, #tpu.memory_space<vmem>>
        %dma_start3A_56 = tpu.memref_squeeze %dma_start3A_55 : memref<1x128xi32, #tpu.memory_space<vmem>> -> memref<128xi32, #tpu.memory_space<vmem>>
        %dma_start3A_57 = arith.constant 0 : i32
        %dma_start3A_58 = arith.constant 0 : i32
        %dma_start3A_59 = tpu.memref_slice %arg2[%dma_start3A_57, %dma_start3A_58] : memref<10000x128xf32, #tpu.memory_space<hbm>> -> memref<10000x128xf32, #tpu.memory_space<hbm>>
        tpu.enqueue_indirect_dma source(%dma_start3A_59 : memref<10000x128xf32, #tpu.memory_space<hbm>>) target(%arg9 : memref<128x128xf32, #tpu.memory_space<vmem>>) offsets(%dma_start3A_56 : memref<128xi32, #tpu.memory_space<vmem>>) semaphore(%run_scoped3A_54 : memref<!tpu.dma_semaphore, #tpu.memory_space<semaphore_mem>>)
        %dma_wait3A = arith.constant 0 : i32
        %dma_wait3A_60 = tpu.memref_slice %arg7[%run_scoped3A, %dma_wait3A] : memref<8x128xi32, #tpu.memory_space<vmem>> -> memref<1x128xi32, #tpu.memory_space<vmem>>
        %dma_wait3A_61 = tpu.memref_squeeze %dma_wait3A_60 : memref<1x128xi32, #tpu.memory_space<vmem>> -> memref<128xi32, #tpu.memory_space<vmem>>
        %dma_wait3A_62 = arith.constant 0 : i32
        %dma_wait3A_63 = arith.constant 0 : i32
        %dma_wait3A_64 = tpu.memref_slice %arg2[%dma_wait3A_62, %dma_wait3A_63] : memref<10000x128xf32, #tpu.memory_space<hbm>> -> memref<10000x128xf32, #tpu.memory_space<hbm>>
        tpu.wait_indirect_dma semaphore(%run_scoped3A_54 : memref<!tpu.dma_semaphore, #tpu.memory_space<semaphore_mem>>) src(%dma_wait3A_64 : memref<10000x128xf32, #tpu.memory_space<hbm>>) dst(%arg9 : memref<128x128xf32, #tpu.memory_space<vmem>>)
        tpu.yield
      }) : () -> ()
      %run_scoped3A_39 = arith.constant 0 : i32
      "tpu.region"() ({
        %run_scoped3A_54 = tpu.sem_alloc : memref<!tpu.dma_semaphore, #tpu.memory_space<semaphore_mem>>
        %dma_start3A = arith.constant 0 : i32
        %dma_start3A_55 = tpu.memref_slice %arg8[%run_scoped3A_39, %dma_start3A] : memref<8x128xi32, #tpu.memory_space<vmem>> -> memref<1x128xi32, #tpu.memory_space<vmem>>
        %dma_start3A_56 = tpu.memref_squeeze %dma_start3A_55 : memref<1x128xi32, #tpu.memory_space<vmem>> -> memref<128xi32, #tpu.memory_space<vmem>>
        %dma_start3A_57 = arith.constant 0 : i32
        %dma_start3A_58 = arith.constant 0 : i32
        %dma_start3A_59 = tpu.memref_slice %arg10[%dma_start3A_57, %dma_start3A_58] : memref<10240x128xf32, #tpu.memory_space<vmem_shared>> -> memref<10240x128xf32, #tpu.memory_space<vmem_shared>>
        tpu.enqueue_indirect_dma source(%arg9 : memref<128x128xf32, #tpu.memory_space<vmem>>) target(%dma_start3A_59 : memref<10240x128xf32, #tpu.memory_space<vmem_shared>>) offsets(%dma_start3A_56 : memref<128xi32, #tpu.memory_space<vmem>>) semaphore(%run_scoped3A_54 : memref<!tpu.dma_semaphore, #tpu.memory_space<semaphore_mem>>) {add = true}
        %dma_wait3A = arith.constant 0 : i32
        %dma_wait3A_60 = tpu.memref_slice %arg8[%run_scoped3A_39, %dma_wait3A] : memref<8x128xi32, #tpu.memory_space<vmem>> -> memref<1x128xi32, #tpu.memory_space<vmem>>
        %dma_wait3A_61 = tpu.memref_squeeze %dma_wait3A_60 : memref<1x128xi32, #tpu.memory_space<vmem>> -> memref<128xi32, #tpu.memory_space<vmem>>
        %dma_wait3A_62 = arith.constant 0 : i32
        %dma_wait3A_63 = arith.constant 0 : i32
        %dma_wait3A_64 = tpu.memref_slice %arg10[%dma_wait3A_62, %dma_wait3A_63] : memref<10240x128xf32, #tpu.memory_space<vmem_shared>> -> memref<10240x128xf32, #tpu.memory_space<vmem_shared>>
        tpu.wait_indirect_dma semaphore(%run_scoped3A_54 : memref<!tpu.dma_semaphore, #tpu.memory_space<semaphore_mem>>) src(%arg9 : memref<128x128xf32, #tpu.memory_space<vmem>>) dst(%dma_wait3A_64 : memref<10240x128xf32, #tpu.memory_space<vmem_shared>>)
        tpu.yield
      }) : () -> ()
      %run_scoped3A_40 = arith.constant 1 : i32
      "tpu.region"() ({
        %run_scoped3A_54 = tpu.sem_alloc : memref<!tpu.dma_semaphore, #tpu.memory_space<semaphore_mem>>
        %dma_start3A = arith.constant 0 : i32
        %dma_start3A_55 = tpu.memref_slice %arg7[%run_scoped3A_40, %dma_start3A] : memref<8x128xi32, #tpu.memory_space<vmem>> -> memref<1x128xi32, #tpu.memory_space<vmem>>
        %dma_start3A_56 = tpu.memref_squeeze %dma_start3A_55 : memref<1x128xi32, #tpu.memory_space<vmem>> -> memref<128xi32, #tpu.memory_space<vmem>>
        %dma_start3A_57 = arith.constant 0 : i32
        %dma_start3A_58 = arith.constant 0 : i32
        %dma_start3A_59 = tpu.memref_slice %arg2[%dma_start3A_57, %dma_start3A_58] : memref<10000x128xf32, #tpu.memory_space<hbm>> -> memref<10000x128xf32, #tpu.memory_space<hbm>>
        tpu.enqueue_indirect_dma source(%dma_start3A_59 : memref<10000x128xf32, #tpu.memory_space<hbm>>) target(%arg9 : memref<128x128xf32, #tpu.memory_space<vmem>>) offsets(%dma_start3A_56 : memref<128xi32, #tpu.memory_space<vmem>>) semaphore(%run_scoped3A_54 : memref<!tpu.dma_semaphore, #tpu.memory_space<semaphore_mem>>)
        %dma_wait3A = arith.constant 0 : i32
        %dma_wait3A_60 = tpu.memref_slice %arg7[%run_scoped3A_40, %dma_wait3A] : memref<8x128xi32, #tpu.memory_space<vmem>> -> memref<1x128xi32, #tpu.memory_space<vmem>>
        %dma_wait3A_61 = tpu.memref_squeeze %dma_wait3A_60 : memref<1x128xi32, #tpu.memory_space<vmem>> -> memref<128xi32, #tpu.memory_space<vmem>>
        %dma_wait3A_62 = arith.constant 0 : i32
        %dma_wait3A_63 = arith.constant 0 : i32
        %dma_wait3A_64 = tpu.memref_slice %arg2[%dma_wait3A_62, %dma_wait3A_63] : memref<10000x128xf32, #tpu.memory_space<hbm>> -> memref<10000x128xf32, #tpu.memory_space<hbm>>
        tpu.wait_indirect_dma semaphore(%run_scoped3A_54 : memref<!tpu.dma_semaphore, #tpu.memory_space<semaphore_mem>>) src(%dma_wait3A_64 : memref<10000x128xf32, #tpu.memory_space<hbm>>) dst(%arg9 : memref<128x128xf32, #tpu.memory_space<vmem>>)
        tpu.yield
      }) : () -> ()
      %run_scoped3A_41 = arith.constant 1 : i32
      "tpu.region"() ({
        %run_scoped3A_54 = tpu.sem_alloc : memref<!tpu.dma_semaphore, #tpu.memory_space<semaphore_mem>>
        %dma_start3A = arith.constant 0 : i32
        %dma_start3A_55 = tpu.memref_slice %arg8[%run_scoped3A_41, %dma_start3A] : memref<8x128xi32, #tpu.memory_space<vmem>> -> memref<1x128xi32, #tpu.memory_space<vmem>>
        %dma_start3A_56 = tpu.memref_squeeze %dma_start3A_55 : memref<1x128xi32, #tpu.memory_space<vmem>> -> memref<128xi32, #tpu.memory_space<vmem>>
        %dma_start3A_57 = arith.constant 0 : i32
        %dma_start3A_58 = arith.constant 0 : i32
        %dma_start3A_59 = tpu.memref_slice %arg10[%dma_start3A_57, %dma_start3A_58] : memref<10240x128xf32, #tpu.memory_space<vmem_shared>> -> memref<10240x128xf32, #tpu.memory_space<vmem_shared>>
        tpu.enqueue_indirect_dma source(%arg9 : memref<128x128xf32, #tpu.memory_space<vmem>>) target(%dma_start3A_59 : memref<10240x128xf32, #tpu.memory_space<vmem_shared>>) offsets(%dma_start3A_56 : memref<128xi32, #tpu.memory_space<vmem>>) semaphore(%run_scoped3A_54 : memref<!tpu.dma_semaphore, #tpu.memory_space<semaphore_mem>>) {add = true}
        %dma_wait3A = arith.constant 0 : i32
        %dma_wait3A_60 = tpu.memref_slice %arg8[%run_scoped3A_41, %dma_wait3A] : memref<8x128xi32, #tpu.memory_space<vmem>> -> memref<1x128xi32, #tpu.memory_space<vmem>>
        %dma_wait3A_61 = tpu.memref_squeeze %dma_wait3A_60 : memref<1x128xi32, #tpu.memory_space<vmem>> -> memref<128xi32, #tpu.memory_space<vmem>>
        %dma_wait3A_62 = arith.constant 0 : i32
        %dma_wait3A_63 = arith.constant 0 : i32
        %dma_wait3A_64 = tpu.memref_slice %arg10[%dma_wait3A_62, %dma_wait3A_63] : memref<10240x128xf32, #tpu.memory_space<vmem_shared>> -> memref<10240x128xf32, #tpu.memory_space<vmem_shared>>
        tpu.wait_indirect_dma semaphore(%run_scoped3A_54 : memref<!tpu.dma_semaphore, #tpu.memory_space<semaphore_mem>>) src(%arg9 : memref<128x128xf32, #tpu.memory_space<vmem>>) dst(%dma_wait3A_64 : memref<10240x128xf32, #tpu.memory_space<vmem_shared>>)
        tpu.yield
      }) : () -> ()
      %run_scoped3A_42 = arith.constant 2 : i32
      "tpu.region"() ({
        %run_scoped3A_54 = tpu.sem_alloc : memref<!tpu.dma_semaphore, #tpu.memory_space<semaphore_mem>>
        %dma_start3A = arith.constant 0 : i32
        %dma_start3A_55 = tpu.memref_slice %arg7[%run_scoped3A_42, %dma_start3A] : memref<8x128xi32, #tpu.memory_space<vmem>> -> memref<1x128xi32, #tpu.memory_space<vmem>>
        %dma_start3A_56 = tpu.memref_squeeze %dma_start3A_55 : memref<1x128xi32, #tpu.memory_space<vmem>> -> memref<128xi32, #tpu.memory_space<vmem>>
        %dma_start3A_57 = arith.constant 0 : i32
        %dma_start3A_58 = arith.constant 0 : i32
        %dma_start3A_59 = tpu.memref_slice %arg2[%dma_start3A_57, %dma_start3A_58] : memref<10000x128xf32, #tpu.memory_space<hbm>> -> memref<10000x128xf32, #tpu.memory_space<hbm>>
        tpu.enqueue_indirect_dma source(%dma_start3A_59 : memref<10000x128xf32, #tpu.memory_space<hbm>>) target(%arg9 : memref<128x128xf32, #tpu.memory_space<vmem>>) offsets(%dma_start3A_56 : memref<128xi32, #tpu.memory_space<vmem>>) semaphore(%run_scoped3A_54 : memref<!tpu.dma_semaphore, #tpu.memory_space<semaphore_mem>>)
        %dma_wait3A = arith.constant 0 : i32
        %dma_wait3A_60 = tpu.memref_slice %arg7[%run_scoped3A_42, %dma_wait3A] : memref<8x128xi32, #tpu.memory_space<vmem>> -> memref<1x128xi32, #tpu.memory_space<vmem>>
        %dma_wait3A_61 = tpu.memref_squeeze %dma_wait3A_60 : memref<1x128xi32, #tpu.memory_space<vmem>> -> memref<128xi32, #tpu.memory_space<vmem>>
        %dma_wait3A_62 = arith.constant 0 : i32
        %dma_wait3A_63 = arith.constant 0 : i32
        %dma_wait3A_64 = tpu.memref_slice %arg2[%dma_wait3A_62, %dma_wait3A_63] : memref<10000x128xf32, #tpu.memory_space<hbm>> -> memref<10000x128xf32, #tpu.memory_space<hbm>>
        tpu.wait_indirect_dma semaphore(%run_scoped3A_54 : memref<!tpu.dma_semaphore, #tpu.memory_space<semaphore_mem>>) src(%dma_wait3A_64 : memref<10000x128xf32, #tpu.memory_space<hbm>>) dst(%arg9 : memref<128x128xf32, #tpu.memory_space<vmem>>)
        tpu.yield
      }) : () -> ()
      %run_scoped3A_43 = arith.constant 2 : i32
      "tpu.region"() ({
        %run_scoped3A_54 = tpu.sem_alloc : memref<!tpu.dma_semaphore, #tpu.memory_space<semaphore_mem>>
        %dma_start3A = arith.constant 0 : i32
        %dma_start3A_55 = tpu.memref_slice %arg8[%run_scoped3A_43, %dma_start3A] : memref<8x128xi32, #tpu.memory_space<vmem>> -> memref<1x128xi32, #tpu.memory_space<vmem>>
        %dma_start3A_56 = tpu.memref_squeeze %dma_start3A_55 : memref<1x128xi32, #tpu.memory_space<vmem>> -> memref<128xi32, #tpu.memory_space<vmem>>
        %dma_start3A_57 = arith.constant 0 : i32
        %dma_start3A_58 = arith.constant 0 : i32
        %dma_start3A_59 = tpu.memref_slice %arg10[%dma_start3A_57, %dma_start3A_58] : memref<10240x128xf32, #tpu.memory_space<vmem_shared>> -> memref<10240x128xf32, #tpu.memory_space<vmem_shared>>
        tpu.enqueue_indirect_dma source(%arg9 : memref<128x128xf32, #tpu.memory_space<vmem>>) target(%dma_start3A_59 : memref<10240x128xf32, #tpu.memory_space<vmem_shared>>) offsets(%dma_start3A_56 : memref<128xi32, #tpu.memory_space<vmem>>) semaphore(%run_scoped3A_54 : memref<!tpu.dma_semaphore, #tpu.memory_space<semaphore_mem>>) {add = true}
        %dma_wait3A = arith.constant 0 : i32
        %dma_wait3A_60 = tpu.memref_slice %arg8[%run_scoped3A_43, %dma_wait3A] : memref<8x128xi32, #tpu.memory_space<vmem>> -> memref<1x128xi32, #tpu.memory_space<vmem>>
        %dma_wait3A_61 = tpu.memref_squeeze %dma_wait3A_60 : memref<1x128xi32, #tpu.memory_space<vmem>> -> memref<128xi32, #tpu.memory_space<vmem>>
        %dma_wait3A_62 = arith.constant 0 : i32
        %dma_wait3A_63 = arith.constant 0 : i32
        %dma_wait3A_64 = tpu.memref_slice %arg10[%dma_wait3A_62, %dma_wait3A_63] : memref<10240x128xf32, #tpu.memory_space<vmem_shared>> -> memref<10240x128xf32, #tpu.memory_space<vmem_shared>>
        tpu.wait_indirect_dma semaphore(%run_scoped3A_54 : memref<!tpu.dma_semaphore, #tpu.memory_space<semaphore_mem>>) src(%arg9 : memref<128x128xf32, #tpu.memory_space<vmem>>) dst(%dma_wait3A_64 : memref<10240x128xf32, #tpu.memory_space<vmem_shared>>)
        tpu.yield
      }) : () -> ()
      %run_scoped3A_44 = arith.constant 3 : i32
      "tpu.region"() ({
        %run_scoped3A_54 = tpu.sem_alloc : memref<!tpu.dma_semaphore, #tpu.memory_space<semaphore_mem>>
        %dma_start3A = arith.constant 0 : i32
        %dma_start3A_55 = tpu.memref_slice %arg7[%run_scoped3A_44, %dma_start3A] : memref<8x128xi32, #tpu.memory_space<vmem>> -> memref<1x128xi32, #tpu.memory_space<vmem>>
        %dma_start3A_56 = tpu.memref_squeeze %dma_start3A_55 : memref<1x128xi32, #tpu.memory_space<vmem>> -> memref<128xi32, #tpu.memory_space<vmem>>
        %dma_start3A_57 = arith.constant 0 : i32
        %dma_start3A_58 = arith.constant 0 : i32
        %dma_start3A_59 = tpu.memref_slice %arg2[%dma_start3A_57, %dma_start3A_58] : memref<10000x128xf32, #tpu.memory_space<hbm>> -> memref<10000x128xf32, #tpu.memory_space<hbm>>
        tpu.enqueue_indirect_dma source(%dma_start3A_59 : memref<10000x128xf32, #tpu.memory_space<hbm>>) target(%arg9 : memref<128x128xf32, #tpu.memory_space<vmem>>) offsets(%dma_start3A_56 : memref<128xi32, #tpu.memory_space<vmem>>) semaphore(%run_scoped3A_54 : memref<!tpu.dma_semaphore, #tpu.memory_space<semaphore_mem>>)
        %dma_wait3A = arith.constant 0 : i32
        %dma_wait3A_60 = tpu.memref_slice %arg7[%run_scoped3A_44, %dma_wait3A] : memref<8x128xi32, #tpu.memory_space<vmem>> -> memref<1x128xi32, #tpu.memory_space<vmem>>
        %dma_wait3A_61 = tpu.memref_squeeze %dma_wait3A_60 : memref<1x128xi32, #tpu.memory_space<vmem>> -> memref<128xi32, #tpu.memory_space<vmem>>
        %dma_wait3A_62 = arith.constant 0 : i32
        %dma_wait3A_63 = arith.constant 0 : i32
        %dma_wait3A_64 = tpu.memref_slice %arg2[%dma_wait3A_62, %dma_wait3A_63] : memref<10000x128xf32, #tpu.memory_space<hbm>> -> memref<10000x128xf32, #tpu.memory_space<hbm>>
        tpu.wait_indirect_dma semaphore(%run_scoped3A_54 : memref<!tpu.dma_semaphore, #tpu.memory_space<semaphore_mem>>) src(%dma_wait3A_64 : memref<10000x128xf32, #tpu.memory_space<hbm>>) dst(%arg9 : memref<128x128xf32, #tpu.memory_space<vmem>>)
        tpu.yield
      }) : () -> ()
      %run_scoped3A_45 = arith.constant 3 : i32
      "tpu.region"() ({
        %run_scoped3A_54 = tpu.sem_alloc : memref<!tpu.dma_semaphore, #tpu.memory_space<semaphore_mem>>
        %dma_start3A = arith.constant 0 : i32
        %dma_start3A_55 = tpu.memref_slice %arg8[%run_scoped3A_45, %dma_start3A] : memref<8x128xi32, #tpu.memory_space<vmem>> -> memref<1x128xi32, #tpu.memory_space<vmem>>
        %dma_start3A_56 = tpu.memref_squeeze %dma_start3A_55 : memref<1x128xi32, #tpu.memory_space<vmem>> -> memref<128xi32, #tpu.memory_space<vmem>>
        %dma_start3A_57 = arith.constant 0 : i32
        %dma_start3A_58 = arith.constant 0 : i32
        %dma_start3A_59 = tpu.memref_slice %arg10[%dma_start3A_57, %dma_start3A_58] : memref<10240x128xf32, #tpu.memory_space<vmem_shared>> -> memref<10240x128xf32, #tpu.memory_space<vmem_shared>>
        tpu.enqueue_indirect_dma source(%arg9 : memref<128x128xf32, #tpu.memory_space<vmem>>) target(%dma_start3A_59 : memref<10240x128xf32, #tpu.memory_space<vmem_shared>>) offsets(%dma_start3A_56 : memref<128xi32, #tpu.memory_space<vmem>>) semaphore(%run_scoped3A_54 : memref<!tpu.dma_semaphore, #tpu.memory_space<semaphore_mem>>) {add = true}
        %dma_wait3A = arith.constant 0 : i32
        %dma_wait3A_60 = tpu.memref_slice %arg8[%run_scoped3A_45, %dma_wait3A] : memref<8x128xi32, #tpu.memory_space<vmem>> -> memref<1x128xi32, #tpu.memory_space<vmem>>
        %dma_wait3A_61 = tpu.memref_squeeze %dma_wait3A_60 : memref<1x128xi32, #tpu.memory_space<vmem>> -> memref<128xi32, #tpu.memory_space<vmem>>
        %dma_wait3A_62 = arith.constant 0 : i32
        %dma_wait3A_63 = arith.constant 0 : i32
        %dma_wait3A_64 = tpu.memref_slice %arg10[%dma_wait3A_62, %dma_wait3A_63] : memref<10240x128xf32, #tpu.memory_space<vmem_shared>> -> memref<10240x128xf32, #tpu.memory_space<vmem_shared>>
        tpu.wait_indirect_dma semaphore(%run_scoped3A_54 : memref<!tpu.dma_semaphore, #tpu.memory_space<semaphore_mem>>) src(%arg9 : memref<128x128xf32, #tpu.memory_space<vmem>>) dst(%dma_wait3A_64 : memref<10240x128xf32, #tpu.memory_space<vmem_shared>>)
        tpu.yield
      }) : () -> ()
      %run_scoped3A_46 = arith.constant 4 : i32
      "tpu.region"() ({
        %run_scoped3A_54 = tpu.sem_alloc : memref<!tpu.dma_semaphore, #tpu.memory_space<semaphore_mem>>
        %dma_start3A = arith.constant 0 : i32
        %dma_start3A_55 = tpu.memref_slice %arg7[%run_scoped3A_46, %dma_start3A] : memref<8x128xi32, #tpu.memory_space<vmem>> -> memref<1x128xi32, #tpu.memory_space<vmem>>
        %dma_start3A_56 = tpu.memref_squeeze %dma_start3A_55 : memref<1x128xi32, #tpu.memory_space<vmem>> -> memref<128xi32, #tpu.memory_space<vmem>>
        %dma_start3A_57 = arith.constant 0 : i32
        %dma_start3A_58 = arith.constant 0 : i32
        %dma_start3A_59 = tpu.memref_slice %arg2[%dma_start3A_57, %dma_start3A_58] : memref<10000x128xf32, #tpu.memory_space<hbm>> -> memref<10000x128xf32, #tpu.memory_space<hbm>>
        tpu.enqueue_indirect_dma source(%dma_start3A_59 : memref<10000x128xf32, #tpu.memory_space<hbm>>) target(%arg9 : memref<128x128xf32, #tpu.memory_space<vmem>>) offsets(%dma_start3A_56 : memref<128xi32, #tpu.memory_space<vmem>>) semaphore(%run_scoped3A_54 : memref<!tpu.dma_semaphore, #tpu.memory_space<semaphore_mem>>)
        %dma_wait3A = arith.constant 0 : i32
        %dma_wait3A_60 = tpu.memref_slice %arg7[%run_scoped3A_46, %dma_wait3A] : memref<8x128xi32, #tpu.memory_space<vmem>> -> memref<1x128xi32, #tpu.memory_space<vmem>>
        %dma_wait3A_61 = tpu.memref_squeeze %dma_wait3A_60 : memref<1x128xi32, #tpu.memory_space<vmem>> -> memref<128xi32, #tpu.memory_space<vmem>>
        %dma_wait3A_62 = arith.constant 0 : i32
        %dma_wait3A_63 = arith.constant 0 : i32
        %dma_wait3A_64 = tpu.memref_slice %arg2[%dma_wait3A_62, %dma_wait3A_63] : memref<10000x128xf32, #tpu.memory_space<hbm>> -> memref<10000x128xf32, #tpu.memory_space<hbm>>
        tpu.wait_indirect_dma semaphore(%run_scoped3A_54 : memref<!tpu.dma_semaphore, #tpu.memory_space<semaphore_mem>>) src(%dma_wait3A_64 : memref<10000x128xf32, #tpu.memory_space<hbm>>) dst(%arg9 : memref<128x128xf32, #tpu.memory_space<vmem>>)
        tpu.yield
      }) : () -> ()
      %run_scoped3A_47 = arith.constant 4 : i32
      "tpu.region"() ({
        %run_scoped3A_54 = tpu.sem_alloc : memref<!tpu.dma_semaphore, #tpu.memory_space<semaphore_mem>>
        %dma_start3A = arith.constant 0 : i32
        %dma_start3A_55 = tpu.memref_slice %arg8[%run_scoped3A_47, %dma_start3A] : memref<8x128xi32, #tpu.memory_space<vmem>> -> memref<1x128xi32, #tpu.memory_space<vmem>>
        %dma_start3A_56 = tpu.memref_squeeze %dma_start3A_55 : memref<1x128xi32, #tpu.memory_space<vmem>> -> memref<128xi32, #tpu.memory_space<vmem>>
        %dma_start3A_57 = arith.constant 0 : i32
        %dma_start3A_58 = arith.constant 0 : i32
        %dma_start3A_59 = tpu.memref_slice %arg10[%dma_start3A_57, %dma_start3A_58] : memref<10240x128xf32, #tpu.memory_space<vmem_shared>> -> memref<10240x128xf32, #tpu.memory_space<vmem_shared>>
        tpu.enqueue_indirect_dma source(%arg9 : memref<128x128xf32, #tpu.memory_space<vmem>>) target(%dma_start3A_59 : memref<10240x128xf32, #tpu.memory_space<vmem_shared>>) offsets(%dma_start3A_56 : memref<128xi32, #tpu.memory_space<vmem>>) semaphore(%run_scoped3A_54 : memref<!tpu.dma_semaphore, #tpu.memory_space<semaphore_mem>>) {add = true}
        %dma_wait3A = arith.constant 0 : i32
        %dma_wait3A_60 = tpu.memref_slice %arg8[%run_scoped3A_47, %dma_wait3A] : memref<8x128xi32, #tpu.memory_space<vmem>> -> memref<1x128xi32, #tpu.memory_space<vmem>>
        %dma_wait3A_61 = tpu.memref_squeeze %dma_wait3A_60 : memref<1x128xi32, #tpu.memory_space<vmem>> -> memref<128xi32, #tpu.memory_space<vmem>>
        %dma_wait3A_62 = arith.constant 0 : i32
        %dma_wait3A_63 = arith.constant 0 : i32
        %dma_wait3A_64 = tpu.memref_slice %arg10[%dma_wait3A_62, %dma_wait3A_63] : memref<10240x128xf32, #tpu.memory_space<vmem_shared>> -> memref<10240x128xf32, #tpu.memory_space<vmem_shared>>
        tpu.wait_indirect_dma semaphore(%run_scoped3A_54 : memref<!tpu.dma_semaphore, #tpu.memory_space<semaphore_mem>>) src(%arg9 : memref<128x128xf32, #tpu.memory_space<vmem>>) dst(%dma_wait3A_64 : memref<10240x128xf32, #tpu.memory_space<vmem_shared>>)
        tpu.yield
      }) : () -> ()
      %run_scoped3A_48 = arith.constant 5 : i32
      "tpu.region"() ({
        %run_scoped3A_54 = tpu.sem_alloc : memref<!tpu.dma_semaphore, #tpu.memory_space<semaphore_mem>>
        %dma_start3A = arith.constant 0 : i32
        %dma_start3A_55 = tpu.memref_slice %arg7[%run_scoped3A_48, %dma_start3A] : memref<8x128xi32, #tpu.memory_space<vmem>> -> memref<1x128xi32, #tpu.memory_space<vmem>>
        %dma_start3A_56 = tpu.memref_squeeze %dma_start3A_55 : memref<1x128xi32, #tpu.memory_space<vmem>> -> memref<128xi32, #tpu.memory_space<vmem>>
        %dma_start3A_57 = arith.constant 0 : i32
        %dma_start3A_58 = arith.constant 0 : i32
        %dma_start3A_59 = tpu.memref_slice %arg2[%dma_start3A_57, %dma_start3A_58] : memref<10000x128xf32, #tpu.memory_space<hbm>> -> memref<10000x128xf32, #tpu.memory_space<hbm>>
        tpu.enqueue_indirect_dma source(%dma_start3A_59 : memref<10000x128xf32, #tpu.memory_space<hbm>>) target(%arg9 : memref<128x128xf32, #tpu.memory_space<vmem>>) offsets(%dma_start3A_56 : memref<128xi32, #tpu.memory_space<vmem>>) semaphore(%run_scoped3A_54 : memref<!tpu.dma_semaphore, #tpu.memory_space<semaphore_mem>>)
        %dma_wait3A = arith.constant 0 : i32
        %dma_wait3A_60 = tpu.memref_slice %arg7[%run_scoped3A_48, %dma_wait3A] : memref<8x128xi32, #tpu.memory_space<vmem>> -> memref<1x128xi32, #tpu.memory_space<vmem>>
        %dma_wait3A_61 = tpu.memref_squeeze %dma_wait3A_60 : memref<1x128xi32, #tpu.memory_space<vmem>> -> memref<128xi32, #tpu.memory_space<vmem>>
        %dma_wait3A_62 = arith.constant 0 : i32
        %dma_wait3A_63 = arith.constant 0 : i32
        %dma_wait3A_64 = tpu.memref_slice %arg2[%dma_wait3A_62, %dma_wait3A_63] : memref<10000x128xf32, #tpu.memory_space<hbm>> -> memref<10000x128xf32, #tpu.memory_space<hbm>>
        tpu.wait_indirect_dma semaphore(%run_scoped3A_54 : memref<!tpu.dma_semaphore, #tpu.memory_space<semaphore_mem>>) src(%dma_wait3A_64 : memref<10000x128xf32, #tpu.memory_space<hbm>>) dst(%arg9 : memref<128x128xf32, #tpu.memory_space<vmem>>)
        tpu.yield
      }) : () -> ()
      %run_scoped3A_49 = arith.constant 5 : i32
      "tpu.region"() ({
        %run_scoped3A_54 = tpu.sem_alloc : memref<!tpu.dma_semaphore, #tpu.memory_space<semaphore_mem>>
        %dma_start3A = arith.constant 0 : i32
        %dma_start3A_55 = tpu.memref_slice %arg8[%run_scoped3A_49, %dma_start3A] : memref<8x128xi32, #tpu.memory_space<vmem>> -> memref<1x128xi32, #tpu.memory_space<vmem>>
        %dma_start3A_56 = tpu.memref_squeeze %dma_start3A_55 : memref<1x128xi32, #tpu.memory_space<vmem>> -> memref<128xi32, #tpu.memory_space<vmem>>
        %dma_start3A_57 = arith.constant 0 : i32
        %dma_start3A_58 = arith.constant 0 : i32
        %dma_start3A_59 = tpu.memref_slice %arg10[%dma_start3A_57, %dma_start3A_58] : memref<10240x128xf32, #tpu.memory_space<vmem_shared>> -> memref<10240x128xf32, #tpu.memory_space<vmem_shared>>
        tpu.enqueue_indirect_dma source(%arg9 : memref<128x128xf32, #tpu.memory_space<vmem>>) target(%dma_start3A_59 : memref<10240x128xf32, #tpu.memory_space<vmem_shared>>) offsets(%dma_start3A_56 : memref<128xi32, #tpu.memory_space<vmem>>) semaphore(%run_scoped3A_54 : memref<!tpu.dma_semaphore, #tpu.memory_space<semaphore_mem>>) {add = true}
        %dma_wait3A = arith.constant 0 : i32
        %dma_wait3A_60 = tpu.memref_slice %arg8[%run_scoped3A_49, %dma_wait3A] : memref<8x128xi32, #tpu.memory_space<vmem>> -> memref<1x128xi32, #tpu.memory_space<vmem>>
        %dma_wait3A_61 = tpu.memref_squeeze %dma_wait3A_60 : memref<1x128xi32, #tpu.memory_space<vmem>> -> memref<128xi32, #tpu.memory_space<vmem>>
        %dma_wait3A_62 = arith.constant 0 : i32
        %dma_wait3A_63 = arith.constant 0 : i32
        %dma_wait3A_64 = tpu.memref_slice %arg10[%dma_wait3A_62, %dma_wait3A_63] : memref<10240x128xf32, #tpu.memory_space<vmem_shared>> -> memref<10240x128xf32, #tpu.memory_space<vmem_shared>>
        tpu.wait_indirect_dma semaphore(%run_scoped3A_54 : memref<!tpu.dma_semaphore, #tpu.memory_space<semaphore_mem>>) src(%arg9 : memref<128x128xf32, #tpu.memory_space<vmem>>) dst(%dma_wait3A_64 : memref<10240x128xf32, #tpu.memory_space<vmem_shared>>)
        tpu.yield
      }) : () -> ()
      %run_scoped3A_50 = arith.constant 6 : i32
      "tpu.region"() ({
        %run_scoped3A_54 = tpu.sem_alloc : memref<!tpu.dma_semaphore, #tpu.memory_space<semaphore_mem>>
        %dma_start3A = arith.constant 0 : i32
        %dma_start3A_55 = tpu.memref_slice %arg7[%run_scoped3A_50, %dma_start3A] : memref<8x128xi32, #tpu.memory_space<vmem>> -> memref<1x128xi32, #tpu.memory_space<vmem>>
        %dma_start3A_56 = tpu.memref_squeeze %dma_start3A_55 : memref<1x128xi32, #tpu.memory_space<vmem>> -> memref<128xi32, #tpu.memory_space<vmem>>
        %dma_start3A_57 = arith.constant 0 : i32
        %dma_start3A_58 = arith.constant 0 : i32
        %dma_start3A_59 = tpu.memref_slice %arg2[%dma_start3A_57, %dma_start3A_58] : memref<10000x128xf32, #tpu.memory_space<hbm>> -> memref<10000x128xf32, #tpu.memory_space<hbm>>
        tpu.enqueue_indirect_dma source(%dma_start3A_59 : memref<10000x128xf32, #tpu.memory_space<hbm>>) target(%arg9 : memref<128x128xf32, #tpu.memory_space<vmem>>) offsets(%dma_start3A_56 : memref<128xi32, #tpu.memory_space<vmem>>) semaphore(%run_scoped3A_54 : memref<!tpu.dma_semaphore, #tpu.memory_space<semaphore_mem>>)
        %dma_wait3A = arith.constant 0 : i32
        %dma_wait3A_60 = tpu.memref_slice %arg7[%run_scoped3A_50, %dma_wait3A] : memref<8x128xi32, #tpu.memory_space<vmem>> -> memref<1x128xi32, #tpu.memory_space<vmem>>
        %dma_wait3A_61 = tpu.memref_squeeze %dma_wait3A_60 : memref<1x128xi32, #tpu.memory_space<vmem>> -> memref<128xi32, #tpu.memory_space<vmem>>
        %dma_wait3A_62 = arith.constant 0 : i32
        %dma_wait3A_63 = arith.constant 0 : i32
        %dma_wait3A_64 = tpu.memref_slice %arg2[%dma_wait3A_62, %dma_wait3A_63] : memref<10000x128xf32, #tpu.memory_space<hbm>> -> memref<10000x128xf32, #tpu.memory_space<hbm>>
        tpu.wait_indirect_dma semaphore(%run_scoped3A_54 : memref<!tpu.dma_semaphore, #tpu.memory_space<semaphore_mem>>) src(%dma_wait3A_64 : memref<10000x128xf32, #tpu.memory_space<hbm>>) dst(%arg9 : memref<128x128xf32, #tpu.memory_space<vmem>>)
        tpu.yield
      }) : () -> ()
      %run_scoped3A_51 = arith.constant 6 : i32
      "tpu.region"() ({
        %run_scoped3A_54 = tpu.sem_alloc : memref<!tpu.dma_semaphore, #tpu.memory_space<semaphore_mem>>
        %dma_start3A = arith.constant 0 : i32
        %dma_start3A_55 = tpu.memref_slice %arg8[%run_scoped3A_51, %dma_start3A] : memref<8x128xi32, #tpu.memory_space<vmem>> -> memref<1x128xi32, #tpu.memory_space<vmem>>
        %dma_start3A_56 = tpu.memref_squeeze %dma_start3A_55 : memref<1x128xi32, #tpu.memory_space<vmem>> -> memref<128xi32, #tpu.memory_space<vmem>>
        %dma_start3A_57 = arith.constant 0 : i32
        %dma_start3A_58 = arith.constant 0 : i32
        %dma_start3A_59 = tpu.memref_slice %arg10[%dma_start3A_57, %dma_start3A_58] : memref<10240x128xf32, #tpu.memory_space<vmem_shared>> -> memref<10240x128xf32, #tpu.memory_space<vmem_shared>>
        tpu.enqueue_indirect_dma source(%arg9 : memref<128x128xf32, #tpu.memory_space<vmem>>) target(%dma_start3A_59 : memref<10240x128xf32, #tpu.memory_space<vmem_shared>>) offsets(%dma_start3A_56 : memref<128xi32, #tpu.memory_space<vmem>>) semaphore(%run_scoped3A_54 : memref<!tpu.dma_semaphore, #tpu.memory_space<semaphore_mem>>) {add = true}
        %dma_wait3A = arith.constant 0 : i32
        %dma_wait3A_60 = tpu.memref_slice %arg8[%run_scoped3A_51, %dma_wait3A] : memref<8x128xi32, #tpu.memory_space<vmem>> -> memref<1x128xi32, #tpu.memory_space<vmem>>
        %dma_wait3A_61 = tpu.memref_squeeze %dma_wait3A_60 : memref<1x128xi32, #tpu.memory_space<vmem>> -> memref<128xi32, #tpu.memory_space<vmem>>
        %dma_wait3A_62 = arith.constant 0 : i32
        %dma_wait3A_63 = arith.constant 0 : i32
        %dma_wait3A_64 = tpu.memref_slice %arg10[%dma_wait3A_62, %dma_wait3A_63] : memref<10240x128xf32, #tpu.memory_space<vmem_shared>> -> memref<10240x128xf32, #tpu.memory_space<vmem_shared>>
        tpu.wait_indirect_dma semaphore(%run_scoped3A_54 : memref<!tpu.dma_semaphore, #tpu.memory_space<semaphore_mem>>) src(%arg9 : memref<128x128xf32, #tpu.memory_space<vmem>>) dst(%dma_wait3A_64 : memref<10240x128xf32, #tpu.memory_space<vmem_shared>>)
        tpu.yield
      }) : () -> ()
      %run_scoped3A_52 = arith.constant 7 : i32
      "tpu.region"() ({
        %run_scoped3A_54 = tpu.sem_alloc : memref<!tpu.dma_semaphore, #tpu.memory_space<semaphore_mem>>
        %dma_start3A = arith.constant 0 : i32
        %dma_start3A_55 = tpu.memref_slice %arg7[%run_scoped3A_52, %dma_start3A] : memref<8x128xi32, #tpu.memory_space<vmem>> -> memref<1x128xi32, #tpu.memory_space<vmem>>
        %dma_start3A_56 = tpu.memref_squeeze %dma_start3A_55 : memref<1x128xi32, #tpu.memory_space<vmem>> -> memref<128xi32, #tpu.memory_space<vmem>>
        %dma_start3A_57 = arith.constant 0 : i32
        %dma_start3A_58 = arith.constant 0 : i32
        %dma_start3A_59 = tpu.memref_slice %arg2[%dma_start3A_57, %dma_start3A_58] : memref<10000x128xf32, #tpu.memory_space<hbm>> -> memref<10000x128xf32, #tpu.memory_space<hbm>>
        tpu.enqueue_indirect_dma source(%dma_start3A_59 : memref<10000x128xf32, #tpu.memory_space<hbm>>) target(%arg9 : memref<128x128xf32, #tpu.memory_space<vmem>>) offsets(%dma_start3A_56 : memref<128xi32, #tpu.memory_space<vmem>>) semaphore(%run_scoped3A_54 : memref<!tpu.dma_semaphore, #tpu.memory_space<semaphore_mem>>)
        %dma_wait3A = arith.constant 0 : i32
        %dma_wait3A_60 = tpu.memref_slice %arg7[%run_scoped3A_52, %dma_wait3A] : memref<8x128xi32, #tpu.memory_space<vmem>> -> memref<1x128xi32, #tpu.memory_space<vmem>>
        %dma_wait3A_61 = tpu.memref_squeeze %dma_wait3A_60 : memref<1x128xi32, #tpu.memory_space<vmem>> -> memref<128xi32, #tpu.memory_space<vmem>>
        %dma_wait3A_62 = arith.constant 0 : i32
        %dma_wait3A_63 = arith.constant 0 : i32
        %dma_wait3A_64 = tpu.memref_slice %arg2[%dma_wait3A_62, %dma_wait3A_63] : memref<10000x128xf32, #tpu.memory_space<hbm>> -> memref<10000x128xf32, #tpu.memory_space<hbm>>
        tpu.wait_indirect_dma semaphore(%run_scoped3A_54 : memref<!tpu.dma_semaphore, #tpu.memory_space<semaphore_mem>>) src(%dma_wait3A_64 : memref<10000x128xf32, #tpu.memory_space<hbm>>) dst(%arg9 : memref<128x128xf32, #tpu.memory_space<vmem>>)
        tpu.yield
      }) : () -> ()
      %run_scoped3A_53 = arith.constant 7 : i32
      "tpu.region"() ({
        %run_scoped3A_54 = tpu.sem_alloc : memref<!tpu.dma_semaphore, #tpu.memory_space<semaphore_mem>>
        %dma_start3A = arith.constant 0 : i32
        %dma_start3A_55 = tpu.memref_slice %arg8[%run_scoped3A_53, %dma_start3A] : memref<8x128xi32, #tpu.memory_space<vmem>> -> memref<1x128xi32, #tpu.memory_space<vmem>>
        %dma_start3A_56 = tpu.memref_squeeze %dma_start3A_55 : memref<1x128xi32, #tpu.memory_space<vmem>> -> memref<128xi32, #tpu.memory_space<vmem>>
        %dma_start3A_57 = arith.constant 0 : i32
        %dma_start3A_58 = arith.constant 0 : i32
        %dma_start3A_59 = tpu.memref_slice %arg10[%dma_start3A_57, %dma_start3A_58] : memref<10240x128xf32, #tpu.memory_space<vmem_shared>> -> memref<10240x128xf32, #tpu.memory_space<vmem_shared>>
        tpu.enqueue_indirect_dma source(%arg9 : memref<128x128xf32, #tpu.memory_space<vmem>>) target(%dma_start3A_59 : memref<10240x128xf32, #tpu.memory_space<vmem_shared>>) offsets(%dma_start3A_56 : memref<128xi32, #tpu.memory_space<vmem>>) semaphore(%run_scoped3A_54 : memref<!tpu.dma_semaphore, #tpu.memory_space<semaphore_mem>>) {add = true}
        %dma_wait3A = arith.constant 0 : i32
        %dma_wait3A_60 = tpu.memref_slice %arg8[%run_scoped3A_53, %dma_wait3A] : memref<8x128xi32, #tpu.memory_space<vmem>> -> memref<1x128xi32, #tpu.memory_space<vmem>>
        %dma_wait3A_61 = tpu.memref_squeeze %dma_wait3A_60 : memref<1x128xi32, #tpu.memory_space<vmem>> -> memref<128xi32, #tpu.memory_space<vmem>>
        %dma_wait3A_62 = arith.constant 0 : i32
        %dma_wait3A_63 = arith.constant 0 : i32
        %dma_wait3A_64 = tpu.memref_slice %arg10[%dma_wait3A_62, %dma_wait3A_63] : memref<10240x128xf32, #tpu.memory_space<vmem_shared>> -> memref<10240x128xf32, #tpu.memory_space<vmem_shared>>
        tpu.wait_indirect_dma semaphore(%run_scoped3A_54 : memref<!tpu.dma_semaphore, #tpu.memory_space<semaphore_mem>>) src(%arg9 : memref<128x128xf32, #tpu.memory_space<vmem>>) dst(%dma_wait3A_64 : memref<10240x128xf32, #tpu.memory_space<vmem_shared>>)
        tpu.yield
      }) : () -> ()
    }
    %scan3A_23 = arith.constant 10 : i32
    %barrier3A_24 = arith.constant 0 : index
    tpu.barrier barrier_id(%barrier3A_24)
    %mul3A_25 = arith.constant 640 : i32
    %mul3A_26 = arith.muli %arg1, %mul3A_25 : i32
    %eq3A = arith.constant 0 : i32
    %eq3A_27 = arith.cmpi eq, %arg0, %eq3A : i32
    %convert_element_type3A = arith.extui %eq3A_27 : i1 to i32
    %cond3A = arith.constant 0 : i32
    %cond3A_28 = arith.cmpi ne, %convert_element_type3A, %cond3A : i32
    scf.if %cond3A_28 {
      "tpu.region"() ({
        %run_scoped3A = tpu.sem_alloc : memref<!tpu.dma_semaphore, #tpu.memory_space<semaphore_mem>>
        %dma_start3A = arith.constant 0 : i32
        %dma_start3A_34 = tpu.memref_slice %arg5[%mul3A_26, %dma_start3A] : memref<10240x128xf32, #tpu.memory_space<hbm>> -> memref<640x128xf32, #tpu.memory_space<hbm>>
        %dma_start3A_35 = arith.constant 0 : i32
        %dma_start3A_36 = tpu.memref_slice %arg10[%mul3A_26, %dma_start3A_35] : memref<10240x128xf32, #tpu.memory_space<vmem_shared>> -> memref<640x128xf32, #tpu.memory_space<vmem_shared>>
        tpu.enqueue_dma source(%dma_start3A_36 : memref<640x128xf32, #tpu.memory_space<vmem_shared>>) target(%dma_start3A_34 : memref<640x128xf32, #tpu.memory_space<hbm>>) target_semaphore(%run_scoped3A : memref<!tpu.dma_semaphore, #tpu.memory_space<semaphore_mem>>)
        %dma_wait3A = arith.constant 0 : i32
        %dma_wait3A_37 = tpu.memref_slice %arg5[%mul3A_26, %dma_wait3A] : memref<10240x128xf32, #tpu.memory_space<hbm>> -> memref<640x128xf32, #tpu.memory_space<hbm>>
        %dma_wait3A_38 = arith.constant 0 : i32
        %dma_wait3A_39 = tpu.memref_slice %arg10[%mul3A_26, %dma_wait3A_38] : memref<10240x128xf32, #tpu.memory_space<vmem_shared>> -> memref<640x128xf32, #tpu.memory_space<vmem_shared>>
        tpu.wait_dma2 semaphore(%run_scoped3A : memref<!tpu.dma_semaphore, #tpu.memory_space<semaphore_mem>>) src(%dma_wait3A_39 : memref<640x128xf32, #tpu.memory_space<vmem_shared>>) dst(%dma_wait3A_37 : memref<640x128xf32, #tpu.memory_space<hbm>>)
        tpu.yield
      }) : () -> ()
    } else {
    }
    %eq3A_29 = arith.constant 1 : i32
    %eq3A_30 = arith.cmpi eq, %arg0, %eq3A_29 : i32
    %convert_element_type3A_31 = arith.extui %eq3A_30 : i1 to i32
    %cond3A_32 = arith.constant 0 : i32
    %cond3A_33 = arith.cmpi ne, %convert_element_type3A_31, %cond3A_32 : i32
    scf.if %cond3A_33 {
      "tpu.region"() ({
        %run_scoped3A = tpu.sem_alloc : memref<!tpu.dma_semaphore, #tpu.memory_space<semaphore_mem>>
        %dma_start3A = arith.constant 0 : i32
        %dma_start3A_34 = tpu.memref_slice %arg6[%mul3A_26, %dma_start3A] : memref<10240x128xf32, #tpu.memory_space<hbm>> -> memref<640x128xf32, #tpu.memory_space<hbm>>
        %dma_start3A_35 = arith.constant 0 : i32
        %dma_start3A_36 = tpu.memref_slice %arg10[%mul3A_26, %dma_start3A_35] : memref<10240x128xf32, #tpu.memory_space<vmem_shared>> -> memref<640x128xf32, #tpu.memory_space<vmem_shared>>
        tpu.enqueue_dma source(%dma_start3A_36 : memref<640x128xf32, #tpu.memory_space<vmem_shared>>) target(%dma_start3A_34 : memref<640x128xf32, #tpu.memory_space<hbm>>) target_semaphore(%run_scoped3A : memref<!tpu.dma_semaphore, #tpu.memory_space<semaphore_mem>>)
        %dma_wait3A = arith.constant 0 : i32
        %dma_wait3A_37 = tpu.memref_slice %arg6[%mul3A_26, %dma_wait3A] : memref<10240x128xf32, #tpu.memory_space<hbm>> -> memref<640x128xf32, #tpu.memory_space<hbm>>
        %dma_wait3A_38 = arith.constant 0 : i32
        %dma_wait3A_39 = tpu.memref_slice %arg10[%mul3A_26, %dma_wait3A_38] : memref<10240x128xf32, #tpu.memory_space<vmem_shared>> -> memref<640x128xf32, #tpu.memory_space<vmem_shared>>
        tpu.wait_dma2 semaphore(%run_scoped3A : memref<!tpu.dma_semaphore, #tpu.memory_space<semaphore_mem>>) src(%dma_wait3A_39 : memref<640x128xf32, #tpu.memory_space<vmem_shared>>) dst(%dma_wait3A_37 : memref<640x128xf32, #tpu.memory_space<hbm>>)
        tpu.yield
      }) : () -> ()
    } else {
    }
    return
  }
}

#map = affine_map<(d0, d1) -> (0, 0)>
#map1 = affine_map<(d0, d1) -> (0, 0, 0)>
module attributes {stable_mosaic.version = 14 : i64} {
  func.func @_agg_feat_split(%arg0: i32, %arg1: i32, %arg2: memref<10000x128xf32, #tpu.memory_space<hbm>>, %arg3: memref<10000x128xf32, #tpu.memory_space<hbm>>, %arg4: memref<16x160x128xi32, #tpu.memory_space<hbm>>, %arg5: memref<16x160x128xi32, #tpu.memory_space<hbm>>, %arg6: memref<10240x128xf32, #tpu.memory_space<hbm>>, %arg7: memref<10240x128xf32, #tpu.memory_space<hbm>>, %arg8: memref<8x128xi32, #tpu.memory_space<vmem>>, %arg9: memref<8x128xi32, #tpu.memory_space<vmem>>, %arg10: memref<128x128xf32, #tpu.memory_space<vmem>>, %arg11: memref<10240x128xf32, #tpu.memory_space<vmem_shared>>) attributes {dimension_semantics = [#tpu.dimension_semantics<core_parallel>, #tpu.dimension_semantics<subcore_parallel>], iteration_bounds = array<i64: 2, 16>, scalar_prefetch = 0 : i64, scratch_operands = 4 : i64, tpu.core_type = #tpu.core_type<sc_vector_subcore>, window_params = [{transform_indices = #map}, {transform_indices = #map}, {transform_indices = #map1}, {transform_indices = #map1}, {transform_indices = #map}, {transform_indices = #map}]} {
    %eq3A = arith.constant 0 : i32
    %eq3A_0 = arith.cmpi eq, %arg0, %eq3A : i32
    %convert_element_type3A = arith.extui %eq3A_0 : i1 to i32
    %cond3A = arith.constant 0 : i32
    %cond3A_1 = arith.cmpi ne, %convert_element_type3A, %cond3A : i32
    scf.if %cond3A_1 {
      %scan3A = arith.constant 0 : i32
      %scan3A_7 = arith.constant 0 : i32
      %scan3A_8 = arith.constant 128 : i32
      %scan3A_9 = arith.addi %scan3A_7, %scan3A_8 : i32
      %scan3A_10 = arith.constant 1 : i32
      scf.for %scan3A_31 = %scan3A_7 to %scan3A_9 step %scan3A_10  : i32 {
        %broadcast_in_dim3A = arith.constant 0.000000e+00 : f32
        %broadcast_in_dim3A_32 = vector.broadcast %broadcast_in_dim3A : f32 to vector<16xf32>
        %swap3A = arith.index_cast %scan3A_31 : i32 to index
        %swap3A_33 = arith.constant 0 : index
        %swap3A_34 = tpu.vector_load %arg10[%swap3A, %swap3A_33] {strides = array<i32>} : memref<128x128xf32, #tpu.memory_space<vmem>>, vector<1x16xf32>,
        %swap3A_35 = vector.shape_cast %swap3A_34 : vector<1x16xf32> to vector<16xf32>
        %swap3A_36 = vector.shape_cast %broadcast_in_dim3A_32 : vector<16xf32> to vector<1x16xf32>
        tpu.vector_store %arg10[%swap3A, %swap3A_33], %swap3A_36 {strides = array<i32>} : memref<128x128xf32, #tpu.memory_space<vmem>>, vector<1x16xf32>,
        %broadcast_in_dim3A_37 = arith.constant 0.000000e+00 : f32
        %broadcast_in_dim3A_38 = vector.broadcast %broadcast_in_dim3A_37 : f32 to vector<16xf32>
        %swap3A_39 = arith.index_cast %scan3A_31 : i32 to index
        %swap3A_40 = arith.constant 16 : index
        %swap3A_41 = tpu.vector_load %arg10[%swap3A_39, %swap3A_40] {strides = array<i32>} : memref<128x128xf32, #tpu.memory_space<vmem>>, vector<1x16xf32>,
        %swap3A_42 = vector.shape_cast %swap3A_41 : vector<1x16xf32> to vector<16xf32>
        %swap3A_43 = vector.shape_cast %broadcast_in_dim3A_38 : vector<16xf32> to vector<1x16xf32>
        tpu.vector_store %arg10[%swap3A_39, %swap3A_40], %swap3A_43 {strides = array<i32>} : memref<128x128xf32, #tpu.memory_space<vmem>>, vector<1x16xf32>,
        %broadcast_in_dim3A_44 = arith.constant 0.000000e+00 : f32
        %broadcast_in_dim3A_45 = vector.broadcast %broadcast_in_dim3A_44 : f32 to vector<16xf32>
        %swap3A_46 = arith.index_cast %scan3A_31 : i32 to index
        %swap3A_47 = arith.constant 32 : index
        %swap3A_48 = tpu.vector_load %arg10[%swap3A_46, %swap3A_47] {strides = array<i32>} : memref<128x128xf32, #tpu.memory_space<vmem>>, vector<1x16xf32>,
        %swap3A_49 = vector.shape_cast %swap3A_48 : vector<1x16xf32> to vector<16xf32>
        %swap3A_50 = vector.shape_cast %broadcast_in_dim3A_45 : vector<16xf32> to vector<1x16xf32>
        tpu.vector_store %arg10[%swap3A_46, %swap3A_47], %swap3A_50 {strides = array<i32>} : memref<128x128xf32, #tpu.memory_space<vmem>>, vector<1x16xf32>,
        %broadcast_in_dim3A_51 = arith.constant 0.000000e+00 : f32
        %broadcast_in_dim3A_52 = vector.broadcast %broadcast_in_dim3A_51 : f32 to vector<16xf32>
        %swap3A_53 = arith.index_cast %scan3A_31 : i32 to index
        %swap3A_54 = arith.constant 48 : index
        %swap3A_55 = tpu.vector_load %arg10[%swap3A_53, %swap3A_54] {strides = array<i32>} : memref<128x128xf32, #tpu.memory_space<vmem>>, vector<1x16xf32>,
        %swap3A_56 = vector.shape_cast %swap3A_55 : vector<1x16xf32> to vector<16xf32>
        %swap3A_57 = vector.shape_cast %broadcast_in_dim3A_52 : vector<16xf32> to vector<1x16xf32>
        tpu.vector_store %arg10[%swap3A_53, %swap3A_54], %swap3A_57 {strides = array<i32>} : memref<128x128xf32, #tpu.memory_space<vmem>>, vector<1x16xf32>,
        %broadcast_in_dim3A_58 = arith.constant 0.000000e+00 : f32
        %broadcast_in_dim3A_59 = vector.broadcast %broadcast_in_dim3A_58 : f32 to vector<16xf32>
        %swap3A_60 = arith.index_cast %scan3A_31 : i32 to index
        %swap3A_61 = arith.constant 64 : index
        %swap3A_62 = tpu.vector_load %arg10[%swap3A_60, %swap3A_61] {strides = array<i32>} : memref<128x128xf32, #tpu.memory_space<vmem>>, vector<1x16xf32>,
        %swap3A_63 = vector.shape_cast %swap3A_62 : vector<1x16xf32> to vector<16xf32>
        %swap3A_64 = vector.shape_cast %broadcast_in_dim3A_59 : vector<16xf32> to vector<1x16xf32>
        tpu.vector_store %arg10[%swap3A_60, %swap3A_61], %swap3A_64 {strides = array<i32>} : memref<128x128xf32, #tpu.memory_space<vmem>>, vector<1x16xf32>,
        %broadcast_in_dim3A_65 = arith.constant 0.000000e+00 : f32
        %broadcast_in_dim3A_66 = vector.broadcast %broadcast_in_dim3A_65 : f32 to vector<16xf32>
        %swap3A_67 = arith.index_cast %scan3A_31 : i32 to index
        %swap3A_68 = arith.constant 80 : index
        %swap3A_69 = tpu.vector_load %arg10[%swap3A_67, %swap3A_68] {strides = array<i32>} : memref<128x128xf32, #tpu.memory_space<vmem>>, vector<1x16xf32>,
        %swap3A_70 = vector.shape_cast %swap3A_69 : vector<1x16xf32> to vector<16xf32>
        %swap3A_71 = vector.shape_cast %broadcast_in_dim3A_66 : vector<16xf32> to vector<1x16xf32>
        tpu.vector_store %arg10[%swap3A_67, %swap3A_68], %swap3A_71 {strides = array<i32>} : memref<128x128xf32, #tpu.memory_space<vmem>>, vector<1x16xf32>,
        %broadcast_in_dim3A_72 = arith.constant 0.000000e+00 : f32
        %broadcast_in_dim3A_73 = vector.broadcast %broadcast_in_dim3A_72 : f32 to vector<16xf32>
        %swap3A_74 = arith.index_cast %scan3A_31 : i32 to index
        %swap3A_75 = arith.constant 96 : index
        %swap3A_76 = tpu.vector_load %arg10[%swap3A_74, %swap3A_75] {strides = array<i32>} : memref<128x128xf32, #tpu.memory_space<vmem>>, vector<1x16xf32>,
        %swap3A_77 = vector.shape_cast %swap3A_76 : vector<1x16xf32> to vector<16xf32>
        %swap3A_78 = vector.shape_cast %broadcast_in_dim3A_73 : vector<16xf32> to vector<1x16xf32>
        tpu.vector_store %arg10[%swap3A_74, %swap3A_75], %swap3A_78 {strides = array<i32>} : memref<128x128xf32, #tpu.memory_space<vmem>>, vector<1x16xf32>,
        %broadcast_in_dim3A_79 = arith.constant 0.000000e+00 : f32
        %broadcast_in_dim3A_80 = vector.broadcast %broadcast_in_dim3A_79 : f32 to vector<16xf32>
        %swap3A_81 = arith.index_cast %scan3A_31 : i32 to index
        %swap3A_82 = arith.constant 112 : index
        %swap3A_83 = tpu.vector_load %arg10[%swap3A_81, %swap3A_82] {strides = array<i32>} : memref<128x128xf32, #tpu.memory_space<vmem>>, vector<1x16xf32>,
        %swap3A_84 = vector.shape_cast %swap3A_83 : vector<1x16xf32> to vector<16xf32>
        %swap3A_85 = vector.shape_cast %broadcast_in_dim3A_80 : vector<16xf32> to vector<1x16xf32>
        tpu.vector_store %arg10[%swap3A_81, %swap3A_82], %swap3A_85 {strides = array<i32>} : memref<128x128xf32, #tpu.memory_space<vmem>>, vector<1x16xf32>,
      }
      %scan3A_11 = arith.constant 128 : i32
      %mul3A = arith.constant 640 : i32
      %mul3A_12 = arith.muli %arg1, %mul3A : i32
      %add3A = arith.constant 0 : i32
      %add3A_13 = arith.addi %mul3A_12, %add3A : i32
      "tpu.region"() ({
        %run_scoped3A = tpu.sem_alloc : memref<!tpu.dma_semaphore, #tpu.memory_space<semaphore_mem>>
        %dma_start3A = arith.constant 0 : i32
        %dma_start3A_31 = tpu.memref_slice %arg11[%add3A_13, %dma_start3A] : memref<10240x128xf32, #tpu.memory_space<vmem_shared>> -> memref<128x128xf32, #tpu.memory_space<vmem_shared>>
        %dma_start3A_32 = arith.constant 0 : i32
        %dma_start3A_33 = tpu.memref_slice %arg11[%add3A_13, %dma_start3A_32] : memref<10240x128xf32, #tpu.memory_space<vmem_shared>> -> memref<128x128xf32, #tpu.memory_space<vmem_shared>>
        tpu.enqueue_dma source(%arg10 : memref<128x128xf32, #tpu.memory_space<vmem>>) target(%dma_start3A_33 : memref<128x128xf32, #tpu.memory_space<vmem_shared>>) target_semaphore(%run_scoped3A : memref<!tpu.dma_semaphore, #tpu.memory_space<semaphore_mem>>)
        %dma_wait3A = arith.constant 0 : i32
        %dma_wait3A_34 = tpu.memref_slice %arg11[%add3A_13, %dma_wait3A] : memref<10240x128xf32, #tpu.memory_space<vmem_shared>> -> memref<128x128xf32, #tpu.memory_space<vmem_shared>>
        %dma_wait3A_35 = arith.constant 0 : i32
        %dma_wait3A_36 = tpu.memref_slice %arg11[%add3A_13, %dma_wait3A_35] : memref<10240x128xf32, #tpu.memory_space<vmem_shared>> -> memref<128x128xf32, #tpu.memory_space<vmem_shared>>
        tpu.wait_dma2 semaphore(%run_scoped3A : memref<!tpu.dma_semaphore, #tpu.memory_space<semaphore_mem>>) src(%arg10 : memref<128x128xf32, #tpu.memory_space<vmem>>) dst(%dma_wait3A_36 : memref<128x128xf32, #tpu.memory_space<vmem_shared>>)
        tpu.yield
      }) : () -> ()
      %add3A_14 = arith.constant 128 : i32
      %add3A_15 = arith.addi %mul3A_12, %add3A_14 : i32
      "tpu.region"() ({
        %run_scoped3A = tpu.sem_alloc : memref<!tpu.dma_semaphore, #tpu.memory_space<semaphore_mem>>
        %dma_start3A = arith.constant 0 : i32
        %dma_start3A_31 = tpu.memref_slice %arg11[%add3A_15, %dma_start3A] : memref<10240x128xf32, #tpu.memory_space<vmem_shared>> -> memref<128x128xf32, #tpu.memory_space<vmem_shared>>
        %dma_start3A_32 = arith.constant 0 : i32
        %dma_start3A_33 = tpu.memref_slice %arg11[%add3A_15, %dma_start3A_32] : memref<10240x128xf32, #tpu.memory_space<vmem_shared>> -> memref<128x128xf32, #tpu.memory_space<vmem_shared>>
        tpu.enqueue_dma source(%arg10 : memref<128x128xf32, #tpu.memory_space<vmem>>) target(%dma_start3A_33 : memref<128x128xf32, #tpu.memory_space<vmem_shared>>) target_semaphore(%run_scoped3A : memref<!tpu.dma_semaphore, #tpu.memory_space<semaphore_mem>>)
        %dma_wait3A = arith.constant 0 : i32
        %dma_wait3A_34 = tpu.memref_slice %arg11[%add3A_15, %dma_wait3A] : memref<10240x128xf32, #tpu.memory_space<vmem_shared>> -> memref<128x128xf32, #tpu.memory_space<vmem_shared>>
        %dma_wait3A_35 = arith.constant 0 : i32
        %dma_wait3A_36 = tpu.memref_slice %arg11[%add3A_15, %dma_wait3A_35] : memref<10240x128xf32, #tpu.memory_space<vmem_shared>> -> memref<128x128xf32, #tpu.memory_space<vmem_shared>>
        tpu.wait_dma2 semaphore(%run_scoped3A : memref<!tpu.dma_semaphore, #tpu.memory_space<semaphore_mem>>) src(%arg10 : memref<128x128xf32, #tpu.memory_space<vmem>>) dst(%dma_wait3A_36 : memref<128x128xf32, #tpu.memory_space<vmem_shared>>)
        tpu.yield
      }) : () -> ()
      %add3A_16 = arith.constant 256 : i32
      %add3A_17 = arith.addi %mul3A_12, %add3A_16 : i32
      "tpu.region"() ({
        %run_scoped3A = tpu.sem_alloc : memref<!tpu.dma_semaphore, #tpu.memory_space<semaphore_mem>>
        %dma_start3A = arith.constant 0 : i32
        %dma_start3A_31 = tpu.memref_slice %arg11[%add3A_17, %dma_start3A] : memref<10240x128xf32, #tpu.memory_space<vmem_shared>> -> memref<128x128xf32, #tpu.memory_space<vmem_shared>>
        %dma_start3A_32 = arith.constant 0 : i32
        %dma_start3A_33 = tpu.memref_slice %arg11[%add3A_17, %dma_start3A_32] : memref<10240x128xf32, #tpu.memory_space<vmem_shared>> -> memref<128x128xf32, #tpu.memory_space<vmem_shared>>
        tpu.enqueue_dma source(%arg10 : memref<128x128xf32, #tpu.memory_space<vmem>>) target(%dma_start3A_33 : memref<128x128xf32, #tpu.memory_space<vmem_shared>>) target_semaphore(%run_scoped3A : memref<!tpu.dma_semaphore, #tpu.memory_space<semaphore_mem>>)
        %dma_wait3A = arith.constant 0 : i32
        %dma_wait3A_34 = tpu.memref_slice %arg11[%add3A_17, %dma_wait3A] : memref<10240x128xf32, #tpu.memory_space<vmem_shared>> -> memref<128x128xf32, #tpu.memory_space<vmem_shared>>
        %dma_wait3A_35 = arith.constant 0 : i32
        %dma_wait3A_36 = tpu.memref_slice %arg11[%add3A_17, %dma_wait3A_35] : memref<10240x128xf32, #tpu.memory_space<vmem_shared>> -> memref<128x128xf32, #tpu.memory_space<vmem_shared>>
        tpu.wait_dma2 semaphore(%run_scoped3A : memref<!tpu.dma_semaphore, #tpu.memory_space<semaphore_mem>>) src(%arg10 : memref<128x128xf32, #tpu.memory_space<vmem>>) dst(%dma_wait3A_36 : memref<128x128xf32, #tpu.memory_space<vmem_shared>>)
        tpu.yield
      }) : () -> ()
      %add3A_18 = arith.constant 384 : i32
      %add3A_19 = arith.addi %mul3A_12, %add3A_18 : i32
      "tpu.region"() ({
        %run_scoped3A = tpu.sem_alloc : memref<!tpu.dma_semaphore, #tpu.memory_space<semaphore_mem>>
        %dma_start3A = arith.constant 0 : i32
        %dma_start3A_31 = tpu.memref_slice %arg11[%add3A_19, %dma_start3A] : memref<10240x128xf32, #tpu.memory_space<vmem_shared>> -> memref<128x128xf32, #tpu.memory_space<vmem_shared>>
        %dma_start3A_32 = arith.constant 0 : i32
        %dma_start3A_33 = tpu.memref_slice %arg11[%add3A_19, %dma_start3A_32] : memref<10240x128xf32, #tpu.memory_space<vmem_shared>> -> memref<128x128xf32, #tpu.memory_space<vmem_shared>>
        tpu.enqueue_dma source(%arg10 : memref<128x128xf32, #tpu.memory_space<vmem>>) target(%dma_start3A_33 : memref<128x128xf32, #tpu.memory_space<vmem_shared>>) target_semaphore(%run_scoped3A : memref<!tpu.dma_semaphore, #tpu.memory_space<semaphore_mem>>)
        %dma_wait3A = arith.constant 0 : i32
        %dma_wait3A_34 = tpu.memref_slice %arg11[%add3A_19, %dma_wait3A] : memref<10240x128xf32, #tpu.memory_space<vmem_shared>> -> memref<128x128xf32, #tpu.memory_space<vmem_shared>>
        %dma_wait3A_35 = arith.constant 0 : i32
        %dma_wait3A_36 = tpu.memref_slice %arg11[%add3A_19, %dma_wait3A_35] : memref<10240x128xf32, #tpu.memory_space<vmem_shared>> -> memref<128x128xf32, #tpu.memory_space<vmem_shared>>
        tpu.wait_dma2 semaphore(%run_scoped3A : memref<!tpu.dma_semaphore, #tpu.memory_space<semaphore_mem>>) src(%arg10 : memref<128x128xf32, #tpu.memory_space<vmem>>) dst(%dma_wait3A_36 : memref<128x128xf32, #tpu.memory_space<vmem_shared>>)
        tpu.yield
      }) : () -> ()
      %add3A_20 = arith.constant 512 : i32
      %add3A_21 = arith.addi %mul3A_12, %add3A_20 : i32
      "tpu.region"() ({
        %run_scoped3A = tpu.sem_alloc : memref<!tpu.dma_semaphore, #tpu.memory_space<semaphore_mem>>
        %dma_start3A = arith.constant 0 : i32
        %dma_start3A_31 = tpu.memref_slice %arg11[%add3A_21, %dma_start3A] : memref<10240x128xf32, #tpu.memory_space<vmem_shared>> -> memref<128x128xf32, #tpu.memory_space<vmem_shared>>
        %dma_start3A_32 = arith.constant 0 : i32
        %dma_start3A_33 = tpu.memref_slice %arg11[%add3A_21, %dma_start3A_32] : memref<10240x128xf32, #tpu.memory_space<vmem_shared>> -> memref<128x128xf32, #tpu.memory_space<vmem_shared>>
        tpu.enqueue_dma source(%arg10 : memref<128x128xf32, #tpu.memory_space<vmem>>) target(%dma_start3A_33 : memref<128x128xf32, #tpu.memory_space<vmem_shared>>) target_semaphore(%run_scoped3A : memref<!tpu.dma_semaphore, #tpu.memory_space<semaphore_mem>>)
        %dma_wait3A = arith.constant 0 : i32
        %dma_wait3A_34 = tpu.memref_slice %arg11[%add3A_21, %dma_wait3A] : memref<10240x128xf32, #tpu.memory_space<vmem_shared>> -> memref<128x128xf32, #tpu.memory_space<vmem_shared>>
        %dma_wait3A_35 = arith.constant 0 : i32
        %dma_wait3A_36 = tpu.memref_slice %arg11[%add3A_21, %dma_wait3A_35] : memref<10240x128xf32, #tpu.memory_space<vmem_shared>> -> memref<128x128xf32, #tpu.memory_space<vmem_shared>>
        tpu.wait_dma2 semaphore(%run_scoped3A : memref<!tpu.dma_semaphore, #tpu.memory_space<semaphore_mem>>) src(%arg10 : memref<128x128xf32, #tpu.memory_space<vmem>>) dst(%dma_wait3A_36 : memref<128x128xf32, #tpu.memory_space<vmem_shared>>)
        tpu.yield
      }) : () -> ()
      %barrier3A = arith.constant 0 : index
      tpu.barrier barrier_id(%barrier3A)
      %scan3A_22 = arith.constant 0 : i32
      %scan3A_23 = arith.constant 0 : i32
      %scan3A_24 = arith.constant 20 : i32
      %scan3A_25 = arith.addi %scan3A_23, %scan3A_24 : i32
      %scan3A_26 = arith.constant 1 : i32
      scf.for %scan3A_31 = %scan3A_23 to %scan3A_25 step %scan3A_26  : i32 {
        %mul3A_32 = arith.constant 8 : i32
        %mul3A_33 = arith.muli %scan3A_31, %mul3A_32 : i32
        "tpu.region"() ({
          %run_scoped3A_51 = tpu.sem_alloc : memref<!tpu.dma_semaphore, #tpu.memory_space<semaphore_mem>>
          %dma_start3A = arith.constant 0 : i32
          %dma_start3A_52 = tpu.memref_slice %arg4[%arg1, %mul3A_33, %dma_start3A] : memref<16x160x128xi32, #tpu.memory_space<hbm>> -> memref<1x8x128xi32, #tpu.memory_space<hbm>>
          %dma_start3A_53 = tpu.memref_squeeze %dma_start3A_52 : memref<1x8x128xi32, #tpu.memory_space<hbm>> -> memref<8x128xi32, #tpu.memory_space<hbm>>
          %dma_start3A_54 = arith.constant 0 : i32
          %dma_start3A_55 = tpu.memref_slice %arg4[%arg1, %mul3A_33, %dma_start3A_54] : memref<16x160x128xi32, #tpu.memory_space<hbm>> -> memref<1x8x128xi32, #tpu.memory_space<hbm>>
          %dma_start3A_56 = tpu.memref_squeeze %dma_start3A_55 : memref<1x8x128xi32, #tpu.memory_space<hbm>> -> memref<8x128xi32, #tpu.memory_space<hbm>>
          tpu.enqueue_dma source(%dma_start3A_56 : memref<8x128xi32, #tpu.memory_space<hbm>>) target(%arg8 : memref<8x128xi32, #tpu.memory_space<vmem>>) target_semaphore(%run_scoped3A_51 : memref<!tpu.dma_semaphore, #tpu.memory_space<semaphore_mem>>)
          %dma_wait3A = arith.constant 0 : i32
          %dma_wait3A_57 = tpu.memref_slice %arg4[%arg1, %mul3A_33, %dma_wait3A] : memref<16x160x128xi32, #tpu.memory_space<hbm>> -> memref<1x8x128xi32, #tpu.memory_space<hbm>>
          %dma_wait3A_58 = tpu.memref_squeeze %dma_wait3A_57 : memref<1x8x128xi32, #tpu.memory_space<hbm>> -> memref<8x128xi32, #tpu.memory_space<hbm>>
          %dma_wait3A_59 = arith.constant 0 : i32
          %dma_wait3A_60 = tpu.memref_slice %arg4[%arg1, %mul3A_33, %dma_wait3A_59] : memref<16x160x128xi32, #tpu.memory_space<hbm>> -> memref<1x8x128xi32, #tpu.memory_space<hbm>>
          %dma_wait3A_61 = tpu.memref_squeeze %dma_wait3A_60 : memref<1x8x128xi32, #tpu.memory_space<hbm>> -> memref<8x128xi32, #tpu.memory_space<hbm>>
          tpu.wait_dma2 semaphore(%run_scoped3A_51 : memref<!tpu.dma_semaphore, #tpu.memory_space<semaphore_mem>>) src(%dma_wait3A_61 : memref<8x128xi32, #tpu.memory_space<hbm>>) dst(%arg8 : memref<8x128xi32, #tpu.memory_space<vmem>>)
          tpu.yield
        }) : () -> ()
        %mul3A_34 = arith.constant 8 : i32
        %mul3A_35 = arith.muli %scan3A_31, %mul3A_34 : i32
        "tpu.region"() ({
          %run_scoped3A_51 = tpu.sem_alloc : memref<!tpu.dma_semaphore, #tpu.memory_space<semaphore_mem>>
          %dma_start3A = arith.constant 0 : i32
          %dma_start3A_52 = tpu.memref_slice %arg5[%arg1, %mul3A_35, %dma_start3A] : memref<16x160x128xi32, #tpu.memory_space<hbm>> -> memref<1x8x128xi32, #tpu.memory_space<hbm>>
          %dma_start3A_53 = tpu.memref_squeeze %dma_start3A_52 : memref<1x8x128xi32, #tpu.memory_space<hbm>> -> memref<8x128xi32, #tpu.memory_space<hbm>>
          %dma_start3A_54 = arith.constant 0 : i32
          %dma_start3A_55 = tpu.memref_slice %arg5[%arg1, %mul3A_35, %dma_start3A_54] : memref<16x160x128xi32, #tpu.memory_space<hbm>> -> memref<1x8x128xi32, #tpu.memory_space<hbm>>
          %dma_start3A_56 = tpu.memref_squeeze %dma_start3A_55 : memref<1x8x128xi32, #tpu.memory_space<hbm>> -> memref<8x128xi32, #tpu.memory_space<hbm>>
          tpu.enqueue_dma source(%dma_start3A_56 : memref<8x128xi32, #tpu.memory_space<hbm>>) target(%arg9 : memref<8x128xi32, #tpu.memory_space<vmem>>) target_semaphore(%run_scoped3A_51 : memref<!tpu.dma_semaphore, #tpu.memory_space<semaphore_mem>>)
          %dma_wait3A = arith.constant 0 : i32
          %dma_wait3A_57 = tpu.memref_slice %arg5[%arg1, %mul3A_35, %dma_wait3A] : memref<16x160x128xi32, #tpu.memory_space<hbm>> -> memref<1x8x128xi32, #tpu.memory_space<hbm>>
          %dma_wait3A_58 = tpu.memref_squeeze %dma_wait3A_57 : memref<1x8x128xi32, #tpu.memory_space<hbm>> -> memref<8x128xi32, #tpu.memory_space<hbm>>
          %dma_wait3A_59 = arith.constant 0 : i32
          %dma_wait3A_60 = tpu.memref_slice %arg5[%arg1, %mul3A_35, %dma_wait3A_59] : memref<16x160x128xi32, #tpu.memory_space<hbm>> -> memref<1x8x128xi32, #tpu.memory_space<hbm>>
          %dma_wait3A_61 = tpu.memref_squeeze %dma_wait3A_60 : memref<1x8x128xi32, #tpu.memory_space<hbm>> -> memref<8x128xi32, #tpu.memory_space<hbm>>
          tpu.wait_dma2 semaphore(%run_scoped3A_51 : memref<!tpu.dma_semaphore, #tpu.memory_space<semaphore_mem>>) src(%dma_wait3A_61 : memref<8x128xi32, #tpu.memory_space<hbm>>) dst(%arg9 : memref<8x128xi32, #tpu.memory_space<vmem>>)
          tpu.yield
        }) : () -> ()
        %run_scoped3A = arith.constant 0 : i32
        "tpu.region"() ({
          %run_scoped3A_51 = tpu.sem_alloc : memref<!tpu.dma_semaphore, #tpu.memory_space<semaphore_mem>>
          %dma_start3A = arith.constant 0 : i32
          %dma_start3A_52 = tpu.memref_slice %arg8[%run_scoped3A, %dma_start3A] : memref<8x128xi32, #tpu.memory_space<vmem>> -> memref<1x128xi32, #tpu.memory_space<vmem>>
          %dma_start3A_53 = tpu.memref_squeeze %dma_start3A_52 : memref<1x128xi32, #tpu.memory_space<vmem>> -> memref<128xi32, #tpu.memory_space<vmem>>
          %dma_start3A_54 = arith.constant 0 : i32
          %dma_start3A_55 = arith.constant 0 : i32
          %dma_start3A_56 = tpu.memref_slice %arg2[%dma_start3A_54, %dma_start3A_55] : memref<10000x128xf32, #tpu.memory_space<hbm>> -> memref<10000x128xf32, #tpu.memory_space<hbm>>
          tpu.enqueue_indirect_dma source(%dma_start3A_56 : memref<10000x128xf32, #tpu.memory_space<hbm>>) target(%arg10 : memref<128x128xf32, #tpu.memory_space<vmem>>) offsets(%dma_start3A_53 : memref<128xi32, #tpu.memory_space<vmem>>) semaphore(%run_scoped3A_51 : memref<!tpu.dma_semaphore, #tpu.memory_space<semaphore_mem>>)
          %dma_wait3A = arith.constant 0 : i32
          %dma_wait3A_57 = tpu.memref_slice %arg8[%run_scoped3A, %dma_wait3A] : memref<8x128xi32, #tpu.memory_space<vmem>> -> memref<1x128xi32, #tpu.memory_space<vmem>>
          %dma_wait3A_58 = tpu.memref_squeeze %dma_wait3A_57 : memref<1x128xi32, #tpu.memory_space<vmem>> -> memref<128xi32, #tpu.memory_space<vmem>>
          %dma_wait3A_59 = arith.constant 0 : i32
          %dma_wait3A_60 = arith.constant 0 : i32
          %dma_wait3A_61 = tpu.memref_slice %arg2[%dma_wait3A_59, %dma_wait3A_60] : memref<10000x128xf32, #tpu.memory_space<hbm>> -> memref<10000x128xf32, #tpu.memory_space<hbm>>
          tpu.wait_indirect_dma semaphore(%run_scoped3A_51 : memref<!tpu.dma_semaphore, #tpu.memory_space<semaphore_mem>>) src(%dma_wait3A_61 : memref<10000x128xf32, #tpu.memory_space<hbm>>) dst(%arg10 : memref<128x128xf32, #tpu.memory_space<vmem>>)
          tpu.yield
        }) : () -> ()
        %run_scoped3A_36 = arith.constant 0 : i32
        "tpu.region"() ({
          %run_scoped3A_51 = tpu.sem_alloc : memref<!tpu.dma_semaphore, #tpu.memory_space<semaphore_mem>>
          %dma_start3A = arith.constant 0 : i32
          %dma_start3A_52 = tpu.memref_slice %arg9[%run_scoped3A_36, %dma_start3A] : memref<8x128xi32, #tpu.memory_space<vmem>> -> memref<1x128xi32, #tpu.memory_space<vmem>>
          %dma_start3A_53 = tpu.memref_squeeze %dma_start3A_52 : memref<1x128xi32, #tpu.memory_space<vmem>> -> memref<128xi32, #tpu.memory_space<vmem>>
          %dma_start3A_54 = arith.constant 0 : i32
          %dma_start3A_55 = arith.constant 0 : i32
          %dma_start3A_56 = tpu.memref_slice %arg11[%dma_start3A_54, %dma_start3A_55] : memref<10240x128xf32, #tpu.memory_space<vmem_shared>> -> memref<10240x128xf32, #tpu.memory_space<vmem_shared>>
          tpu.enqueue_indirect_dma source(%arg10 : memref<128x128xf32, #tpu.memory_space<vmem>>) target(%dma_start3A_56 : memref<10240x128xf32, #tpu.memory_space<vmem_shared>>) offsets(%dma_start3A_53 : memref<128xi32, #tpu.memory_space<vmem>>) semaphore(%run_scoped3A_51 : memref<!tpu.dma_semaphore, #tpu.memory_space<semaphore_mem>>) {add = true}
          %dma_wait3A = arith.constant 0 : i32
          %dma_wait3A_57 = tpu.memref_slice %arg9[%run_scoped3A_36, %dma_wait3A] : memref<8x128xi32, #tpu.memory_space<vmem>> -> memref<1x128xi32, #tpu.memory_space<vmem>>
          %dma_wait3A_58 = tpu.memref_squeeze %dma_wait3A_57 : memref<1x128xi32, #tpu.memory_space<vmem>> -> memref<128xi32, #tpu.memory_space<vmem>>
          %dma_wait3A_59 = arith.constant 0 : i32
          %dma_wait3A_60 = arith.constant 0 : i32
          %dma_wait3A_61 = tpu.memref_slice %arg11[%dma_wait3A_59, %dma_wait3A_60] : memref<10240x128xf32, #tpu.memory_space<vmem_shared>> -> memref<10240x128xf32, #tpu.memory_space<vmem_shared>>
          tpu.wait_indirect_dma semaphore(%run_scoped3A_51 : memref<!tpu.dma_semaphore, #tpu.memory_space<semaphore_mem>>) src(%arg10 : memref<128x128xf32, #tpu.memory_space<vmem>>) dst(%dma_wait3A_61 : memref<10240x128xf32, #tpu.memory_space<vmem_shared>>)
          tpu.yield
        }) : () -> ()
        %run_scoped3A_37 = arith.constant 1 : i32
        "tpu.region"() ({
          %run_scoped3A_51 = tpu.sem_alloc : memref<!tpu.dma_semaphore, #tpu.memory_space<semaphore_mem>>
          %dma_start3A = arith.constant 0 : i32
          %dma_start3A_52 = tpu.memref_slice %arg8[%run_scoped3A_37, %dma_start3A] : memref<8x128xi32, #tpu.memory_space<vmem>> -> memref<1x128xi32, #tpu.memory_space<vmem>>
          %dma_start3A_53 = tpu.memref_squeeze %dma_start3A_52 : memref<1x128xi32, #tpu.memory_space<vmem>> -> memref<128xi32, #tpu.memory_space<vmem>>
          %dma_start3A_54 = arith.constant 0 : i32
          %dma_start3A_55 = arith.constant 0 : i32
          %dma_start3A_56 = tpu.memref_slice %arg2[%dma_start3A_54, %dma_start3A_55] : memref<10000x128xf32, #tpu.memory_space<hbm>> -> memref<10000x128xf32, #tpu.memory_space<hbm>>
          tpu.enqueue_indirect_dma source(%dma_start3A_56 : memref<10000x128xf32, #tpu.memory_space<hbm>>) target(%arg10 : memref<128x128xf32, #tpu.memory_space<vmem>>) offsets(%dma_start3A_53 : memref<128xi32, #tpu.memory_space<vmem>>) semaphore(%run_scoped3A_51 : memref<!tpu.dma_semaphore, #tpu.memory_space<semaphore_mem>>)
          %dma_wait3A = arith.constant 0 : i32
          %dma_wait3A_57 = tpu.memref_slice %arg8[%run_scoped3A_37, %dma_wait3A] : memref<8x128xi32, #tpu.memory_space<vmem>> -> memref<1x128xi32, #tpu.memory_space<vmem>>
          %dma_wait3A_58 = tpu.memref_squeeze %dma_wait3A_57 : memref<1x128xi32, #tpu.memory_space<vmem>> -> memref<128xi32, #tpu.memory_space<vmem>>
          %dma_wait3A_59 = arith.constant 0 : i32
          %dma_wait3A_60 = arith.constant 0 : i32
          %dma_wait3A_61 = tpu.memref_slice %arg2[%dma_wait3A_59, %dma_wait3A_60] : memref<10000x128xf32, #tpu.memory_space<hbm>> -> memref<10000x128xf32, #tpu.memory_space<hbm>>
          tpu.wait_indirect_dma semaphore(%run_scoped3A_51 : memref<!tpu.dma_semaphore, #tpu.memory_space<semaphore_mem>>) src(%dma_wait3A_61 : memref<10000x128xf32, #tpu.memory_space<hbm>>) dst(%arg10 : memref<128x128xf32, #tpu.memory_space<vmem>>)
          tpu.yield
        }) : () -> ()
        %run_scoped3A_38 = arith.constant 1 : i32
        "tpu.region"() ({
          %run_scoped3A_51 = tpu.sem_alloc : memref<!tpu.dma_semaphore, #tpu.memory_space<semaphore_mem>>
          %dma_start3A = arith.constant 0 : i32
          %dma_start3A_52 = tpu.memref_slice %arg9[%run_scoped3A_38, %dma_start3A] : memref<8x128xi32, #tpu.memory_space<vmem>> -> memref<1x128xi32, #tpu.memory_space<vmem>>
          %dma_start3A_53 = tpu.memref_squeeze %dma_start3A_52 : memref<1x128xi32, #tpu.memory_space<vmem>> -> memref<128xi32, #tpu.memory_space<vmem>>
          %dma_start3A_54 = arith.constant 0 : i32
          %dma_start3A_55 = arith.constant 0 : i32
          %dma_start3A_56 = tpu.memref_slice %arg11[%dma_start3A_54, %dma_start3A_55] : memref<10240x128xf32, #tpu.memory_space<vmem_shared>> -> memref<10240x128xf32, #tpu.memory_space<vmem_shared>>
          tpu.enqueue_indirect_dma source(%arg10 : memref<128x128xf32, #tpu.memory_space<vmem>>) target(%dma_start3A_56 : memref<10240x128xf32, #tpu.memory_space<vmem_shared>>) offsets(%dma_start3A_53 : memref<128xi32, #tpu.memory_space<vmem>>) semaphore(%run_scoped3A_51 : memref<!tpu.dma_semaphore, #tpu.memory_space<semaphore_mem>>) {add = true}
          %dma_wait3A = arith.constant 0 : i32
          %dma_wait3A_57 = tpu.memref_slice %arg9[%run_scoped3A_38, %dma_wait3A] : memref<8x128xi32, #tpu.memory_space<vmem>> -> memref<1x128xi32, #tpu.memory_space<vmem>>
          %dma_wait3A_58 = tpu.memref_squeeze %dma_wait3A_57 : memref<1x128xi32, #tpu.memory_space<vmem>> -> memref<128xi32, #tpu.memory_space<vmem>>
          %dma_wait3A_59 = arith.constant 0 : i32
          %dma_wait3A_60 = arith.constant 0 : i32
          %dma_wait3A_61 = tpu.memref_slice %arg11[%dma_wait3A_59, %dma_wait3A_60] : memref<10240x128xf32, #tpu.memory_space<vmem_shared>> -> memref<10240x128xf32, #tpu.memory_space<vmem_shared>>
          tpu.wait_indirect_dma semaphore(%run_scoped3A_51 : memref<!tpu.dma_semaphore, #tpu.memory_space<semaphore_mem>>) src(%arg10 : memref<128x128xf32, #tpu.memory_space<vmem>>) dst(%dma_wait3A_61 : memref<10240x128xf32, #tpu.memory_space<vmem_shared>>)
          tpu.yield
        }) : () -> ()
        %run_scoped3A_39 = arith.constant 2 : i32
        "tpu.region"() ({
          %run_scoped3A_51 = tpu.sem_alloc : memref<!tpu.dma_semaphore, #tpu.memory_space<semaphore_mem>>
          %dma_start3A = arith.constant 0 : i32
          %dma_start3A_52 = tpu.memref_slice %arg8[%run_scoped3A_39, %dma_start3A] : memref<8x128xi32, #tpu.memory_space<vmem>> -> memref<1x128xi32, #tpu.memory_space<vmem>>
          %dma_start3A_53 = tpu.memref_squeeze %dma_start3A_52 : memref<1x128xi32, #tpu.memory_space<vmem>> -> memref<128xi32, #tpu.memory_space<vmem>>
          %dma_start3A_54 = arith.constant 0 : i32
          %dma_start3A_55 = arith.constant 0 : i32
          %dma_start3A_56 = tpu.memref_slice %arg2[%dma_start3A_54, %dma_start3A_55] : memref<10000x128xf32, #tpu.memory_space<hbm>> -> memref<10000x128xf32, #tpu.memory_space<hbm>>
          tpu.enqueue_indirect_dma source(%dma_start3A_56 : memref<10000x128xf32, #tpu.memory_space<hbm>>) target(%arg10 : memref<128x128xf32, #tpu.memory_space<vmem>>) offsets(%dma_start3A_53 : memref<128xi32, #tpu.memory_space<vmem>>) semaphore(%run_scoped3A_51 : memref<!tpu.dma_semaphore, #tpu.memory_space<semaphore_mem>>)
          %dma_wait3A = arith.constant 0 : i32
          %dma_wait3A_57 = tpu.memref_slice %arg8[%run_scoped3A_39, %dma_wait3A] : memref<8x128xi32, #tpu.memory_space<vmem>> -> memref<1x128xi32, #tpu.memory_space<vmem>>
          %dma_wait3A_58 = tpu.memref_squeeze %dma_wait3A_57 : memref<1x128xi32, #tpu.memory_space<vmem>> -> memref<128xi32, #tpu.memory_space<vmem>>
          %dma_wait3A_59 = arith.constant 0 : i32
          %dma_wait3A_60 = arith.constant 0 : i32
          %dma_wait3A_61 = tpu.memref_slice %arg2[%dma_wait3A_59, %dma_wait3A_60] : memref<10000x128xf32, #tpu.memory_space<hbm>> -> memref<10000x128xf32, #tpu.memory_space<hbm>>
          tpu.wait_indirect_dma semaphore(%run_scoped3A_51 : memref<!tpu.dma_semaphore, #tpu.memory_space<semaphore_mem>>) src(%dma_wait3A_61 : memref<10000x128xf32, #tpu.memory_space<hbm>>) dst(%arg10 : memref<128x128xf32, #tpu.memory_space<vmem>>)
          tpu.yield
        }) : () -> ()
        %run_scoped3A_40 = arith.constant 2 : i32
        "tpu.region"() ({
          %run_scoped3A_51 = tpu.sem_alloc : memref<!tpu.dma_semaphore, #tpu.memory_space<semaphore_mem>>
          %dma_start3A = arith.constant 0 : i32
          %dma_start3A_52 = tpu.memref_slice %arg9[%run_scoped3A_40, %dma_start3A] : memref<8x128xi32, #tpu.memory_space<vmem>> -> memref<1x128xi32, #tpu.memory_space<vmem>>
          %dma_start3A_53 = tpu.memref_squeeze %dma_start3A_52 : memref<1x128xi32, #tpu.memory_space<vmem>> -> memref<128xi32, #tpu.memory_space<vmem>>
          %dma_start3A_54 = arith.constant 0 : i32
          %dma_start3A_55 = arith.constant 0 : i32
          %dma_start3A_56 = tpu.memref_slice %arg11[%dma_start3A_54, %dma_start3A_55] : memref<10240x128xf32, #tpu.memory_space<vmem_shared>> -> memref<10240x128xf32, #tpu.memory_space<vmem_shared>>
          tpu.enqueue_indirect_dma source(%arg10 : memref<128x128xf32, #tpu.memory_space<vmem>>) target(%dma_start3A_56 : memref<10240x128xf32, #tpu.memory_space<vmem_shared>>) offsets(%dma_start3A_53 : memref<128xi32, #tpu.memory_space<vmem>>) semaphore(%run_scoped3A_51 : memref<!tpu.dma_semaphore, #tpu.memory_space<semaphore_mem>>) {add = true}
          %dma_wait3A = arith.constant 0 : i32
          %dma_wait3A_57 = tpu.memref_slice %arg9[%run_scoped3A_40, %dma_wait3A] : memref<8x128xi32, #tpu.memory_space<vmem>> -> memref<1x128xi32, #tpu.memory_space<vmem>>
          %dma_wait3A_58 = tpu.memref_squeeze %dma_wait3A_57 : memref<1x128xi32, #tpu.memory_space<vmem>> -> memref<128xi32, #tpu.memory_space<vmem>>
          %dma_wait3A_59 = arith.constant 0 : i32
          %dma_wait3A_60 = arith.constant 0 : i32
          %dma_wait3A_61 = tpu.memref_slice %arg11[%dma_wait3A_59, %dma_wait3A_60] : memref<10240x128xf32, #tpu.memory_space<vmem_shared>> -> memref<10240x128xf32, #tpu.memory_space<vmem_shared>>
          tpu.wait_indirect_dma semaphore(%run_scoped3A_51 : memref<!tpu.dma_semaphore, #tpu.memory_space<semaphore_mem>>) src(%arg10 : memref<128x128xf32, #tpu.memory_space<vmem>>) dst(%dma_wait3A_61 : memref<10240x128xf32, #tpu.memory_space<vmem_shared>>)
          tpu.yield
        }) : () -> ()
        %run_scoped3A_41 = arith.constant 3 : i32
        "tpu.region"() ({
          %run_scoped3A_51 = tpu.sem_alloc : memref<!tpu.dma_semaphore, #tpu.memory_space<semaphore_mem>>
          %dma_start3A = arith.constant 0 : i32
          %dma_start3A_52 = tpu.memref_slice %arg8[%run_scoped3A_41, %dma_start3A] : memref<8x128xi32, #tpu.memory_space<vmem>> -> memref<1x128xi32, #tpu.memory_space<vmem>>
          %dma_start3A_53 = tpu.memref_squeeze %dma_start3A_52 : memref<1x128xi32, #tpu.memory_space<vmem>> -> memref<128xi32, #tpu.memory_space<vmem>>
          %dma_start3A_54 = arith.constant 0 : i32
          %dma_start3A_55 = arith.constant 0 : i32
          %dma_start3A_56 = tpu.memref_slice %arg2[%dma_start3A_54, %dma_start3A_55] : memref<10000x128xf32, #tpu.memory_space<hbm>> -> memref<10000x128xf32, #tpu.memory_space<hbm>>
          tpu.enqueue_indirect_dma source(%dma_start3A_56 : memref<10000x128xf32, #tpu.memory_space<hbm>>) target(%arg10 : memref<128x128xf32, #tpu.memory_space<vmem>>) offsets(%dma_start3A_53 : memref<128xi32, #tpu.memory_space<vmem>>) semaphore(%run_scoped3A_51 : memref<!tpu.dma_semaphore, #tpu.memory_space<semaphore_mem>>)
          %dma_wait3A = arith.constant 0 : i32
          %dma_wait3A_57 = tpu.memref_slice %arg8[%run_scoped3A_41, %dma_wait3A] : memref<8x128xi32, #tpu.memory_space<vmem>> -> memref<1x128xi32, #tpu.memory_space<vmem>>
          %dma_wait3A_58 = tpu.memref_squeeze %dma_wait3A_57 : memref<1x128xi32, #tpu.memory_space<vmem>> -> memref<128xi32, #tpu.memory_space<vmem>>
          %dma_wait3A_59 = arith.constant 0 : i32
          %dma_wait3A_60 = arith.constant 0 : i32
          %dma_wait3A_61 = tpu.memref_slice %arg2[%dma_wait3A_59, %dma_wait3A_60] : memref<10000x128xf32, #tpu.memory_space<hbm>> -> memref<10000x128xf32, #tpu.memory_space<hbm>>
          tpu.wait_indirect_dma semaphore(%run_scoped3A_51 : memref<!tpu.dma_semaphore, #tpu.memory_space<semaphore_mem>>) src(%dma_wait3A_61 : memref<10000x128xf32, #tpu.memory_space<hbm>>) dst(%arg10 : memref<128x128xf32, #tpu.memory_space<vmem>>)
          tpu.yield
        }) : () -> ()
        %run_scoped3A_42 = arith.constant 3 : i32
        "tpu.region"() ({
          %run_scoped3A_51 = tpu.sem_alloc : memref<!tpu.dma_semaphore, #tpu.memory_space<semaphore_mem>>
          %dma_start3A = arith.constant 0 : i32
          %dma_start3A_52 = tpu.memref_slice %arg9[%run_scoped3A_42, %dma_start3A] : memref<8x128xi32, #tpu.memory_space<vmem>> -> memref<1x128xi32, #tpu.memory_space<vmem>>
          %dma_start3A_53 = tpu.memref_squeeze %dma_start3A_52 : memref<1x128xi32, #tpu.memory_space<vmem>> -> memref<128xi32, #tpu.memory_space<vmem>>
          %dma_start3A_54 = arith.constant 0 : i32
          %dma_start3A_55 = arith.constant 0 : i32
          %dma_start3A_56 = tpu.memref_slice %arg11[%dma_start3A_54, %dma_start3A_55] : memref<10240x128xf32, #tpu.memory_space<vmem_shared>> -> memref<10240x128xf32, #tpu.memory_space<vmem_shared>>
          tpu.enqueue_indirect_dma source(%arg10 : memref<128x128xf32, #tpu.memory_space<vmem>>) target(%dma_start3A_56 : memref<10240x128xf32, #tpu.memory_space<vmem_shared>>) offsets(%dma_start3A_53 : memref<128xi32, #tpu.memory_space<vmem>>) semaphore(%run_scoped3A_51 : memref<!tpu.dma_semaphore, #tpu.memory_space<semaphore_mem>>) {add = true}
          %dma_wait3A = arith.constant 0 : i32
          %dma_wait3A_57 = tpu.memref_slice %arg9[%run_scoped3A_42, %dma_wait3A] : memref<8x128xi32, #tpu.memory_space<vmem>> -> memref<1x128xi32, #tpu.memory_space<vmem>>
          %dma_wait3A_58 = tpu.memref_squeeze %dma_wait3A_57 : memref<1x128xi32, #tpu.memory_space<vmem>> -> memref<128xi32, #tpu.memory_space<vmem>>
          %dma_wait3A_59 = arith.constant 0 : i32
          %dma_wait3A_60 = arith.constant 0 : i32
          %dma_wait3A_61 = tpu.memref_slice %arg11[%dma_wait3A_59, %dma_wait3A_60] : memref<10240x128xf32, #tpu.memory_space<vmem_shared>> -> memref<10240x128xf32, #tpu.memory_space<vmem_shared>>
          tpu.wait_indirect_dma semaphore(%run_scoped3A_51 : memref<!tpu.dma_semaphore, #tpu.memory_space<semaphore_mem>>) src(%arg10 : memref<128x128xf32, #tpu.memory_space<vmem>>) dst(%dma_wait3A_61 : memref<10240x128xf32, #tpu.memory_space<vmem_shared>>)
          tpu.yield
        }) : () -> ()
        %run_scoped3A_43 = arith.constant 4 : i32
        "tpu.region"() ({
          %run_scoped3A_51 = tpu.sem_alloc : memref<!tpu.dma_semaphore, #tpu.memory_space<semaphore_mem>>
          %dma_start3A = arith.constant 0 : i32
          %dma_start3A_52 = tpu.memref_slice %arg8[%run_scoped3A_43, %dma_start3A] : memref<8x128xi32, #tpu.memory_space<vmem>> -> memref<1x128xi32, #tpu.memory_space<vmem>>
          %dma_start3A_53 = tpu.memref_squeeze %dma_start3A_52 : memref<1x128xi32, #tpu.memory_space<vmem>> -> memref<128xi32, #tpu.memory_space<vmem>>
          %dma_start3A_54 = arith.constant 0 : i32
          %dma_start3A_55 = arith.constant 0 : i32
          %dma_start3A_56 = tpu.memref_slice %arg2[%dma_start3A_54, %dma_start3A_55] : memref<10000x128xf32, #tpu.memory_space<hbm>> -> memref<10000x128xf32, #tpu.memory_space<hbm>>
          tpu.enqueue_indirect_dma source(%dma_start3A_56 : memref<10000x128xf32, #tpu.memory_space<hbm>>) target(%arg10 : memref<128x128xf32, #tpu.memory_space<vmem>>) offsets(%dma_start3A_53 : memref<128xi32, #tpu.memory_space<vmem>>) semaphore(%run_scoped3A_51 : memref<!tpu.dma_semaphore, #tpu.memory_space<semaphore_mem>>)
          %dma_wait3A = arith.constant 0 : i32
          %dma_wait3A_57 = tpu.memref_slice %arg8[%run_scoped3A_43, %dma_wait3A] : memref<8x128xi32, #tpu.memory_space<vmem>> -> memref<1x128xi32, #tpu.memory_space<vmem>>
          %dma_wait3A_58 = tpu.memref_squeeze %dma_wait3A_57 : memref<1x128xi32, #tpu.memory_space<vmem>> -> memref<128xi32, #tpu.memory_space<vmem>>
          %dma_wait3A_59 = arith.constant 0 : i32
          %dma_wait3A_60 = arith.constant 0 : i32
          %dma_wait3A_61 = tpu.memref_slice %arg2[%dma_wait3A_59, %dma_wait3A_60] : memref<10000x128xf32, #tpu.memory_space<hbm>> -> memref<10000x128xf32, #tpu.memory_space<hbm>>
          tpu.wait_indirect_dma semaphore(%run_scoped3A_51 : memref<!tpu.dma_semaphore, #tpu.memory_space<semaphore_mem>>) src(%dma_wait3A_61 : memref<10000x128xf32, #tpu.memory_space<hbm>>) dst(%arg10 : memref<128x128xf32, #tpu.memory_space<vmem>>)
          tpu.yield
        }) : () -> ()
        %run_scoped3A_44 = arith.constant 4 : i32
        "tpu.region"() ({
          %run_scoped3A_51 = tpu.sem_alloc : memref<!tpu.dma_semaphore, #tpu.memory_space<semaphore_mem>>
          %dma_start3A = arith.constant 0 : i32
          %dma_start3A_52 = tpu.memref_slice %arg9[%run_scoped3A_44, %dma_start3A] : memref<8x128xi32, #tpu.memory_space<vmem>> -> memref<1x128xi32, #tpu.memory_space<vmem>>
          %dma_start3A_53 = tpu.memref_squeeze %dma_start3A_52 : memref<1x128xi32, #tpu.memory_space<vmem>> -> memref<128xi32, #tpu.memory_space<vmem>>
          %dma_start3A_54 = arith.constant 0 : i32
          %dma_start3A_55 = arith.constant 0 : i32
          %dma_start3A_56 = tpu.memref_slice %arg11[%dma_start3A_54, %dma_start3A_55] : memref<10240x128xf32, #tpu.memory_space<vmem_shared>> -> memref<10240x128xf32, #tpu.memory_space<vmem_shared>>
          tpu.enqueue_indirect_dma source(%arg10 : memref<128x128xf32, #tpu.memory_space<vmem>>) target(%dma_start3A_56 : memref<10240x128xf32, #tpu.memory_space<vmem_shared>>) offsets(%dma_start3A_53 : memref<128xi32, #tpu.memory_space<vmem>>) semaphore(%run_scoped3A_51 : memref<!tpu.dma_semaphore, #tpu.memory_space<semaphore_mem>>) {add = true}
          %dma_wait3A = arith.constant 0 : i32
          %dma_wait3A_57 = tpu.memref_slice %arg9[%run_scoped3A_44, %dma_wait3A] : memref<8x128xi32, #tpu.memory_space<vmem>> -> memref<1x128xi32, #tpu.memory_space<vmem>>
          %dma_wait3A_58 = tpu.memref_squeeze %dma_wait3A_57 : memref<1x128xi32, #tpu.memory_space<vmem>> -> memref<128xi32, #tpu.memory_space<vmem>>
          %dma_wait3A_59 = arith.constant 0 : i32
          %dma_wait3A_60 = arith.constant 0 : i32
          %dma_wait3A_61 = tpu.memref_slice %arg11[%dma_wait3A_59, %dma_wait3A_60] : memref<10240x128xf32, #tpu.memory_space<vmem_shared>> -> memref<10240x128xf32, #tpu.memory_space<vmem_shared>>
          tpu.wait_indirect_dma semaphore(%run_scoped3A_51 : memref<!tpu.dma_semaphore, #tpu.memory_space<semaphore_mem>>) src(%arg10 : memref<128x128xf32, #tpu.memory_space<vmem>>) dst(%dma_wait3A_61 : memref<10240x128xf32, #tpu.memory_space<vmem_shared>>)
          tpu.yield
        }) : () -> ()
        %run_scoped3A_45 = arith.constant 5 : i32
        "tpu.region"() ({
          %run_scoped3A_51 = tpu.sem_alloc : memref<!tpu.dma_semaphore, #tpu.memory_space<semaphore_mem>>
          %dma_start3A = arith.constant 0 : i32
          %dma_start3A_52 = tpu.memref_slice %arg8[%run_scoped3A_45, %dma_start3A] : memref<8x128xi32, #tpu.memory_space<vmem>> -> memref<1x128xi32, #tpu.memory_space<vmem>>
          %dma_start3A_53 = tpu.memref_squeeze %dma_start3A_52 : memref<1x128xi32, #tpu.memory_space<vmem>> -> memref<128xi32, #tpu.memory_space<vmem>>
          %dma_start3A_54 = arith.constant 0 : i32
          %dma_start3A_55 = arith.constant 0 : i32
          %dma_start3A_56 = tpu.memref_slice %arg2[%dma_start3A_54, %dma_start3A_55] : memref<10000x128xf32, #tpu.memory_space<hbm>> -> memref<10000x128xf32, #tpu.memory_space<hbm>>
          tpu.enqueue_indirect_dma source(%dma_start3A_56 : memref<10000x128xf32, #tpu.memory_space<hbm>>) target(%arg10 : memref<128x128xf32, #tpu.memory_space<vmem>>) offsets(%dma_start3A_53 : memref<128xi32, #tpu.memory_space<vmem>>) semaphore(%run_scoped3A_51 : memref<!tpu.dma_semaphore, #tpu.memory_space<semaphore_mem>>)
          %dma_wait3A = arith.constant 0 : i32
          %dma_wait3A_57 = tpu.memref_slice %arg8[%run_scoped3A_45, %dma_wait3A] : memref<8x128xi32, #tpu.memory_space<vmem>> -> memref<1x128xi32, #tpu.memory_space<vmem>>
          %dma_wait3A_58 = tpu.memref_squeeze %dma_wait3A_57 : memref<1x128xi32, #tpu.memory_space<vmem>> -> memref<128xi32, #tpu.memory_space<vmem>>
          %dma_wait3A_59 = arith.constant 0 : i32
          %dma_wait3A_60 = arith.constant 0 : i32
          %dma_wait3A_61 = tpu.memref_slice %arg2[%dma_wait3A_59, %dma_wait3A_60] : memref<10000x128xf32, #tpu.memory_space<hbm>> -> memref<10000x128xf32, #tpu.memory_space<hbm>>
          tpu.wait_indirect_dma semaphore(%run_scoped3A_51 : memref<!tpu.dma_semaphore, #tpu.memory_space<semaphore_mem>>) src(%dma_wait3A_61 : memref<10000x128xf32, #tpu.memory_space<hbm>>) dst(%arg10 : memref<128x128xf32, #tpu.memory_space<vmem>>)
          tpu.yield
        }) : () -> ()
        %run_scoped3A_46 = arith.constant 5 : i32
        "tpu.region"() ({
          %run_scoped3A_51 = tpu.sem_alloc : memref<!tpu.dma_semaphore, #tpu.memory_space<semaphore_mem>>
          %dma_start3A = arith.constant 0 : i32
          %dma_start3A_52 = tpu.memref_slice %arg9[%run_scoped3A_46, %dma_start3A] : memref<8x128xi32, #tpu.memory_space<vmem>> -> memref<1x128xi32, #tpu.memory_space<vmem>>
          %dma_start3A_53 = tpu.memref_squeeze %dma_start3A_52 : memref<1x128xi32, #tpu.memory_space<vmem>> -> memref<128xi32, #tpu.memory_space<vmem>>
          %dma_start3A_54 = arith.constant 0 : i32
          %dma_start3A_55 = arith.constant 0 : i32
          %dma_start3A_56 = tpu.memref_slice %arg11[%dma_start3A_54, %dma_start3A_55] : memref<10240x128xf32, #tpu.memory_space<vmem_shared>> -> memref<10240x128xf32, #tpu.memory_space<vmem_shared>>
          tpu.enqueue_indirect_dma source(%arg10 : memref<128x128xf32, #tpu.memory_space<vmem>>) target(%dma_start3A_56 : memref<10240x128xf32, #tpu.memory_space<vmem_shared>>) offsets(%dma_start3A_53 : memref<128xi32, #tpu.memory_space<vmem>>) semaphore(%run_scoped3A_51 : memref<!tpu.dma_semaphore, #tpu.memory_space<semaphore_mem>>) {add = true}
          %dma_wait3A = arith.constant 0 : i32
          %dma_wait3A_57 = tpu.memref_slice %arg9[%run_scoped3A_46, %dma_wait3A] : memref<8x128xi32, #tpu.memory_space<vmem>> -> memref<1x128xi32, #tpu.memory_space<vmem>>
          %dma_wait3A_58 = tpu.memref_squeeze %dma_wait3A_57 : memref<1x128xi32, #tpu.memory_space<vmem>> -> memref<128xi32, #tpu.memory_space<vmem>>
          %dma_wait3A_59 = arith.constant 0 : i32
          %dma_wait3A_60 = arith.constant 0 : i32
          %dma_wait3A_61 = tpu.memref_slice %arg11[%dma_wait3A_59, %dma_wait3A_60] : memref<10240x128xf32, #tpu.memory_space<vmem_shared>> -> memref<10240x128xf32, #tpu.memory_space<vmem_shared>>
          tpu.wait_indirect_dma semaphore(%run_scoped3A_51 : memref<!tpu.dma_semaphore, #tpu.memory_space<semaphore_mem>>) src(%arg10 : memref<128x128xf32, #tpu.memory_space<vmem>>) dst(%dma_wait3A_61 : memref<10240x128xf32, #tpu.memory_space<vmem_shared>>)
          tpu.yield
        }) : () -> ()
        %run_scoped3A_47 = arith.constant 6 : i32
        "tpu.region"() ({
          %run_scoped3A_51 = tpu.sem_alloc : memref<!tpu.dma_semaphore, #tpu.memory_space<semaphore_mem>>
          %dma_start3A = arith.constant 0 : i32
          %dma_start3A_52 = tpu.memref_slice %arg8[%run_scoped3A_47, %dma_start3A] : memref<8x128xi32, #tpu.memory_space<vmem>> -> memref<1x128xi32, #tpu.memory_space<vmem>>
          %dma_start3A_53 = tpu.memref_squeeze %dma_start3A_52 : memref<1x128xi32, #tpu.memory_space<vmem>> -> memref<128xi32, #tpu.memory_space<vmem>>
          %dma_start3A_54 = arith.constant 0 : i32
          %dma_start3A_55 = arith.constant 0 : i32
          %dma_start3A_56 = tpu.memref_slice %arg2[%dma_start3A_54, %dma_start3A_55] : memref<10000x128xf32, #tpu.memory_space<hbm>> -> memref<10000x128xf32, #tpu.memory_space<hbm>>
          tpu.enqueue_indirect_dma source(%dma_start3A_56 : memref<10000x128xf32, #tpu.memory_space<hbm>>) target(%arg10 : memref<128x128xf32, #tpu.memory_space<vmem>>) offsets(%dma_start3A_53 : memref<128xi32, #tpu.memory_space<vmem>>) semaphore(%run_scoped3A_51 : memref<!tpu.dma_semaphore, #tpu.memory_space<semaphore_mem>>)
          %dma_wait3A = arith.constant 0 : i32
          %dma_wait3A_57 = tpu.memref_slice %arg8[%run_scoped3A_47, %dma_wait3A] : memref<8x128xi32, #tpu.memory_space<vmem>> -> memref<1x128xi32, #tpu.memory_space<vmem>>
          %dma_wait3A_58 = tpu.memref_squeeze %dma_wait3A_57 : memref<1x128xi32, #tpu.memory_space<vmem>> -> memref<128xi32, #tpu.memory_space<vmem>>
          %dma_wait3A_59 = arith.constant 0 : i32
          %dma_wait3A_60 = arith.constant 0 : i32
          %dma_wait3A_61 = tpu.memref_slice %arg2[%dma_wait3A_59, %dma_wait3A_60] : memref<10000x128xf32, #tpu.memory_space<hbm>> -> memref<10000x128xf32, #tpu.memory_space<hbm>>
          tpu.wait_indirect_dma semaphore(%run_scoped3A_51 : memref<!tpu.dma_semaphore, #tpu.memory_space<semaphore_mem>>) src(%dma_wait3A_61 : memref<10000x128xf32, #tpu.memory_space<hbm>>) dst(%arg10 : memref<128x128xf32, #tpu.memory_space<vmem>>)
          tpu.yield
        }) : () -> ()
        %run_scoped3A_48 = arith.constant 6 : i32
        "tpu.region"() ({
          %run_scoped3A_51 = tpu.sem_alloc : memref<!tpu.dma_semaphore, #tpu.memory_space<semaphore_mem>>
          %dma_start3A = arith.constant 0 : i32
          %dma_start3A_52 = tpu.memref_slice %arg9[%run_scoped3A_48, %dma_start3A] : memref<8x128xi32, #tpu.memory_space<vmem>> -> memref<1x128xi32, #tpu.memory_space<vmem>>
          %dma_start3A_53 = tpu.memref_squeeze %dma_start3A_52 : memref<1x128xi32, #tpu.memory_space<vmem>> -> memref<128xi32, #tpu.memory_space<vmem>>
          %dma_start3A_54 = arith.constant 0 : i32
          %dma_start3A_55 = arith.constant 0 : i32
          %dma_start3A_56 = tpu.memref_slice %arg11[%dma_start3A_54, %dma_start3A_55] : memref<10240x128xf32, #tpu.memory_space<vmem_shared>> -> memref<10240x128xf32, #tpu.memory_space<vmem_shared>>
          tpu.enqueue_indirect_dma source(%arg10 : memref<128x128xf32, #tpu.memory_space<vmem>>) target(%dma_start3A_56 : memref<10240x128xf32, #tpu.memory_space<vmem_shared>>) offsets(%dma_start3A_53 : memref<128xi32, #tpu.memory_space<vmem>>) semaphore(%run_scoped3A_51 : memref<!tpu.dma_semaphore, #tpu.memory_space<semaphore_mem>>) {add = true}
          %dma_wait3A = arith.constant 0 : i32
          %dma_wait3A_57 = tpu.memref_slice %arg9[%run_scoped3A_48, %dma_wait3A] : memref<8x128xi32, #tpu.memory_space<vmem>> -> memref<1x128xi32, #tpu.memory_space<vmem>>
          %dma_wait3A_58 = tpu.memref_squeeze %dma_wait3A_57 : memref<1x128xi32, #tpu.memory_space<vmem>> -> memref<128xi32, #tpu.memory_space<vmem>>
          %dma_wait3A_59 = arith.constant 0 : i32
          %dma_wait3A_60 = arith.constant 0 : i32
          %dma_wait3A_61 = tpu.memref_slice %arg11[%dma_wait3A_59, %dma_wait3A_60] : memref<10240x128xf32, #tpu.memory_space<vmem_shared>> -> memref<10240x128xf32, #tpu.memory_space<vmem_shared>>
          tpu.wait_indirect_dma semaphore(%run_scoped3A_51 : memref<!tpu.dma_semaphore, #tpu.memory_space<semaphore_mem>>) src(%arg10 : memref<128x128xf32, #tpu.memory_space<vmem>>) dst(%dma_wait3A_61 : memref<10240x128xf32, #tpu.memory_space<vmem_shared>>)
          tpu.yield
        }) : () -> ()
        %run_scoped3A_49 = arith.constant 7 : i32
        "tpu.region"() ({
          %run_scoped3A_51 = tpu.sem_alloc : memref<!tpu.dma_semaphore, #tpu.memory_space<semaphore_mem>>
          %dma_start3A = arith.constant 0 : i32
          %dma_start3A_52 = tpu.memref_slice %arg8[%run_scoped3A_49, %dma_start3A] : memref<8x128xi32, #tpu.memory_space<vmem>> -> memref<1x128xi32, #tpu.memory_space<vmem>>
          %dma_start3A_53 = tpu.memref_squeeze %dma_start3A_52 : memref<1x128xi32, #tpu.memory_space<vmem>> -> memref<128xi32, #tpu.memory_space<vmem>>
          %dma_start3A_54 = arith.constant 0 : i32
          %dma_start3A_55 = arith.constant 0 : i32
          %dma_start3A_56 = tpu.memref_slice %arg2[%dma_start3A_54, %dma_start3A_55] : memref<10000x128xf32, #tpu.memory_space<hbm>> -> memref<10000x128xf32, #tpu.memory_space<hbm>>
          tpu.enqueue_indirect_dma source(%dma_start3A_56 : memref<10000x128xf32, #tpu.memory_space<hbm>>) target(%arg10 : memref<128x128xf32, #tpu.memory_space<vmem>>) offsets(%dma_start3A_53 : memref<128xi32, #tpu.memory_space<vmem>>) semaphore(%run_scoped3A_51 : memref<!tpu.dma_semaphore, #tpu.memory_space<semaphore_mem>>)
          %dma_wait3A = arith.constant 0 : i32
          %dma_wait3A_57 = tpu.memref_slice %arg8[%run_scoped3A_49, %dma_wait3A] : memref<8x128xi32, #tpu.memory_space<vmem>> -> memref<1x128xi32, #tpu.memory_space<vmem>>
          %dma_wait3A_58 = tpu.memref_squeeze %dma_wait3A_57 : memref<1x128xi32, #tpu.memory_space<vmem>> -> memref<128xi32, #tpu.memory_space<vmem>>
          %dma_wait3A_59 = arith.constant 0 : i32
          %dma_wait3A_60 = arith.constant 0 : i32
          %dma_wait3A_61 = tpu.memref_slice %arg2[%dma_wait3A_59, %dma_wait3A_60] : memref<10000x128xf32, #tpu.memory_space<hbm>> -> memref<10000x128xf32, #tpu.memory_space<hbm>>
          tpu.wait_indirect_dma semaphore(%run_scoped3A_51 : memref<!tpu.dma_semaphore, #tpu.memory_space<semaphore_mem>>) src(%dma_wait3A_61 : memref<10000x128xf32, #tpu.memory_space<hbm>>) dst(%arg10 : memref<128x128xf32, #tpu.memory_space<vmem>>)
          tpu.yield
        }) : () -> ()
        %run_scoped3A_50 = arith.constant 7 : i32
        "tpu.region"() ({
          %run_scoped3A_51 = tpu.sem_alloc : memref<!tpu.dma_semaphore, #tpu.memory_space<semaphore_mem>>
          %dma_start3A = arith.constant 0 : i32
          %dma_start3A_52 = tpu.memref_slice %arg9[%run_scoped3A_50, %dma_start3A] : memref<8x128xi32, #tpu.memory_space<vmem>> -> memref<1x128xi32, #tpu.memory_space<vmem>>
          %dma_start3A_53 = tpu.memref_squeeze %dma_start3A_52 : memref<1x128xi32, #tpu.memory_space<vmem>> -> memref<128xi32, #tpu.memory_space<vmem>>
          %dma_start3A_54 = arith.constant 0 : i32
          %dma_start3A_55 = arith.constant 0 : i32
          %dma_start3A_56 = tpu.memref_slice %arg11[%dma_start3A_54, %dma_start3A_55] : memref<10240x128xf32, #tpu.memory_space<vmem_shared>> -> memref<10240x128xf32, #tpu.memory_space<vmem_shared>>
          tpu.enqueue_indirect_dma source(%arg10 : memref<128x128xf32, #tpu.memory_space<vmem>>) target(%dma_start3A_56 : memref<10240x128xf32, #tpu.memory_space<vmem_shared>>) offsets(%dma_start3A_53 : memref<128xi32, #tpu.memory_space<vmem>>) semaphore(%run_scoped3A_51 : memref<!tpu.dma_semaphore, #tpu.memory_space<semaphore_mem>>) {add = true}
          %dma_wait3A = arith.constant 0 : i32
          %dma_wait3A_57 = tpu.memref_slice %arg9[%run_scoped3A_50, %dma_wait3A] : memref<8x128xi32, #tpu.memory_space<vmem>> -> memref<1x128xi32, #tpu.memory_space<vmem>>
          %dma_wait3A_58 = tpu.memref_squeeze %dma_wait3A_57 : memref<1x128xi32, #tpu.memory_space<vmem>> -> memref<128xi32, #tpu.memory_space<vmem>>
          %dma_wait3A_59 = arith.constant 0 : i32
          %dma_wait3A_60 = arith.constant 0 : i32
          %dma_wait3A_61 = tpu.memref_slice %arg11[%dma_wait3A_59, %dma_wait3A_60] : memref<10240x128xf32, #tpu.memory_space<vmem_shared>> -> memref<10240x128xf32, #tpu.memory_space<vmem_shared>>
          tpu.wait_indirect_dma semaphore(%run_scoped3A_51 : memref<!tpu.dma_semaphore, #tpu.memory_space<semaphore_mem>>) src(%arg10 : memref<128x128xf32, #tpu.memory_space<vmem>>) dst(%dma_wait3A_61 : memref<10240x128xf32, #tpu.memory_space<vmem_shared>>)
          tpu.yield
        }) : () -> ()
      }
      %scan3A_27 = arith.constant 20 : i32
      %barrier3A_28 = arith.constant 0 : index
      tpu.barrier barrier_id(%barrier3A_28)
      %mul3A_29 = arith.constant 640 : i32
      %mul3A_30 = arith.muli %arg1, %mul3A_29 : i32
      "tpu.region"() ({
        %run_scoped3A = tpu.sem_alloc : memref<!tpu.dma_semaphore, #tpu.memory_space<semaphore_mem>>
        %dma_start3A = arith.constant 0 : i32
        %dma_start3A_31 = tpu.memref_slice %arg6[%mul3A_30, %dma_start3A] : memref<10240x128xf32, #tpu.memory_space<hbm>> -> memref<640x128xf32, #tpu.memory_space<hbm>>
        %dma_start3A_32 = arith.constant 0 : i32
        %dma_start3A_33 = tpu.memref_slice %arg11[%mul3A_30, %dma_start3A_32] : memref<10240x128xf32, #tpu.memory_space<vmem_shared>> -> memref<640x128xf32, #tpu.memory_space<vmem_shared>>
        tpu.enqueue_dma source(%dma_start3A_33 : memref<640x128xf32, #tpu.memory_space<vmem_shared>>) target(%dma_start3A_31 : memref<640x128xf32, #tpu.memory_space<hbm>>) target_semaphore(%run_scoped3A : memref<!tpu.dma_semaphore, #tpu.memory_space<semaphore_mem>>)
        %dma_wait3A = arith.constant 0 : i32
        %dma_wait3A_34 = tpu.memref_slice %arg6[%mul3A_30, %dma_wait3A] : memref<10240x128xf32, #tpu.memory_space<hbm>> -> memref<640x128xf32, #tpu.memory_space<hbm>>
        %dma_wait3A_35 = arith.constant 0 : i32
        %dma_wait3A_36 = tpu.memref_slice %arg11[%mul3A_30, %dma_wait3A_35] : memref<10240x128xf32, #tpu.memory_space<vmem_shared>> -> memref<640x128xf32, #tpu.memory_space<vmem_shared>>
        tpu.wait_dma2 semaphore(%run_scoped3A : memref<!tpu.dma_semaphore, #tpu.memory_space<semaphore_mem>>) src(%dma_wait3A_36 : memref<640x128xf32, #tpu.memory_space<vmem_shared>>) dst(%dma_wait3A_34 : memref<640x128xf32, #tpu.memory_space<hbm>>)
        tpu.yield
      }) : () -> ()
    } else {
    }
    %eq3A_2 = arith.constant 1 : i32
    %eq3A_3 = arith.cmpi eq, %arg0, %eq3A_2 : i32
    %convert_element_type3A_4 = arith.extui %eq3A_3 : i1 to i32
    %cond3A_5 = arith.constant 0 : i32
    %cond3A_6 = arith.cmpi ne, %convert_element_type3A_4, %cond3A_5 : i32
    scf.if %cond3A_6 {
      %scan3A = arith.constant 0 : i32
      %scan3A_7 = arith.constant 0 : i32
      %scan3A_8 = arith.constant 128 : i32
      %scan3A_9 = arith.addi %scan3A_7, %scan3A_8 : i32
      %scan3A_10 = arith.constant 1 : i32
      scf.for %scan3A_31 = %scan3A_7 to %scan3A_9 step %scan3A_10  : i32 {
        %broadcast_in_dim3A = arith.constant 0.000000e+00 : f32
        %broadcast_in_dim3A_32 = vector.broadcast %broadcast_in_dim3A : f32 to vector<16xf32>
        %swap3A = arith.index_cast %scan3A_31 : i32 to index
        %swap3A_33 = arith.constant 0 : index
        %swap3A_34 = tpu.vector_load %arg10[%swap3A, %swap3A_33] {strides = array<i32>} : memref<128x128xf32, #tpu.memory_space<vmem>>, vector<1x16xf32>,
        %swap3A_35 = vector.shape_cast %swap3A_34 : vector<1x16xf32> to vector<16xf32>
        %swap3A_36 = vector.shape_cast %broadcast_in_dim3A_32 : vector<16xf32> to vector<1x16xf32>
        tpu.vector_store %arg10[%swap3A, %swap3A_33], %swap3A_36 {strides = array<i32>} : memref<128x128xf32, #tpu.memory_space<vmem>>, vector<1x16xf32>,
        %broadcast_in_dim3A_37 = arith.constant 0.000000e+00 : f32
        %broadcast_in_dim3A_38 = vector.broadcast %broadcast_in_dim3A_37 : f32 to vector<16xf32>
        %swap3A_39 = arith.index_cast %scan3A_31 : i32 to index
        %swap3A_40 = arith.constant 16 : index
        %swap3A_41 = tpu.vector_load %arg10[%swap3A_39, %swap3A_40] {strides = array<i32>} : memref<128x128xf32, #tpu.memory_space<vmem>>, vector<1x16xf32>,
        %swap3A_42 = vector.shape_cast %swap3A_41 : vector<1x16xf32> to vector<16xf32>
        %swap3A_43 = vector.shape_cast %broadcast_in_dim3A_38 : vector<16xf32> to vector<1x16xf32>
        tpu.vector_store %arg10[%swap3A_39, %swap3A_40], %swap3A_43 {strides = array<i32>} : memref<128x128xf32, #tpu.memory_space<vmem>>, vector<1x16xf32>,
        %broadcast_in_dim3A_44 = arith.constant 0.000000e+00 : f32
        %broadcast_in_dim3A_45 = vector.broadcast %broadcast_in_dim3A_44 : f32 to vector<16xf32>
        %swap3A_46 = arith.index_cast %scan3A_31 : i32 to index
        %swap3A_47 = arith.constant 32 : index
        %swap3A_48 = tpu.vector_load %arg10[%swap3A_46, %swap3A_47] {strides = array<i32>} : memref<128x128xf32, #tpu.memory_space<vmem>>, vector<1x16xf32>,
        %swap3A_49 = vector.shape_cast %swap3A_48 : vector<1x16xf32> to vector<16xf32>
        %swap3A_50 = vector.shape_cast %broadcast_in_dim3A_45 : vector<16xf32> to vector<1x16xf32>
        tpu.vector_store %arg10[%swap3A_46, %swap3A_47], %swap3A_50 {strides = array<i32>} : memref<128x128xf32, #tpu.memory_space<vmem>>, vector<1x16xf32>,
        %broadcast_in_dim3A_51 = arith.constant 0.000000e+00 : f32
        %broadcast_in_dim3A_52 = vector.broadcast %broadcast_in_dim3A_51 : f32 to vector<16xf32>
        %swap3A_53 = arith.index_cast %scan3A_31 : i32 to index
        %swap3A_54 = arith.constant 48 : index
        %swap3A_55 = tpu.vector_load %arg10[%swap3A_53, %swap3A_54] {strides = array<i32>} : memref<128x128xf32, #tpu.memory_space<vmem>>, vector<1x16xf32>,
        %swap3A_56 = vector.shape_cast %swap3A_55 : vector<1x16xf32> to vector<16xf32>
        %swap3A_57 = vector.shape_cast %broadcast_in_dim3A_52 : vector<16xf32> to vector<1x16xf32>
        tpu.vector_store %arg10[%swap3A_53, %swap3A_54], %swap3A_57 {strides = array<i32>} : memref<128x128xf32, #tpu.memory_space<vmem>>, vector<1x16xf32>,
        %broadcast_in_dim3A_58 = arith.constant 0.000000e+00 : f32
        %broadcast_in_dim3A_59 = vector.broadcast %broadcast_in_dim3A_58 : f32 to vector<16xf32>
        %swap3A_60 = arith.index_cast %scan3A_31 : i32 to index
        %swap3A_61 = arith.constant 64 : index
        %swap3A_62 = tpu.vector_load %arg10[%swap3A_60, %swap3A_61] {strides = array<i32>} : memref<128x128xf32, #tpu.memory_space<vmem>>, vector<1x16xf32>,
        %swap3A_63 = vector.shape_cast %swap3A_62 : vector<1x16xf32> to vector<16xf32>
        %swap3A_64 = vector.shape_cast %broadcast_in_dim3A_59 : vector<16xf32> to vector<1x16xf32>
        tpu.vector_store %arg10[%swap3A_60, %swap3A_61], %swap3A_64 {strides = array<i32>} : memref<128x128xf32, #tpu.memory_space<vmem>>, vector<1x16xf32>,
        %broadcast_in_dim3A_65 = arith.constant 0.000000e+00 : f32
        %broadcast_in_dim3A_66 = vector.broadcast %broadcast_in_dim3A_65 : f32 to vector<16xf32>
        %swap3A_67 = arith.index_cast %scan3A_31 : i32 to index
        %swap3A_68 = arith.constant 80 : index
        %swap3A_69 = tpu.vector_load %arg10[%swap3A_67, %swap3A_68] {strides = array<i32>} : memref<128x128xf32, #tpu.memory_space<vmem>>, vector<1x16xf32>,
        %swap3A_70 = vector.shape_cast %swap3A_69 : vector<1x16xf32> to vector<16xf32>
        %swap3A_71 = vector.shape_cast %broadcast_in_dim3A_66 : vector<16xf32> to vector<1x16xf32>
        tpu.vector_store %arg10[%swap3A_67, %swap3A_68], %swap3A_71 {strides = array<i32>} : memref<128x128xf32, #tpu.memory_space<vmem>>, vector<1x16xf32>,
        %broadcast_in_dim3A_72 = arith.constant 0.000000e+00 : f32
        %broadcast_in_dim3A_73 = vector.broadcast %broadcast_in_dim3A_72 : f32 to vector<16xf32>
        %swap3A_74 = arith.index_cast %scan3A_31 : i32 to index
        %swap3A_75 = arith.constant 96 : index
        %swap3A_76 = tpu.vector_load %arg10[%swap3A_74, %swap3A_75] {strides = array<i32>} : memref<128x128xf32, #tpu.memory_space<vmem>>, vector<1x16xf32>,
        %swap3A_77 = vector.shape_cast %swap3A_76 : vector<1x16xf32> to vector<16xf32>
        %swap3A_78 = vector.shape_cast %broadcast_in_dim3A_73 : vector<16xf32> to vector<1x16xf32>
        tpu.vector_store %arg10[%swap3A_74, %swap3A_75], %swap3A_78 {strides = array<i32>} : memref<128x128xf32, #tpu.memory_space<vmem>>, vector<1x16xf32>,
        %broadcast_in_dim3A_79 = arith.constant 0.000000e+00 : f32
        %broadcast_in_dim3A_80 = vector.broadcast %broadcast_in_dim3A_79 : f32 to vector<16xf32>
        %swap3A_81 = arith.index_cast %scan3A_31 : i32 to index
        %swap3A_82 = arith.constant 112 : index
        %swap3A_83 = tpu.vector_load %arg10[%swap3A_81, %swap3A_82] {strides = array<i32>} : memref<128x128xf32, #tpu.memory_space<vmem>>, vector<1x16xf32>,
        %swap3A_84 = vector.shape_cast %swap3A_83 : vector<1x16xf32> to vector<16xf32>
        %swap3A_85 = vector.shape_cast %broadcast_in_dim3A_80 : vector<16xf32> to vector<1x16xf32>
        tpu.vector_store %arg10[%swap3A_81, %swap3A_82], %swap3A_85 {strides = array<i32>} : memref<128x128xf32, #tpu.memory_space<vmem>>, vector<1x16xf32>,
      }
      %scan3A_11 = arith.constant 128 : i32
      %mul3A = arith.constant 640 : i32
      %mul3A_12 = arith.muli %arg1, %mul3A : i32
      %add3A = arith.constant 0 : i32
      %add3A_13 = arith.addi %mul3A_12, %add3A : i32
      "tpu.region"() ({
        %run_scoped3A = tpu.sem_alloc : memref<!tpu.dma_semaphore, #tpu.memory_space<semaphore_mem>>
        %dma_start3A = arith.constant 0 : i32
        %dma_start3A_31 = tpu.memref_slice %arg11[%add3A_13, %dma_start3A] : memref<10240x128xf32, #tpu.memory_space<vmem_shared>> -> memref<128x128xf32, #tpu.memory_space<vmem_shared>>
        %dma_start3A_32 = arith.constant 0 : i32
        %dma_start3A_33 = tpu.memref_slice %arg11[%add3A_13, %dma_start3A_32] : memref<10240x128xf32, #tpu.memory_space<vmem_shared>> -> memref<128x128xf32, #tpu.memory_space<vmem_shared>>
        tpu.enqueue_dma source(%arg10 : memref<128x128xf32, #tpu.memory_space<vmem>>) target(%dma_start3A_33 : memref<128x128xf32, #tpu.memory_space<vmem_shared>>) target_semaphore(%run_scoped3A : memref<!tpu.dma_semaphore, #tpu.memory_space<semaphore_mem>>)
        %dma_wait3A = arith.constant 0 : i32
        %dma_wait3A_34 = tpu.memref_slice %arg11[%add3A_13, %dma_wait3A] : memref<10240x128xf32, #tpu.memory_space<vmem_shared>> -> memref<128x128xf32, #tpu.memory_space<vmem_shared>>
        %dma_wait3A_35 = arith.constant 0 : i32
        %dma_wait3A_36 = tpu.memref_slice %arg11[%add3A_13, %dma_wait3A_35] : memref<10240x128xf32, #tpu.memory_space<vmem_shared>> -> memref<128x128xf32, #tpu.memory_space<vmem_shared>>
        tpu.wait_dma2 semaphore(%run_scoped3A : memref<!tpu.dma_semaphore, #tpu.memory_space<semaphore_mem>>) src(%arg10 : memref<128x128xf32, #tpu.memory_space<vmem>>) dst(%dma_wait3A_36 : memref<128x128xf32, #tpu.memory_space<vmem_shared>>)
        tpu.yield
      }) : () -> ()
      %add3A_14 = arith.constant 128 : i32
      %add3A_15 = arith.addi %mul3A_12, %add3A_14 : i32
      "tpu.region"() ({
        %run_scoped3A = tpu.sem_alloc : memref<!tpu.dma_semaphore, #tpu.memory_space<semaphore_mem>>
        %dma_start3A = arith.constant 0 : i32
        %dma_start3A_31 = tpu.memref_slice %arg11[%add3A_15, %dma_start3A] : memref<10240x128xf32, #tpu.memory_space<vmem_shared>> -> memref<128x128xf32, #tpu.memory_space<vmem_shared>>
        %dma_start3A_32 = arith.constant 0 : i32
        %dma_start3A_33 = tpu.memref_slice %arg11[%add3A_15, %dma_start3A_32] : memref<10240x128xf32, #tpu.memory_space<vmem_shared>> -> memref<128x128xf32, #tpu.memory_space<vmem_shared>>
        tpu.enqueue_dma source(%arg10 : memref<128x128xf32, #tpu.memory_space<vmem>>) target(%dma_start3A_33 : memref<128x128xf32, #tpu.memory_space<vmem_shared>>) target_semaphore(%run_scoped3A : memref<!tpu.dma_semaphore, #tpu.memory_space<semaphore_mem>>)
        %dma_wait3A = arith.constant 0 : i32
        %dma_wait3A_34 = tpu.memref_slice %arg11[%add3A_15, %dma_wait3A] : memref<10240x128xf32, #tpu.memory_space<vmem_shared>> -> memref<128x128xf32, #tpu.memory_space<vmem_shared>>
        %dma_wait3A_35 = arith.constant 0 : i32
        %dma_wait3A_36 = tpu.memref_slice %arg11[%add3A_15, %dma_wait3A_35] : memref<10240x128xf32, #tpu.memory_space<vmem_shared>> -> memref<128x128xf32, #tpu.memory_space<vmem_shared>>
        tpu.wait_dma2 semaphore(%run_scoped3A : memref<!tpu.dma_semaphore, #tpu.memory_space<semaphore_mem>>) src(%arg10 : memref<128x128xf32, #tpu.memory_space<vmem>>) dst(%dma_wait3A_36 : memref<128x128xf32, #tpu.memory_space<vmem_shared>>)
        tpu.yield
      }) : () -> ()
      %add3A_16 = arith.constant 256 : i32
      %add3A_17 = arith.addi %mul3A_12, %add3A_16 : i32
      "tpu.region"() ({
        %run_scoped3A = tpu.sem_alloc : memref<!tpu.dma_semaphore, #tpu.memory_space<semaphore_mem>>
        %dma_start3A = arith.constant 0 : i32
        %dma_start3A_31 = tpu.memref_slice %arg11[%add3A_17, %dma_start3A] : memref<10240x128xf32, #tpu.memory_space<vmem_shared>> -> memref<128x128xf32, #tpu.memory_space<vmem_shared>>
        %dma_start3A_32 = arith.constant 0 : i32
        %dma_start3A_33 = tpu.memref_slice %arg11[%add3A_17, %dma_start3A_32] : memref<10240x128xf32, #tpu.memory_space<vmem_shared>> -> memref<128x128xf32, #tpu.memory_space<vmem_shared>>
        tpu.enqueue_dma source(%arg10 : memref<128x128xf32, #tpu.memory_space<vmem>>) target(%dma_start3A_33 : memref<128x128xf32, #tpu.memory_space<vmem_shared>>) target_semaphore(%run_scoped3A : memref<!tpu.dma_semaphore, #tpu.memory_space<semaphore_mem>>)
        %dma_wait3A = arith.constant 0 : i32
        %dma_wait3A_34 = tpu.memref_slice %arg11[%add3A_17, %dma_wait3A] : memref<10240x128xf32, #tpu.memory_space<vmem_shared>> -> memref<128x128xf32, #tpu.memory_space<vmem_shared>>
        %dma_wait3A_35 = arith.constant 0 : i32
        %dma_wait3A_36 = tpu.memref_slice %arg11[%add3A_17, %dma_wait3A_35] : memref<10240x128xf32, #tpu.memory_space<vmem_shared>> -> memref<128x128xf32, #tpu.memory_space<vmem_shared>>
        tpu.wait_dma2 semaphore(%run_scoped3A : memref<!tpu.dma_semaphore, #tpu.memory_space<semaphore_mem>>) src(%arg10 : memref<128x128xf32, #tpu.memory_space<vmem>>) dst(%dma_wait3A_36 : memref<128x128xf32, #tpu.memory_space<vmem_shared>>)
        tpu.yield
      }) : () -> ()
      %add3A_18 = arith.constant 384 : i32
      %add3A_19 = arith.addi %mul3A_12, %add3A_18 : i32
      "tpu.region"() ({
        %run_scoped3A = tpu.sem_alloc : memref<!tpu.dma_semaphore, #tpu.memory_space<semaphore_mem>>
        %dma_start3A = arith.constant 0 : i32
        %dma_start3A_31 = tpu.memref_slice %arg11[%add3A_19, %dma_start3A] : memref<10240x128xf32, #tpu.memory_space<vmem_shared>> -> memref<128x128xf32, #tpu.memory_space<vmem_shared>>
        %dma_start3A_32 = arith.constant 0 : i32
        %dma_start3A_33 = tpu.memref_slice %arg11[%add3A_19, %dma_start3A_32] : memref<10240x128xf32, #tpu.memory_space<vmem_shared>> -> memref<128x128xf32, #tpu.memory_space<vmem_shared>>
        tpu.enqueue_dma source(%arg10 : memref<128x128xf32, #tpu.memory_space<vmem>>) target(%dma_start3A_33 : memref<128x128xf32, #tpu.memory_space<vmem_shared>>) target_semaphore(%run_scoped3A : memref<!tpu.dma_semaphore, #tpu.memory_space<semaphore_mem>>)
        %dma_wait3A = arith.constant 0 : i32
        %dma_wait3A_34 = tpu.memref_slice %arg11[%add3A_19, %dma_wait3A] : memref<10240x128xf32, #tpu.memory_space<vmem_shared>> -> memref<128x128xf32, #tpu.memory_space<vmem_shared>>
        %dma_wait3A_35 = arith.constant 0 : i32
        %dma_wait3A_36 = tpu.memref_slice %arg11[%add3A_19, %dma_wait3A_35] : memref<10240x128xf32, #tpu.memory_space<vmem_shared>> -> memref<128x128xf32, #tpu.memory_space<vmem_shared>>
        tpu.wait_dma2 semaphore(%run_scoped3A : memref<!tpu.dma_semaphore, #tpu.memory_space<semaphore_mem>>) src(%arg10 : memref<128x128xf32, #tpu.memory_space<vmem>>) dst(%dma_wait3A_36 : memref<128x128xf32, #tpu.memory_space<vmem_shared>>)
        tpu.yield
      }) : () -> ()
      %add3A_20 = arith.constant 512 : i32
      %add3A_21 = arith.addi %mul3A_12, %add3A_20 : i32
      "tpu.region"() ({
        %run_scoped3A = tpu.sem_alloc : memref<!tpu.dma_semaphore, #tpu.memory_space<semaphore_mem>>
        %dma_start3A = arith.constant 0 : i32
        %dma_start3A_31 = tpu.memref_slice %arg11[%add3A_21, %dma_start3A] : memref<10240x128xf32, #tpu.memory_space<vmem_shared>> -> memref<128x128xf32, #tpu.memory_space<vmem_shared>>
        %dma_start3A_32 = arith.constant 0 : i32
        %dma_start3A_33 = tpu.memref_slice %arg11[%add3A_21, %dma_start3A_32] : memref<10240x128xf32, #tpu.memory_space<vmem_shared>> -> memref<128x128xf32, #tpu.memory_space<vmem_shared>>
        tpu.enqueue_dma source(%arg10 : memref<128x128xf32, #tpu.memory_space<vmem>>) target(%dma_start3A_33 : memref<128x128xf32, #tpu.memory_space<vmem_shared>>) target_semaphore(%run_scoped3A : memref<!tpu.dma_semaphore, #tpu.memory_space<semaphore_mem>>)
        %dma_wait3A = arith.constant 0 : i32
        %dma_wait3A_34 = tpu.memref_slice %arg11[%add3A_21, %dma_wait3A] : memref<10240x128xf32, #tpu.memory_space<vmem_shared>> -> memref<128x128xf32, #tpu.memory_space<vmem_shared>>
        %dma_wait3A_35 = arith.constant 0 : i32
        %dma_wait3A_36 = tpu.memref_slice %arg11[%add3A_21, %dma_wait3A_35] : memref<10240x128xf32, #tpu.memory_space<vmem_shared>> -> memref<128x128xf32, #tpu.memory_space<vmem_shared>>
        tpu.wait_dma2 semaphore(%run_scoped3A : memref<!tpu.dma_semaphore, #tpu.memory_space<semaphore_mem>>) src(%arg10 : memref<128x128xf32, #tpu.memory_space<vmem>>) dst(%dma_wait3A_36 : memref<128x128xf32, #tpu.memory_space<vmem_shared>>)
        tpu.yield
      }) : () -> ()
      %barrier3A = arith.constant 0 : index
      tpu.barrier barrier_id(%barrier3A)
      %scan3A_22 = arith.constant 0 : i32
      %scan3A_23 = arith.constant 0 : i32
      %scan3A_24 = arith.constant 20 : i32
      %scan3A_25 = arith.addi %scan3A_23, %scan3A_24 : i32
      %scan3A_26 = arith.constant 1 : i32
      scf.for %scan3A_31 = %scan3A_23 to %scan3A_25 step %scan3A_26  : i32 {
        %mul3A_32 = arith.constant 8 : i32
        %mul3A_33 = arith.muli %scan3A_31, %mul3A_32 : i32
        "tpu.region"() ({
          %run_scoped3A_51 = tpu.sem_alloc : memref<!tpu.dma_semaphore, #tpu.memory_space<semaphore_mem>>
          %dma_start3A = arith.constant 0 : i32
          %dma_start3A_52 = tpu.memref_slice %arg4[%arg1, %mul3A_33, %dma_start3A] : memref<16x160x128xi32, #tpu.memory_space<hbm>> -> memref<1x8x128xi32, #tpu.memory_space<hbm>>
          %dma_start3A_53 = tpu.memref_squeeze %dma_start3A_52 : memref<1x8x128xi32, #tpu.memory_space<hbm>> -> memref<8x128xi32, #tpu.memory_space<hbm>>
          %dma_start3A_54 = arith.constant 0 : i32
          %dma_start3A_55 = tpu.memref_slice %arg4[%arg1, %mul3A_33, %dma_start3A_54] : memref<16x160x128xi32, #tpu.memory_space<hbm>> -> memref<1x8x128xi32, #tpu.memory_space<hbm>>
          %dma_start3A_56 = tpu.memref_squeeze %dma_start3A_55 : memref<1x8x128xi32, #tpu.memory_space<hbm>> -> memref<8x128xi32, #tpu.memory_space<hbm>>
          tpu.enqueue_dma source(%dma_start3A_56 : memref<8x128xi32, #tpu.memory_space<hbm>>) target(%arg8 : memref<8x128xi32, #tpu.memory_space<vmem>>) target_semaphore(%run_scoped3A_51 : memref<!tpu.dma_semaphore, #tpu.memory_space<semaphore_mem>>)
          %dma_wait3A = arith.constant 0 : i32
          %dma_wait3A_57 = tpu.memref_slice %arg4[%arg1, %mul3A_33, %dma_wait3A] : memref<16x160x128xi32, #tpu.memory_space<hbm>> -> memref<1x8x128xi32, #tpu.memory_space<hbm>>
          %dma_wait3A_58 = tpu.memref_squeeze %dma_wait3A_57 : memref<1x8x128xi32, #tpu.memory_space<hbm>> -> memref<8x128xi32, #tpu.memory_space<hbm>>
          %dma_wait3A_59 = arith.constant 0 : i32
          %dma_wait3A_60 = tpu.memref_slice %arg4[%arg1, %mul3A_33, %dma_wait3A_59] : memref<16x160x128xi32, #tpu.memory_space<hbm>> -> memref<1x8x128xi32, #tpu.memory_space<hbm>>
          %dma_wait3A_61 = tpu.memref_squeeze %dma_wait3A_60 : memref<1x8x128xi32, #tpu.memory_space<hbm>> -> memref<8x128xi32, #tpu.memory_space<hbm>>
          tpu.wait_dma2 semaphore(%run_scoped3A_51 : memref<!tpu.dma_semaphore, #tpu.memory_space<semaphore_mem>>) src(%dma_wait3A_61 : memref<8x128xi32, #tpu.memory_space<hbm>>) dst(%arg8 : memref<8x128xi32, #tpu.memory_space<vmem>>)
          tpu.yield
        }) : () -> ()
        %mul3A_34 = arith.constant 8 : i32
        %mul3A_35 = arith.muli %scan3A_31, %mul3A_34 : i32
        "tpu.region"() ({
          %run_scoped3A_51 = tpu.sem_alloc : memref<!tpu.dma_semaphore, #tpu.memory_space<semaphore_mem>>
          %dma_start3A = arith.constant 0 : i32
          %dma_start3A_52 = tpu.memref_slice %arg5[%arg1, %mul3A_35, %dma_start3A] : memref<16x160x128xi32, #tpu.memory_space<hbm>> -> memref<1x8x128xi32, #tpu.memory_space<hbm>>
          %dma_start3A_53 = tpu.memref_squeeze %dma_start3A_52 : memref<1x8x128xi32, #tpu.memory_space<hbm>> -> memref<8x128xi32, #tpu.memory_space<hbm>>
          %dma_start3A_54 = arith.constant 0 : i32
          %dma_start3A_55 = tpu.memref_slice %arg5[%arg1, %mul3A_35, %dma_start3A_54] : memref<16x160x128xi32, #tpu.memory_space<hbm>> -> memref<1x8x128xi32, #tpu.memory_space<hbm>>
          %dma_start3A_56 = tpu.memref_squeeze %dma_start3A_55 : memref<1x8x128xi32, #tpu.memory_space<hbm>> -> memref<8x128xi32, #tpu.memory_space<hbm>>
          tpu.enqueue_dma source(%dma_start3A_56 : memref<8x128xi32, #tpu.memory_space<hbm>>) target(%arg9 : memref<8x128xi32, #tpu.memory_space<vmem>>) target_semaphore(%run_scoped3A_51 : memref<!tpu.dma_semaphore, #tpu.memory_space<semaphore_mem>>)
          %dma_wait3A = arith.constant 0 : i32
          %dma_wait3A_57 = tpu.memref_slice %arg5[%arg1, %mul3A_35, %dma_wait3A] : memref<16x160x128xi32, #tpu.memory_space<hbm>> -> memref<1x8x128xi32, #tpu.memory_space<hbm>>
          %dma_wait3A_58 = tpu.memref_squeeze %dma_wait3A_57 : memref<1x8x128xi32, #tpu.memory_space<hbm>> -> memref<8x128xi32, #tpu.memory_space<hbm>>
          %dma_wait3A_59 = arith.constant 0 : i32
          %dma_wait3A_60 = tpu.memref_slice %arg5[%arg1, %mul3A_35, %dma_wait3A_59] : memref<16x160x128xi32, #tpu.memory_space<hbm>> -> memref<1x8x128xi32, #tpu.memory_space<hbm>>
          %dma_wait3A_61 = tpu.memref_squeeze %dma_wait3A_60 : memref<1x8x128xi32, #tpu.memory_space<hbm>> -> memref<8x128xi32, #tpu.memory_space<hbm>>
          tpu.wait_dma2 semaphore(%run_scoped3A_51 : memref<!tpu.dma_semaphore, #tpu.memory_space<semaphore_mem>>) src(%dma_wait3A_61 : memref<8x128xi32, #tpu.memory_space<hbm>>) dst(%arg9 : memref<8x128xi32, #tpu.memory_space<vmem>>)
          tpu.yield
        }) : () -> ()
        %run_scoped3A = arith.constant 0 : i32
        "tpu.region"() ({
          %run_scoped3A_51 = tpu.sem_alloc : memref<!tpu.dma_semaphore, #tpu.memory_space<semaphore_mem>>
          %dma_start3A = arith.constant 0 : i32
          %dma_start3A_52 = tpu.memref_slice %arg8[%run_scoped3A, %dma_start3A] : memref<8x128xi32, #tpu.memory_space<vmem>> -> memref<1x128xi32, #tpu.memory_space<vmem>>
          %dma_start3A_53 = tpu.memref_squeeze %dma_start3A_52 : memref<1x128xi32, #tpu.memory_space<vmem>> -> memref<128xi32, #tpu.memory_space<vmem>>
          %dma_start3A_54 = arith.constant 0 : i32
          %dma_start3A_55 = arith.constant 0 : i32
          %dma_start3A_56 = tpu.memref_slice %arg3[%dma_start3A_54, %dma_start3A_55] : memref<10000x128xf32, #tpu.memory_space<hbm>> -> memref<10000x128xf32, #tpu.memory_space<hbm>>
          tpu.enqueue_indirect_dma source(%dma_start3A_56 : memref<10000x128xf32, #tpu.memory_space<hbm>>) target(%arg10 : memref<128x128xf32, #tpu.memory_space<vmem>>) offsets(%dma_start3A_53 : memref<128xi32, #tpu.memory_space<vmem>>) semaphore(%run_scoped3A_51 : memref<!tpu.dma_semaphore, #tpu.memory_space<semaphore_mem>>)
          %dma_wait3A = arith.constant 0 : i32
          %dma_wait3A_57 = tpu.memref_slice %arg8[%run_scoped3A, %dma_wait3A] : memref<8x128xi32, #tpu.memory_space<vmem>> -> memref<1x128xi32, #tpu.memory_space<vmem>>
          %dma_wait3A_58 = tpu.memref_squeeze %dma_wait3A_57 : memref<1x128xi32, #tpu.memory_space<vmem>> -> memref<128xi32, #tpu.memory_space<vmem>>
          %dma_wait3A_59 = arith.constant 0 : i32
          %dma_wait3A_60 = arith.constant 0 : i32
          %dma_wait3A_61 = tpu.memref_slice %arg3[%dma_wait3A_59, %dma_wait3A_60] : memref<10000x128xf32, #tpu.memory_space<hbm>> -> memref<10000x128xf32, #tpu.memory_space<hbm>>
          tpu.wait_indirect_dma semaphore(%run_scoped3A_51 : memref<!tpu.dma_semaphore, #tpu.memory_space<semaphore_mem>>) src(%dma_wait3A_61 : memref<10000x128xf32, #tpu.memory_space<hbm>>) dst(%arg10 : memref<128x128xf32, #tpu.memory_space<vmem>>)
          tpu.yield
        }) : () -> ()
        %run_scoped3A_36 = arith.constant 0 : i32
        "tpu.region"() ({
          %run_scoped3A_51 = tpu.sem_alloc : memref<!tpu.dma_semaphore, #tpu.memory_space<semaphore_mem>>
          %dma_start3A = arith.constant 0 : i32
          %dma_start3A_52 = tpu.memref_slice %arg9[%run_scoped3A_36, %dma_start3A] : memref<8x128xi32, #tpu.memory_space<vmem>> -> memref<1x128xi32, #tpu.memory_space<vmem>>
          %dma_start3A_53 = tpu.memref_squeeze %dma_start3A_52 : memref<1x128xi32, #tpu.memory_space<vmem>> -> memref<128xi32, #tpu.memory_space<vmem>>
          %dma_start3A_54 = arith.constant 0 : i32
          %dma_start3A_55 = arith.constant 0 : i32
          %dma_start3A_56 = tpu.memref_slice %arg11[%dma_start3A_54, %dma_start3A_55] : memref<10240x128xf32, #tpu.memory_space<vmem_shared>> -> memref<10240x128xf32, #tpu.memory_space<vmem_shared>>
          tpu.enqueue_indirect_dma source(%arg10 : memref<128x128xf32, #tpu.memory_space<vmem>>) target(%dma_start3A_56 : memref<10240x128xf32, #tpu.memory_space<vmem_shared>>) offsets(%dma_start3A_53 : memref<128xi32, #tpu.memory_space<vmem>>) semaphore(%run_scoped3A_51 : memref<!tpu.dma_semaphore, #tpu.memory_space<semaphore_mem>>) {add = true}
          %dma_wait3A = arith.constant 0 : i32
          %dma_wait3A_57 = tpu.memref_slice %arg9[%run_scoped3A_36, %dma_wait3A] : memref<8x128xi32, #tpu.memory_space<vmem>> -> memref<1x128xi32, #tpu.memory_space<vmem>>
          %dma_wait3A_58 = tpu.memref_squeeze %dma_wait3A_57 : memref<1x128xi32, #tpu.memory_space<vmem>> -> memref<128xi32, #tpu.memory_space<vmem>>
          %dma_wait3A_59 = arith.constant 0 : i32
          %dma_wait3A_60 = arith.constant 0 : i32
          %dma_wait3A_61 = tpu.memref_slice %arg11[%dma_wait3A_59, %dma_wait3A_60] : memref<10240x128xf32, #tpu.memory_space<vmem_shared>> -> memref<10240x128xf32, #tpu.memory_space<vmem_shared>>
          tpu.wait_indirect_dma semaphore(%run_scoped3A_51 : memref<!tpu.dma_semaphore, #tpu.memory_space<semaphore_mem>>) src(%arg10 : memref<128x128xf32, #tpu.memory_space<vmem>>) dst(%dma_wait3A_61 : memref<10240x128xf32, #tpu.memory_space<vmem_shared>>)
          tpu.yield
        }) : () -> ()
        %run_scoped3A_37 = arith.constant 1 : i32
        "tpu.region"() ({
          %run_scoped3A_51 = tpu.sem_alloc : memref<!tpu.dma_semaphore, #tpu.memory_space<semaphore_mem>>
          %dma_start3A = arith.constant 0 : i32
          %dma_start3A_52 = tpu.memref_slice %arg8[%run_scoped3A_37, %dma_start3A] : memref<8x128xi32, #tpu.memory_space<vmem>> -> memref<1x128xi32, #tpu.memory_space<vmem>>
          %dma_start3A_53 = tpu.memref_squeeze %dma_start3A_52 : memref<1x128xi32, #tpu.memory_space<vmem>> -> memref<128xi32, #tpu.memory_space<vmem>>
          %dma_start3A_54 = arith.constant 0 : i32
          %dma_start3A_55 = arith.constant 0 : i32
          %dma_start3A_56 = tpu.memref_slice %arg3[%dma_start3A_54, %dma_start3A_55] : memref<10000x128xf32, #tpu.memory_space<hbm>> -> memref<10000x128xf32, #tpu.memory_space<hbm>>
          tpu.enqueue_indirect_dma source(%dma_start3A_56 : memref<10000x128xf32, #tpu.memory_space<hbm>>) target(%arg10 : memref<128x128xf32, #tpu.memory_space<vmem>>) offsets(%dma_start3A_53 : memref<128xi32, #tpu.memory_space<vmem>>) semaphore(%run_scoped3A_51 : memref<!tpu.dma_semaphore, #tpu.memory_space<semaphore_mem>>)
          %dma_wait3A = arith.constant 0 : i32
          %dma_wait3A_57 = tpu.memref_slice %arg8[%run_scoped3A_37, %dma_wait3A] : memref<8x128xi32, #tpu.memory_space<vmem>> -> memref<1x128xi32, #tpu.memory_space<vmem>>
          %dma_wait3A_58 = tpu.memref_squeeze %dma_wait3A_57 : memref<1x128xi32, #tpu.memory_space<vmem>> -> memref<128xi32, #tpu.memory_space<vmem>>
          %dma_wait3A_59 = arith.constant 0 : i32
          %dma_wait3A_60 = arith.constant 0 : i32
          %dma_wait3A_61 = tpu.memref_slice %arg3[%dma_wait3A_59, %dma_wait3A_60] : memref<10000x128xf32, #tpu.memory_space<hbm>> -> memref<10000x128xf32, #tpu.memory_space<hbm>>
          tpu.wait_indirect_dma semaphore(%run_scoped3A_51 : memref<!tpu.dma_semaphore, #tpu.memory_space<semaphore_mem>>) src(%dma_wait3A_61 : memref<10000x128xf32, #tpu.memory_space<hbm>>) dst(%arg10 : memref<128x128xf32, #tpu.memory_space<vmem>>)
          tpu.yield
        }) : () -> ()
        %run_scoped3A_38 = arith.constant 1 : i32
        "tpu.region"() ({
          %run_scoped3A_51 = tpu.sem_alloc : memref<!tpu.dma_semaphore, #tpu.memory_space<semaphore_mem>>
          %dma_start3A = arith.constant 0 : i32
          %dma_start3A_52 = tpu.memref_slice %arg9[%run_scoped3A_38, %dma_start3A] : memref<8x128xi32, #tpu.memory_space<vmem>> -> memref<1x128xi32, #tpu.memory_space<vmem>>
          %dma_start3A_53 = tpu.memref_squeeze %dma_start3A_52 : memref<1x128xi32, #tpu.memory_space<vmem>> -> memref<128xi32, #tpu.memory_space<vmem>>
          %dma_start3A_54 = arith.constant 0 : i32
          %dma_start3A_55 = arith.constant 0 : i32
          %dma_start3A_56 = tpu.memref_slice %arg11[%dma_start3A_54, %dma_start3A_55] : memref<10240x128xf32, #tpu.memory_space<vmem_shared>> -> memref<10240x128xf32, #tpu.memory_space<vmem_shared>>
          tpu.enqueue_indirect_dma source(%arg10 : memref<128x128xf32, #tpu.memory_space<vmem>>) target(%dma_start3A_56 : memref<10240x128xf32, #tpu.memory_space<vmem_shared>>) offsets(%dma_start3A_53 : memref<128xi32, #tpu.memory_space<vmem>>) semaphore(%run_scoped3A_51 : memref<!tpu.dma_semaphore, #tpu.memory_space<semaphore_mem>>) {add = true}
          %dma_wait3A = arith.constant 0 : i32
          %dma_wait3A_57 = tpu.memref_slice %arg9[%run_scoped3A_38, %dma_wait3A] : memref<8x128xi32, #tpu.memory_space<vmem>> -> memref<1x128xi32, #tpu.memory_space<vmem>>
          %dma_wait3A_58 = tpu.memref_squeeze %dma_wait3A_57 : memref<1x128xi32, #tpu.memory_space<vmem>> -> memref<128xi32, #tpu.memory_space<vmem>>
          %dma_wait3A_59 = arith.constant 0 : i32
          %dma_wait3A_60 = arith.constant 0 : i32
          %dma_wait3A_61 = tpu.memref_slice %arg11[%dma_wait3A_59, %dma_wait3A_60] : memref<10240x128xf32, #tpu.memory_space<vmem_shared>> -> memref<10240x128xf32, #tpu.memory_space<vmem_shared>>
          tpu.wait_indirect_dma semaphore(%run_scoped3A_51 : memref<!tpu.dma_semaphore, #tpu.memory_space<semaphore_mem>>) src(%arg10 : memref<128x128xf32, #tpu.memory_space<vmem>>) dst(%dma_wait3A_61 : memref<10240x128xf32, #tpu.memory_space<vmem_shared>>)
          tpu.yield
        }) : () -> ()
        %run_scoped3A_39 = arith.constant 2 : i32
        "tpu.region"() ({
          %run_scoped3A_51 = tpu.sem_alloc : memref<!tpu.dma_semaphore, #tpu.memory_space<semaphore_mem>>
          %dma_start3A = arith.constant 0 : i32
          %dma_start3A_52 = tpu.memref_slice %arg8[%run_scoped3A_39, %dma_start3A] : memref<8x128xi32, #tpu.memory_space<vmem>> -> memref<1x128xi32, #tpu.memory_space<vmem>>
          %dma_start3A_53 = tpu.memref_squeeze %dma_start3A_52 : memref<1x128xi32, #tpu.memory_space<vmem>> -> memref<128xi32, #tpu.memory_space<vmem>>
          %dma_start3A_54 = arith.constant 0 : i32
          %dma_start3A_55 = arith.constant 0 : i32
          %dma_start3A_56 = tpu.memref_slice %arg3[%dma_start3A_54, %dma_start3A_55] : memref<10000x128xf32, #tpu.memory_space<hbm>> -> memref<10000x128xf32, #tpu.memory_space<hbm>>
          tpu.enqueue_indirect_dma source(%dma_start3A_56 : memref<10000x128xf32, #tpu.memory_space<hbm>>) target(%arg10 : memref<128x128xf32, #tpu.memory_space<vmem>>) offsets(%dma_start3A_53 : memref<128xi32, #tpu.memory_space<vmem>>) semaphore(%run_scoped3A_51 : memref<!tpu.dma_semaphore, #tpu.memory_space<semaphore_mem>>)
          %dma_wait3A = arith.constant 0 : i32
          %dma_wait3A_57 = tpu.memref_slice %arg8[%run_scoped3A_39, %dma_wait3A] : memref<8x128xi32, #tpu.memory_space<vmem>> -> memref<1x128xi32, #tpu.memory_space<vmem>>
          %dma_wait3A_58 = tpu.memref_squeeze %dma_wait3A_57 : memref<1x128xi32, #tpu.memory_space<vmem>> -> memref<128xi32, #tpu.memory_space<vmem>>
          %dma_wait3A_59 = arith.constant 0 : i32
          %dma_wait3A_60 = arith.constant 0 : i32
          %dma_wait3A_61 = tpu.memref_slice %arg3[%dma_wait3A_59, %dma_wait3A_60] : memref<10000x128xf32, #tpu.memory_space<hbm>> -> memref<10000x128xf32, #tpu.memory_space<hbm>>
          tpu.wait_indirect_dma semaphore(%run_scoped3A_51 : memref<!tpu.dma_semaphore, #tpu.memory_space<semaphore_mem>>) src(%dma_wait3A_61 : memref<10000x128xf32, #tpu.memory_space<hbm>>) dst(%arg10 : memref<128x128xf32, #tpu.memory_space<vmem>>)
          tpu.yield
        }) : () -> ()
        %run_scoped3A_40 = arith.constant 2 : i32
        "tpu.region"() ({
          %run_scoped3A_51 = tpu.sem_alloc : memref<!tpu.dma_semaphore, #tpu.memory_space<semaphore_mem>>
          %dma_start3A = arith.constant 0 : i32
          %dma_start3A_52 = tpu.memref_slice %arg9[%run_scoped3A_40, %dma_start3A] : memref<8x128xi32, #tpu.memory_space<vmem>> -> memref<1x128xi32, #tpu.memory_space<vmem>>
          %dma_start3A_53 = tpu.memref_squeeze %dma_start3A_52 : memref<1x128xi32, #tpu.memory_space<vmem>> -> memref<128xi32, #tpu.memory_space<vmem>>
          %dma_start3A_54 = arith.constant 0 : i32
          %dma_start3A_55 = arith.constant 0 : i32
          %dma_start3A_56 = tpu.memref_slice %arg11[%dma_start3A_54, %dma_start3A_55] : memref<10240x128xf32, #tpu.memory_space<vmem_shared>> -> memref<10240x128xf32, #tpu.memory_space<vmem_shared>>
          tpu.enqueue_indirect_dma source(%arg10 : memref<128x128xf32, #tpu.memory_space<vmem>>) target(%dma_start3A_56 : memref<10240x128xf32, #tpu.memory_space<vmem_shared>>) offsets(%dma_start3A_53 : memref<128xi32, #tpu.memory_space<vmem>>) semaphore(%run_scoped3A_51 : memref<!tpu.dma_semaphore, #tpu.memory_space<semaphore_mem>>) {add = true}
          %dma_wait3A = arith.constant 0 : i32
          %dma_wait3A_57 = tpu.memref_slice %arg9[%run_scoped3A_40, %dma_wait3A] : memref<8x128xi32, #tpu.memory_space<vmem>> -> memref<1x128xi32, #tpu.memory_space<vmem>>
          %dma_wait3A_58 = tpu.memref_squeeze %dma_wait3A_57 : memref<1x128xi32, #tpu.memory_space<vmem>> -> memref<128xi32, #tpu.memory_space<vmem>>
          %dma_wait3A_59 = arith.constant 0 : i32
          %dma_wait3A_60 = arith.constant 0 : i32
          %dma_wait3A_61 = tpu.memref_slice %arg11[%dma_wait3A_59, %dma_wait3A_60] : memref<10240x128xf32, #tpu.memory_space<vmem_shared>> -> memref<10240x128xf32, #tpu.memory_space<vmem_shared>>
          tpu.wait_indirect_dma semaphore(%run_scoped3A_51 : memref<!tpu.dma_semaphore, #tpu.memory_space<semaphore_mem>>) src(%arg10 : memref<128x128xf32, #tpu.memory_space<vmem>>) dst(%dma_wait3A_61 : memref<10240x128xf32, #tpu.memory_space<vmem_shared>>)
          tpu.yield
        }) : () -> ()
        %run_scoped3A_41 = arith.constant 3 : i32
        "tpu.region"() ({
          %run_scoped3A_51 = tpu.sem_alloc : memref<!tpu.dma_semaphore, #tpu.memory_space<semaphore_mem>>
          %dma_start3A = arith.constant 0 : i32
          %dma_start3A_52 = tpu.memref_slice %arg8[%run_scoped3A_41, %dma_start3A] : memref<8x128xi32, #tpu.memory_space<vmem>> -> memref<1x128xi32, #tpu.memory_space<vmem>>
          %dma_start3A_53 = tpu.memref_squeeze %dma_start3A_52 : memref<1x128xi32, #tpu.memory_space<vmem>> -> memref<128xi32, #tpu.memory_space<vmem>>
          %dma_start3A_54 = arith.constant 0 : i32
          %dma_start3A_55 = arith.constant 0 : i32
          %dma_start3A_56 = tpu.memref_slice %arg3[%dma_start3A_54, %dma_start3A_55] : memref<10000x128xf32, #tpu.memory_space<hbm>> -> memref<10000x128xf32, #tpu.memory_space<hbm>>
          tpu.enqueue_indirect_dma source(%dma_start3A_56 : memref<10000x128xf32, #tpu.memory_space<hbm>>) target(%arg10 : memref<128x128xf32, #tpu.memory_space<vmem>>) offsets(%dma_start3A_53 : memref<128xi32, #tpu.memory_space<vmem>>) semaphore(%run_scoped3A_51 : memref<!tpu.dma_semaphore, #tpu.memory_space<semaphore_mem>>)
          %dma_wait3A = arith.constant 0 : i32
          %dma_wait3A_57 = tpu.memref_slice %arg8[%run_scoped3A_41, %dma_wait3A] : memref<8x128xi32, #tpu.memory_space<vmem>> -> memref<1x128xi32, #tpu.memory_space<vmem>>
          %dma_wait3A_58 = tpu.memref_squeeze %dma_wait3A_57 : memref<1x128xi32, #tpu.memory_space<vmem>> -> memref<128xi32, #tpu.memory_space<vmem>>
          %dma_wait3A_59 = arith.constant 0 : i32
          %dma_wait3A_60 = arith.constant 0 : i32
          %dma_wait3A_61 = tpu.memref_slice %arg3[%dma_wait3A_59, %dma_wait3A_60] : memref<10000x128xf32, #tpu.memory_space<hbm>> -> memref<10000x128xf32, #tpu.memory_space<hbm>>
          tpu.wait_indirect_dma semaphore(%run_scoped3A_51 : memref<!tpu.dma_semaphore, #tpu.memory_space<semaphore_mem>>) src(%dma_wait3A_61 : memref<10000x128xf32, #tpu.memory_space<hbm>>) dst(%arg10 : memref<128x128xf32, #tpu.memory_space<vmem>>)
          tpu.yield
        }) : () -> ()
        %run_scoped3A_42 = arith.constant 3 : i32
        "tpu.region"() ({
          %run_scoped3A_51 = tpu.sem_alloc : memref<!tpu.dma_semaphore, #tpu.memory_space<semaphore_mem>>
          %dma_start3A = arith.constant 0 : i32
          %dma_start3A_52 = tpu.memref_slice %arg9[%run_scoped3A_42, %dma_start3A] : memref<8x128xi32, #tpu.memory_space<vmem>> -> memref<1x128xi32, #tpu.memory_space<vmem>>
          %dma_start3A_53 = tpu.memref_squeeze %dma_start3A_52 : memref<1x128xi32, #tpu.memory_space<vmem>> -> memref<128xi32, #tpu.memory_space<vmem>>
          %dma_start3A_54 = arith.constant 0 : i32
          %dma_start3A_55 = arith.constant 0 : i32
          %dma_start3A_56 = tpu.memref_slice %arg11[%dma_start3A_54, %dma_start3A_55] : memref<10240x128xf32, #tpu.memory_space<vmem_shared>> -> memref<10240x128xf32, #tpu.memory_space<vmem_shared>>
          tpu.enqueue_indirect_dma source(%arg10 : memref<128x128xf32, #tpu.memory_space<vmem>>) target(%dma_start3A_56 : memref<10240x128xf32, #tpu.memory_space<vmem_shared>>) offsets(%dma_start3A_53 : memref<128xi32, #tpu.memory_space<vmem>>) semaphore(%run_scoped3A_51 : memref<!tpu.dma_semaphore, #tpu.memory_space<semaphore_mem>>) {add = true}
          %dma_wait3A = arith.constant 0 : i32
          %dma_wait3A_57 = tpu.memref_slice %arg9[%run_scoped3A_42, %dma_wait3A] : memref<8x128xi32, #tpu.memory_space<vmem>> -> memref<1x128xi32, #tpu.memory_space<vmem>>
          %dma_wait3A_58 = tpu.memref_squeeze %dma_wait3A_57 : memref<1x128xi32, #tpu.memory_space<vmem>> -> memref<128xi32, #tpu.memory_space<vmem>>
          %dma_wait3A_59 = arith.constant 0 : i32
          %dma_wait3A_60 = arith.constant 0 : i32
          %dma_wait3A_61 = tpu.memref_slice %arg11[%dma_wait3A_59, %dma_wait3A_60] : memref<10240x128xf32, #tpu.memory_space<vmem_shared>> -> memref<10240x128xf32, #tpu.memory_space<vmem_shared>>
          tpu.wait_indirect_dma semaphore(%run_scoped3A_51 : memref<!tpu.dma_semaphore, #tpu.memory_space<semaphore_mem>>) src(%arg10 : memref<128x128xf32, #tpu.memory_space<vmem>>) dst(%dma_wait3A_61 : memref<10240x128xf32, #tpu.memory_space<vmem_shared>>)
          tpu.yield
        }) : () -> ()
        %run_scoped3A_43 = arith.constant 4 : i32
        "tpu.region"() ({
          %run_scoped3A_51 = tpu.sem_alloc : memref<!tpu.dma_semaphore, #tpu.memory_space<semaphore_mem>>
          %dma_start3A = arith.constant 0 : i32
          %dma_start3A_52 = tpu.memref_slice %arg8[%run_scoped3A_43, %dma_start3A] : memref<8x128xi32, #tpu.memory_space<vmem>> -> memref<1x128xi32, #tpu.memory_space<vmem>>
          %dma_start3A_53 = tpu.memref_squeeze %dma_start3A_52 : memref<1x128xi32, #tpu.memory_space<vmem>> -> memref<128xi32, #tpu.memory_space<vmem>>
          %dma_start3A_54 = arith.constant 0 : i32
          %dma_start3A_55 = arith.constant 0 : i32
          %dma_start3A_56 = tpu.memref_slice %arg3[%dma_start3A_54, %dma_start3A_55] : memref<10000x128xf32, #tpu.memory_space<hbm>> -> memref<10000x128xf32, #tpu.memory_space<hbm>>
          tpu.enqueue_indirect_dma source(%dma_start3A_56 : memref<10000x128xf32, #tpu.memory_space<hbm>>) target(%arg10 : memref<128x128xf32, #tpu.memory_space<vmem>>) offsets(%dma_start3A_53 : memref<128xi32, #tpu.memory_space<vmem>>) semaphore(%run_scoped3A_51 : memref<!tpu.dma_semaphore, #tpu.memory_space<semaphore_mem>>)
          %dma_wait3A = arith.constant 0 : i32
          %dma_wait3A_57 = tpu.memref_slice %arg8[%run_scoped3A_43, %dma_wait3A] : memref<8x128xi32, #tpu.memory_space<vmem>> -> memref<1x128xi32, #tpu.memory_space<vmem>>
          %dma_wait3A_58 = tpu.memref_squeeze %dma_wait3A_57 : memref<1x128xi32, #tpu.memory_space<vmem>> -> memref<128xi32, #tpu.memory_space<vmem>>
          %dma_wait3A_59 = arith.constant 0 : i32
          %dma_wait3A_60 = arith.constant 0 : i32
          %dma_wait3A_61 = tpu.memref_slice %arg3[%dma_wait3A_59, %dma_wait3A_60] : memref<10000x128xf32, #tpu.memory_space<hbm>> -> memref<10000x128xf32, #tpu.memory_space<hbm>>
          tpu.wait_indirect_dma semaphore(%run_scoped3A_51 : memref<!tpu.dma_semaphore, #tpu.memory_space<semaphore_mem>>) src(%dma_wait3A_61 : memref<10000x128xf32, #tpu.memory_space<hbm>>) dst(%arg10 : memref<128x128xf32, #tpu.memory_space<vmem>>)
          tpu.yield
        }) : () -> ()
        %run_scoped3A_44 = arith.constant 4 : i32
        "tpu.region"() ({
          %run_scoped3A_51 = tpu.sem_alloc : memref<!tpu.dma_semaphore, #tpu.memory_space<semaphore_mem>>
          %dma_start3A = arith.constant 0 : i32
          %dma_start3A_52 = tpu.memref_slice %arg9[%run_scoped3A_44, %dma_start3A] : memref<8x128xi32, #tpu.memory_space<vmem>> -> memref<1x128xi32, #tpu.memory_space<vmem>>
          %dma_start3A_53 = tpu.memref_squeeze %dma_start3A_52 : memref<1x128xi32, #tpu.memory_space<vmem>> -> memref<128xi32, #tpu.memory_space<vmem>>
          %dma_start3A_54 = arith.constant 0 : i32
          %dma_start3A_55 = arith.constant 0 : i32
          %dma_start3A_56 = tpu.memref_slice %arg11[%dma_start3A_54, %dma_start3A_55] : memref<10240x128xf32, #tpu.memory_space<vmem_shared>> -> memref<10240x128xf32, #tpu.memory_space<vmem_shared>>
          tpu.enqueue_indirect_dma source(%arg10 : memref<128x128xf32, #tpu.memory_space<vmem>>) target(%dma_start3A_56 : memref<10240x128xf32, #tpu.memory_space<vmem_shared>>) offsets(%dma_start3A_53 : memref<128xi32, #tpu.memory_space<vmem>>) semaphore(%run_scoped3A_51 : memref<!tpu.dma_semaphore, #tpu.memory_space<semaphore_mem>>) {add = true}
          %dma_wait3A = arith.constant 0 : i32
          %dma_wait3A_57 = tpu.memref_slice %arg9[%run_scoped3A_44, %dma_wait3A] : memref<8x128xi32, #tpu.memory_space<vmem>> -> memref<1x128xi32, #tpu.memory_space<vmem>>
          %dma_wait3A_58 = tpu.memref_squeeze %dma_wait3A_57 : memref<1x128xi32, #tpu.memory_space<vmem>> -> memref<128xi32, #tpu.memory_space<vmem>>
          %dma_wait3A_59 = arith.constant 0 : i32
          %dma_wait3A_60 = arith.constant 0 : i32
          %dma_wait3A_61 = tpu.memref_slice %arg11[%dma_wait3A_59, %dma_wait3A_60] : memref<10240x128xf32, #tpu.memory_space<vmem_shared>> -> memref<10240x128xf32, #tpu.memory_space<vmem_shared>>
          tpu.wait_indirect_dma semaphore(%run_scoped3A_51 : memref<!tpu.dma_semaphore, #tpu.memory_space<semaphore_mem>>) src(%arg10 : memref<128x128xf32, #tpu.memory_space<vmem>>) dst(%dma_wait3A_61 : memref<10240x128xf32, #tpu.memory_space<vmem_shared>>)
          tpu.yield
        }) : () -> ()
        %run_scoped3A_45 = arith.constant 5 : i32
        "tpu.region"() ({
          %run_scoped3A_51 = tpu.sem_alloc : memref<!tpu.dma_semaphore, #tpu.memory_space<semaphore_mem>>
          %dma_start3A = arith.constant 0 : i32
          %dma_start3A_52 = tpu.memref_slice %arg8[%run_scoped3A_45, %dma_start3A] : memref<8x128xi32, #tpu.memory_space<vmem>> -> memref<1x128xi32, #tpu.memory_space<vmem>>
          %dma_start3A_53 = tpu.memref_squeeze %dma_start3A_52 : memref<1x128xi32, #tpu.memory_space<vmem>> -> memref<128xi32, #tpu.memory_space<vmem>>
          %dma_start3A_54 = arith.constant 0 : i32
          %dma_start3A_55 = arith.constant 0 : i32
          %dma_start3A_56 = tpu.memref_slice %arg3[%dma_start3A_54, %dma_start3A_55] : memref<10000x128xf32, #tpu.memory_space<hbm>> -> memref<10000x128xf32, #tpu.memory_space<hbm>>
          tpu.enqueue_indirect_dma source(%dma_start3A_56 : memref<10000x128xf32, #tpu.memory_space<hbm>>) target(%arg10 : memref<128x128xf32, #tpu.memory_space<vmem>>) offsets(%dma_start3A_53 : memref<128xi32, #tpu.memory_space<vmem>>) semaphore(%run_scoped3A_51 : memref<!tpu.dma_semaphore, #tpu.memory_space<semaphore_mem>>)
          %dma_wait3A = arith.constant 0 : i32
          %dma_wait3A_57 = tpu.memref_slice %arg8[%run_scoped3A_45, %dma_wait3A] : memref<8x128xi32, #tpu.memory_space<vmem>> -> memref<1x128xi32, #tpu.memory_space<vmem>>
          %dma_wait3A_58 = tpu.memref_squeeze %dma_wait3A_57 : memref<1x128xi32, #tpu.memory_space<vmem>> -> memref<128xi32, #tpu.memory_space<vmem>>
          %dma_wait3A_59 = arith.constant 0 : i32
          %dma_wait3A_60 = arith.constant 0 : i32
          %dma_wait3A_61 = tpu.memref_slice %arg3[%dma_wait3A_59, %dma_wait3A_60] : memref<10000x128xf32, #tpu.memory_space<hbm>> -> memref<10000x128xf32, #tpu.memory_space<hbm>>
          tpu.wait_indirect_dma semaphore(%run_scoped3A_51 : memref<!tpu.dma_semaphore, #tpu.memory_space<semaphore_mem>>) src(%dma_wait3A_61 : memref<10000x128xf32, #tpu.memory_space<hbm>>) dst(%arg10 : memref<128x128xf32, #tpu.memory_space<vmem>>)
          tpu.yield
        }) : () -> ()
        %run_scoped3A_46 = arith.constant 5 : i32
        "tpu.region"() ({
          %run_scoped3A_51 = tpu.sem_alloc : memref<!tpu.dma_semaphore, #tpu.memory_space<semaphore_mem>>
          %dma_start3A = arith.constant 0 : i32
          %dma_start3A_52 = tpu.memref_slice %arg9[%run_scoped3A_46, %dma_start3A] : memref<8x128xi32, #tpu.memory_space<vmem>> -> memref<1x128xi32, #tpu.memory_space<vmem>>
          %dma_start3A_53 = tpu.memref_squeeze %dma_start3A_52 : memref<1x128xi32, #tpu.memory_space<vmem>> -> memref<128xi32, #tpu.memory_space<vmem>>
          %dma_start3A_54 = arith.constant 0 : i32
          %dma_start3A_55 = arith.constant 0 : i32
          %dma_start3A_56 = tpu.memref_slice %arg11[%dma_start3A_54, %dma_start3A_55] : memref<10240x128xf32, #tpu.memory_space<vmem_shared>> -> memref<10240x128xf32, #tpu.memory_space<vmem_shared>>
          tpu.enqueue_indirect_dma source(%arg10 : memref<128x128xf32, #tpu.memory_space<vmem>>) target(%dma_start3A_56 : memref<10240x128xf32, #tpu.memory_space<vmem_shared>>) offsets(%dma_start3A_53 : memref<128xi32, #tpu.memory_space<vmem>>) semaphore(%run_scoped3A_51 : memref<!tpu.dma_semaphore, #tpu.memory_space<semaphore_mem>>) {add = true}
          %dma_wait3A = arith.constant 0 : i32
          %dma_wait3A_57 = tpu.memref_slice %arg9[%run_scoped3A_46, %dma_wait3A] : memref<8x128xi32, #tpu.memory_space<vmem>> -> memref<1x128xi32, #tpu.memory_space<vmem>>
          %dma_wait3A_58 = tpu.memref_squeeze %dma_wait3A_57 : memref<1x128xi32, #tpu.memory_space<vmem>> -> memref<128xi32, #tpu.memory_space<vmem>>
          %dma_wait3A_59 = arith.constant 0 : i32
          %dma_wait3A_60 = arith.constant 0 : i32
          %dma_wait3A_61 = tpu.memref_slice %arg11[%dma_wait3A_59, %dma_wait3A_60] : memref<10240x128xf32, #tpu.memory_space<vmem_shared>> -> memref<10240x128xf32, #tpu.memory_space<vmem_shared>>
          tpu.wait_indirect_dma semaphore(%run_scoped3A_51 : memref<!tpu.dma_semaphore, #tpu.memory_space<semaphore_mem>>) src(%arg10 : memref<128x128xf32, #tpu.memory_space<vmem>>) dst(%dma_wait3A_61 : memref<10240x128xf32, #tpu.memory_space<vmem_shared>>)
          tpu.yield
        }) : () -> ()
        %run_scoped3A_47 = arith.constant 6 : i32
        "tpu.region"() ({
          %run_scoped3A_51 = tpu.sem_alloc : memref<!tpu.dma_semaphore, #tpu.memory_space<semaphore_mem>>
          %dma_start3A = arith.constant 0 : i32
          %dma_start3A_52 = tpu.memref_slice %arg8[%run_scoped3A_47, %dma_start3A] : memref<8x128xi32, #tpu.memory_space<vmem>> -> memref<1x128xi32, #tpu.memory_space<vmem>>
          %dma_start3A_53 = tpu.memref_squeeze %dma_start3A_52 : memref<1x128xi32, #tpu.memory_space<vmem>> -> memref<128xi32, #tpu.memory_space<vmem>>
          %dma_start3A_54 = arith.constant 0 : i32
          %dma_start3A_55 = arith.constant 0 : i32
          %dma_start3A_56 = tpu.memref_slice %arg3[%dma_start3A_54, %dma_start3A_55] : memref<10000x128xf32, #tpu.memory_space<hbm>> -> memref<10000x128xf32, #tpu.memory_space<hbm>>
          tpu.enqueue_indirect_dma source(%dma_start3A_56 : memref<10000x128xf32, #tpu.memory_space<hbm>>) target(%arg10 : memref<128x128xf32, #tpu.memory_space<vmem>>) offsets(%dma_start3A_53 : memref<128xi32, #tpu.memory_space<vmem>>) semaphore(%run_scoped3A_51 : memref<!tpu.dma_semaphore, #tpu.memory_space<semaphore_mem>>)
          %dma_wait3A = arith.constant 0 : i32
          %dma_wait3A_57 = tpu.memref_slice %arg8[%run_scoped3A_47, %dma_wait3A] : memref<8x128xi32, #tpu.memory_space<vmem>> -> memref<1x128xi32, #tpu.memory_space<vmem>>
          %dma_wait3A_58 = tpu.memref_squeeze %dma_wait3A_57 : memref<1x128xi32, #tpu.memory_space<vmem>> -> memref<128xi32, #tpu.memory_space<vmem>>
          %dma_wait3A_59 = arith.constant 0 : i32
          %dma_wait3A_60 = arith.constant 0 : i32
          %dma_wait3A_61 = tpu.memref_slice %arg3[%dma_wait3A_59, %dma_wait3A_60] : memref<10000x128xf32, #tpu.memory_space<hbm>> -> memref<10000x128xf32, #tpu.memory_space<hbm>>
          tpu.wait_indirect_dma semaphore(%run_scoped3A_51 : memref<!tpu.dma_semaphore, #tpu.memory_space<semaphore_mem>>) src(%dma_wait3A_61 : memref<10000x128xf32, #tpu.memory_space<hbm>>) dst(%arg10 : memref<128x128xf32, #tpu.memory_space<vmem>>)
          tpu.yield
        }) : () -> ()
        %run_scoped3A_48 = arith.constant 6 : i32
        "tpu.region"() ({
          %run_scoped3A_51 = tpu.sem_alloc : memref<!tpu.dma_semaphore, #tpu.memory_space<semaphore_mem>>
          %dma_start3A = arith.constant 0 : i32
          %dma_start3A_52 = tpu.memref_slice %arg9[%run_scoped3A_48, %dma_start3A] : memref<8x128xi32, #tpu.memory_space<vmem>> -> memref<1x128xi32, #tpu.memory_space<vmem>>
          %dma_start3A_53 = tpu.memref_squeeze %dma_start3A_52 : memref<1x128xi32, #tpu.memory_space<vmem>> -> memref<128xi32, #tpu.memory_space<vmem>>
          %dma_start3A_54 = arith.constant 0 : i32
          %dma_start3A_55 = arith.constant 0 : i32
          %dma_start3A_56 = tpu.memref_slice %arg11[%dma_start3A_54, %dma_start3A_55] : memref<10240x128xf32, #tpu.memory_space<vmem_shared>> -> memref<10240x128xf32, #tpu.memory_space<vmem_shared>>
          tpu.enqueue_indirect_dma source(%arg10 : memref<128x128xf32, #tpu.memory_space<vmem>>) target(%dma_start3A_56 : memref<10240x128xf32, #tpu.memory_space<vmem_shared>>) offsets(%dma_start3A_53 : memref<128xi32, #tpu.memory_space<vmem>>) semaphore(%run_scoped3A_51 : memref<!tpu.dma_semaphore, #tpu.memory_space<semaphore_mem>>) {add = true}
          %dma_wait3A = arith.constant 0 : i32
          %dma_wait3A_57 = tpu.memref_slice %arg9[%run_scoped3A_48, %dma_wait3A] : memref<8x128xi32, #tpu.memory_space<vmem>> -> memref<1x128xi32, #tpu.memory_space<vmem>>
          %dma_wait3A_58 = tpu.memref_squeeze %dma_wait3A_57 : memref<1x128xi32, #tpu.memory_space<vmem>> -> memref<128xi32, #tpu.memory_space<vmem>>
          %dma_wait3A_59 = arith.constant 0 : i32
          %dma_wait3A_60 = arith.constant 0 : i32
          %dma_wait3A_61 = tpu.memref_slice %arg11[%dma_wait3A_59, %dma_wait3A_60] : memref<10240x128xf32, #tpu.memory_space<vmem_shared>> -> memref<10240x128xf32, #tpu.memory_space<vmem_shared>>
          tpu.wait_indirect_dma semaphore(%run_scoped3A_51 : memref<!tpu.dma_semaphore, #tpu.memory_space<semaphore_mem>>) src(%arg10 : memref<128x128xf32, #tpu.memory_space<vmem>>) dst(%dma_wait3A_61 : memref<10240x128xf32, #tpu.memory_space<vmem_shared>>)
          tpu.yield
        }) : () -> ()
        %run_scoped3A_49 = arith.constant 7 : i32
        "tpu.region"() ({
          %run_scoped3A_51 = tpu.sem_alloc : memref<!tpu.dma_semaphore, #tpu.memory_space<semaphore_mem>>
          %dma_start3A = arith.constant 0 : i32
          %dma_start3A_52 = tpu.memref_slice %arg8[%run_scoped3A_49, %dma_start3A] : memref<8x128xi32, #tpu.memory_space<vmem>> -> memref<1x128xi32, #tpu.memory_space<vmem>>
          %dma_start3A_53 = tpu.memref_squeeze %dma_start3A_52 : memref<1x128xi32, #tpu.memory_space<vmem>> -> memref<128xi32, #tpu.memory_space<vmem>>
          %dma_start3A_54 = arith.constant 0 : i32
          %dma_start3A_55 = arith.constant 0 : i32
          %dma_start3A_56 = tpu.memref_slice %arg3[%dma_start3A_54, %dma_start3A_55] : memref<10000x128xf32, #tpu.memory_space<hbm>> -> memref<10000x128xf32, #tpu.memory_space<hbm>>
          tpu.enqueue_indirect_dma source(%dma_start3A_56 : memref<10000x128xf32, #tpu.memory_space<hbm>>) target(%arg10 : memref<128x128xf32, #tpu.memory_space<vmem>>) offsets(%dma_start3A_53 : memref<128xi32, #tpu.memory_space<vmem>>) semaphore(%run_scoped3A_51 : memref<!tpu.dma_semaphore, #tpu.memory_space<semaphore_mem>>)
          %dma_wait3A = arith.constant 0 : i32
          %dma_wait3A_57 = tpu.memref_slice %arg8[%run_scoped3A_49, %dma_wait3A] : memref<8x128xi32, #tpu.memory_space<vmem>> -> memref<1x128xi32, #tpu.memory_space<vmem>>
          %dma_wait3A_58 = tpu.memref_squeeze %dma_wait3A_57 : memref<1x128xi32, #tpu.memory_space<vmem>> -> memref<128xi32, #tpu.memory_space<vmem>>
          %dma_wait3A_59 = arith.constant 0 : i32
          %dma_wait3A_60 = arith.constant 0 : i32
          %dma_wait3A_61 = tpu.memref_slice %arg3[%dma_wait3A_59, %dma_wait3A_60] : memref<10000x128xf32, #tpu.memory_space<hbm>> -> memref<10000x128xf32, #tpu.memory_space<hbm>>
          tpu.wait_indirect_dma semaphore(%run_scoped3A_51 : memref<!tpu.dma_semaphore, #tpu.memory_space<semaphore_mem>>) src(%dma_wait3A_61 : memref<10000x128xf32, #tpu.memory_space<hbm>>) dst(%arg10 : memref<128x128xf32, #tpu.memory_space<vmem>>)
          tpu.yield
        }) : () -> ()
        %run_scoped3A_50 = arith.constant 7 : i32
        "tpu.region"() ({
          %run_scoped3A_51 = tpu.sem_alloc : memref<!tpu.dma_semaphore, #tpu.memory_space<semaphore_mem>>
          %dma_start3A = arith.constant 0 : i32
          %dma_start3A_52 = tpu.memref_slice %arg9[%run_scoped3A_50, %dma_start3A] : memref<8x128xi32, #tpu.memory_space<vmem>> -> memref<1x128xi32, #tpu.memory_space<vmem>>
          %dma_start3A_53 = tpu.memref_squeeze %dma_start3A_52 : memref<1x128xi32, #tpu.memory_space<vmem>> -> memref<128xi32, #tpu.memory_space<vmem>>
          %dma_start3A_54 = arith.constant 0 : i32
          %dma_start3A_55 = arith.constant 0 : i32
          %dma_start3A_56 = tpu.memref_slice %arg11[%dma_start3A_54, %dma_start3A_55] : memref<10240x128xf32, #tpu.memory_space<vmem_shared>> -> memref<10240x128xf32, #tpu.memory_space<vmem_shared>>
          tpu.enqueue_indirect_dma source(%arg10 : memref<128x128xf32, #tpu.memory_space<vmem>>) target(%dma_start3A_56 : memref<10240x128xf32, #tpu.memory_space<vmem_shared>>) offsets(%dma_start3A_53 : memref<128xi32, #tpu.memory_space<vmem>>) semaphore(%run_scoped3A_51 : memref<!tpu.dma_semaphore, #tpu.memory_space<semaphore_mem>>) {add = true}
          %dma_wait3A = arith.constant 0 : i32
          %dma_wait3A_57 = tpu.memref_slice %arg9[%run_scoped3A_50, %dma_wait3A] : memref<8x128xi32, #tpu.memory_space<vmem>> -> memref<1x128xi32, #tpu.memory_space<vmem>>
          %dma_wait3A_58 = tpu.memref_squeeze %dma_wait3A_57 : memref<1x128xi32, #tpu.memory_space<vmem>> -> memref<128xi32, #tpu.memory_space<vmem>>
          %dma_wait3A_59 = arith.constant 0 : i32
          %dma_wait3A_60 = arith.constant 0 : i32
          %dma_wait3A_61 = tpu.memref_slice %arg11[%dma_wait3A_59, %dma_wait3A_60] : memref<10240x128xf32, #tpu.memory_space<vmem_shared>> -> memref<10240x128xf32, #tpu.memory_space<vmem_shared>>
          tpu.wait_indirect_dma semaphore(%run_scoped3A_51 : memref<!tpu.dma_semaphore, #tpu.memory_space<semaphore_mem>>) src(%arg10 : memref<128x128xf32, #tpu.memory_space<vmem>>) dst(%dma_wait3A_61 : memref<10240x128xf32, #tpu.memory_space<vmem_shared>>)
          tpu.yield
        }) : () -> ()
      }
      %scan3A_27 = arith.constant 20 : i32
      %barrier3A_28 = arith.constant 0 : index
      tpu.barrier barrier_id(%barrier3A_28)
      %mul3A_29 = arith.constant 640 : i32
      %mul3A_30 = arith.muli %arg1, %mul3A_29 : i32
      "tpu.region"() ({
        %run_scoped3A = tpu.sem_alloc : memref<!tpu.dma_semaphore, #tpu.memory_space<semaphore_mem>>
        %dma_start3A = arith.constant 0 : i32
        %dma_start3A_31 = tpu.memref_slice %arg7[%mul3A_30, %dma_start3A] : memref<10240x128xf32, #tpu.memory_space<hbm>> -> memref<640x128xf32, #tpu.memory_space<hbm>>
        %dma_start3A_32 = arith.constant 0 : i32
        %dma_start3A_33 = tpu.memref_slice %arg11[%mul3A_30, %dma_start3A_32] : memref<10240x128xf32, #tpu.memory_space<vmem_shared>> -> memref<640x128xf32, #tpu.memory_space<vmem_shared>>
        tpu.enqueue_dma source(%dma_start3A_33 : memref<640x128xf32, #tpu.memory_space<vmem_shared>>) target(%dma_start3A_31 : memref<640x128xf32, #tpu.memory_space<hbm>>) target_semaphore(%run_scoped3A : memref<!tpu.dma_semaphore, #tpu.memory_space<semaphore_mem>>)
        %dma_wait3A = arith.constant 0 : i32
        %dma_wait3A_34 = tpu.memref_slice %arg7[%mul3A_30, %dma_wait3A] : memref<10240x128xf32, #tpu.memory_space<hbm>> -> memref<640x128xf32, #tpu.memory_space<hbm>>
        %dma_wait3A_35 = arith.constant 0 : i32
        %dma_wait3A_36 = tpu.memref_slice %arg11[%mul3A_30, %dma_wait3A_35] : memref<10240x128xf32, #tpu.memory_space<vmem_shared>> -> memref<640x128xf32, #tpu.memory_space<vmem_shared>>
        tpu.wait_dma2 semaphore(%run_scoped3A : memref<!tpu.dma_semaphore, #tpu.memory_space<semaphore_mem>>) src(%dma_wait3A_36 : memref<640x128xf32, #tpu.memory_space<vmem_shared>>) dst(%dma_wait3A_34 : memref<640x128xf32, #tpu.memory_space<hbm>>)
        tpu.yield
      }) : () -> ()
    } else {
    }
    return
  }
}

module attributes {stable_mosaic.version = 14 : i64} {
  func.func @_mlp_b_body(%arg0: i32, %arg1: memref<1000x256xf32, #tpu.memory_space<vmem>>, %arg2: memref<8x256xf32, #tpu.memory_space<vmem>>, %arg3: memref<1x256xf32, #tpu.memory_space<vmem>>, %arg4: memref<1x256xf32, #tpu.memory_space<vmem>>, %arg5: memref<256x256xf32, #tpu.memory_space<vmem>>, %arg6: memref<1x256xf32, #tpu.memory_space<vmem>>, %arg7: memref<1000x128xf32, #tpu.memory_space<vmem>>, %arg8: memref<1000x128xf32, #tpu.memory_space<vmem>>) attributes {dimension_semantics = [#tpu.dimension_semantics<arbitrary>], iteration_bounds = array<i64: 10>, scalar_prefetch = 0 : i64, scratch_operands = 0 : i64, tpu.core_type = #tpu.core_type<tc>, window_params = [{transform_indices = @transform_0, window_bounds = array<i64: 1000, 256>}, {pipeline_mode = #tpu.pipeline_mode<synchronous>, transform_indices = @transform_1, window_bounds = array<i64: 8, 256>}, {pipeline_mode = #tpu.pipeline_mode<synchronous>, transform_indices = @transform_2, window_bounds = array<i64: 1, 256>}, {pipeline_mode = #tpu.pipeline_mode<synchronous>, transform_indices = @transform_3, window_bounds = array<i64: 1, 256>}, {pipeline_mode = #tpu.pipeline_mode<synchronous>, transform_indices = @transform_4, window_bounds = array<i64: 256, 256>}, {pipeline_mode = #tpu.pipeline_mode<synchronous>, transform_indices = @transform_5, window_bounds = array<i64: 1, 256>}, {transform_indices = @transform_6, window_bounds = array<i64: 1000, 128>}, {transform_indices = @transform_7, window_bounds = array<i64: 1000, 128>}]} {
    %get3A = arith.constant 0 : index
    %get3A_0 = arith.constant 0 : index
    %get3A_1 = vector.load %arg2[%get3A, %get3A_0] : memref<8x256xf32, #tpu.memory_space<vmem>>, vector<8x256xf32>
    %slice3A = vector.extract_strided_slice %get3A_1 {offsets = [0, 0], sizes = [1, 256], strides = [1, 1]} : vector<8x256xf32> to vector<1x256xf32>
    %mul3A = arith.constant 9.99999974E-5 : f32
    %mul3A_2 = vector.broadcast %mul3A : f32 to vector<1x256xf32>
    %mul3A_3 = arith.mulf %slice3A, %mul3A_2 : vector<1x256xf32>
    %slice3A_4 = vector.extract_strided_slice %get3A_1 {offsets = [1, 0], sizes = [1, 256], strides = [1, 1]} : vector<8x256xf32> to vector<1x256xf32>
    %mul3A_5 = arith.constant 9.99999974E-5 : f32
    %mul3A_6 = vector.broadcast %mul3A_5 : f32 to vector<1x256xf32>
    %mul3A_7 = arith.mulf %slice3A_4, %mul3A_6 : vector<1x256xf32>
    %mul3A_8 = arith.mulf %mul3A_3, %mul3A_3 : vector<1x256xf32>
    %sub3A = arith.subf %mul3A_7, %mul3A_8 : vector<1x256xf32>
    %get3A_9 = arith.constant 0 : index
    %get3A_10 = arith.constant 0 : index
    %get3A_11 = vector.load %arg3[%get3A_9, %get3A_10] : memref<1x256xf32, #tpu.memory_space<vmem>>, vector<1x256xf32>
    %add3A = arith.constant 9.99999974E-6 : f32
    %add3A_12 = vector.broadcast %add3A : f32 to vector<1x256xf32>
    %add3A_13 = arith.addf %sub3A, %add3A_12 : vector<1x256xf32>
    %rsqrt3A = math.rsqrt %add3A_13 : vector<1x256xf32>
    %mul3A_14 = arith.mulf %get3A_11, %rsqrt3A : vector<1x256xf32>
    %get3A_15 = arith.constant 0 : index
    %get3A_16 = arith.constant 0 : index
    %get3A_17 = vector.load %arg4[%get3A_15, %get3A_16] : memref<1x256xf32, #tpu.memory_space<vmem>>, vector<1x256xf32>
    %mul3A_18 = arith.mulf %mul3A_3, %mul3A_14 : vector<1x256xf32>
    %sub3A_19 = arith.subf %get3A_17, %mul3A_18 : vector<1x256xf32>
    %get3A_20 = arith.constant 0 : index
    %get3A_21 = arith.constant 0 : index
    %get3A_22 = vector.load %arg1[%get3A_20, %get3A_21] : memref<1000x256xf32, #tpu.memory_space<vmem>>, vector<1000x256xf32>
    %mul3A_23 = vector.broadcast %mul3A_14 : vector<1x256xf32> to vector<1000x256xf32>
    %mul3A_24 = arith.mulf %get3A_22, %mul3A_23 : vector<1000x256xf32>
    %add3A_25 = vector.broadcast %sub3A_19 : vector<1x256xf32> to vector<1000x256xf32>
    %add3A_26 = arith.addf %mul3A_24, %add3A_25 : vector<1000x256xf32>
    %max3A = arith.constant 0.000000e+00 : f32
    %max3A_27 = vector.broadcast %max3A : f32 to vector<1000x256xf32>
    %max3A_28 = arith.maximumf %add3A_26, %max3A_27 : vector<1000x256xf32>
    %get3A_29 = arith.constant 0 : index
    %get3A_30 = arith.constant 0 : index
    %get3A_31 = vector.load %arg5[%get3A_29, %get3A_30] : memref<256x256xf32, #tpu.memory_space<vmem>>, vector<256x256xf32>
    %dot_general3A = arith.constant dense<0.000000e+00> : vector<1000x256xf32>
    %dot_general3A_32 = tpu.matmul %max3A_28, %get3A_31, %dot_general3A {dimension_numbers = #tpu.dot_dimension_numbers<[1], [1], [0], [0], [0, 0, 1, 0], [], []>, transpose_lhs_hint = false} : vector<1000x256xf32>, vector<256x256xf32>, vector<1000x256xf32> -> vector<1000x256xf32>
    %get3A_33 = arith.constant 0 : index
    %get3A_34 = arith.constant 0 : index
    %get3A_35 = vector.load %arg6[%get3A_33, %get3A_34] : memref<1x256xf32, #tpu.memory_space<vmem>>, vector<1x256xf32>
    %add3A_36 = vector.broadcast %get3A_35 : vector<1x256xf32> to vector<1000x256xf32>
    %add3A_37 = arith.addf %dot_general3A_32, %add3A_36 : vector<1000x256xf32>
    %max3A_38 = arith.constant 0.000000e+00 : f32
    %max3A_39 = vector.broadcast %max3A_38 : f32 to vector<1000x256xf32>
    %max3A_40 = arith.maximumf %add3A_37, %max3A_39 : vector<1000x256xf32>
    %slice3A_41 = vector.extract_strided_slice %max3A_40 {offsets = [0, 0], sizes = [1000, 128], strides = [1, 1]} : vector<1000x256xf32> to vector<1000x128xf32>
    %swap3A = arith.constant 0 : index
    %swap3A_42 = arith.constant 0 : index
    %swap3A_43 = vector.load %arg7[%swap3A, %swap3A_42] : memref<1000x128xf32, #tpu.memory_space<vmem>>, vector<1000x128xf32>
    tpu.vector_store %arg7[%swap3A, %swap3A_42], %slice3A_41 {strides = array<i32>} : memref<1000x128xf32, #tpu.memory_space<vmem>>, vector<1000x128xf32>,
    %slice3A_44 = vector.extract_strided_slice %max3A_40 {offsets = [0, 128], sizes = [1000, 128], strides = [1, 1]} : vector<1000x256xf32> to vector<1000x128xf32>
    %swap3A_45 = arith.constant 0 : index
    %swap3A_46 = arith.constant 0 : index
    %swap3A_47 = vector.load %arg8[%swap3A_45, %swap3A_46] : memref<1000x128xf32, #tpu.memory_space<vmem>>, vector<1000x128xf32>
    tpu.vector_store %arg8[%swap3A_45, %swap3A_46], %slice3A_44 {strides = array<i32>} : memref<1000x128xf32, #tpu.memory_space<vmem>>, vector<1000x128xf32>,
    return
  }
  func.func @transform_0(%arg0: i32) -> (i32, i32) {
    %c0_i32 = arith.constant 0 : i32
    %c0_i32_0 = arith.constant 0 : i32
    return %arg0, %c0_i32 : i32, i32
  }
  func.func @transform_1(%arg0: i32) -> (i32, i32) {
    %c0_i32 = arith.constant 0 : i32
    %c0_i32_0 = arith.constant 0 : i32
    %c0_i32_1 = arith.constant 0 : i32
    return %c0_i32, %c0_i32_0 : i32, i32
  }
  func.func @transform_2(%arg0: i32) -> (i32, i32) {
    %c0_i32 = arith.constant 0 : i32
    %c0_i32_0 = arith.constant 0 : i32
    %c0_i32_1 = arith.constant 0 : i32
    return %c0_i32, %c0_i32_0 : i32, i32
  }
  func.func @transform_3(%arg0: i32) -> (i32, i32) {
    %c0_i32 = arith.constant 0 : i32
    %c0_i32_0 = arith.constant 0 : i32
    %c0_i32_1 = arith.constant 0 : i32
    return %c0_i32, %c0_i32_0 : i32, i32
  }
  func.func @transform_4(%arg0: i32) -> (i32, i32) {
    %c0_i32 = arith.constant 0 : i32
    %c0_i32_0 = arith.constant 0 : i32
    %c0_i32_1 = arith.constant 0 : i32
    return %c0_i32, %c0_i32_0 : i32, i32
  }
  func.func @transform_5(%arg0: i32) -> (i32, i32) {
    %c0_i32 = arith.constant 0 : i32
    %c0_i32_0 = arith.constant 0 : i32
    %c0_i32_1 = arith.constant 0 : i32
    return %c0_i32, %c0_i32_0 : i32, i32
  }
  func.func @transform_6(%arg0: i32) -> (i32, i32) {
    %c0_i32 = arith.constant 0 : i32
    %c0_i32_0 = arith.constant 0 : i32
    return %arg0, %c0_i32 : i32, i32
  }
  func.func @transform_7(%arg0: i32) -> (i32, i32) {
    %c0_i32 = arith.constant 0 : i32
    %c0_i32_0 = arith.constant 0 : i32
    return %arg0, %c0_i32 : i32, i32
  }
}

module attributes {stable_mosaic.version = 14 : i64} {
  func.func @_mlp_a1_body(%arg0: i32, %arg1: memref<1000x128xf32, #tpu.memory_space<vmem>>, %arg2: memref<1000x128xf32, #tpu.memory_space<vmem>>, %arg3: memref<1000x128xf32, #tpu.memory_space<vmem>>, %arg4: memref<256x128xf32, #tpu.memory_space<vmem>>, %arg5: memref<1x256xf32, #tpu.memory_space<vmem>>, %arg6: memref<1000x256xf32, #tpu.memory_space<vmem>>, %arg7: memref<8x256xf32, #tpu.memory_space<vmem>>) attributes {dimension_semantics = [#tpu.dimension_semantics<arbitrary>], iteration_bounds = array<i64: 10>, scalar_prefetch = 0 : i64, scratch_operands = 0 : i64, tpu.core_type = #tpu.core_type<tc>, window_params = [{transform_indices = @transform_0, window_bounds = array<i64: 1000, 128>}, {transform_indices = @transform_1, window_bounds = array<i64: 1000, 128>}, {transform_indices = @transform_2, window_bounds = array<i64: 1000, 128>}, {pipeline_mode = #tpu.pipeline_mode<synchronous>, transform_indices = @transform_3, window_bounds = array<i64: 256, 128>}, {pipeline_mode = #tpu.pipeline_mode<synchronous>, transform_indices = @transform_4, window_bounds = array<i64: 1, 256>}, {transform_indices = @transform_5, window_bounds = array<i64: 1000, 256>}, {pipeline_mode = #tpu.pipeline_mode<synchronous>, transform_indices = @transform_6, window_bounds = array<i64: 8, 256>}]} {
    %get3A = arith.constant 0 : index
    %get3A_0 = arith.constant 0 : index
    %get3A_1 = vector.load %arg1[%get3A, %get3A_0] : memref<1000x128xf32, #tpu.memory_space<vmem>>, vector<1000x128xf32>
    %get3A_2 = arith.constant 0 : index
    %get3A_3 = arith.constant 0 : index
    %get3A_4 = vector.load %arg2[%get3A_2, %get3A_3] : memref<1000x128xf32, #tpu.memory_space<vmem>>, vector<1000x128xf32>
    %add3A = arith.addf %get3A_1, %get3A_4 : vector<1000x128xf32>
    %get3A_5 = arith.constant 0 : index
    %get3A_6 = arith.constant 0 : index
    %get3A_7 = vector.load %arg3[%get3A_5, %get3A_6] : memref<1000x128xf32, #tpu.memory_space<vmem>>, vector<1000x128xf32>
    %add3A_8 = arith.addf %add3A, %get3A_7 : vector<1000x128xf32>
    %get3A_9 = arith.constant 0 : index
    %get3A_10 = arith.constant 0 : index
    %get3A_11 = vector.load %arg4[%get3A_9, %get3A_10] : memref<256x128xf32, #tpu.memory_space<vmem>>, vector<256x128xf32>
    %dot_general3A = arith.constant dense<0.000000e+00> : vector<1000x256xf32>
    %dot_general3A_12 = tpu.matmul %add3A_8, %get3A_11, %dot_general3A {dimension_numbers = #tpu.dot_dimension_numbers<[1], [1], [0], [0], [0, 0, 1, 0], [], []>, transpose_lhs_hint = false} : vector<1000x128xf32>, vector<256x128xf32>, vector<1000x256xf32> -> vector<1000x256xf32>
    %get3A_13 = arith.constant 0 : index
    %get3A_14 = arith.constant 0 : index
    %get3A_15 = vector.load %arg5[%get3A_13, %get3A_14] : memref<1x256xf32, #tpu.memory_space<vmem>>, vector<1x256xf32>
    %add3A_16 = vector.broadcast %get3A_15 : vector<1x256xf32> to vector<1000x256xf32>
    %add3A_17 = arith.addf %dot_general3A_12, %add3A_16 : vector<1000x256xf32>
    %swap3A = arith.constant 0 : index
    %swap3A_18 = arith.constant 0 : index
    %swap3A_19 = vector.load %arg6[%swap3A, %swap3A_18] : memref<1000x256xf32, #tpu.memory_space<vmem>>, vector<1000x256xf32>
    tpu.vector_store %arg6[%swap3A, %swap3A_18], %add3A_17 {strides = array<i32>} : memref<1000x256xf32, #tpu.memory_space<vmem>>, vector<1000x256xf32>,
    %eq3A = arith.constant 0 : i32
    %eq3A_20 = arith.cmpi eq, %arg0, %eq3A : i32
    %convert_element_type3A = arith.extui %eq3A_20 : i1 to i32
    %cond3A = arith.constant 0 : i32
    %cond3A_21 = arith.cmpi ne, %convert_element_type3A, %cond3A : i32
    scf.if %cond3A_21 {
      %broadcast_in_dim3A_35 = arith.constant 0.000000e+00 : f32
      %broadcast_in_dim3A_36 = vector.broadcast %broadcast_in_dim3A_35 : f32 to vector<8x256xf32>
      %swap3A_37 = arith.constant 0 : index
      %swap3A_38 = arith.constant 0 : index
      %swap3A_39 = vector.load %arg7[%swap3A_37, %swap3A_38] : memref<8x256xf32, #tpu.memory_space<vmem>>, vector<8x256xf32>
      tpu.vector_store %arg7[%swap3A_37, %swap3A_38], %broadcast_in_dim3A_36 {strides = array<i32>} : memref<8x256xf32, #tpu.memory_space<vmem>>, vector<8x256xf32>,
    } else {
    }
    %reduce_sum3A = arith.constant dense<0.000000e+00> : vector<256xf32>
    %reduce_sum3A_22 = vector.multi_reduction <add>, %add3A_17, %reduce_sum3A [0] : vector<1000x256xf32> to vector<256xf32>
    %broadcast_in_dim3A = vector.shape_cast %reduce_sum3A_22 : vector<256xf32> to vector<1x256xf32>
    %mul3A = arith.mulf %add3A_17, %add3A_17 : vector<1000x256xf32>
    %reduce_sum3A_23 = arith.constant dense<0.000000e+00> : vector<256xf32>
    %reduce_sum3A_24 = vector.multi_reduction <add>, %mul3A, %reduce_sum3A_23 [0] : vector<1000x256xf32> to vector<256xf32>
    %broadcast_in_dim3A_25 = vector.shape_cast %reduce_sum3A_24 : vector<256xf32> to vector<1x256xf32>
    %broadcast_in_dim3A_26 = arith.constant 0.000000e+00 : f32
    %broadcast_in_dim3A_27 = vector.broadcast %broadcast_in_dim3A_26 : f32 to vector<6x256xf32>
    %concatenate3A = tpu.concatenate %broadcast_in_dim3A, %broadcast_in_dim3A_25, %broadcast_in_dim3A_27 in 0 : vector<1x256xf32>, vector<1x256xf32>, vector<6x256xf32> -> vector<8x256xf32>
    %get3A_28 = arith.constant 0 : index
    %get3A_29 = arith.constant 0 : index
    %get3A_30 = vector.load %arg7[%get3A_28, %get3A_29] : memref<8x256xf32, #tpu.memory_space<vmem>>, vector<8x256xf32>
    %add3A_31 = arith.addf %get3A_30, %concatenate3A : vector<8x256xf32>
    %swap3A_32 = arith.constant 0 : index
    %swap3A_33 = arith.constant 0 : index
    %swap3A_34 = vector.load %arg7[%swap3A_32, %swap3A_33] : memref<8x256xf32, #tpu.memory_space<vmem>>, vector<8x256xf32>
    tpu.vector_store %arg7[%swap3A_32, %swap3A_33], %add3A_31 {strides = array<i32>} : memref<8x256xf32, #tpu.memory_space<vmem>>, vector<8x256xf32>,
    return
  }
  func.func @transform_0(%arg0: i32) -> (i32, i32) {
    %c0_i32 = arith.constant 0 : i32
    %c0_i32_0 = arith.constant 0 : i32
    return %arg0, %c0_i32 : i32, i32
  }
  func.func @transform_1(%arg0: i32) -> (i32, i32) {
    %c0_i32 = arith.constant 0 : i32
    %c0_i32_0 = arith.constant 0 : i32
    return %arg0, %c0_i32 : i32, i32
  }
  func.func @transform_2(%arg0: i32) -> (i32, i32) {
    %c0_i32 = arith.constant 0 : i32
    %c0_i32_0 = arith.constant 0 : i32
    return %arg0, %c0_i32 : i32, i32
  }
  func.func @transform_3(%arg0: i32) -> (i32, i32) {
    %c0_i32 = arith.constant 0 : i32
    %c0_i32_0 = arith.constant 0 : i32
    %c0_i32_1 = arith.constant 0 : i32
    return %c0_i32, %c0_i32_0 : i32, i32
  }
  func.func @transform_4(%arg0: i32) -> (i32, i32) {
    %c0_i32 = arith.constant 0 : i32
    %c0_i32_0 = arith.constant 0 : i32
    %c0_i32_1 = arith.constant 0 : i32
    return %c0_i32, %c0_i32_0 : i32, i32
  }
  func.func @transform_5(%arg0: i32) -> (i32, i32) {
    %c0_i32 = arith.constant 0 : i32
    %c0_i32_0 = arith.constant 0 : i32
    return %arg0, %c0_i32 : i32, i32
  }
  func.func @transform_6(%arg0: i32) -> (i32, i32) {
    %c0_i32 = arith.constant 0 : i32
    %c0_i32_0 = arith.constant 0 : i32
    %c0_i32_1 = arith.constant 0 : i32
    return %c0_i32, %c0_i32_0 : i32, i32
  }
}

module attributes {stable_mosaic.version = 14 : i64} {
  func.func @_mlp_a2_body(%arg0: i32, %arg1: memref<1000x128xf32, #tpu.memory_space<vmem>>, %arg2: memref<1000x128xf32, #tpu.memory_space<vmem>>, %arg3: memref<1000x128xf32, #tpu.memory_space<vmem>>, %arg4: memref<1000x128xf32, #tpu.memory_space<vmem>>, %arg5: memref<256x256xf32, #tpu.memory_space<vmem>>, %arg6: memref<1x256xf32, #tpu.memory_space<vmem>>, %arg7: memref<1000x256xf32, #tpu.memory_space<vmem>>, %arg8: memref<8x256xf32, #tpu.memory_space<vmem>>) attributes {dimension_semantics = [#tpu.dimension_semantics<arbitrary>], iteration_bounds = array<i64: 10>, scalar_prefetch = 0 : i64, scratch_operands = 0 : i64, tpu.core_type = #tpu.core_type<tc>, window_params = [{transform_indices = @transform_0, window_bounds = array<i64: 1000, 128>}, {transform_indices = @transform_1, window_bounds = array<i64: 1000, 128>}, {transform_indices = @transform_2, window_bounds = array<i64: 1000, 128>}, {transform_indices = @transform_3, window_bounds = array<i64: 1000, 128>}, {pipeline_mode = #tpu.pipeline_mode<synchronous>, transform_indices = @transform_4, window_bounds = array<i64: 256, 256>}, {pipeline_mode = #tpu.pipeline_mode<synchronous>, transform_indices = @transform_5, window_bounds = array<i64: 1, 256>}, {transform_indices = @transform_6, window_bounds = array<i64: 1000, 256>}, {pipeline_mode = #tpu.pipeline_mode<synchronous>, transform_indices = @transform_7, window_bounds = array<i64: 8, 256>}]} {
    %get3A = arith.constant 0 : index
    %get3A_0 = arith.constant 0 : index
    %get3A_1 = vector.load %arg1[%get3A, %get3A_0] : memref<1000x128xf32, #tpu.memory_space<vmem>>, vector<1000x128xf32>
    %get3A_2 = arith.constant 0 : index
    %get3A_3 = arith.constant 0 : index
    %get3A_4 = vector.load %arg3[%get3A_2, %get3A_3] : memref<1000x128xf32, #tpu.memory_space<vmem>>, vector<1000x128xf32>
    %add3A = arith.addf %get3A_1, %get3A_4 : vector<1000x128xf32>
    %get3A_5 = arith.constant 0 : index
    %get3A_6 = arith.constant 0 : index
    %get3A_7 = vector.load %arg2[%get3A_5, %get3A_6] : memref<1000x128xf32, #tpu.memory_space<vmem>>, vector<1000x128xf32>
    %get3A_8 = arith.constant 0 : index
    %get3A_9 = arith.constant 0 : index
    %get3A_10 = vector.load %arg4[%get3A_8, %get3A_9] : memref<1000x128xf32, #tpu.memory_space<vmem>>, vector<1000x128xf32>
    %add3A_11 = arith.addf %get3A_7, %get3A_10 : vector<1000x128xf32>
    %concatenate3A = tpu.concatenate %add3A, %add3A_11 in 1 : vector<1000x128xf32>, vector<1000x128xf32> -> vector<1000x256xf32>
    %get3A_12 = arith.constant 0 : index
    %get3A_13 = arith.constant 0 : index
    %get3A_14 = vector.load %arg5[%get3A_12, %get3A_13] : memref<256x256xf32, #tpu.memory_space<vmem>>, vector<256x256xf32>
    %dot_general3A = arith.constant dense<0.000000e+00> : vector<1000x256xf32>
    %dot_general3A_15 = tpu.matmul %concatenate3A, %get3A_14, %dot_general3A {dimension_numbers = #tpu.dot_dimension_numbers<[1], [1], [0], [0], [0, 0, 1, 0], [], []>, transpose_lhs_hint = false} : vector<1000x256xf32>, vector<256x256xf32>, vector<1000x256xf32> -> vector<1000x256xf32>
    %get3A_16 = arith.constant 0 : index
    %get3A_17 = arith.constant 0 : index
    %get3A_18 = vector.load %arg6[%get3A_16, %get3A_17] : memref<1x256xf32, #tpu.memory_space<vmem>>, vector<1x256xf32>
    %add3A_19 = vector.broadcast %get3A_18 : vector<1x256xf32> to vector<1000x256xf32>
    %add3A_20 = arith.addf %dot_general3A_15, %add3A_19 : vector<1000x256xf32>
    %swap3A = arith.constant 0 : index
    %swap3A_21 = arith.constant 0 : index
    %swap3A_22 = vector.load %arg7[%swap3A, %swap3A_21] : memref<1000x256xf32, #tpu.memory_space<vmem>>, vector<1000x256xf32>
    tpu.vector_store %arg7[%swap3A, %swap3A_21], %add3A_20 {strides = array<i32>} : memref<1000x256xf32, #tpu.memory_space<vmem>>, vector<1000x256xf32>,
    %eq3A = arith.constant 0 : i32
    %eq3A_23 = arith.cmpi eq, %arg0, %eq3A : i32
    %convert_element_type3A = arith.extui %eq3A_23 : i1 to i32
    %cond3A = arith.constant 0 : i32
    %cond3A_24 = arith.cmpi ne, %convert_element_type3A, %cond3A : i32
    scf.if %cond3A_24 {
      %broadcast_in_dim3A_39 = arith.constant 0.000000e+00 : f32
      %broadcast_in_dim3A_40 = vector.broadcast %broadcast_in_dim3A_39 : f32 to vector<8x256xf32>
      %swap3A_41 = arith.constant 0 : index
      %swap3A_42 = arith.constant 0 : index
      %swap3A_43 = vector.load %arg8[%swap3A_41, %swap3A_42] : memref<8x256xf32, #tpu.memory_space<vmem>>, vector<8x256xf32>
      tpu.vector_store %arg8[%swap3A_41, %swap3A_42], %broadcast_in_dim3A_40 {strides = array<i32>} : memref<8x256xf32, #tpu.memory_space<vmem>>, vector<8x256xf32>,
    } else {
    }
    %reduce_sum3A = arith.constant dense<0.000000e+00> : vector<256xf32>
    %reduce_sum3A_25 = vector.multi_reduction <add>, %add3A_20, %reduce_sum3A [0] : vector<1000x256xf32> to vector<256xf32>
    %broadcast_in_dim3A = vector.shape_cast %reduce_sum3A_25 : vector<256xf32> to vector<1x256xf32>
    %mul3A = arith.mulf %add3A_20, %add3A_20 : vector<1000x256xf32>
    %reduce_sum3A_26 = arith.constant dense<0.000000e+00> : vector<256xf32>
    %reduce_sum3A_27 = vector.multi_reduction <add>, %mul3A, %reduce_sum3A_26 [0] : vector<1000x256xf32> to vector<256xf32>
    %broadcast_in_dim3A_28 = vector.shape_cast %reduce_sum3A_27 : vector<256xf32> to vector<1x256xf32>
    %broadcast_in_dim3A_29 = arith.constant 0.000000e+00 : f32
    %broadcast_in_dim3A_30 = vector.broadcast %broadcast_in_dim3A_29 : f32 to vector<6x256xf32>
    %concatenate3A_31 = tpu.concatenate %broadcast_in_dim3A, %broadcast_in_dim3A_28, %broadcast_in_dim3A_30 in 0 : vector<1x256xf32>, vector<1x256xf32>, vector<6x256xf32> -> vector<8x256xf32>
    %get3A_32 = arith.constant 0 : index
    %get3A_33 = arith.constant 0 : index
    %get3A_34 = vector.load %arg8[%get3A_32, %get3A_33] : memref<8x256xf32, #tpu.memory_space<vmem>>, vector<8x256xf32>
    %add3A_35 = arith.addf %get3A_34, %concatenate3A_31 : vector<8x256xf32>
    %swap3A_36 = arith.constant 0 : index
    %swap3A_37 = arith.constant 0 : index
    %swap3A_38 = vector.load %arg8[%swap3A_36, %swap3A_37] : memref<8x256xf32, #tpu.memory_space<vmem>>, vector<8x256xf32>
    tpu.vector_store %arg8[%swap3A_36, %swap3A_37], %add3A_35 {strides = array<i32>} : memref<8x256xf32, #tpu.memory_space<vmem>>, vector<8x256xf32>,
    return
  }
  func.func @transform_0(%arg0: i32) -> (i32, i32) {
    %c0_i32 = arith.constant 0 : i32
    %c0_i32_0 = arith.constant 0 : i32
    return %arg0, %c0_i32 : i32, i32
  }
  func.func @transform_1(%arg0: i32) -> (i32, i32) {
    %c0_i32 = arith.constant 0 : i32
    %c0_i32_0 = arith.constant 0 : i32
    return %arg0, %c0_i32 : i32, i32
  }
  func.func @transform_2(%arg0: i32) -> (i32, i32) {
    %c0_i32 = arith.constant 0 : i32
    %c0_i32_0 = arith.constant 0 : i32
    return %arg0, %c0_i32 : i32, i32
  }
  func.func @transform_3(%arg0: i32) -> (i32, i32) {
    %c0_i32 = arith.constant 0 : i32
    %c0_i32_0 = arith.constant 0 : i32
    return %arg0, %c0_i32 : i32, i32
  }
  func.func @transform_4(%arg0: i32) -> (i32, i32) {
    %c0_i32 = arith.constant 0 : i32
    %c0_i32_0 = arith.constant 0 : i32
    %c0_i32_1 = arith.constant 0 : i32
    return %c0_i32, %c0_i32_0 : i32, i32
  }
  func.func @transform_5(%arg0: i32) -> (i32, i32) {
    %c0_i32 = arith.constant 0 : i32
    %c0_i32_0 = arith.constant 0 : i32
    %c0_i32_1 = arith.constant 0 : i32
    return %c0_i32, %c0_i32_0 : i32, i32
  }
  func.func @transform_6(%arg0: i32) -> (i32, i32) {
    %c0_i32 = arith.constant 0 : i32
    %c0_i32_0 = arith.constant 0 : i32
    return %arg0, %c0_i32 : i32, i32
  }
  func.func @transform_7(%arg0: i32) -> (i32, i32) {
    %c0_i32 = arith.constant 0 : i32
    %c0_i32_0 = arith.constant 0 : i32
    %c0_i32_1 = arith.constant 0 : i32
    return %c0_i32, %c0_i32_0 : i32, i32
  }
}

module attributes {stable_mosaic.version = 14 : i64} {
  func.func @_pool_body(%arg0: i32, %arg1: memref<1000x128xf32, #tpu.memory_space<vmem>>, %arg2: memref<1000x128xf32, #tpu.memory_space<vmem>>, %arg3: memref<1x1x1000xi32, #tpu.memory_space<vmem>>, %arg4: memref<256x256xf32, #tpu.memory_space<vmem>>, %arg5: memref<1x256xf32, #tpu.memory_space<vmem>>, %arg6: memref<128x256xf32, #tpu.memory_space<vmem>>, %arg7: memref<1x128xf32, #tpu.memory_space<vmem>>, %arg8: memref<64x128xf32, #tpu.memory_space<vmem>>, %arg9: memref<64x256xf32, #tpu.memory_space<vmem>>) attributes {dimension_semantics = [#tpu.dimension_semantics<arbitrary>], iteration_bounds = array<i64: 10>, scalar_prefetch = 0 : i64, scratch_operands = 1 : i64, tpu.core_type = #tpu.core_type<tc>, window_params = [{transform_indices = @transform_0, window_bounds = array<i64: 1000, 128>}, {transform_indices = @transform_1, window_bounds = array<i64: 1000, 128>}, {transform_indices = @transform_2, window_bounds = array<i64: 1, 1, 1000>}, {pipeline_mode = #tpu.pipeline_mode<synchronous>, transform_indices = @transform_3, window_bounds = array<i64: 256, 256>}, {pipeline_mode = #tpu.pipeline_mode<synchronous>, transform_indices = @transform_4, window_bounds = array<i64: 1, 256>}, {pipeline_mode = #tpu.pipeline_mode<synchronous>, transform_indices = @transform_5, window_bounds = array<i64: 128, 256>}, {pipeline_mode = #tpu.pipeline_mode<synchronous>, transform_indices = @transform_6, window_bounds = array<i64: 1, 128>}, {pipeline_mode = #tpu.pipeline_mode<synchronous>, transform_indices = @transform_7, window_bounds = array<i64: 64, 128>}]} {
    %eq3A = arith.constant 0 : i32
    %eq3A_0 = arith.cmpi eq, %arg0, %eq3A : i32
    %convert_element_type3A = arith.extui %eq3A_0 : i1 to i32
    %cond3A = arith.constant 0 : i32
    %cond3A_1 = arith.cmpi ne, %convert_element_type3A, %cond3A : i32
    scf.if %cond3A_1 {
      %broadcast_in_dim3A_27 = arith.constant 0.000000e+00 : f32
      %broadcast_in_dim3A_28 = vector.broadcast %broadcast_in_dim3A_27 : f32 to vector<64x256xf32>
      %swap3A_29 = arith.constant 0 : index
      %swap3A_30 = arith.constant 0 : index
      %swap3A_31 = vector.load %arg9[%swap3A_29, %swap3A_30] : memref<64x256xf32, #tpu.memory_space<vmem>>, vector<64x256xf32>
      tpu.vector_store %arg9[%swap3A_29, %swap3A_30], %broadcast_in_dim3A_28 {strides = array<i32>} : memref<64x256xf32, #tpu.memory_space<vmem>>, vector<64x256xf32>,
    } else {
    }
    %get3A = arith.constant 0 : index
    %get3A_2 = arith.constant 0 : index
    %get3A_3 = vector.load %arg1[%get3A, %get3A_2] : memref<1000x128xf32, #tpu.memory_space<vmem>>, vector<1000x128xf32>
    %get3A_4 = arith.constant 0 : index
    %get3A_5 = arith.constant 0 : index
    %get3A_6 = vector.load %arg2[%get3A_4, %get3A_5] : memref<1000x128xf32, #tpu.memory_space<vmem>>, vector<1000x128xf32>
    %concatenate3A = tpu.concatenate %get3A_3, %get3A_6 in 1 : vector<1000x128xf32>, vector<1000x128xf32> -> vector<1000x256xf32>
    %get3A_7 = arith.constant 0 : index
    %get3A_8 = arith.constant 0 : index
    %get3A_9 = arith.constant 0 : index
    %get3A_10 = vector.load %arg3[%get3A_7, %get3A_8, %get3A_9] : memref<1x1x1000xi32, #tpu.memory_space<vmem>>, vector<1x1x1000xi32>
    %get3A_11 = vector.shape_cast %get3A_10 : vector<1x1x1000xi32> to vector<1000xi32>
    %iota3A = tpu.iota {dimensions = array<i32: 0>} : vector<64x1000xi32>
    %broadcast_in_dim3A = vector.shape_cast %get3A_11 : vector<1000xi32> to vector<1x1000xi32>
    %eq3A_12 = vector.broadcast %broadcast_in_dim3A : vector<1x1000xi32> to vector<64x1000xi32>
    %eq3A_13 = arith.cmpi eq, %iota3A, %eq3A_12 : vector<64x1000xi32>
    %convert_element_type3A_14 = arith.extui %eq3A_13 : vector<64x1000xi1> to vector<64x1000xi32>
    %convert_element_type3A_15 = arith.sitofp %convert_element_type3A_14 : vector<64x1000xi32> to vector<64x1000xf32>
    %get3A_16 = arith.constant 0 : index
    %get3A_17 = arith.constant 0 : index
    %get3A_18 = vector.load %arg9[%get3A_16, %get3A_17] : memref<64x256xf32, #tpu.memory_space<vmem>>, vector<64x256xf32>
    %dot_general3A = arith.constant dense<0.000000e+00> : vector<64x256xf32>
    %dot_general3A_19 = tpu.matmul %convert_element_type3A_15, %concatenate3A, %dot_general3A {dimension_numbers = #tpu.dot_dimension_numbers<[1], [0], [0], [1], [0, 0, 1, 1], [], []>, transpose_lhs_hint = false} : vector<64x1000xf32>, vector<1000x256xf32>, vector<64x256xf32> -> vector<64x256xf32>
    %add3A = arith.addf %get3A_18, %dot_general3A_19 : vector<64x256xf32>
    %swap3A = arith.constant 0 : index
    %swap3A_20 = arith.constant 0 : index
    %swap3A_21 = vector.load %arg9[%swap3A, %swap3A_20] : memref<64x256xf32, #tpu.memory_space<vmem>>, vector<64x256xf32>
    tpu.vector_store %arg9[%swap3A, %swap3A_20], %add3A {strides = array<i32>} : memref<64x256xf32, #tpu.memory_space<vmem>>, vector<64x256xf32>,
    %eq3A_22 = arith.constant 9 : i32
    %eq3A_23 = arith.cmpi eq, %arg0, %eq3A_22 : i32
    %convert_element_type3A_24 = arith.extui %eq3A_23 : i1 to i32
    %cond3A_25 = arith.constant 0 : i32
    %cond3A_26 = arith.cmpi ne, %convert_element_type3A_24, %cond3A_25 : i32
    scf.if %cond3A_26 {
      %get3A_27 = arith.constant 0 : index
      %get3A_28 = arith.constant 0 : index
      %get3A_29 = vector.load %arg9[%get3A_27, %get3A_28] : memref<64x256xf32, #tpu.memory_space<vmem>>, vector<64x256xf32>
      %get3A_30 = arith.constant 0 : index
      %get3A_31 = arith.constant 0 : index
      %get3A_32 = vector.load %arg4[%get3A_30, %get3A_31] : memref<256x256xf32, #tpu.memory_space<vmem>>, vector<256x256xf32>
      %dot_general3A_33 = arith.constant dense<0.000000e+00> : vector<64x256xf32>
      %dot_general3A_34 = tpu.matmul %get3A_29, %get3A_32, %dot_general3A_33 {dimension_numbers = #tpu.dot_dimension_numbers<[1], [1], [0], [0], [0, 0, 1, 0], [], []>, transpose_lhs_hint = false} : vector<64x256xf32>, vector<256x256xf32>, vector<64x256xf32> -> vector<64x256xf32>
      %get3A_35 = arith.constant 0 : index
      %get3A_36 = arith.constant 0 : index
      %get3A_37 = vector.load %arg5[%get3A_35, %get3A_36] : memref<1x256xf32, #tpu.memory_space<vmem>>, vector<1x256xf32>
      %add3A_38 = vector.broadcast %get3A_37 : vector<1x256xf32> to vector<64x256xf32>
      %add3A_39 = arith.addf %dot_general3A_34, %add3A_38 : vector<64x256xf32>
      %max3A = arith.constant 0.000000e+00 : f32
      %max3A_40 = vector.broadcast %max3A : f32 to vector<64x256xf32>
      %max3A_41 = arith.maximumf %add3A_39, %max3A_40 : vector<64x256xf32>
      %get3A_42 = arith.constant 0 : index
      %get3A_43 = arith.constant 0 : index
      %get3A_44 = vector.load %arg6[%get3A_42, %get3A_43] : memref<128x256xf32, #tpu.memory_space<vmem>>, vector<128x256xf32>
      %dot_general3A_45 = arith.constant dense<0.000000e+00> : vector<64x128xf32>
      %dot_general3A_46 = tpu.matmul %max3A_41, %get3A_44, %dot_general3A_45 {dimension_numbers = #tpu.dot_dimension_numbers<[1], [1], [0], [0], [0, 0, 1, 0], [], []>, transpose_lhs_hint = false} : vector<64x256xf32>, vector<128x256xf32>, vector<64x128xf32> -> vector<64x128xf32>
      %get3A_47 = arith.constant 0 : index
      %get3A_48 = arith.constant 0 : index
      %get3A_49 = vector.load %arg7[%get3A_47, %get3A_48] : memref<1x128xf32, #tpu.memory_space<vmem>>, vector<1x128xf32>
      %add3A_50 = vector.broadcast %get3A_49 : vector<1x128xf32> to vector<64x128xf32>
      %add3A_51 = arith.addf %dot_general3A_46, %add3A_50 : vector<64x128xf32>
      %swap3A_52 = arith.constant 0 : index
      %swap3A_53 = arith.constant 0 : index
      %swap3A_54 = vector.load %arg8[%swap3A_52, %swap3A_53] : memref<64x128xf32, #tpu.memory_space<vmem>>, vector<64x128xf32>
      tpu.vector_store %arg8[%swap3A_52, %swap3A_53], %add3A_51 {strides = array<i32>} : memref<64x128xf32, #tpu.memory_space<vmem>>, vector<64x128xf32>,
    } else {
    }
    return
  }
  func.func @transform_0(%arg0: i32) -> (i32, i32) {
    %c0_i32 = arith.constant 0 : i32
    %c0_i32_0 = arith.constant 0 : i32
    return %arg0, %c0_i32 : i32, i32
  }
  func.func @transform_1(%arg0: i32) -> (i32, i32) {
    %c0_i32 = arith.constant 0 : i32
    %c0_i32_0 = arith.constant 0 : i32
    return %arg0, %c0_i32 : i32, i32
  }
  func.func @transform_2(%arg0: i32) -> (i32, i32, i32) {
    %c0_i32 = arith.constant 0 : i32
    %c0_i32_0 = arith.constant 0 : i32
    %c0_i32_1 = arith.constant 0 : i32
    return %arg0, %c0_i32, %c0_i32_0 : i32, i32, i32
  }
  func.func @transform_3(%arg0: i32) -> (i32, i32) {
    %c0_i32 = arith.constant 0 : i32
    %c0_i32_0 = arith.constant 0 : i32
    %c0_i32_1 = arith.constant 0 : i32
    return %c0_i32, %c0_i32_0 : i32, i32
  }
  func.func @transform_4(%arg0: i32) -> (i32, i32) {
    %c0_i32 = arith.constant 0 : i32
    %c0_i32_0 = arith.constant 0 : i32
    %c0_i32_1 = arith.constant 0 : i32
    return %c0_i32, %c0_i32_0 : i32, i32
  }
  func.func @transform_5(%arg0: i32) -> (i32, i32) {
    %c0_i32 = arith.constant 0 : i32
    %c0_i32_0 = arith.constant 0 : i32
    %c0_i32_1 = arith.constant 0 : i32
    return %c0_i32, %c0_i32_0 : i32, i32
  }
  func.func @transform_6(%arg0: i32) -> (i32, i32) {
    %c0_i32 = arith.constant 0 : i32
    %c0_i32_0 = arith.constant 0 : i32
    %c0_i32_1 = arith.constant 0 : i32
    return %c0_i32, %c0_i32_0 : i32, i32
  }
  func.func @transform_7(%arg0: i32) -> (i32, i32) {
    %c0_i32 = arith.constant 0 : i32
    %c0_i32_0 = arith.constant 0 : i32
    %c0_i32_1 = arith.constant 0 : i32
    return %c0_i32, %c0_i32_0 : i32, i32
  }
}

</mosaic_0001>

<sc_bundles>
// kernel: kernel.12.cloned.1.call-start
scs
__scs_entry_jumppad:
0x0: {  	(pc) =	sbr.rel $0x88, $3  }
0x1: {  	(tag) =	ssettag $0x0;
	lr =	simm.s32 $0x1  }
0x2: {  	[smem:$0x3F88] =	sst lr;
	_ =	strace $0xD0000000  }
0x3: {  	_ = 	snop  }
0x4: {  	_ = 	snop  }
0x5: {  	_ = 	snop  }
0x6: {  	_ = 	snop  }
0x7: {  	_ = 	snop  }
__scs_overlays_trampoline_lowered:
0x8: {  	[smem:$0x3F97] =	sst s0  }
0x9: {  	[smem:$0x3F98] =	sst s1  }
0xa: {  	[smem:$0x3F99] =	sst s2  }
0xb: {  	[smem:$0x3F9A] =	sst s3  }
0xc: {  	[smem:$0x3F9B] =	sst s4  }
0xd: {  	[smem:$0x3F9C] =	sst s5  }
0xe: {  	[smem:$0x3F9D] =	sst s6  }
0xf: {  	[smem:$0x3F9E] =	sst s7  }
0x10: {  	[smem:$0x3F9F] =	sst s8  }
0x11: {  	[smem:$0x3FA0] =	sst s9;
	s0 =	simm.s32 @!p0 $0x0  }
0x12: {  	s1 =	sld [smem:$0x3F86];
	s0 =	simm.s32 @p0 $0x1  }
0x13: {  	[smem:$0x3FA1] =	sst s0;
	s0 =	simm.s32 @!p1 $0x0  }
0x14: {  	s2 =	sld [smem:$0x3F85];
	s0 =	simm.s32 @p1 $0x1  }
0x15: {  	[smem:$0x3FA2] =	sst s0;
	s0 =	simm.s32 @!p2 $0x0  }
0x16: {  	s3 =	sld [smem:$0x3FDB];
	s0 =	simm.s32 @p2 $0x1  }
0x17: {  	s4 =	simm.s32 $0x1BF5;
	[smem:$0x3FA4] =	sst s0  }
0x18: {  	s0 =	sld [smem:$0x3F87];
	_ =	swait.ge [sflag:s4], $0x0  }
0x19: {  	s7 =	sld [smem:$0x3F88]  }
0x1a: {  	s8 =	sadd.s32 $0xFFFFE003, lr  }
0x1b: {  	s9 =	sadd.s32 $0xFFFFFEF7, lr;
	s5 =	simm.s32 $0xFFFFFFFF;
	p2 =	slt.u32 s8, $0xFFFFF086  }
0x1c: {  	p1 =	slt.u32 s9, $0xF7A;
	s5 =	simm.s32 @!p2 $0x0  }
0x1d: {  	s5 =	simm.s32 @p1 $0x1;
	p0 =	seq.s32 s7, s2  }
0x1e: {  	s7 =	smul.u32 @!p0 $0xF7A, s2;
	p2 =	seq.s32 @!p0 s5, $0x0  }
0x1f: {  	s9 =	smul.u32 $0xF7A, s1;
	s8 =	simm.s32 @!p0 $0x1BF5;
	p2 =	por !p2, p0  }
0x20: {  	[sflag:s8] =	ssyncset.s32 @!p0 $0xFFFFF086;
	s6 =	sadd.s32 @!p0 s3, s7;
	s7 =	simm.s32 @!p0 $0x108  }
0x21: {  	s3 =	sadd.s32 s3, s9;
	s6 =	sadd.s32 @!p0 $0x88, s6;
	s7 =	simm.s32 @p2 $0x1082  }
0x22: {  	[simem:s7], [sflag:s8] =	dma.local @!p0 [hbm:s6], $0xF7A  }
0x23: {  	s9 =	sor.u32 $0xD0000000, s2;
	s6 =	simm.s32 $0x108;
	_ =	swait.ge @!p0 [sflag:s8], $0x0  }
0x24: {  	s3 =	sadd.s32 $0x88, s3;
	s6 =	simm.s32 @!p1 $0x1082;
	[sflag:s4] =	ssyncset.s32 $0xFFFFF086  }
0x25: {  	[simem:s6], [sflag:s4] =	dma.local [hbm:s3], $0xF7A  }
0x26: {  	[smem:$0x3F88] =	sst s1;
	(tag) =	ssettag s2;
	_ =	strace s9  }
0x27: {  	s1 =	sld [smem:$0x3F98]  }
0x28: {  	s2 =	sld [smem:$0x3F99]  }
0x29: {  	s4 =	sld [smem:$0x3F9B]  }
0x2a: {  	p0 =	seq.s32 s5, $0x0;
	s5 =	sld [smem:$0x3F9C]  }
0x2b: {  	s6 =	sld [smem:$0x3F9D]  }
0x2c: {  	s7 =	sld [smem:$0x3F9E]  }
0x2d: {  	s3 =	simm.s32 $0x108;
	s8 =	sld [smem:$0x3F9F]  }
0x2e: {  	s3 =	simm.s32 @!p0 $0x1082;
	s9 =	sld [smem:$0x3FA0]  }
0x2f: {  	lr =	sadd.s32 s0, s3;
	s0 =	sld [smem:$0x3F97]  }
0x30: {  	s3 =	sld [smem:$0x3F9A]  }
0x31: {  	[smem:$0x3FA3] =	sst s10  }
0x32: {  	s10 =	sld [smem:$0x3FA1];
	_ =	sdelay $0x3  }
0x33: {  	p0 =	seq.s32 s10, $0x1;
	s10 =	sld [smem:$0x3FA3];
	_ =	sdelay $0x3  }
0x34: {  	[smem:$0x3FA3] =	sst s10  }
0x35: {  	s10 =	sld [smem:$0x3FA2];
	_ =	sdelay $0x3  }
0x36: {  	p1 =	seq.s32 s10, $0x1;
	s10 =	sld [smem:$0x3FA3];
	_ =	sdelay $0x3  }
0x37: {  	[smem:$0x3FA3] =	sst s10  }
0x38: {  	s10 =	sld [smem:$0x3FA4]  }
0x39: {  	_ = 	snop;
	(pc) =	sbr.ind lr, $3  }
0x3a: {  	_ = 	snop  }
0x3b: {  	_ = 	snop  }
0x3c: {  	p2 =	seq.s32 s10, $0x1;
	s10 =	sld [smem:$0x3FA3]  }
0x3d: {  	_ =	shalt  }
0x3e: {  	_ =	shalt  }
0x3f: {  	_ =	shalt  }
0x40: {  	_ =	shalt  }
0x41: {  	_ =	shalt  }
0x42: {  	_ =	shalt  }
0x43: {  	_ =	shalt  }
0x44: {  	_ =	shalt  }
0x45: {  	_ =	shalt  }
0x46: {  	_ =	shalt  }
0x47: {  	_ =	shalt  }
0x48: {  	_ =	shalt  }
0x49: {  	_ =	shalt  }
0x4a: {  	_ =	shalt  }
0x4b: {  	_ =	shalt  }
0x4c: {  	_ =	shalt  }
0x4d: {  	_ =	shalt  }
0x4e: {  	_ =	shalt  }
0x4f: {  	_ =	shalt  }
0x50: {  	_ =	shalt  }
0x51: {  	_ =	shalt  }
0x52: {  	_ =	shalt  }
0x53: {  	_ =	shalt  }
0x54: {  	_ =	shalt  }
0x55: {  	_ =	shalt  }
0x56: {  	_ =	shalt  }
0x57: {  	_ =	shalt  }
0x58: {  	_ =	shalt  }
0x59: {  	_ =	shalt  }
0x5a: {  	_ =	shalt  }
0x5b: {  	_ =	shalt  }
0x5c: {  	_ =	shalt  }
0x5d: {  	_ =	shalt  }
0x5e: {  	_ =	shalt  }
0x5f: {  	_ =	shalt  }
0x60: {  	_ =	shalt  }
0x61: {  	_ =	shalt  }
0x62: {  	_ =	shalt  }
0x63: {  	_ =	shalt  }
0x64: {  	_ =	shalt  }
0x65: {  	_ =	shalt  }
0x66: {  	_ =	shalt  }
0x67: {  	_ =	shalt  }
0x68: {  	_ =	shalt  }
0x69: {  	_ =	shalt  }
0x6a: {  	_ =	shalt  }
0x6b: {  	_ =	shalt  }
0x6c: {  	_ =	shalt  }
0x6d: {  	_ =	shalt  }
0x6e: {  	_ =	shalt  }
0x6f: {  	_ =	shalt  }
0x70: {  	_ =	shalt  }
0x71: {  	_ =	shalt  }
0x72: {  	_ =	shalt  }
0x73: {  	_ =	shalt  }
0x74: {  	_ =	shalt  }
0x75: {  	_ =	shalt  }
0x76: {  	_ =	shalt  }
0x77: {  	_ =	shalt  }
0x78: {  	_ =	shalt  }
0x79: {  	_ =	shalt  }
0x7a: {  	_ =	shalt  }
0x7b: {  	_ =	shalt  }
0x7c: {  	_ =	shalt  }
0x7d: {  	_ =	shalt  }
0x7e: {  	_ =	shalt  }
0x7f: {  	_ =	shalt  }
0x80: {  	_ =	shalt  }
0x81: {  	_ =	shalt  }
0x82: {  	_ =	shalt  }
0x83: {  	_ =	shalt  }
0x84: {  	_ =	shalt  }
0x85: {  	_ =	shalt  }
0x86: {  	_ =	shalt  }
0x87: {  	_ =	shalt  }
.Lfunc_end0:
.L_simem_size_0:
called_computation_lowered:
.L_overlay_start_0:
0x88: {  	s2 =	sld [smem:$0x3FD9]  }
0x89: {  	s3 =	sld [smem:$0x3FFE];
	_ =	sdelay $0x1  }
0x8a: {  	s1 =	srdreg.scid  }
0x8b: {  	s0 =	sand.u32 $0x1, s1  }
0x8c: {  	s17 =	sshll.u32 s0, $0xA;
	s2 =	sadd.s32 s3, s2  }
0x8d: {  	s2 =	sadd.s32 s2, s17  }
0x8e: {  	[smem:$0x3FAF] =	sst s2  }
0x8f: {  	_ = 	snop  }
0x90: {  	s2 =	sld [smem:$0x3FC9];
	(tm) =	ssettm $0x1  }
0x91: {  	s18 =	sld [smem:$0x3FFB];
	_ =	sdelay $0x3  }
0x92: {  	_ =	strace s18  }
0x93: {  	s3 =	sld [smem:$0x3FFC];
	_ =	sdelay $0x3  }
0x94: {  	_ =	strace s3  }
0x95: {  	s3 =	sld [smem:$0x3FFD];
	_ =	sdelay $0x3  }
0x96: {  	_ =	strace s3  }
0x97: {  	_ =	strace $0x8FFFFFFF  }
0x98: {  	s19 =	sld [smem:$0x3FDB];
	_ =	sdelay $0x1  }
0x99: {  	s4 =	simm.s32 $_scs_section_size  }
0x9a: {  	s5 =	simm.s32 $_size__tile_overlayer_lowered;
	s6 =	simm.s32 $_tile_overlayer_lowered  }
0x9b: {  	s22 =	simm.s32 $0x1BFF;
	s21 =	sshll.u32 s6, $0x1;
	s3 =	sadd.s32 s4, s19  }
0x9c: {  	s7 =	simm.s32 $0x0;
	s20 =	sshll.u32 s5, $0x1;
	s5 =	sadd.s32 s21, s3  }
0x9d: {  	[timem:s7], [sflag:s22] =	dma.local [hbm:s5], s20  }
0x9e: {  	_ =	swait.ge [sflag:s22], s20  }
0x9f: {  	s4 =	ssub.s32 $0x0, s20;
	[sflag:s22] =	ssyncset.done $0x0  }
0xa0: {  	[sflag:s22] =	ssyncadd.s32 s4;
	_ =	sdelay $0x1  }
0xa1: {  	s23 =	simm.s32 $0x1B8B  }
0xa2: {  	_ =	swait.ge [sflag:s23], $0x1  }
0xa3: {  	[sflag:s23] =	ssyncset.done $0x0  }
0xa4: {  	s25 =	simm.s32 $0x1B8E;
	s24 =	sld [smem:$0x3FFE];
	[sflag:s23] =	ssyncadd.s32 $0xFFFFFFFF  }
0xa5: {  	s26 =	simm.s32 $execute0_lowered;
	[smem:$0x3FD2] =	sst s25  }
0xa6: {  	s5 =	sshll.u32 s26, $0x1;
	_ =	strace $0x80000046;
	[dreg:$0x1] =	wrdreg $0xFFFFFFFF  }
0xa7: {  	s28 =	simm.s32 $_size_execute0_lowered;
	s3 =	sadd.s32 s3, s5;
	[dreg:$0x0] =	wrdreg $0x0  }
0xa8: {  	s5 =	sshll.u32 s28, $0x1;
	[dreg:$0x2] =	wrdreg s3  }
0xa9: {  	[dreg:$0x3] =	wrdreg s5  }
0xaa: {  	[dreg:$0x4] =	wrdreg $0xC0  }
0xab: {  	_ =	task [dreg:s7], $0x5FFFF  }
0xac: {  	[dreg:$0x1] =	wrdreg $0xFFFFFFFF  }
0xad: {  	[dreg:$0x0] =	wrdreg $0x60  }
0xae: {  	[dreg:$0x2] =	wrdreg s2  }
0xaf: {  	[dreg:$0x3] =	wrdreg s24  }
0xb0: {  	[dreg:$0x4] =	wrdreg $0x48000  }
0xb1: {  	[dreg:$0x5] =	wrdreg $0x9  }
0xb2: {  	_ =	task.clear_ibuf [dreg:s7], $0x6FFFF;
	_ =	strace $0x90000046  }
0xb3: {  	s29 =	simm.s32 $0x9;
	_ =	strace $0x80000048  }
0xb4: {  	_ =	swait.ge [sflag:s29], $0x1  }
0xb5: {  	[sflag:s29] =	ssyncadd.s32 $0xFFFFFFFF  }
0xb6: {  	_ =	strace $0x90000048  }
0xb7: {  	_ =	sfence  }
0xb8: {  	s30 =	sld [smem:$0x0];
	_ =	sdelay $0x2  }
0xb9: {  	s31 =	sshll.u32 s1, $0xD;
	s1 =	sshrl.u32 s1, $0x2  }
0xba: {  	s3 =	sand.u32 $0x4000, s31;
	s1 =	sadd.s32 s1, s30  }
0xbb: {  	s0 =	sor.u32 s3, s0;
	s1 =	sshll.u32 s1, $0x11  }
0xbc: {  	s0 =	sor.u32 s1, s0  }
0xbd: {  	s0 =	sadd.s32 $0x8F2B, s0  }
0xbe: {  	[sflag:s0] =	ssyncadd.remote.s32 $0x1  }
0xbf: {  	_ =	sfence.sel $0xFFFF  }
0xc0: {  	[dreg:$0x0] =	wrdreg $0xFFFFFFFF;
	(pc) =	sbr.abs _section_cstart, $3  }
0xc1: {  	[dreg:$0x1] =	wrdreg $0xFFFFFFFF  }
0xc2: {  	_ =	task.clear_ibuf [dreg:s7], $0x2FFFF;
	_ =	strace $0x9FFFFFFF  }
0xc3: {  	(tm) =	ssettm $0x7FFFFFFF  }
tec
execute0_lowered:
.L_overlay_start_1:
0x0: {  	(tag) =	ssettag $0x1  }
0x1: {  	s1 =	rddreg [dreg:$0x0]  }
0x2: {  	s0 =	rddreg [dreg:$0x1];
	s2 =	srdreg.scid  }
0x3: {  	s7 =	stileid.u32;
	s3 =	rddreg [dreg:$0x2];
	s4 =	simm.s32 $0x0  }
0x4: {  	s14 =	simm.s32 $0x800;
	s15 =	simm.s32 $0x1;
	s16 =	simm.s32 $0x400  }
0x5: {  	s17 =	simm.s32 $0x80;
	s18 =	simm.s32 $0x480;
	s19 =	simm.s32 $0x100  }
0x6: {  	s20 =	simm.s32 $0x500;
	s21 =	simm.s32 $0x180;
	s22 =	simm.s32 $0x580  }
0x7: {  	s23 =	simm.s32 $0x200;
	s28 =	simm.s32 $0x300;
	s29 =	simm.s32 $0x700  }
0x8: {  	s30 =	simm.s32 $0x380;
	s2 =	sand.u32 $0x1, s2;
	s6 =	smul.u32 $0x2800, s7  }
0x9: {  	s31 =	simm.s32 $0x780;
	[smem:$0x7FF] =	sst s4;
	s5 =	smul.u32 $0x28000, s2  }
0xa: {  	s7 =	smul.u32 $0x50000, s7;
	_ =	strace $0x80000047;
	s8 =	ssub.s32 $0x2, s2  }
0xb: {  	p0 =	seq.s32 s2, $0x1;
	s2 =	simm.s32 $0x44600;
	s5 =	sadd.s32 s6, s5  }
0xc: {  	s9 =	sshrl.u32 s8, $0x1;
	s7 =	sshrl.u32 s7, $0x2;
	s5 =	sshrl.u32 s5, $0x3  }
0xd: {  	s10 =	ssub.s32 s8, s9;
	s13 =	sadd.s32 s5, s0;
	s5 =	sadd.s32 s7, s3  }
0xe: {  	s2 =	simm.s32 @!p0 $0x1C600;
	s10 =	smax.u32 s10, $0x1;
	s7 =	sadd.s32 $0x4000, s5  }
0xf: {  	s0 =	sadd.s32 s2, s0;
	s24 =	sadd.s32 $0x8000, s5;
	[dreg:$0x4] =	wrdreg s7  }
0x10: {  	s2 =	simm.s32 $0x0;
	s25 =	sadd.s32 $0xC000, s5;
	[dreg:$0x5] =	wrdreg s24  }
0x11: {  	s26 =	sadd.s32 $0x10000, s5;
	s11 =	sadd.s32 s0, s6;
	[dreg:$0x6] =	wrdreg s25  }
0x12: {  	s12 =	sadd.s32 $0x12600, s13;
	s13 =	sadd.s32 $0x8600, s13;
	[dreg:$0x7] =	wrdreg s26  }
0x13: {  	v0 =	vimm.f32 $0.0e+00;
	s24 =	simm.s32 $0x600;
	s25 =	simm.s32 $0x280;
	s26 =	simm.s32 $0x680  }
.LBB2_1:
0x14: {  	s0 =	simm.s32 $0x0;
	s6 =	simm.s32 $0x200  }
.LBB2_2:
0x15: {  	p0 =	sne.s32 s6, $0xFE00;
	[tilespmem:s0+$0x870] =	vst v0  }
0x16: {  	[tilespmem:s0+$0x800] =	vst v0  }
0x17: {  	[tilespmem:s0+$0x810] =	vst v0  }
.Ltmp0:
0x18: {  	[tilespmem:s0+$0x820] =	vst v0;
	(pc) =	sbr.rel @p0 .LBB2_2-.Ltmp0, $4  }
0x19: {  	[tilespmem:s0+$0x830] =	vst v0  }
0x1a: {  	[tilespmem:s0+$0x840] =	vst v0  }
0x1b: {  	[tilespmem:s0+$0x850] =	vst v0  }
0x1c: {  	[tilespmem:s0+$0x860] =	vst v0;
	s0 =	sshra.s32 s6, $0x2;
	s6 =	sadd.s32 $0x200, s6  }
0x1d: {  	[tilespmem:s0+$0x870] =	vst v0  }
0x1e: {  	[tilespmem:s0+$0x800] =	vst v0  }
0x1f: {  	[tilespmem:s0+$0x810] =	vst v0  }
0x20: {  	[tilespmem:s0+$0x820] =	vst v0  }
0x21: {  	[tilespmem:s0+$0x830] =	vst v0  }
0x22: {  	[tilespmem:s0+$0x840] =	vst v0  }
0x23: {  	[tilespmem:s0+$0x850] =	vst v0  }
0x24: {  	[tilespmem:s0+$0x860] =	vst v0  }
0x25: {  	[spmem:s5] =	stream.linear.scatter [tilespmem:s14], [sflag:$0x1], $0x4000, $0x38;
	[tilespmem:$0x18800] =	vst v63  }
0x26: {  	_ =	swait.ge [sflag:s15], $0x4000  }
0x27: {  	[sflag:s15] =	ssyncset.done $0x0  }
0x28: {  	s8 =	rddreg [dreg:$0x4];
	[sflag:s15] =	ssyncadd.s32 $0xFFFFC000  }
0x29: {  	[spmem:s8] =	stream.linear.scatter [tilespmem:s14], [sflag:$0x1], $0x4000, $0x38;
	[tilespmem:$0x18800] =	vst v63  }
0x2a: {  	_ =	swait.ge [sflag:s15], $0x4000  }
0x2b: {  	[sflag:s15] =	ssyncset.done $0x0  }
0x2c: {  	s9 =	rddreg [dreg:$0x5];
	[sflag:s15] =	ssyncadd.s32 $0xFFFFC000  }
0x2d: {  	[spmem:s9] =	stream.linear.scatter [tilespmem:s14], [sflag:$0x1], $0x4000, $0x38;
	[tilespmem:$0x18800] =	vst v63  }
0x2e: {  	_ =	swait.ge [sflag:s15], $0x4000  }
0x2f: {  	[sflag:s15] =	ssyncset.done $0x0  }
0x30: {  	s6 =	rddreg [dreg:$0x6];
	[sflag:s15] =	ssyncadd.s32 $0xFFFFC000  }
0x31: {  	[spmem:s6] =	stream.linear.scatter [tilespmem:s14], [sflag:$0x1], $0x4000, $0x38;
	[tilespmem:$0x18800] =	vst v63  }
0x32: {  	_ =	swait.ge [sflag:s15], $0x4000  }
0x33: {  	[sflag:s15] =	ssyncset.done $0x0  }
0x34: {  	s7 =	rddreg [dreg:$0x7];
	[sflag:s15] =	ssyncadd.s32 $0xFFFFC000  }
0x35: {  	[spmem:s7] =	stream.linear.scatter [tilespmem:s14], [sflag:$0x1], $0x4000, $0x38;
	[tilespmem:$0x18800] =	vst v63  }
0x36: {  	_ =	swait.ge [sflag:s15], $0x4000  }
0x37: {  	[sflag:s15] =	ssyncset.done $0x0  }
0x38: {  	[sflag:s15] =	ssyncadd.s32 $0xFFFFC000  }
0x39: {  	s8 =	sadd.s32 $0x0, s13;
	[bflag:$0x0] =	sbarrier.arrive $0xFFFF  }
0x3a: {  	[tilespmem:s4], [sflag:$0x1] =	stream.linear.gather [hbm4b:s8+s4], $0x400, $0x38;
	[tilespmem:$0x18800] =	vst v63  }
0x3b: {  	_ =	swait.ge [sflag:s15], $0x400  }
0x3c: {  	[sflag:s15] =	ssyncset.done $0x0  }
0x3d: {  	s9 =	sadd.s32 $0x0, s12;
	[sflag:s15] =	ssyncadd.s32 $0xFFFFFC00  }
0x3e: {  	[tilespmem:s16], [sflag:$0x1] =	stream.linear.gather [hbm4b:s9+s4], $0x400, $0x38;
	[tilespmem:$0x18800] =	vst v63  }
0x3f: {  	_ =	swait.ge [sflag:s15], $0x400  }
0x40: {  	[sflag:s15] =	ssyncset.done $0x0  }
0x41: {  	[sflag:s15] =	ssyncadd.s32 $0xFFFFFC00  }
0x42: {  	[tilespmem:s14], [sflag:$0x1] =	stream.indirect.gather [hbm4b:s1+s17], $0x80, s4, s17, $0xb8;
	[tilespmem:$0x18800] =	vst v63  }
0x43: {  	_ =	swait.ge [sflag:s15], $0x4000  }
0x44: {  	[sflag:s15] =	ssyncset.done $0x0  }
0x45: {  	[sflag:s15] =	ssyncadd.s32 $0xFFFFC000  }
0x46: {  	[spmem:s3] =	stream.indirect.scatter.add.f32 [tilespmem:s14], [sflag:$0x1], $0x80, s16, s17, $0xb8;
	[tilespmem:$0x18800] =	vst v63  }
0x47: {  	_ =	swait.ge [sflag:s15], $0x4000  }
0x48: {  	[sflag:s15] =	ssyncset.done $0x0  }
0x49: {  	[sflag:s15] =	ssyncadd.s32 $0xFFFFC000  }
0x4a: {  	[tilespmem:s14], [sflag:$0x1] =	stream.indirect.gather [hbm4b:s1+s17], $0x80, s17, s17, $0xb8;
	[tilespmem:$0x18800] =	vst v63  }
0x4b: {  	_ =	swait.ge [sflag:s15], $0x4000  }
0x4c: {  	[sflag:s15] =	ssyncset.done $0x0  }
0x4d: {  	[sflag:s15] =	ssyncadd.s32 $0xFFFFC000  }
0x4e: {  	[spmem:s3] =	stream.indirect.scatter.add.f32 [tilespmem:s14], [sflag:$0x1], $0x80, s18, s17, $0xb8;
	[tilespmem:$0x18800] =	vst v63  }
0x4f: {  	_ =	swait.ge [sflag:s15], $0x4000  }
0x50: {  	[sflag:s15] =	ssyncset.done $0x0  }
0x51: {  	[sflag:s15] =	ssyncadd.s32 $0xFFFFC000  }
0x52: {  	[tilespmem:s14], [sflag:$0x1] =	stream.indirect.gather [hbm4b:s1+s17], $0x80, s19, s17, $0xb8;
	[tilespmem:$0x18800] =	vst v63  }
0x53: {  	_ =	swait.ge [sflag:s15], $0x4000  }
0x54: {  	[sflag:s15] =	ssyncset.done $0x0  }
0x55: {  	[sflag:s15] =	ssyncadd.s32 $0xFFFFC000  }
0x56: {  	[spmem:s3] =	stream.indirect.scatter.add.f32 [tilespmem:s14], [sflag:$0x1], $0x80, s20, s17, $0xb8;
	[tilespmem:$0x18800] =	vst v63  }
0x57: {  	_ =	swait.ge [sflag:s15], $0x4000  }
0x58: {  	[sflag:s15] =	ssyncset.done $0x0  }
0x59: {  	[sflag:s15] =	ssyncadd.s32 $0xFFFFC000  }
0x5a: {  	[tilespmem:s14], [sflag:$0x1] =	stream.indirect.gather [hbm4b:s1+s17], $0x80, s21, s17, $0xb8;
	[tilespmem:$0x18800] =	vst v63  }
0x5b: {  	_ =	swait.ge [sflag:s15], $0x4000  }
0x5c: {  	[sflag:s15] =	ssyncset.done $0x0  }
0x5d: {  	[sflag:s15] =	ssyncadd.s32 $0xFFFFC000  }
0x5e: {  	[spmem:s3] =	stream.indirect.scatter.add.f32 [tilespmem:s14], [sflag:$0x1], $0x80, s22, s17, $0xb8;
	[tilespmem:$0x18800] =	vst v63  }
0x5f: {  	_ =	swait.ge [sflag:s15], $0x4000  }
0x60: {  	[sflag:s15] =	ssyncset.done $0x0  }
0x61: {  	[sflag:s15] =	ssyncadd.s32 $0xFFFFC000  }
0x62: {  	[tilespmem:s14], [sflag:$0x1] =	stream.indirect.gather [hbm4b:s1+s17], $0x80, s23, s17, $0xb8;
	[tilespmem:$0x18800] =	vst v63  }
0x63: {  	_ =	swait.ge [sflag:s15], $0x4000  }
0x64: {  	[sflag:s15] =	ssyncset.done $0x0  }
0x65: {  	[sflag:s15] =	ssyncadd.s32 $0xFFFFC000  }
0x66: {  	[spmem:s3] =	stream.indirect.scatter.add.f32 [tilespmem:s14], [sflag:$0x1], $0x80, s24, s17, $0xb8;
	[tilespmem:$0x18800] =	vst v63  }
0x67: {  	_ =	swait.ge [sflag:s15], $0x4000  }
0x68: {  	[sflag:s15] =	ssyncset.done $0x0  }
0x69: {  	[sflag:s15] =	ssyncadd.s32 $0xFFFFC000  }
0x6a: {  	[tilespmem:s14], [sflag:$0x1] =	stream.indirect.gather [hbm4b:s1+s17], $0x80, s25, s17, $0xb8;
	[tilespmem:$0x18800] =	vst v63  }
0x6b: {  	_ =	swait.ge [sflag:s15], $0x4000  }
0x6c: {  	[sflag:s15] =	ssyncset.done $0x0  }
0x6d: {  	[sflag:s15] =	ssyncadd.s32 $0xFFFFC000  }
0x6e: {  	[spmem:s3] =	stream.indirect.scatter.add.f32 [tilespmem:s14], [sflag:$0x1], $0x80, s26, s17, $0xb8;
	[tilespmem:$0x18800] =	vst v63  }
0x6f: {  	_ =	swait.ge [sflag:s15], $0x4000  }
0x70: {  	[sflag:s15] =	ssyncset.done $0x0  }
0x71: {  	[sflag:s15] =	ssyncadd.s32 $0xFFFFC000  }
0x72: {  	[tilespmem:s14], [sflag:$0x1] =	stream.indirect.gather [hbm4b:s1+s17], $0x80, s28, s17, $0xb8;
	[tilespmem:$0x18800] =	vst v63  }
0x73: {  	_ =	swait.ge [sflag:s15], $0x4000  }
0x74: {  	[sflag:s15] =	ssyncset.done $0x0  }
0x75: {  	[sflag:s15] =	ssyncadd.s32 $0xFFFFC000  }
0x76: {  	[spmem:s3] =	stream.indirect.scatter.add.f32 [tilespmem:s14], [sflag:$0x1], $0x80, s29, s17, $0xb8;
	[tilespmem:$0x18800] =	vst v63  }
0x77: {  	_ =	swait.ge [sflag:s15], $0x4000  }
0x78: {  	[sflag:s15] =	ssyncset.done $0x0  }
0x79: {  	[sflag:s15] =	ssyncadd.s32 $0xFFFFC000  }
0x7a: {  	[tilespmem:s14], [sflag:$0x1] =	stream.indirect.gather [hbm4b:s1+s17], $0x80, s30, s17, $0xb8;
	[tilespmem:$0x18800] =	vst v63  }
0x7b: {  	_ =	swait.ge [sflag:s15], $0x4000  }
0x7c: {  	[sflag:s15] =	ssyncset.done $0x0  }
0x7d: {  	[sflag:s15] =	ssyncadd.s32 $0xFFFFC000  }
0x7e: {  	[spmem:s3] =	stream.indirect.scatter.add.f32 [tilespmem:s14], [sflag:$0x1], $0x80, s31, s17, $0xb8;
	[tilespmem:$0x18800] =	vst v63  }
0x7f: {  	_ =	swait.ge [sflag:s15], $0x4000  }
0x80: {  	s0 =	simm.s32 $0x80;
	s6 =	simm.s32 $0x100;
	[sflag:s15] =	ssyncset.done $0x0  }
.LBB2_4:
0x81: {  	s8 =	sadd.s32 s0, s13  }
0x82: {  	[sflag:s15] =	ssyncadd.s32 $0xFFFFC000;
	s9 =	smov.u32 s6;
	s7 =	sadd.s32 $0x80, s6  }
0x83: {  	[tilespmem:s4], [sflag:$0x1] =	stream.linear.gather [hbm4b:s8+s4], $0x400, $0x38;
	[tilespmem:$0x18800] =	vst v63  }
0x84: {  	p0 =	sne.s32 s6, $0x480;
	_ =	swait.ge [sflag:s15], $0x400  }
0x85: {  	[sflag:s15] =	ssyncset.done $0x0  }
0x86: {  	s6 =	sadd.s32 s0, s12;
	s0 =	smov.u32 s9;
	[sflag:s15] =	ssyncadd.s32 $0xFFFFFC00  }
0x87: {  	[tilespmem:s16], [sflag:$0x1] =	stream.linear.gather [hbm4b:s6+s4], $0x400, $0x38;
	[tilespmem:$0x18800] =	vst v63  }
0x88: {  	_ =	swait.ge [sflag:s15], $0x400  }
0x89: {  	[sflag:s15] =	ssyncset.done $0x0  }
0x8a: {  	[sflag:s15] =	ssyncadd.s32 $0xFFFFFC00  }
0x8b: {  	[tilespmem:s14], [sflag:$0x1] =	stream.indirect.gather [hbm4b:s1+s17], $0x80, s4, s17, $0xb8;
	[tilespmem:$0x18800] =	vst v63  }
0x8c: {  	_ =	swait.ge [sflag:s15], $0x4000  }
0x8d: {  	[sflag:s15] =	ssyncset.done $0x0  }
0x8e: {  	[sflag:s15] =	ssyncadd.s32 $0xFFFFC000  }
0x8f: {  	[spmem:s3] =	stream.indirect.scatter.add.f32 [tilespmem:s14], [sflag:$0x1], $0x80, s16, s17, $0xb8;
	[tilespmem:$0x18800] =	vst v63  }
0x90: {  	_ =	swait.ge [sflag:s15], $0x4000  }
0x91: {  	[sflag:s15] =	ssyncset.done $0x0  }
0x92: {  	[sflag:s15] =	ssyncadd.s32 $0xFFFFC000  }
0x93: {  	[tilespmem:s14], [sflag:$0x1] =	stream.indirect.gather [hbm4b:s1+s17], $0x80, s17, s17, $0xb8;
	[tilespmem:$0x18800] =	vst v63  }
0x94: {  	_ =	swait.ge [sflag:s15], $0x4000  }
0x95: {  	[sflag:s15] =	ssyncset.done $0x0  }
0x96: {  	[sflag:s15] =	ssyncadd.s32 $0xFFFFC000  }
0x97: {  	[spmem:s3] =	stream.indirect.scatter.add.f32 [tilespmem:s14], [sflag:$0x1], $0x80, s18, s17, $0xb8;
	[tilespmem:$0x18800] =	vst v63  }
0x98: {  	_ =	swait.ge [sflag:s15], $0x4000  }
0x99: {  	[sflag:s15] =	ssyncset.done $0x0  }
0x9a: {  	[sflag:s15] =	ssyncadd.s32 $0xFFFFC000  }
0x9b: {  	[tilespmem:s14], [sflag:$0x1] =	stream.indirect.gather [hbm4b:s1+s17], $0x80, s19, s17, $0xb8;
	[tilespmem:$0x18800] =	vst v63  }
0x9c: {  	_ =	swait.ge [sflag:s15], $0x4000  }
0x9d: {  	[sflag:s15] =	ssyncset.done $0x0  }
0x9e: {  	[sflag:s15] =	ssyncadd.s32 $0xFFFFC000  }
0x9f: {  	[spmem:s3] =	stream.indirect.scatter.add.f32 [tilespmem:s14], [sflag:$0x1], $0x80, s20, s17, $0xb8;
	[tilespmem:$0x18800] =	vst v63  }
0xa0: {  	_ =	swait.ge [sflag:s15], $0x4000  }
0xa1: {  	[sflag:s15] =	ssyncset.done $0x0  }
0xa2: {  	[sflag:s15] =	ssyncadd.s32 $0xFFFFC000  }
0xa3: {  	[tilespmem:s14], [sflag:$0x1] =	stream.indirect.gather [hbm4b:s1+s17], $0x80, s21, s17, $0xb8;
	[tilespmem:$0x18800] =	vst v63  }
0xa4: {  	_ =	swait.ge [sflag:s15], $0x4000  }
0xa5: {  	[sflag:s15] =	ssyncset.done $0x0  }
0xa6: {  	[sflag:s15] =	ssyncadd.s32 $0xFFFFC000  }
0xa7: {  	[spmem:s3] =	stream.indirect.scatter.add.f32 [tilespmem:s14], [sflag:$0x1], $0x80, s22, s17, $0xb8;
	[tilespmem:$0x18800] =	vst v63  }
0xa8: {  	_ =	swait.ge [sflag:s15], $0x4000  }
0xa9: {  	[sflag:s15] =	ssyncset.done $0x0  }
0xaa: {  	[sflag:s15] =	ssyncadd.s32 $0xFFFFC000  }
0xab: {  	[tilespmem:s14], [sflag:$0x1] =	stream.indirect.gather [hbm4b:s1+s17], $0x80, s23, s17, $0xb8;
	[tilespmem:$0x18800] =	vst v63  }
0xac: {  	_ =	swait.ge [sflag:s15], $0x4000  }
0xad: {  	[sflag:s15] =	ssyncset.done $0x0  }
0xae: {  	[sflag:s15] =	ssyncadd.s32 $0xFFFFC000  }
0xaf: {  	[spmem:s3] =	stream.indirect.scatter.add.f32 [tilespmem:s14], [sflag:$0x1], $0x80, s24, s17, $0xb8;
	[tilespmem:$0x18800] =	vst v63  }
0xb0: {  	_ =	swait.ge [sflag:s15], $0x4000  }
0xb1: {  	[sflag:s15] =	ssyncset.done $0x0  }
0xb2: {  	[sflag:s15] =	ssyncadd.s32 $0xFFFFC000  }
0xb3: {  	[tilespmem:s14], [sflag:$0x1] =	stream.indirect.gather [hbm4b:s1+s17], $0x80, s25, s17, $0xb8;
	[tilespmem:$0x18800] =	vst v63  }
0xb4: {  	_ =	swait.ge [sflag:s15], $0x4000  }
0xb5: {  	[sflag:s15] =	ssyncset.done $0x0  }
0xb6: {  	[sflag:s15] =	ssyncadd.s32 $0xFFFFC000  }
0xb7: {  	[spmem:s3] =	stream.indirect.scatter.add.f32 [tilespmem:s14], [sflag:$0x1], $0x80, s26, s17, $0xb8;
	[tilespmem:$0x18800] =	vst v63  }
0xb8: {  	_ =	swait.ge [sflag:s15], $0x4000  }
0xb9: {  	[sflag:s15] =	ssyncset.done $0x0  }
0xba: {  	[sflag:s15] =	ssyncadd.s32 $0xFFFFC000  }
0xbb: {  	[tilespmem:s14], [sflag:$0x1] =	stream.indirect.gather [hbm4b:s1+s17], $0x80, s28, s17, $0xb8;
	[tilespmem:$0x18800] =	vst v63  }
0xbc: {  	_ =	swait.ge [sflag:s15], $0x4000  }
0xbd: {  	[sflag:s15] =	ssyncset.done $0x0  }
0xbe: {  	[sflag:s15] =	ssyncadd.s32 $0xFFFFC000  }
0xbf: {  	[spmem:s3] =	stream.indirect.scatter.add.f32 [tilespmem:s14], [sflag:$0x1], $0x80, s29, s17, $0xb8;
	[tilespmem:$0x18800] =	vst v63  }
0xc0: {  	_ =	swait.ge [sflag:s15], $0x4000  }
0xc1: {  	[sflag:s15] =	ssyncset.done $0x0  }
0xc2: {  	[sflag:s15] =	ssyncadd.s32 $0xFFFFC000  }
0xc3: {  	[tilespmem:s14], [sflag:$0x1] =	stream.indirect.gather [hbm4b:s1+s17], $0x80, s30, s17, $0xb8;
	[tilespmem:$0x18800] =	vst v63  }
0xc4: {  	_ =	swait.ge [sflag:s15], $0x4000  }
.Ltmp1:
0xc5: {  	[sflag:s15] =	ssyncset.done $0x0;
	(pc) =	sbr.rel @p0 .LBB2_4-.Ltmp1, $4  }
0xc6: {  	[sflag:s15] =	ssyncadd.s32 $0xFFFFC000  }
0xc7: {  	[spmem:s3] =	stream.indirect.scatter.add.f32 [tilespmem:s14], [sflag:$0x1], $0x80, s31, s17, $0xb8;
	[tilespmem:$0x18800] =	vst v63  }
0xc8: {  	_ =	swait.ge [sflag:s15], $0x4000  }
0xc9: {  	s6 =	smov.u32 s7;
	[sflag:s15] =	ssyncset.done $0x0  }
0xca: {  	s6 =	sadd.s32 s0, s13;
	[sflag:s15] =	ssyncadd.s32 $0xFFFFC000  }
0xcb: {  	[tilespmem:s4], [sflag:$0x1] =	stream.linear.gather [hbm4b:s6+s4], $0x400, $0x38;
	[tilespmem:$0x18800] =	vst v63  }
0xcc: {  	_ =	swait.ge [sflag:s15], $0x400  }
0xcd: {  	[sflag:s15] =	ssyncset.done $0x0  }
0xce: {  	s7 =	sadd.s32 s0, s12;
	[sflag:s15] =	ssyncadd.s32 $0xFFFFFC00  }
0xcf: {  	[tilespmem:s16], [sflag:$0x1] =	stream.linear.gather [hbm4b:s7+s4], $0x400, $0x38;
	[tilespmem:$0x18800] =	vst v63  }
0xd0: {  	_ =	swait.ge [sflag:s15], $0x400  }
0xd1: {  	[sflag:s15] =	ssyncset.done $0x0  }
0xd2: {  	[sflag:s15] =	ssyncadd.s32 $0xFFFFFC00  }
0xd3: {  	[tilespmem:s14], [sflag:$0x1] =	stream.indirect.gather [hbm4b:s1+s17], $0x80, s4, s17, $0xb8;
	[tilespmem:$0x18800] =	vst v63  }
0xd4: {  	_ =	swait.ge [sflag:s15], $0x4000  }
0xd5: {  	[sflag:s15] =	ssyncset.done $0x0  }
0xd6: {  	[sflag:s15] =	ssyncadd.s32 $0xFFFFC000  }
0xd7: {  	[spmem:s3] =	stream.indirect.scatter.add.f32 [tilespmem:s14], [sflag:$0x1], $0x80, s16, s17, $0xb8;
	[tilespmem:$0x18800] =	vst v63  }
0xd8: {  	_ =	swait.ge [sflag:s15], $0x4000  }
0xd9: {  	[sflag:s15] =	ssyncset.done $0x0  }
0xda: {  	[sflag:s15] =	ssyncadd.s32 $0xFFFFC000  }
0xdb: {  	[tilespmem:s14], [sflag:$0x1] =	stream.indirect.gather [hbm4b:s1+s17], $0x80, s17, s17, $0xb8;
	[tilespmem:$0x18800] =	vst v63  }
0xdc: {  	_ =	swait.ge [sflag:s15], $0x4000  }
0xdd: {  	[sflag:s15] =	ssyncset.done $0x0  }
0xde: {  	[sflag:s15] =	ssyncadd.s32 $0xFFFFC000  }
0xdf: {  	[spmem:s3] =	stream.indirect.scatter.add.f32 [tilespmem:s14], [sflag:$0x1], $0x80, s18, s17, $0xb8;
	[tilespmem:$0x18800] =	vst v63  }
0xe0: {  	_ =	swait.ge [sflag:s15], $0x4000  }
0xe1: {  	[sflag:s15] =	ssyncset.done $0x0  }
0xe2: {  	[sflag:s15] =	ssyncadd.s32 $0xFFFFC000  }
0xe3: {  	[tilespmem:s14], [sflag:$0x1] =	stream.indirect.gather [hbm4b:s1+s17], $0x80, s19, s17, $0xb8;
	[tilespmem:$0x18800] =	vst v63  }
0xe4: {  	_ =	swait.ge [sflag:s15], $0x4000  }
0xe5: {  	[sflag:s15] =	ssyncset.done $0x0  }
0xe6: {  	[sflag:s15] =	ssyncadd.s32 $0xFFFFC000  }
0xe7: {  	[spmem:s3] =	stream.indirect.scatter.add.f32 [tilespmem:s14], [sflag:$0x1], $0x80, s20, s17, $0xb8;
	[tilespmem:$0x18800] =	vst v63  }
0xe8: {  	_ =	swait.ge [sflag:s15], $0x4000  }
0xe9: {  	[sflag:s15] =	ssyncset.done $0x0  }
0xea: {  	[sflag:s15] =	ssyncadd.s32 $0xFFFFC000  }
0xeb: {  	[tilespmem:s14], [sflag:$0x1] =	stream.indirect.gather [hbm4b:s1+s17], $0x80, s21, s17, $0xb8;
	[tilespmem:$0x18800] =	vst v63  }
0xec: {  	_ =	swait.ge [sflag:s15], $0x4000  }
0xed: {  	[sflag:s15] =	ssyncset.done $0x0  }
0xee: {  	[sflag:s15] =	ssyncadd.s32 $0xFFFFC000  }
0xef: {  	[spmem:s3] =	stream.indirect.scatter.add.f32 [tilespmem:s14], [sflag:$0x1], $0x80, s22, s17, $0xb8;
	[tilespmem:$0x18800] =	vst v63  }
0xf0: {  	_ =	swait.ge [sflag:s15], $0x4000  }
0xf1: {  	[sflag:s15] =	ssyncset.done $0x0  }
0xf2: {  	[sflag:s15] =	ssyncadd.s32 $0xFFFFC000  }
0xf3: {  	[tilespmem:s14], [sflag:$0x1] =	stream.indirect.gather [hbm4b:s1+s17], $0x80, s23, s17, $0xb8;
	[tilespmem:$0x18800] =	vst v63  }
0xf4: {  	_ =	swait.ge [sflag:s15], $0x4000  }
0xf5: {  	[sflag:s15] =	ssyncset.done $0x0  }
0xf6: {  	[sflag:s15] =	ssyncadd.s32 $0xFFFFC000  }
0xf7: {  	[spmem:s3] =	stream.indirect.scatter.add.f32 [tilespmem:s14], [sflag:$0x1], $0x80, s24, s17, $0xb8;
	[tilespmem:$0x18800] =	vst v63  }
0xf8: {  	_ =	swait.ge [sflag:s15], $0x4000  }
0xf9: {  	[sflag:s15] =	ssyncset.done $0x0  }
0xfa: {  	[sflag:s15] =	ssyncadd.s32 $0xFFFFC000  }
0xfb: {  	[tilespmem:s14], [sflag:$0x1] =	stream.indirect.gather [hbm4b:s1+s17], $0x80, s25, s17, $0xb8;
	[tilespmem:$0x18800] =	vst v63  }
0xfc: {  	_ =	swait.ge [sflag:s15], $0x4000  }
0xfd: {  	[sflag:s15] =	ssyncset.done $0x0  }
0xfe: {  	[sflag:s15] =	ssyncadd.s32 $0xFFFFC000  }
0xff: {  	[spmem:s3] =	stream.indirect.scatter.add.f32 [tilespmem:s14], [sflag:$0x1], $0x80, s26, s17, $0xb8;
	[tilespmem:$0x18800] =	vst v63  }
0x100: {  	_ =	swait.ge [sflag:s15], $0x4000  }
0x101: {  	[sflag:s15] =	ssyncset.done $0x0  }
0x102: {  	[sflag:s15] =	ssyncadd.s32 $0xFFFFC000  }
0x103: {  	[tilespmem:s14], [sflag:$0x1] =	stream.indirect.gather [hbm4b:s1+s17], $0x80, s28, s17, $0xb8;
	[tilespmem:$0x18800] =	vst v63  }
0x104: {  	_ =	swait.ge [sflag:s15], $0x4000  }
0x105: {  	[sflag:s15] =	ssyncset.done $0x0  }
0x106: {  	[sflag:s15] =	ssyncadd.s32 $0xFFFFC000  }
0x107: {  	[spmem:s3] =	stream.indirect.scatter.add.f32 [tilespmem:s14], [sflag:$0x1], $0x80, s29, s17, $0xb8;
	[tilespmem:$0x18800] =	vst v63  }
0x108: {  	_ =	swait.ge [sflag:s15], $0x4000  }
0x109: {  	[sflag:s15] =	ssyncset.done $0x0  }
0x10a: {  	[sflag:s15] =	ssyncadd.s32 $0xFFFFC000  }
0x10b: {  	[tilespmem:s14], [sflag:$0x1] =	stream.indirect.gather [hbm4b:s1+s17], $0x80, s30, s17, $0xb8;
	[tilespmem:$0x18800] =	vst v63  }
0x10c: {  	_ =	swait.ge [sflag:s15], $0x4000  }
0x10d: {  	[sflag:s15] =	ssyncset.done $0x0  }
0x10e: {  	[sflag:s15] =	ssyncadd.s32 $0xFFFFC000  }
0x10f: {  	[spmem:s3] =	stream.indirect.scatter.add.f32 [tilespmem:s14], [sflag:$0x1], $0x80, s31, s17, $0xb8;
	[tilespmem:$0x18800] =	vst v63  }
0x110: {  	s8 =	stileid.u32;
	_ =	swait.ge [sflag:s15], $0x4000  }
0x111: {  	s9 =	sshrl.u32 s5, $0x3;
	s2 =	sadd.s32 $0x1, s2;
	[sflag:s15] =	ssyncset.done $0x0  }
0x112: {  	s0 =	sshll.u32 s8, $0x6;
	p0 =	sne.s32 s2, s10;
	[sflag:s15] =	ssyncadd.s32 $0xFFFFC000  }
.Ltmp2:
0x113: {  	s0 =	sor.u32 $0x1C01, s0;
	[bflag:$0x0] =	sbarrier.arrive $0xFFFF;
	(pc) =	sbr.rel @p0 .LBB2_1-.Ltmp2, $4  }
0x114: {  	[hbm:s11], [sflag:s0] =	dma.local [spmem:s9], $0x2800  }
0x115: {  	_ =	swait.ge [sflag:s15], $0x2800  }
0x116: {  	[sflag:s15] =	ssyncset.done $0x0  }
0x117: {  	[sflag:s15] =	ssyncadd.s32 $0xFFFFD800  }
0x118: {  	_ =	sfence.sel $0x180000  }
0x119: {  	[bflag:$0x0] =	sbarrier.arrive $0xFFFF  }
0x11a: {  	_ =	strace $0x90000047  }
0x11b: {  	s0 =	stileid.u32;
	[bflag:$0x2] =	sbarrier.arrive $0xFFFF  }
0x11c: {  	p0 =	sne.s32 s0, $0x0;
	s0 =	rddreg [dreg:$0x3]  }
0x11d: {  	s0 =	sadd.s32 @!p0 $0x100000, s0  }
0x11e: {  	[sflag:s0] =	ssyncadd.tile.s32 @!p0 $0x1;
	_ =	shalt  }
.Lfunc_end2:
_tile_overlayer_lowered:
.L_overlay_start_2:
0x11f: {  	(tag) =	ssettag $0x2  }
0x120: {  	s0 =	rddreg [dreg:$0x0];
	s2 =	stileid.u32  }
0x121: {  	s1 =	rddreg [dreg:$0x1];
	p0 =	sne.s32 s2, $0x0  }
0x122: {  	s3 =	rddreg [dreg:$0x2];
	[bflag:$0x3] =	sbarrier.arrive $0xFFFF;
	s2 =	simm.s32 @!p0 $0x1C01  }
0x123: {  	[timem:s3], [sflag:s2] =	dma.local @!p0 [hbm:s0], s1  }
0x124: {  	s0 =	simm.s32 @!p0 $0x1  }
0x125: {  	_ =	swait.ge @!p0 [sflag:s0], s1  }
0x126: {  	s1 =	ssub.s32 @!p0 $0x0, s1;
	[sflag:s0] =	ssyncset.done @!p0 $0x0  }
0x127: {  	[sflag:s0] =	ssyncadd.s32 @!p0 s1  }
0x128: {  	[bflag:$0x3] =	sbarrier.arrive $0xFFFF  }
0x129: {  	_ =	shalt  }

// kernel: kernel.15.cloned.1.call-start
scs
__scs_entry_jumppad:
0x0: {  	(pc) =	sbr.rel $0x88, $3  }
0x1: {  	(tag) =	ssettag $0x0;
	lr =	simm.s32 $0x1  }
0x2: {  	[smem:$0x3F88] =	sst lr;
	_ =	strace $0xD0000000  }
0x3: {  	_ = 	snop  }
0x4: {  	_ = 	snop  }
0x5: {  	_ = 	snop  }
0x6: {  	_ = 	snop  }
0x7: {  	_ = 	snop  }
__scs_overlays_trampoline_lowered:
0x8: {  	[smem:$0x3F97] =	sst s0  }
0x9: {  	[smem:$0x3F98] =	sst s1  }
0xa: {  	[smem:$0x3F99] =	sst s2  }
0xb: {  	[smem:$0x3F9A] =	sst s3  }
0xc: {  	[smem:$0x3F9B] =	sst s4  }
0xd: {  	[smem:$0x3F9C] =	sst s5  }
0xe: {  	[smem:$0x3F9D] =	sst s6  }
0xf: {  	[smem:$0x3F9E] =	sst s7  }
0x10: {  	[smem:$0x3F9F] =	sst s8  }
0x11: {  	[smem:$0x3FA0] =	sst s9;
	s0 =	simm.s32 @!p0 $0x0  }
0x12: {  	s1 =	sld [smem:$0x3F86];
	s0 =	simm.s32 @p0 $0x1  }
0x13: {  	[smem:$0x3FA1] =	sst s0;
	s0 =	simm.s32 @!p1 $0x0  }
0x14: {  	s2 =	sld [smem:$0x3F85];
	s0 =	simm.s32 @p1 $0x1  }
0x15: {  	[smem:$0x3FA2] =	sst s0;
	s0 =	simm.s32 @!p2 $0x0  }
0x16: {  	s3 =	sld [smem:$0x3FDB];
	s0 =	simm.s32 @p2 $0x1  }
0x17: {  	s4 =	simm.s32 $0x1BF5;
	[smem:$0x3FA4] =	sst s0  }
0x18: {  	s0 =	sld [smem:$0x3F87];
	_ =	swait.ge [sflag:s4], $0x0  }
0x19: {  	s7 =	sld [smem:$0x3F88]  }
0x1a: {  	s8 =	sadd.s32 $0xFFFFE003, lr  }
0x1b: {  	s9 =	sadd.s32 $0xFFFFFEF7, lr;
	s5 =	simm.s32 $0xFFFFFFFF;
	p2 =	slt.u32 s8, $0xFFFFF086  }
0x1c: {  	p1 =	slt.u32 s9, $0xF7A;
	s5 =	simm.s32 @!p2 $0x0  }
0x1d: {  	s5 =	simm.s32 @p1 $0x1;
	p0 =	seq.s32 s7, s2  }
0x1e: {  	s7 =	smul.u32 @!p0 $0xF7A, s2;
	p2 =	seq.s32 @!p0 s5, $0x0  }
0x1f: {  	s9 =	smul.u32 $0xF7A, s1;
	s8 =	simm.s32 @!p0 $0x1BF5;
	p2 =	por !p2, p0  }
0x20: {  	[sflag:s8] =	ssyncset.s32 @!p0 $0xFFFFF086;
	s6 =	sadd.s32 @!p0 s3, s7;
	s7 =	simm.s32 @!p0 $0x108  }
0x21: {  	s3 =	sadd.s32 s3, s9;
	s6 =	sadd.s32 @!p0 $0x88, s6;
	s7 =	simm.s32 @p2 $0x1082  }
0x22: {  	[simem:s7], [sflag:s8] =	dma.local @!p0 [hbm:s6], $0xF7A  }
0x23: {  	s9 =	sor.u32 $0xD0000000, s2;
	s6 =	simm.s32 $0x108;
	_ =	swait.ge @!p0 [sflag:s8], $0x0  }
0x24: {  	s3 =	sadd.s32 $0x88, s3;
	s6 =	simm.s32 @!p1 $0x1082;
	[sflag:s4] =	ssyncset.s32 $0xFFFFF086  }
0x25: {  	[simem:s6], [sflag:s4] =	dma.local [hbm:s3], $0xF7A  }
0x26: {  	[smem:$0x3F88] =	sst s1;
	(tag) =	ssettag s2;
	_ =	strace s9  }
0x27: {  	s1 =	sld [smem:$0x3F98]  }
0x28: {  	s2 =	sld [smem:$0x3F99]  }
0x29: {  	s4 =	sld [smem:$0x3F9B]  }
0x2a: {  	p0 =	seq.s32 s5, $0x0;
	s5 =	sld [smem:$0x3F9C]  }
0x2b: {  	s6 =	sld [smem:$0x3F9D]  }
0x2c: {  	s7 =	sld [smem:$0x3F9E]  }
0x2d: {  	s3 =	simm.s32 $0x108;
	s8 =	sld [smem:$0x3F9F]  }
0x2e: {  	s3 =	simm.s32 @!p0 $0x1082;
	s9 =	sld [smem:$0x3FA0]  }
0x2f: {  	lr =	sadd.s32 s0, s3;
	s0 =	sld [smem:$0x3F97]  }
0x30: {  	s3 =	sld [smem:$0x3F9A]  }
0x31: {  	[smem:$0x3FA3] =	sst s10  }
0x32: {  	s10 =	sld [smem:$0x3FA1];
	_ =	sdelay $0x3  }
0x33: {  	p0 =	seq.s32 s10, $0x1;
	s10 =	sld [smem:$0x3FA3];
	_ =	sdelay $0x3  }
0x34: {  	[smem:$0x3FA3] =	sst s10  }
0x35: {  	s10 =	sld [smem:$0x3FA2];
	_ =	sdelay $0x3  }
0x36: {  	p1 =	seq.s32 s10, $0x1;
	s10 =	sld [smem:$0x3FA3];
	_ =	sdelay $0x3  }
0x37: {  	[smem:$0x3FA3] =	sst s10  }
0x38: {  	s10 =	sld [smem:$0x3FA4]  }
0x39: {  	_ = 	snop;
	(pc) =	sbr.ind lr, $3  }
0x3a: {  	_ = 	snop  }
0x3b: {  	_ = 	snop  }
0x3c: {  	p2 =	seq.s32 s10, $0x1;
	s10 =	sld [smem:$0x3FA3]  }
0x3d: {  	_ =	shalt  }
0x3e: {  	_ =	shalt  }
0x3f: {  	_ =	shalt  }
0x40: {  	_ =	shalt  }
0x41: {  	_ =	shalt  }
0x42: {  	_ =	shalt  }
0x43: {  	_ =	shalt  }
0x44: {  	_ =	shalt  }
0x45: {  	_ =	shalt  }
0x46: {  	_ =	shalt  }
0x47: {  	_ =	shalt  }
0x48: {  	_ =	shalt  }
0x49: {  	_ =	shalt  }
0x4a: {  	_ =	shalt  }
0x4b: {  	_ =	shalt  }
0x4c: {  	_ =	shalt  }
0x4d: {  	_ =	shalt  }
0x4e: {  	_ =	shalt  }
0x4f: {  	_ =	shalt  }
0x50: {  	_ =	shalt  }
0x51: {  	_ =	shalt  }
0x52: {  	_ =	shalt  }
0x53: {  	_ =	shalt  }
0x54: {  	_ =	shalt  }
0x55: {  	_ =	shalt  }
0x56: {  	_ =	shalt  }
0x57: {  	_ =	shalt  }
0x58: {  	_ =	shalt  }
0x59: {  	_ =	shalt  }
0x5a: {  	_ =	shalt  }
0x5b: {  	_ =	shalt  }
0x5c: {  	_ =	shalt  }
0x5d: {  	_ =	shalt  }
0x5e: {  	_ =	shalt  }
0x5f: {  	_ =	shalt  }
0x60: {  	_ =	shalt  }
0x61: {  	_ =	shalt  }
0x62: {  	_ =	shalt  }
0x63: {  	_ =	shalt  }
0x64: {  	_ =	shalt  }
0x65: {  	_ =	shalt  }
0x66: {  	_ =	shalt  }
0x67: {  	_ =	shalt  }
0x68: {  	_ =	shalt  }
0x69: {  	_ =	shalt  }
0x6a: {  	_ =	shalt  }
0x6b: {  	_ =	shalt  }
0x6c: {  	_ =	shalt  }
0x6d: {  	_ =	shalt  }
0x6e: {  	_ =	shalt  }
0x6f: {  	_ =	shalt  }
0x70: {  	_ =	shalt  }
0x71: {  	_ =	shalt  }
0x72: {  	_ =	shalt  }
0x73: {  	_ =	shalt  }
0x74: {  	_ =	shalt  }
0x75: {  	_ =	shalt  }
0x76: {  	_ =	shalt  }
0x77: {  	_ =	shalt  }
0x78: {  	_ =	shalt  }
0x79: {  	_ =	shalt  }
0x7a: {  	_ =	shalt  }
0x7b: {  	_ =	shalt  }
0x7c: {  	_ =	shalt  }
0x7d: {  	_ =	shalt  }
0x7e: {  	_ =	shalt  }
0x7f: {  	_ =	shalt  }
0x80: {  	_ =	shalt  }
0x81: {  	_ =	shalt  }
0x82: {  	_ =	shalt  }
0x83: {  	_ =	shalt  }
0x84: {  	_ =	shalt  }
0x85: {  	_ =	shalt  }
0x86: {  	_ =	shalt  }
0x87: {  	_ =	shalt  }
.Lfunc_end0:
.L_simem_size_0:
called_computation.1_lowered:
.L_overlay_start_0:
0x88: {  	s2 =	sld [smem:$0x3FD9]  }
0x89: {  	s3 =	sld [smem:$0x3FFE];
	_ =	sdelay $0x1  }
0x8a: {  	s1 =	srdreg.scid  }
0x8b: {  	s0 =	sand.u32 $0x1, s1  }
0x8c: {  	s16 =	sshll.u32 s0, $0xA;
	s2 =	sadd.s32 s3, s2  }
0x8d: {  	s2 =	sadd.s32 s2, s16  }
0x8e: {  	[smem:$0x3FAF] =	sst s2  }
0x8f: {  	_ = 	snop  }
0x90: {  	(tm) =	ssettm $0x1  }
0x91: {  	s17 =	sld [smem:$0x3FFB];
	_ =	sdelay $0x3  }
0x92: {  	_ =	strace s17  }
0x93: {  	s2 =	sld [smem:$0x3FFC];
	_ =	sdelay $0x3  }
0x94: {  	_ =	strace s2  }
0x95: {  	s2 =	sld [smem:$0x3FFD];
	_ =	sdelay $0x3  }
0x96: {  	_ =	strace s2  }
0x97: {  	_ =	strace $0x8FFFFFFF  }
0x98: {  	s18 =	sld [smem:$0x3FDB];
	_ =	sdelay $0x1  }
0x99: {  	s19 =	simm.s32 $_scs_section_size  }
0x9a: {  	s4 =	simm.s32 $_size__tile_overlayer_lowered;
	s5 =	simm.s32 $_tile_overlayer_lowered  }
0x9b: {  	s22 =	simm.s32 $0x1BFF;
	s21 =	sshll.u32 s5, $0x1;
	s2 =	sadd.s32 s19, s18  }
0x9c: {  	s6 =	simm.s32 $0x0;
	s20 =	sshll.u32 s4, $0x1;
	s4 =	sadd.s32 s21, s2  }
0x9d: {  	[timem:s6], [sflag:s22] =	dma.local [hbm:s4], s20  }
0x9e: {  	_ =	swait.ge [sflag:s22], s20  }
0x9f: {  	s3 =	ssub.s32 $0x0, s20;
	[sflag:s22] =	ssyncset.done $0x0  }
0xa0: {  	[sflag:s22] =	ssyncadd.s32 s3;
	_ =	sdelay $0x1  }
0xa1: {  	s23 =	simm.s32 $0x1B8B  }
0xa2: {  	_ =	swait.ge [sflag:s23], $0x1  }
0xa3: {  	[sflag:s23] =	ssyncset.done $0x0  }
0xa4: {  	s25 =	simm.s32 $0x1B8E;
	s24 =	sld [smem:$0x3FFE];
	[sflag:s23] =	ssyncadd.s32 $0xFFFFFFFF  }
0xa5: {  	s26 =	simm.s32 $execute0_lowered;
	[smem:$0x3FD2] =	sst s25  }
0xa6: {  	s4 =	sshll.u32 s26, $0x1;
	_ =	strace $0x80000049;
	[dreg:$0x1] =	wrdreg $0xFFFFFFFF  }
0xa7: {  	s28 =	simm.s32 $_size_execute0_lowered;
	s2 =	sadd.s32 s2, s4;
	[dreg:$0x0] =	wrdreg $0x0  }
0xa8: {  	s4 =	sshll.u32 s28, $0x1;
	[dreg:$0x2] =	wrdreg s2  }
0xa9: {  	[dreg:$0x3] =	wrdreg s4  }
0xaa: {  	[dreg:$0x4] =	wrdreg $0xC0  }
0xab: {  	_ =	task [dreg:s6], $0x5FFFF  }
0xac: {  	[dreg:$0x1] =	wrdreg $0xFFFFFFFF  }
0xad: {  	[dreg:$0x0] =	wrdreg $0x60  }
0xae: {  	[dreg:$0x2] =	wrdreg s24  }
0xaf: {  	[dreg:$0x3] =	wrdreg $0x48000  }
0xb0: {  	[dreg:$0x4] =	wrdreg $0x9  }
0xb1: {  	_ =	task.clear_ibuf [dreg:s6], $0x5FFFF;
	_ =	strace $0x90000049  }
0xb2: {  	s29 =	simm.s32 $0x9;
	_ =	strace $0x8000004B  }
0xb3: {  	_ =	swait.ge [sflag:s29], $0x1  }
0xb4: {  	[sflag:s29] =	ssyncadd.s32 $0xFFFFFFFF  }
0xb5: {  	_ =	strace $0x9000004B  }
0xb6: {  	_ =	sfence  }
0xb7: {  	s30 =	sld [smem:$0x0];
	_ =	sdelay $0x2  }
0xb8: {  	s31 =	sshll.u32 s1, $0xD;
	s1 =	sshrl.u32 s1, $0x2  }
0xb9: {  	s3 =	sand.u32 $0x4000, s31;
	s1 =	sadd.s32 s1, s30  }
0xba: {  	s0 =	sor.u32 s3, s0;
	s1 =	sshll.u32 s1, $0x11  }
0xbb: {  	s0 =	sor.u32 s1, s0  }
0xbc: {  	s0 =	sadd.s32 $0x8F2B, s0  }
0xbd: {  	[sflag:s0] =	ssyncadd.remote.s32 $0x1  }
0xbe: {  	_ =	sfence.sel $0xFFFF  }
0xbf: {  	[dreg:$0x0] =	wrdreg $0xFFFFFFFF;
	(pc) =	sbr.abs _section_cstart, $3  }
0xc0: {  	[dreg:$0x1] =	wrdreg $0xFFFFFFFF  }
0xc1: {  	_ =	task.clear_ibuf [dreg:s6], $0x2FFFF;
	_ =	strace $0x9FFFFFFF  }
0xc2: {  	(tm) =	ssettm $0x7FFFFFFF  }
0xc3: {  	_ =	shalt  }
tec
execute0_lowered:
.L_overlay_start_1:
0x0: {  	(tag) =	ssettag $0x1  }
0x1: {  	s0 =	rddreg [dreg:$0x0]  }
0x2: {  	s2 =	rddreg [dreg:$0x1];
	s3 =	simm.s32 $0x0;
	s10 =	stileid.u32  }
0x3: {  	s5 =	srdreg.scid;
	s17 =	simm.s32 $0x800;
	s18 =	simm.s32 $0x1  }
0x4: {  	s19 =	simm.s32 $0x400;
	s28 =	simm.s32 $0x600;
	s29 =	simm.s32 $0x280  }
0x5: {  	s30 =	simm.s32 $0x680;
	s31 =	simm.s32 $0x300;
	[smem:$0x7FF] =	sst s3  }
0x6: {  	s1 =	smul.u32 $0xA00, s10;
	s4 =	sadd.s32 $0x1C600, s0;
	s6 =	sand.u32 $0x1, s5  }
0x7: {  	s7 =	smul.u32 $0x50000, s10;
	s5 =	sadd.s32 $0x43800, s0;
	s9 =	sadd.s32 $0x6AA00, s0  }
0x8: {  	s26 =	smul.u32 $0x2800, s10;
	_ =	strace $0x8000004A;
	s8 =	ssub.s32 $0x2, s6  }
0x9: {  	[dreg:$0x3] =	wrdreg s9;
	p0 =	seq.s32 s6, $0x1;
	s6 =	simm.s32 $0x380  }
0xa: {  	s1 =	sadd.s32 s1, s0;
	s20 =	sshrl.u32 s8, $0x1;
	s7 =	sshrl.u32 s7, $0x2  }
0xb: {  	s0 =	sadd.s32 $0x92A00, s0;
	[dreg:$0x9] =	wrdreg s26;
	s26 =	simm.s32 $0x200  }
0xc: {  	[dreg:$0x4] =	wrdreg s0;
	s21 =	ssub.s32 s8, s20;
	s8 =	sadd.s32 s7, s2  }
0xd: {  	s15 =	sadd.s32 $0x12600, s1;
	s16 =	sadd.s32 $0x8600, s1;
	s20 =	simm.s32 $0x80  }
0xe: {  	s0 =	simm.s32 $0x700;
	s7 =	simm.s32 $0x780;
	s22 =	sadd.s32 $0x4000, s8  }
.Ltmp0:
0xf: {  	s23 =	sadd.s32 $0x8000, s8;
	[dreg:$0x5] =	wrdreg s22;
	(pc) =	sbr.rel .LBB2_1-.Ltmp0, $4  }
0x10: {  	s1 =	simm.s32 $0x0;
	s24 =	sadd.s32 $0xC000, s8;
	[dreg:$0x6] =	wrdreg s23  }
0x11: {  	s25 =	sadd.s32 $0x10000, s8;
	s14 =	smax.u32 s21, $0x1;
	[dreg:$0x7] =	wrdreg s24  }
0x12: {  	s21 =	simm.s32 $0x480;
	[dreg:$0x8] =	wrdreg s25;
	s22 =	simm.s32 $0x100  }
0x13: {  	v0 =	vimm.f32 $0.0e+00;
	s23 =	simm.s32 $0x500;
	s24 =	simm.s32 $0x180;
	s25 =	simm.s32 $0x580  }
.LBB2_9:
0x14: {  	s10 =	sadd.s32 s9, s16;
	[sflag:s18] =	ssyncadd.s32 $0xFFFFC000  }
0x15: {  	[tilespmem:s3], [sflag:$0x1] =	stream.linear.gather [hbm4b:s10+s3], $0x400, $0x38;
	[tilespmem:$0x18800] =	vst v63  }
0x16: {  	_ =	swait.ge [sflag:s18], $0x400  }
0x17: {  	[sflag:s18] =	ssyncset.done $0x0  }
0x18: {  	s13 =	sadd.s32 s9, s15;
	[sflag:s18] =	ssyncadd.s32 $0xFFFFFC00  }
0x19: {  	[tilespmem:s19], [sflag:$0x1] =	stream.linear.gather [hbm4b:s13+s3], $0x400, $0x38;
	[tilespmem:$0x18800] =	vst v63  }
0x1a: {  	_ =	swait.ge [sflag:s18], $0x400  }
0x1b: {  	[sflag:s18] =	ssyncset.done $0x0  }
0x1c: {  	[sflag:s18] =	ssyncadd.s32 $0xFFFFFC00  }
0x1d: {  	[tilespmem:s17], [sflag:$0x1] =	stream.indirect.gather [hbm4b:s5+s20], $0x80, s3, s20, $0xb8;
	[tilespmem:$0x18800] =	vst v63  }
0x1e: {  	_ =	swait.ge [sflag:s18], $0x4000  }
0x1f: {  	[sflag:s18] =	ssyncset.done $0x0  }
0x20: {  	[sflag:s18] =	ssyncadd.s32 $0xFFFFC000  }
0x21: {  	[spmem:s2] =	stream.indirect.scatter.add.f32 [tilespmem:s17], [sflag:$0x1], $0x80, s19, s20, $0xb8;
	[tilespmem:$0x18800] =	vst v63  }
0x22: {  	_ =	swait.ge [sflag:s18], $0x4000  }
0x23: {  	[sflag:s18] =	ssyncset.done $0x0  }
0x24: {  	[sflag:s18] =	ssyncadd.s32 $0xFFFFC000  }
0x25: {  	[tilespmem:s17], [sflag:$0x1] =	stream.indirect.gather [hbm4b:s5+s20], $0x80, s20, s20, $0xb8;
	[tilespmem:$0x18800] =	vst v63  }
0x26: {  	_ =	swait.ge [sflag:s18], $0x4000  }
0x27: {  	[sflag:s18] =	ssyncset.done $0x0  }
0x28: {  	[sflag:s18] =	ssyncadd.s32 $0xFFFFC000  }
0x29: {  	[spmem:s2] =	stream.indirect.scatter.add.f32 [tilespmem:s17], [sflag:$0x1], $0x80, s21, s20, $0xb8;
	[tilespmem:$0x18800] =	vst v63  }
0x2a: {  	_ =	swait.ge [sflag:s18], $0x4000  }
0x2b: {  	[sflag:s18] =	ssyncset.done $0x0  }
0x2c: {  	[sflag:s18] =	ssyncadd.s32 $0xFFFFC000  }
0x2d: {  	[tilespmem:s17], [sflag:$0x1] =	stream.indirect.gather [hbm4b:s5+s20], $0x80, s22, s20, $0xb8;
	[tilespmem:$0x18800] =	vst v63  }
0x2e: {  	_ =	swait.ge [sflag:s18], $0x4000  }
0x2f: {  	[sflag:s18] =	ssyncset.done $0x0  }
0x30: {  	[sflag:s18] =	ssyncadd.s32 $0xFFFFC000  }
0x31: {  	[spmem:s2] =	stream.indirect.scatter.add.f32 [tilespmem:s17], [sflag:$0x1], $0x80, s23, s20, $0xb8;
	[tilespmem:$0x18800] =	vst v63  }
0x32: {  	_ =	swait.ge [sflag:s18], $0x4000  }
0x33: {  	[sflag:s18] =	ssyncset.done $0x0  }
0x34: {  	[sflag:s18] =	ssyncadd.s32 $0xFFFFC000  }
0x35: {  	[tilespmem:s17], [sflag:$0x1] =	stream.indirect.gather [hbm4b:s5+s20], $0x80, s24, s20, $0xb8;
	[tilespmem:$0x18800] =	vst v63  }
0x36: {  	_ =	swait.ge [sflag:s18], $0x4000  }
0x37: {  	[sflag:s18] =	ssyncset.done $0x0  }
0x38: {  	[sflag:s18] =	ssyncadd.s32 $0xFFFFC000  }
0x39: {  	[spmem:s2] =	stream.indirect.scatter.add.f32 [tilespmem:s17], [sflag:$0x1], $0x80, s25, s20, $0xb8;
	[tilespmem:$0x18800] =	vst v63  }
0x3a: {  	_ =	swait.ge [sflag:s18], $0x4000  }
0x3b: {  	[sflag:s18] =	ssyncset.done $0x0  }
0x3c: {  	[sflag:s18] =	ssyncadd.s32 $0xFFFFC000  }
0x3d: {  	[tilespmem:s17], [sflag:$0x1] =	stream.indirect.gather [hbm4b:s5+s20], $0x80, s26, s20, $0xb8;
	[tilespmem:$0x18800] =	vst v63  }
0x3e: {  	_ =	swait.ge [sflag:s18], $0x4000  }
0x3f: {  	[sflag:s18] =	ssyncset.done $0x0  }
0x40: {  	[sflag:s18] =	ssyncadd.s32 $0xFFFFC000  }
0x41: {  	[spmem:s2] =	stream.indirect.scatter.add.f32 [tilespmem:s17], [sflag:$0x1], $0x80, s28, s20, $0xb8;
	[tilespmem:$0x18800] =	vst v63  }
0x42: {  	_ =	swait.ge [sflag:s18], $0x4000  }
0x43: {  	[sflag:s18] =	ssyncset.done $0x0  }
0x44: {  	[sflag:s18] =	ssyncadd.s32 $0xFFFFC000  }
0x45: {  	[tilespmem:s17], [sflag:$0x1] =	stream.indirect.gather [hbm4b:s5+s20], $0x80, s29, s20, $0xb8;
	[tilespmem:$0x18800] =	vst v63  }
0x46: {  	_ =	swait.ge [sflag:s18], $0x4000  }
0x47: {  	[sflag:s18] =	ssyncset.done $0x0  }
0x48: {  	[sflag:s18] =	ssyncadd.s32 $0xFFFFC000  }
0x49: {  	[spmem:s2] =	stream.indirect.scatter.add.f32 [tilespmem:s17], [sflag:$0x1], $0x80, s30, s20, $0xb8;
	[tilespmem:$0x18800] =	vst v63  }
0x4a: {  	_ =	swait.ge [sflag:s18], $0x4000  }
0x4b: {  	[sflag:s18] =	ssyncset.done $0x0  }
0x4c: {  	[sflag:s18] =	ssyncadd.s32 $0xFFFFC000  }
0x4d: {  	[tilespmem:s17], [sflag:$0x1] =	stream.indirect.gather [hbm4b:s5+s20], $0x80, s31, s20, $0xb8;
	[tilespmem:$0x18800] =	vst v63  }
0x4e: {  	_ =	swait.ge [sflag:s18], $0x4000  }
0x4f: {  	[sflag:s18] =	ssyncset.done $0x0  }
0x50: {  	[sflag:s18] =	ssyncadd.s32 $0xFFFFC000  }
0x51: {  	[spmem:s2] =	stream.indirect.scatter.add.f32 [tilespmem:s17], [sflag:$0x1], $0x80, s0, s20, $0xb8;
	[tilespmem:$0x18800] =	vst v63  }
0x52: {  	_ =	swait.ge [sflag:s18], $0x4000  }
0x53: {  	[sflag:s18] =	ssyncset.done $0x0  }
0x54: {  	[sflag:s18] =	ssyncadd.s32 $0xFFFFC000  }
0x55: {  	[tilespmem:s17], [sflag:$0x1] =	stream.indirect.gather [hbm4b:s5+s20], $0x80, s6, s20, $0xb8;
	[tilespmem:$0x18800] =	vst v63  }
0x56: {  	_ =	swait.ge [sflag:s18], $0x4000  }
0x57: {  	[sflag:s18] =	ssyncset.done $0x0  }
0x58: {  	[sflag:s18] =	ssyncadd.s32 $0xFFFFC000  }
0x59: {  	[spmem:s2] =	stream.indirect.scatter.add.f32 [tilespmem:s17], [sflag:$0x1], $0x80, s7, s20, $0xb8;
	[tilespmem:$0x18800] =	vst v63  }
0x5a: {  	_ =	swait.ge [sflag:s18], $0x4000  }
0x5b: {  	[sflag:s18] =	ssyncset.done $0x0  }
0x5c: {  	s9 =	rddreg [dreg:$0x4];
	[sflag:s18] =	ssyncadd.s32 $0xFFFFC000  }
.LBB2_10:
0x5d: {  	s10 =	rddreg [dreg:$0x9]  }
0x5e: {  	s13 =	stileid.u32;
	[bflag:$0x0] =	sbarrier.arrive $0xFFFF;
	s1 =	sadd.s32 $0x1, s1  }
0x5f: {  	s9 =	sadd.s32 s9, s10;
	s10 =	sshll.u32 s13, $0x6;
	p1 =	sne.s32 s1, s14  }
.Ltmp1:
0x60: {  	s11 =	sshrl.u32 s8, $0x3;
	s10 =	sor.u32 $0x1C01, s10;
	(pc) =	sbr.rel @!p1 .LBB2_11-.Ltmp1, $4  }
0x61: {  	[hbm:s9], [sflag:s10] =	dma.local [spmem:s11], $0x2800  }
0x62: {  	_ =	swait.ge [sflag:s18], $0x2800  }
0x63: {  	[sflag:s18] =	ssyncset.done $0x0  }
0x64: {  	[sflag:s18] =	ssyncadd.s32 $0xFFFFD800  }
.LBB2_1:
.Ltmp2:
0x65: {  	(pc) =	sbr.rel @!p0 .LBB2_2-.Ltmp2, $2  }
0x66: {  	_ =	sdelay $0x2  }
0x67: {  	s9 =	sshra.s32 s3, $0x2;
	s10 =	sadd.s32 $0x200, s3  }
.LBB2_6:
0x68: {  	p1 =	sne.s32 s10, $0xFE00;
	[tilespmem:s9+$0x870] =	vst v0  }
0x69: {  	[tilespmem:s9+$0x800] =	vst v0  }
0x6a: {  	[tilespmem:s9+$0x810] =	vst v0  }
.Ltmp3:
0x6b: {  	[tilespmem:s9+$0x820] =	vst v0;
	(pc) =	sbr.rel @p1 .LBB2_6-.Ltmp3, $4  }
0x6c: {  	[tilespmem:s9+$0x830] =	vst v0  }
0x6d: {  	[tilespmem:s9+$0x840] =	vst v0  }
0x6e: {  	[tilespmem:s9+$0x850] =	vst v0  }
0x6f: {  	[tilespmem:s9+$0x860] =	vst v0;
	s9 =	sshra.s32 s10, $0x2;
	s10 =	sadd.s32 $0x200, s10  }
0x70: {  	[tilespmem:s9+$0x870] =	vst v0  }
0x71: {  	[tilespmem:s9+$0x800] =	vst v0  }
0x72: {  	[tilespmem:s9+$0x810] =	vst v0  }
0x73: {  	[tilespmem:s9+$0x820] =	vst v0  }
0x74: {  	[tilespmem:s9+$0x830] =	vst v0  }
0x75: {  	[tilespmem:s9+$0x840] =	vst v0  }
0x76: {  	[tilespmem:s9+$0x850] =	vst v0  }
0x77: {  	[tilespmem:s9+$0x860] =	vst v0  }
0x78: {  	[spmem:s8] =	stream.linear.scatter [tilespmem:s17], [sflag:$0x1], $0x4000, $0x38;
	[tilespmem:$0x18800] =	vst v63  }
0x79: {  	_ =	swait.ge [sflag:s18], $0x4000  }
0x7a: {  	[sflag:s18] =	ssyncset.done $0x0  }
0x7b: {  	s12 =	rddreg [dreg:$0x5];
	[sflag:s18] =	ssyncadd.s32 $0xFFFFC000  }
0x7c: {  	[spmem:s12] =	stream.linear.scatter [tilespmem:s17], [sflag:$0x1], $0x4000, $0x38;
	[tilespmem:$0x18800] =	vst v63  }
0x7d: {  	_ =	swait.ge [sflag:s18], $0x4000  }
0x7e: {  	[sflag:s18] =	ssyncset.done $0x0  }
0x7f: {  	s13 =	rddreg [dreg:$0x6];
	[sflag:s18] =	ssyncadd.s32 $0xFFFFC000  }
0x80: {  	[spmem:s13] =	stream.linear.scatter [tilespmem:s17], [sflag:$0x1], $0x4000, $0x38;
	[tilespmem:$0x18800] =	vst v63  }
0x81: {  	_ =	swait.ge [sflag:s18], $0x4000  }
0x82: {  	[sflag:s18] =	ssyncset.done $0x0  }
0x83: {  	s10 =	rddreg [dreg:$0x7];
	[sflag:s18] =	ssyncadd.s32 $0xFFFFC000  }
0x84: {  	[spmem:s10] =	stream.linear.scatter [tilespmem:s17], [sflag:$0x1], $0x4000, $0x38;
	[tilespmem:$0x18800] =	vst v63  }
0x85: {  	_ =	swait.ge [sflag:s18], $0x4000  }
0x86: {  	[sflag:s18] =	ssyncset.done $0x0  }
0x87: {  	s11 =	rddreg [dreg:$0x8];
	[sflag:s18] =	ssyncadd.s32 $0xFFFFC000  }
0x88: {  	[spmem:s11] =	stream.linear.scatter [tilespmem:s17], [sflag:$0x1], $0x4000, $0x38;
	[tilespmem:$0x18800] =	vst v63  }
0x89: {  	_ =	swait.ge [sflag:s18], $0x4000  }
0x8a: {  	[sflag:s18] =	ssyncset.done $0x0  }
0x8b: {  	[sflag:s18] =	ssyncadd.s32 $0xFFFFC000  }
0x8c: {  	s12 =	sadd.s32 $0x0, s16;
	[bflag:$0x0] =	sbarrier.arrive $0xFFFF  }
0x8d: {  	[tilespmem:s3], [sflag:$0x1] =	stream.linear.gather [hbm4b:s12+s3], $0x400, $0x38;
	[tilespmem:$0x18800] =	vst v63  }
0x8e: {  	_ =	swait.ge [sflag:s18], $0x400  }
0x8f: {  	[sflag:s18] =	ssyncset.done $0x0  }
0x90: {  	s13 =	sadd.s32 $0x0, s15;
	[sflag:s18] =	ssyncadd.s32 $0xFFFFFC00  }
0x91: {  	[tilespmem:s19], [sflag:$0x1] =	stream.linear.gather [hbm4b:s13+s3], $0x400, $0x38;
	[tilespmem:$0x18800] =	vst v63  }
0x92: {  	_ =	swait.ge [sflag:s18], $0x400  }
0x93: {  	[sflag:s18] =	ssyncset.done $0x0  }
0x94: {  	[sflag:s18] =	ssyncadd.s32 $0xFFFFFC00  }
0x95: {  	[tilespmem:s17], [sflag:$0x1] =	stream.indirect.gather [hbm4b:s5+s20], $0x80, s3, s20, $0xb8;
	[tilespmem:$0x18800] =	vst v63  }
0x96: {  	_ =	swait.ge [sflag:s18], $0x4000  }
0x97: {  	[sflag:s18] =	ssyncset.done $0x0  }
0x98: {  	[sflag:s18] =	ssyncadd.s32 $0xFFFFC000  }
0x99: {  	[spmem:s2] =	stream.indirect.scatter.add.f32 [tilespmem:s17], [sflag:$0x1], $0x80, s19, s20, $0xb8;
	[tilespmem:$0x18800] =	vst v63  }
0x9a: {  	_ =	swait.ge [sflag:s18], $0x4000  }
0x9b: {  	[sflag:s18] =	ssyncset.done $0x0  }
0x9c: {  	[sflag:s18] =	ssyncadd.s32 $0xFFFFC000  }
0x9d: {  	[tilespmem:s17], [sflag:$0x1] =	stream.indirect.gather [hbm4b:s5+s20], $0x80, s20, s20, $0xb8;
	[tilespmem:$0x18800] =	vst v63  }
0x9e: {  	_ =	swait.ge [sflag:s18], $0x4000  }
0x9f: {  	[sflag:s18] =	ssyncset.done $0x0  }
0xa0: {  	[sflag:s18] =	ssyncadd.s32 $0xFFFFC000  }
0xa1: {  	[spmem:s2] =	stream.indirect.scatter.add.f32 [tilespmem:s17], [sflag:$0x1], $0x80, s21, s20, $0xb8;
	[tilespmem:$0x18800] =	vst v63  }
0xa2: {  	_ =	swait.ge [sflag:s18], $0x4000  }
0xa3: {  	[sflag:s18] =	ssyncset.done $0x0  }
0xa4: {  	[sflag:s18] =	ssyncadd.s32 $0xFFFFC000  }
0xa5: {  	[tilespmem:s17], [sflag:$0x1] =	stream.indirect.gather [hbm4b:s5+s20], $0x80, s22, s20, $0xb8;
	[tilespmem:$0x18800] =	vst v63  }
0xa6: {  	_ =	swait.ge [sflag:s18], $0x4000  }
0xa7: {  	[sflag:s18] =	ssyncset.done $0x0  }
0xa8: {  	[sflag:s18] =	ssyncadd.s32 $0xFFFFC000  }
0xa9: {  	[spmem:s2] =	stream.indirect.scatter.add.f32 [tilespmem:s17], [sflag:$0x1], $0x80, s23, s20, $0xb8;
	[tilespmem:$0x18800] =	vst v63  }
0xaa: {  	_ =	swait.ge [sflag:s18], $0x4000  }
0xab: {  	[sflag:s18] =	ssyncset.done $0x0  }
0xac: {  	[sflag:s18] =	ssyncadd.s32 $0xFFFFC000  }
0xad: {  	[tilespmem:s17], [sflag:$0x1] =	stream.indirect.gather [hbm4b:s5+s20], $0x80, s24, s20, $0xb8;
	[tilespmem:$0x18800] =	vst v63  }
0xae: {  	_ =	swait.ge [sflag:s18], $0x4000  }
0xaf: {  	[sflag:s18] =	ssyncset.done $0x0  }
0xb0: {  	[sflag:s18] =	ssyncadd.s32 $0xFFFFC000  }
0xb1: {  	[spmem:s2] =	stream.indirect.scatter.add.f32 [tilespmem:s17], [sflag:$0x1], $0x80, s25, s20, $0xb8;
	[tilespmem:$0x18800] =	vst v63  }
0xb2: {  	_ =	swait.ge [sflag:s18], $0x4000  }
0xb3: {  	[sflag:s18] =	ssyncset.done $0x0  }
0xb4: {  	[sflag:s18] =	ssyncadd.s32 $0xFFFFC000  }
0xb5: {  	[tilespmem:s17], [sflag:$0x1] =	stream.indirect.gather [hbm4b:s5+s20], $0x80, s26, s20, $0xb8;
	[tilespmem:$0x18800] =	vst v63  }
0xb6: {  	_ =	swait.ge [sflag:s18], $0x4000  }
0xb7: {  	[sflag:s18] =	ssyncset.done $0x0  }
0xb8: {  	[sflag:s18] =	ssyncadd.s32 $0xFFFFC000  }
0xb9: {  	[spmem:s2] =	stream.indirect.scatter.add.f32 [tilespmem:s17], [sflag:$0x1], $0x80, s28, s20, $0xb8;
	[tilespmem:$0x18800] =	vst v63  }
0xba: {  	_ =	swait.ge [sflag:s18], $0x4000  }
0xbb: {  	[sflag:s18] =	ssyncset.done $0x0  }
0xbc: {  	[sflag:s18] =	ssyncadd.s32 $0xFFFFC000  }
0xbd: {  	[tilespmem:s17], [sflag:$0x1] =	stream.indirect.gather [hbm4b:s5+s20], $0x80, s29, s20, $0xb8;
	[tilespmem:$0x18800] =	vst v63  }
0xbe: {  	_ =	swait.ge [sflag:s18], $0x4000  }
0xbf: {  	[sflag:s18] =	ssyncset.done $0x0  }
0xc0: {  	[sflag:s18] =	ssyncadd.s32 $0xFFFFC000  }
0xc1: {  	[spmem:s2] =	stream.indirect.scatter.add.f32 [tilespmem:s17], [sflag:$0x1], $0x80, s30, s20, $0xb8;
	[tilespmem:$0x18800] =	vst v63  }
0xc2: {  	_ =	swait.ge [sflag:s18], $0x4000  }
0xc3: {  	[sflag:s18] =	ssyncset.done $0x0  }
0xc4: {  	[sflag:s18] =	ssyncadd.s32 $0xFFFFC000  }
0xc5: {  	[tilespmem:s17], [sflag:$0x1] =	stream.indirect.gather [hbm4b:s5+s20], $0x80, s31, s20, $0xb8;
	[tilespmem:$0x18800] =	vst v63  }
0xc6: {  	_ =	swait.ge [sflag:s18], $0x4000  }
0xc7: {  	[sflag:s18] =	ssyncset.done $0x0  }
0xc8: {  	[sflag:s18] =	ssyncadd.s32 $0xFFFFC000  }
0xc9: {  	[spmem:s2] =	stream.indirect.scatter.add.f32 [tilespmem:s17], [sflag:$0x1], $0x80, s0, s20, $0xb8;
	[tilespmem:$0x18800] =	vst v63  }
0xca: {  	_ =	swait.ge [sflag:s18], $0x4000  }
0xcb: {  	[sflag:s18] =	ssyncset.done $0x0  }
0xcc: {  	[sflag:s18] =	ssyncadd.s32 $0xFFFFC000  }
0xcd: {  	[tilespmem:s17], [sflag:$0x1] =	stream.indirect.gather [hbm4b:s5+s20], $0x80, s6, s20, $0xb8;
	[tilespmem:$0x18800] =	vst v63  }
0xce: {  	_ =	swait.ge [sflag:s18], $0x4000  }
0xcf: {  	[sflag:s18] =	ssyncset.done $0x0  }
0xd0: {  	[sflag:s18] =	ssyncadd.s32 $0xFFFFC000  }
0xd1: {  	[spmem:s2] =	stream.indirect.scatter.add.f32 [tilespmem:s17], [sflag:$0x1], $0x80, s7, s20, $0xb8;
	[tilespmem:$0x18800] =	vst v63  }
0xd2: {  	_ =	swait.ge [sflag:s18], $0x4000  }
0xd3: {  	s9 =	simm.s32 $0x80;
	s11 =	simm.s32 $0x100;
	[sflag:s18] =	ssyncset.done $0x0  }
.LBB2_8:
0xd4: {  	s12 =	sadd.s32 s9, s16  }
0xd5: {  	[sflag:s18] =	ssyncadd.s32 $0xFFFFC000;
	s13 =	smov.u32 s11;
	s10 =	sadd.s32 $0x80, s11  }
0xd6: {  	[tilespmem:s3], [sflag:$0x1] =	stream.linear.gather [hbm4b:s12+s3], $0x400, $0x38;
	[tilespmem:$0x18800] =	vst v63  }
0xd7: {  	p1 =	sne.s32 s11, $0x980;
	_ =	swait.ge [sflag:s18], $0x400  }
0xd8: {  	[sflag:s18] =	ssyncset.done $0x0  }
0xd9: {  	s11 =	sadd.s32 s9, s15;
	s9 =	smov.u32 s13;
	[sflag:s18] =	ssyncadd.s32 $0xFFFFFC00  }
0xda: {  	[tilespmem:s19], [sflag:$0x1] =	stream.linear.gather [hbm4b:s11+s3], $0x400, $0x38;
	[tilespmem:$0x18800] =	vst v63  }
0xdb: {  	_ =	swait.ge [sflag:s18], $0x400  }
0xdc: {  	[sflag:s18] =	ssyncset.done $0x0  }
0xdd: {  	[sflag:s18] =	ssyncadd.s32 $0xFFFFFC00  }
0xde: {  	[tilespmem:s17], [sflag:$0x1] =	stream.indirect.gather [hbm4b:s5+s20], $0x80, s3, s20, $0xb8;
	[tilespmem:$0x18800] =	vst v63  }
0xdf: {  	_ =	swait.ge [sflag:s18], $0x4000  }
0xe0: {  	[sflag:s18] =	ssyncset.done $0x0  }
0xe1: {  	[sflag:s18] =	ssyncadd.s32 $0xFFFFC000  }
0xe2: {  	[spmem:s2] =	stream.indirect.scatter.add.f32 [tilespmem:s17], [sflag:$0x1], $0x80, s19, s20, $0xb8;
	[tilespmem:$0x18800] =	vst v63  }
0xe3: {  	_ =	swait.ge [sflag:s18], $0x4000  }
0xe4: {  	[sflag:s18] =	ssyncset.done $0x0  }
0xe5: {  	[sflag:s18] =	ssyncadd.s32 $0xFFFFC000  }
0xe6: {  	[tilespmem:s17], [sflag:$0x1] =	stream.indirect.gather [hbm4b:s5+s20], $0x80, s20, s20, $0xb8;
	[tilespmem:$0x18800] =	vst v63  }
0xe7: {  	_ =	swait.ge [sflag:s18], $0x4000  }
0xe8: {  	[sflag:s18] =	ssyncset.done $0x0  }
0xe9: {  	[sflag:s18] =	ssyncadd.s32 $0xFFFFC000  }
0xea: {  	[spmem:s2] =	stream.indirect.scatter.add.f32 [tilespmem:s17], [sflag:$0x1], $0x80, s21, s20, $0xb8;
	[tilespmem:$0x18800] =	vst v63  }
0xeb: {  	_ =	swait.ge [sflag:s18], $0x4000  }
0xec: {  	[sflag:s18] =	ssyncset.done $0x0  }
0xed: {  	[sflag:s18] =	ssyncadd.s32 $0xFFFFC000  }
0xee: {  	[tilespmem:s17], [sflag:$0x1] =	stream.indirect.gather [hbm4b:s5+s20], $0x80, s22, s20, $0xb8;
	[tilespmem:$0x18800] =	vst v63  }
0xef: {  	_ =	swait.ge [sflag:s18], $0x4000  }
0xf0: {  	[sflag:s18] =	ssyncset.done $0x0  }
0xf1: {  	[sflag:s18] =	ssyncadd.s32 $0xFFFFC000  }
0xf2: {  	[spmem:s2] =	stream.indirect.scatter.add.f32 [tilespmem:s17], [sflag:$0x1], $0x80, s23, s20, $0xb8;
	[tilespmem:$0x18800] =	vst v63  }
0xf3: {  	_ =	swait.ge [sflag:s18], $0x4000  }
0xf4: {  	[sflag:s18] =	ssyncset.done $0x0  }
0xf5: {  	[sflag:s18] =	ssyncadd.s32 $0xFFFFC000  }
0xf6: {  	[tilespmem:s17], [sflag:$0x1] =	stream.indirect.gather [hbm4b:s5+s20], $0x80, s24, s20, $0xb8;
	[tilespmem:$0x18800] =	vst v63  }
0xf7: {  	_ =	swait.ge [sflag:s18], $0x4000  }
0xf8: {  	[sflag:s18] =	ssyncset.done $0x0  }
0xf9: {  	[sflag:s18] =	ssyncadd.s32 $0xFFFFC000  }
0xfa: {  	[spmem:s2] =	stream.indirect.scatter.add.f32 [tilespmem:s17], [sflag:$0x1], $0x80, s25, s20, $0xb8;
	[tilespmem:$0x18800] =	vst v63  }
0xfb: {  	_ =	swait.ge [sflag:s18], $0x4000  }
0xfc: {  	[sflag:s18] =	ssyncset.done $0x0  }
0xfd: {  	[sflag:s18] =	ssyncadd.s32 $0xFFFFC000  }
0xfe: {  	[tilespmem:s17], [sflag:$0x1] =	stream.indirect.gather [hbm4b:s5+s20], $0x80, s26, s20, $0xb8;
	[tilespmem:$0x18800] =	vst v63  }
0xff: {  	_ =	swait.ge [sflag:s18], $0x4000  }
0x100: {  	[sflag:s18] =	ssyncset.done $0x0  }
0x101: {  	[sflag:s18] =	ssyncadd.s32 $0xFFFFC000  }
0x102: {  	[spmem:s2] =	stream.indirect.scatter.add.f32 [tilespmem:s17], [sflag:$0x1], $0x80, s28, s20, $0xb8;
	[tilespmem:$0x18800] =	vst v63  }
0x103: {  	_ =	swait.ge [sflag:s18], $0x4000  }
0x104: {  	[sflag:s18] =	ssyncset.done $0x0  }
0x105: {  	[sflag:s18] =	ssyncadd.s32 $0xFFFFC000  }
0x106: {  	[tilespmem:s17], [sflag:$0x1] =	stream.indirect.gather [hbm4b:s5+s20], $0x80, s29, s20, $0xb8;
	[tilespmem:$0x18800] =	vst v63  }
0x107: {  	_ =	swait.ge [sflag:s18], $0x4000  }
0x108: {  	[sflag:s18] =	ssyncset.done $0x0  }
0x109: {  	[sflag:s18] =	ssyncadd.s32 $0xFFFFC000  }
0x10a: {  	[spmem:s2] =	stream.indirect.scatter.add.f32 [tilespmem:s17], [sflag:$0x1], $0x80, s30, s20, $0xb8;
	[tilespmem:$0x18800] =	vst v63  }
0x10b: {  	_ =	swait.ge [sflag:s18], $0x4000  }
0x10c: {  	[sflag:s18] =	ssyncset.done $0x0  }
0x10d: {  	[sflag:s18] =	ssyncadd.s32 $0xFFFFC000  }
0x10e: {  	[tilespmem:s17], [sflag:$0x1] =	stream.indirect.gather [hbm4b:s5+s20], $0x80, s31, s20, $0xb8;
	[tilespmem:$0x18800] =	vst v63  }
0x10f: {  	_ =	swait.ge [sflag:s18], $0x4000  }
0x110: {  	[sflag:s18] =	ssyncset.done $0x0  }
0x111: {  	[sflag:s18] =	ssyncadd.s32 $0xFFFFC000  }
0x112: {  	[spmem:s2] =	stream.indirect.scatter.add.f32 [tilespmem:s17], [sflag:$0x1], $0x80, s0, s20, $0xb8;
	[tilespmem:$0x18800] =	vst v63  }
0x113: {  	_ =	swait.ge [sflag:s18], $0x4000  }
0x114: {  	[sflag:s18] =	ssyncset.done $0x0  }
0x115: {  	[sflag:s18] =	ssyncadd.s32 $0xFFFFC000  }
0x116: {  	[tilespmem:s17], [sflag:$0x1] =	stream.indirect.gather [hbm4b:s5+s20], $0x80, s6, s20, $0xb8;
	[tilespmem:$0x18800] =	vst v63  }
0x117: {  	_ =	swait.ge [sflag:s18], $0x4000  }
.Ltmp4:
0x118: {  	[sflag:s18] =	ssyncset.done $0x0;
	(pc) =	sbr.rel @p1 .LBB2_8-.Ltmp4, $4  }
0x119: {  	[sflag:s18] =	ssyncadd.s32 $0xFFFFC000  }
0x11a: {  	[spmem:s2] =	stream.indirect.scatter.add.f32 [tilespmem:s17], [sflag:$0x1], $0x80, s7, s20, $0xb8;
	[tilespmem:$0x18800] =	vst v63  }
0x11b: {  	_ =	swait.ge [sflag:s18], $0x4000  }
0x11c: {  	s11 =	smov.u32 s10;
	[sflag:s18] =	ssyncset.done $0x0  }
.Ltmp5:
0x11d: {  	_ = 	snop;
	(pc) =	sbr.rel .LBB2_9-.Ltmp5, $1  }
0x11e: {  	_ =	sdelay $0x3  }
.LBB2_2:
0x11f: {  	p1 =	sne.s32 s10, $0xFE00;
	[tilespmem:s9+$0x870] =	vst v0  }
0x120: {  	[tilespmem:s9+$0x800] =	vst v0  }
0x121: {  	[tilespmem:s9+$0x810] =	vst v0  }
.Ltmp6:
0x122: {  	[tilespmem:s9+$0x820] =	vst v0;
	(pc) =	sbr.rel @p1 .LBB2_2-.Ltmp6, $4  }
0x123: {  	[tilespmem:s9+$0x830] =	vst v0  }
0x124: {  	[tilespmem:s9+$0x840] =	vst v0  }
0x125: {  	[tilespmem:s9+$0x850] =	vst v0  }
0x126: {  	[tilespmem:s9+$0x860] =	vst v0;
	s9 =	sshra.s32 s10, $0x2;
	s10 =	sadd.s32 $0x200, s10  }
0x127: {  	[tilespmem:s9+$0x870] =	vst v0  }
0x128: {  	[tilespmem:s9+$0x800] =	vst v0  }
0x129: {  	[tilespmem:s9+$0x810] =	vst v0  }
0x12a: {  	[tilespmem:s9+$0x820] =	vst v0  }
0x12b: {  	[tilespmem:s9+$0x830] =	vst v0  }
0x12c: {  	[tilespmem:s9+$0x840] =	vst v0  }
0x12d: {  	[tilespmem:s9+$0x850] =	vst v0  }
0x12e: {  	[tilespmem:s9+$0x860] =	vst v0  }
0x12f: {  	[spmem:s8] =	stream.linear.scatter [tilespmem:s17], [sflag:$0x1], $0x4000, $0x38;
	[tilespmem:$0x18800] =	vst v63  }
0x130: {  	_ =	swait.ge [sflag:s18], $0x4000  }
0x131: {  	[sflag:s18] =	ssyncset.done $0x0  }
0x132: {  	s12 =	rddreg [dreg:$0x5];
	[sflag:s18] =	ssyncadd.s32 $0xFFFFC000  }
0x133: {  	[spmem:s12] =	stream.linear.scatter [tilespmem:s17], [sflag:$0x1], $0x4000, $0x38;
	[tilespmem:$0x18800] =	vst v63  }
0x134: {  	_ =	swait.ge [sflag:s18], $0x4000  }
0x135: {  	[sflag:s18] =	ssyncset.done $0x0  }
0x136: {  	s13 =	rddreg [dreg:$0x6];
	[sflag:s18] =	ssyncadd.s32 $0xFFFFC000  }
0x137: {  	[spmem:s13] =	stream.linear.scatter [tilespmem:s17], [sflag:$0x1], $0x4000, $0x38;
	[tilespmem:$0x18800] =	vst v63  }
0x138: {  	_ =	swait.ge [sflag:s18], $0x4000  }
0x139: {  	[sflag:s18] =	ssyncset.done $0x0  }
0x13a: {  	s10 =	rddreg [dreg:$0x7];
	[sflag:s18] =	ssyncadd.s32 $0xFFFFC000  }
0x13b: {  	[spmem:s10] =	stream.linear.scatter [tilespmem:s17], [sflag:$0x1], $0x4000, $0x38;
	[tilespmem:$0x18800] =	vst v63  }
0x13c: {  	_ =	swait.ge [sflag:s18], $0x4000  }
0x13d: {  	[sflag:s18] =	ssyncset.done $0x0  }
0x13e: {  	s11 =	rddreg [dreg:$0x8];
	[sflag:s18] =	ssyncadd.s32 $0xFFFFC000  }
0x13f: {  	[spmem:s11] =	stream.linear.scatter [tilespmem:s17], [sflag:$0x1], $0x4000, $0x38;
	[tilespmem:$0x18800] =	vst v63  }
0x140: {  	_ =	swait.ge [sflag:s18], $0x4000  }
0x141: {  	[sflag:s18] =	ssyncset.done $0x0  }
0x142: {  	[sflag:s18] =	ssyncadd.s32 $0xFFFFC000  }
0x143: {  	s12 =	sadd.s32 $0x0, s16;
	[bflag:$0x0] =	sbarrier.arrive $0xFFFF  }
0x144: {  	[tilespmem:s3], [sflag:$0x1] =	stream.linear.gather [hbm4b:s12+s3], $0x400, $0x38;
	[tilespmem:$0x18800] =	vst v63  }
0x145: {  	_ =	swait.ge [sflag:s18], $0x400  }
0x146: {  	[sflag:s18] =	ssyncset.done $0x0  }
0x147: {  	s13 =	sadd.s32 $0x0, s15;
	[sflag:s18] =	ssyncadd.s32 $0xFFFFFC00  }
0x148: {  	[tilespmem:s19], [sflag:$0x1] =	stream.linear.gather [hbm4b:s13+s3], $0x400, $0x38;
	[tilespmem:$0x18800] =	vst v63  }
0x149: {  	_ =	swait.ge [sflag:s18], $0x400  }
0x14a: {  	[sflag:s18] =	ssyncset.done $0x0  }
0x14b: {  	[sflag:s18] =	ssyncadd.s32 $0xFFFFFC00  }
0x14c: {  	[tilespmem:s17], [sflag:$0x1] =	stream.indirect.gather [hbm4b:s4+s20], $0x80, s3, s20, $0xb8;
	[tilespmem:$0x18800] =	vst v63  }
0x14d: {  	_ =	swait.ge [sflag:s18], $0x4000  }
0x14e: {  	[sflag:s18] =	ssyncset.done $0x0  }
0x14f: {  	[sflag:s18] =	ssyncadd.s32 $0xFFFFC000  }
0x150: {  	[spmem:s2] =	stream.indirect.scatter.add.f32 [tilespmem:s17], [sflag:$0x1], $0x80, s19, s20, $0xb8;
	[tilespmem:$0x18800] =	vst v63  }
0x151: {  	_ =	swait.ge [sflag:s18], $0x4000  }
0x152: {  	[sflag:s18] =	ssyncset.done $0x0  }
0x153: {  	[sflag:s18] =	ssyncadd.s32 $0xFFFFC000  }
0x154: {  	[tilespmem:s17], [sflag:$0x1] =	stream.indirect.gather [hbm4b:s4+s20], $0x80, s20, s20, $0xb8;
	[tilespmem:$0x18800] =	vst v63  }
0x155: {  	_ =	swait.ge [sflag:s18], $0x4000  }
0x156: {  	[sflag:s18] =	ssyncset.done $0x0  }
0x157: {  	[sflag:s18] =	ssyncadd.s32 $0xFFFFC000  }
0x158: {  	[spmem:s2] =	stream.indirect.scatter.add.f32 [tilespmem:s17], [sflag:$0x1], $0x80, s21, s20, $0xb8;
	[tilespmem:$0x18800] =	vst v63  }
0x159: {  	_ =	swait.ge [sflag:s18], $0x4000  }
0x15a: {  	[sflag:s18] =	ssyncset.done $0x0  }
0x15b: {  	[sflag:s18] =	ssyncadd.s32 $0xFFFFC000  }
0x15c: {  	[tilespmem:s17], [sflag:$0x1] =	stream.indirect.gather [hbm4b:s4+s20], $0x80, s22, s20, $0xb8;
	[tilespmem:$0x18800] =	vst v63  }
0x15d: {  	_ =	swait.ge [sflag:s18], $0x4000  }
0x15e: {  	[sflag:s18] =	ssyncset.done $0x0  }
0x15f: {  	[sflag:s18] =	ssyncadd.s32 $0xFFFFC000  }
0x160: {  	[spmem:s2] =	stream.indirect.scatter.add.f32 [tilespmem:s17], [sflag:$0x1], $0x80, s23, s20, $0xb8;
	[tilespmem:$0x18800] =	vst v63  }
0x161: {  	_ =	swait.ge [sflag:s18], $0x4000  }
0x162: {  	[sflag:s18] =	ssyncset.done $0x0  }
0x163: {  	[sflag:s18] =	ssyncadd.s32 $0xFFFFC000  }
0x164: {  	[tilespmem:s17], [sflag:$0x1] =	stream.indirect.gather [hbm4b:s4+s20], $0x80, s24, s20, $0xb8;
	[tilespmem:$0x18800] =	vst v63  }
0x165: {  	_ =	swait.ge [sflag:s18], $0x4000  }
0x166: {  	[sflag:s18] =	ssyncset.done $0x0  }
0x167: {  	[sflag:s18] =	ssyncadd.s32 $0xFFFFC000  }
0x168: {  	[spmem:s2] =	stream.indirect.scatter.add.f32 [tilespmem:s17], [sflag:$0x1], $0x80, s25, s20, $0xb8;
	[tilespmem:$0x18800] =	vst v63  }
0x169: {  	_ =	swait.ge [sflag:s18], $0x4000  }
0x16a: {  	[sflag:s18] =	ssyncset.done $0x0  }
0x16b: {  	[sflag:s18] =	ssyncadd.s32 $0xFFFFC000  }
0x16c: {  	[tilespmem:s17], [sflag:$0x1] =	stream.indirect.gather [hbm4b:s4+s20], $0x80, s26, s20, $0xb8;
	[tilespmem:$0x18800] =	vst v63  }
0x16d: {  	_ =	swait.ge [sflag:s18], $0x4000  }
0x16e: {  	[sflag:s18] =	ssyncset.done $0x0  }
0x16f: {  	[sflag:s18] =	ssyncadd.s32 $0xFFFFC000  }
0x170: {  	[spmem:s2] =	stream.indirect.scatter.add.f32 [tilespmem:s17], [sflag:$0x1], $0x80, s28, s20, $0xb8;
	[tilespmem:$0x18800] =	vst v63  }
0x171: {  	_ =	swait.ge [sflag:s18], $0x4000  }
0x172: {  	[sflag:s18] =	ssyncset.done $0x0  }
0x173: {  	[sflag:s18] =	ssyncadd.s32 $0xFFFFC000  }
0x174: {  	[tilespmem:s17], [sflag:$0x1] =	stream.indirect.gather [hbm4b:s4+s20], $0x80, s29, s20, $0xb8;
	[tilespmem:$0x18800] =	vst v63  }
0x175: {  	_ =	swait.ge [sflag:s18], $0x4000  }
0x176: {  	[sflag:s18] =	ssyncset.done $0x0  }
0x177: {  	[sflag:s18] =	ssyncadd.s32 $0xFFFFC000  }
0x178: {  	[spmem:s2] =	stream.indirect.scatter.add.f32 [tilespmem:s17], [sflag:$0x1], $0x80, s30, s20, $0xb8;
	[tilespmem:$0x18800] =	vst v63  }
0x179: {  	_ =	swait.ge [sflag:s18], $0x4000  }
0x17a: {  	[sflag:s18] =	ssyncset.done $0x0  }
0x17b: {  	[sflag:s18] =	ssyncadd.s32 $0xFFFFC000  }
0x17c: {  	[tilespmem:s17], [sflag:$0x1] =	stream.indirect.gather [hbm4b:s4+s20], $0x80, s31, s20, $0xb8;
	[tilespmem:$0x18800] =	vst v63  }
0x17d: {  	_ =	swait.ge [sflag:s18], $0x4000  }
0x17e: {  	[sflag:s18] =	ssyncset.done $0x0  }
0x17f: {  	[sflag:s18] =	ssyncadd.s32 $0xFFFFC000  }
0x180: {  	[spmem:s2] =	stream.indirect.scatter.add.f32 [tilespmem:s17], [sflag:$0x1], $0x80, s0, s20, $0xb8;
	[tilespmem:$0x18800] =	vst v63  }
0x181: {  	_ =	swait.ge [sflag:s18], $0x4000  }
0x182: {  	[sflag:s18] =	ssyncset.done $0x0  }
0x183: {  	[sflag:s18] =	ssyncadd.s32 $0xFFFFC000  }
0x184: {  	[tilespmem:s17], [sflag:$0x1] =	stream.indirect.gather [hbm4b:s4+s20], $0x80, s6, s20, $0xb8;
	[tilespmem:$0x18800] =	vst v63  }
0x185: {  	_ =	swait.ge [sflag:s18], $0x4000  }
0x186: {  	[sflag:s18] =	ssyncset.done $0x0  }
0x187: {  	[sflag:s18] =	ssyncadd.s32 $0xFFFFC000  }
0x188: {  	[spmem:s2] =	stream.indirect.scatter.add.f32 [tilespmem:s17], [sflag:$0x1], $0x80, s7, s20, $0xb8;
	[tilespmem:$0x18800] =	vst v63  }
0x189: {  	_ =	swait.ge [sflag:s18], $0x4000  }
0x18a: {  	s9 =	simm.s32 $0x80;
	s10 =	simm.s32 $0x100;
	[sflag:s18] =	ssyncset.done $0x0  }
.LBB2_4:
0x18b: {  	s12 =	sadd.s32 s9, s16  }
0x18c: {  	[sflag:s18] =	ssyncadd.s32 $0xFFFFC000;
	s13 =	smov.u32 s10;
	s11 =	sadd.s32 $0x80, s10  }
0x18d: {  	[tilespmem:s3], [sflag:$0x1] =	stream.linear.gather [hbm4b:s12+s3], $0x400, $0x38;
	[tilespmem:$0x18800] =	vst v63  }
0x18e: {  	p1 =	seq.s32 s10, $0x980;
	_ =	swait.ge [sflag:s18], $0x400  }
0x18f: {  	[sflag:s18] =	ssyncset.done $0x0  }
0x190: {  	s10 =	sadd.s32 s9, s15;
	s9 =	smov.u32 s13;
	[sflag:s18] =	ssyncadd.s32 $0xFFFFFC00  }
0x191: {  	[tilespmem:s19], [sflag:$0x1] =	stream.linear.gather [hbm4b:s10+s3], $0x400, $0x38;
	[tilespmem:$0x18800] =	vst v63  }
0x192: {  	_ =	swait.ge [sflag:s18], $0x400  }
0x193: {  	[sflag:s18] =	ssyncset.done $0x0  }
0x194: {  	[sflag:s18] =	ssyncadd.s32 $0xFFFFFC00  }
0x195: {  	[tilespmem:s17], [sflag:$0x1] =	stream.indirect.gather [hbm4b:s4+s20], $0x80, s3, s20, $0xb8;
	[tilespmem:$0x18800] =	vst v63  }
0x196: {  	_ =	swait.ge [sflag:s18], $0x4000  }
0x197: {  	[sflag:s18] =	ssyncset.done $0x0  }
0x198: {  	[sflag:s18] =	ssyncadd.s32 $0xFFFFC000  }
0x199: {  	[spmem:s2] =	stream.indirect.scatter.add.f32 [tilespmem:s17], [sflag:$0x1], $0x80, s19, s20, $0xb8;
	[tilespmem:$0x18800] =	vst v63  }
0x19a: {  	_ =	swait.ge [sflag:s18], $0x4000  }
0x19b: {  	[sflag:s18] =	ssyncset.done $0x0  }
0x19c: {  	[sflag:s18] =	ssyncadd.s32 $0xFFFFC000  }
0x19d: {  	[tilespmem:s17], [sflag:$0x1] =	stream.indirect.gather [hbm4b:s4+s20], $0x80, s20, s20, $0xb8;
	[tilespmem:$0x18800] =	vst v63  }
0x19e: {  	_ =	swait.ge [sflag:s18], $0x4000  }
0x19f: {  	[sflag:s18] =	ssyncset.done $0x0  }
0x1a0: {  	[sflag:s18] =	ssyncadd.s32 $0xFFFFC000  }
0x1a1: {  	[spmem:s2] =	stream.indirect.scatter.add.f32 [tilespmem:s17], [sflag:$0x1], $0x80, s21, s20, $0xb8;
	[tilespmem:$0x18800] =	vst v63  }
0x1a2: {  	_ =	swait.ge [sflag:s18], $0x4000  }
0x1a3: {  	[sflag:s18] =	ssyncset.done $0x0  }
0x1a4: {  	[sflag:s18] =	ssyncadd.s32 $0xFFFFC000  }
0x1a5: {  	[tilespmem:s17], [sflag:$0x1] =	stream.indirect.gather [hbm4b:s4+s20], $0x80, s22, s20, $0xb8;
	[tilespmem:$0x18800] =	vst v63  }
0x1a6: {  	_ =	swait.ge [sflag:s18], $0x4000  }
0x1a7: {  	[sflag:s18] =	ssyncset.done $0x0  }
0x1a8: {  	[sflag:s18] =	ssyncadd.s32 $0xFFFFC000  }
0x1a9: {  	[spmem:s2] =	stream.indirect.scatter.add.f32 [tilespmem:s17], [sflag:$0x1], $0x80, s23, s20, $0xb8;
	[tilespmem:$0x18800] =	vst v63  }
0x1aa: {  	_ =	swait.ge [sflag:s18], $0x4000  }
0x1ab: {  	[sflag:s18] =	ssyncset.done $0x0  }
0x1ac: {  	[sflag:s18] =	ssyncadd.s32 $0xFFFFC000  }
0x1ad: {  	[tilespmem:s17], [sflag:$0x1] =	stream.indirect.gather [hbm4b:s4+s20], $0x80, s24, s20, $0xb8;
	[tilespmem:$0x18800] =	vst v63  }
0x1ae: {  	_ =	swait.ge [sflag:s18], $0x4000  }
0x1af: {  	[sflag:s18] =	ssyncset.done $0x0  }
0x1b0: {  	[sflag:s18] =	ssyncadd.s32 $0xFFFFC000  }
0x1b1: {  	[spmem:s2] =	stream.indirect.scatter.add.f32 [tilespmem:s17], [sflag:$0x1], $0x80, s25, s20, $0xb8;
	[tilespmem:$0x18800] =	vst v63  }
0x1b2: {  	_ =	swait.ge [sflag:s18], $0x4000  }
0x1b3: {  	[sflag:s18] =	ssyncset.done $0x0  }
0x1b4: {  	[sflag:s18] =	ssyncadd.s32 $0xFFFFC000  }
0x1b5: {  	[tilespmem:s17], [sflag:$0x1] =	stream.indirect.gather [hbm4b:s4+s20], $0x80, s26, s20, $0xb8;
	[tilespmem:$0x18800] =	vst v63  }
0x1b6: {  	_ =	swait.ge [sflag:s18], $0x4000  }
0x1b7: {  	[sflag:s18] =	ssyncset.done $0x0  }
0x1b8: {  	[sflag:s18] =	ssyncadd.s32 $0xFFFFC000  }
0x1b9: {  	[spmem:s2] =	stream.indirect.scatter.add.f32 [tilespmem:s17], [sflag:$0x1], $0x80, s28, s20, $0xb8;
	[tilespmem:$0x18800] =	vst v63  }
0x1ba: {  	_ =	swait.ge [sflag:s18], $0x4000  }
0x1bb: {  	[sflag:s18] =	ssyncset.done $0x0  }
0x1bc: {  	[sflag:s18] =	ssyncadd.s32 $0xFFFFC000  }
0x1bd: {  	[tilespmem:s17], [sflag:$0x1] =	stream.indirect.gather [hbm4b:s4+s20], $0x80, s29, s20, $0xb8;
	[tilespmem:$0x18800] =	vst v63  }
0x1be: {  	_ =	swait.ge [sflag:s18], $0x4000  }
0x1bf: {  	[sflag:s18] =	ssyncset.done $0x0  }
0x1c0: {  	[sflag:s18] =	ssyncadd.s32 $0xFFFFC000  }
0x1c1: {  	[spmem:s2] =	stream.indirect.scatter.add.f32 [tilespmem:s17], [sflag:$0x1], $0x80, s30, s20, $0xb8;
	[tilespmem:$0x18800] =	vst v63  }
0x1c2: {  	_ =	swait.ge [sflag:s18], $0x4000  }
0x1c3: {  	[sflag:s18] =	ssyncset.done $0x0  }
0x1c4: {  	[sflag:s18] =	ssyncadd.s32 $0xFFFFC000  }
0x1c5: {  	[tilespmem:s17], [sflag:$0x1] =	stream.indirect.gather [hbm4b:s4+s20], $0x80, s31, s20, $0xb8;
	[tilespmem:$0x18800] =	vst v63  }
0x1c6: {  	_ =	swait.ge [sflag:s18], $0x4000  }
0x1c7: {  	[sflag:s18] =	ssyncset.done $0x0  }
0x1c8: {  	[sflag:s18] =	ssyncadd.s32 $0xFFFFC000  }
0x1c9: {  	[spmem:s2] =	stream.indirect.scatter.add.f32 [tilespmem:s17], [sflag:$0x1], $0x80, s0, s20, $0xb8;
	[tilespmem:$0x18800] =	vst v63  }
0x1ca: {  	_ =	swait.ge [sflag:s18], $0x4000  }
0x1cb: {  	[sflag:s18] =	ssyncset.done $0x0  }
0x1cc: {  	[sflag:s18] =	ssyncadd.s32 $0xFFFFC000  }
0x1cd: {  	[tilespmem:s17], [sflag:$0x1] =	stream.indirect.gather [hbm4b:s4+s20], $0x80, s6, s20, $0xb8;
	[tilespmem:$0x18800] =	vst v63  }
0x1ce: {  	_ =	swait.ge [sflag:s18], $0x4000  }
.Ltmp7:
0x1cf: {  	[sflag:s18] =	ssyncset.done $0x0;
	(pc) =	sbr.rel @!p1 .LBB2_4-.Ltmp7, $4  }
0x1d0: {  	[sflag:s18] =	ssyncadd.s32 $0xFFFFC000  }
0x1d1: {  	[spmem:s2] =	stream.indirect.scatter.add.f32 [tilespmem:s17], [sflag:$0x1], $0x80, s7, s20, $0xb8;
	[tilespmem:$0x18800] =	vst v63  }
0x1d2: {  	_ =	swait.ge [sflag:s18], $0x4000  }
0x1d3: {  	s10 =	smov.u32 s11;
	[sflag:s18] =	ssyncset.done $0x0  }
0x1d4: {  	s10 =	sadd.s32 s9, s16;
	[sflag:s18] =	ssyncadd.s32 $0xFFFFC000  }
0x1d5: {  	[tilespmem:s3], [sflag:$0x1] =	stream.linear.gather [hbm4b:s10+s3], $0x400, $0x38;
	[tilespmem:$0x18800] =	vst v63  }
0x1d6: {  	_ =	swait.ge [sflag:s18], $0x400  }
0x1d7: {  	[sflag:s18] =	ssyncset.done $0x0  }
0x1d8: {  	s13 =	sadd.s32 s9, s15;
	[sflag:s18] =	ssyncadd.s32 $0xFFFFFC00  }
0x1d9: {  	[tilespmem:s19], [sflag:$0x1] =	stream.linear.gather [hbm4b:s13+s3], $0x400, $0x38;
	[tilespmem:$0x18800] =	vst v63  }
0x1da: {  	_ =	swait.ge [sflag:s18], $0x400  }
0x1db: {  	[sflag:s18] =	ssyncset.done $0x0  }
0x1dc: {  	[sflag:s18] =	ssyncadd.s32 $0xFFFFFC00  }
0x1dd: {  	[tilespmem:s17], [sflag:$0x1] =	stream.indirect.gather [hbm4b:s4+s20], $0x80, s3, s20, $0xb8;
	[tilespmem:$0x18800] =	vst v63  }
0x1de: {  	_ =	swait.ge [sflag:s18], $0x4000  }
0x1df: {  	[sflag:s18] =	ssyncset.done $0x0  }
0x1e0: {  	[sflag:s18] =	ssyncadd.s32 $0xFFFFC000  }
0x1e1: {  	[spmem:s2] =	stream.indirect.scatter.add.f32 [tilespmem:s17], [sflag:$0x1], $0x80, s19, s20, $0xb8;
	[tilespmem:$0x18800] =	vst v63  }
0x1e2: {  	_ =	swait.ge [sflag:s18], $0x4000  }
0x1e3: {  	[sflag:s18] =	ssyncset.done $0x0  }
0x1e4: {  	[sflag:s18] =	ssyncadd.s32 $0xFFFFC000  }
0x1e5: {  	[tilespmem:s17], [sflag:$0x1] =	stream.indirect.gather [hbm4b:s4+s20], $0x80, s20, s20, $0xb8;
	[tilespmem:$0x18800] =	vst v63  }
0x1e6: {  	_ =	swait.ge [sflag:s18], $0x4000  }
0x1e7: {  	[sflag:s18] =	ssyncset.done $0x0  }
0x1e8: {  	[sflag:s18] =	ssyncadd.s32 $0xFFFFC000  }
0x1e9: {  	[spmem:s2] =	stream.indirect.scatter.add.f32 [tilespmem:s17], [sflag:$0x1], $0x80, s21, s20, $0xb8;
	[tilespmem:$0x18800] =	vst v63  }
0x1ea: {  	_ =	swait.ge [sflag:s18], $0x4000  }
0x1eb: {  	[sflag:s18] =	ssyncset.done $0x0  }
0x1ec: {  	[sflag:s18] =	ssyncadd.s32 $0xFFFFC000  }
0x1ed: {  	[tilespmem:s17], [sflag:$0x1] =	stream.indirect.gather [hbm4b:s4+s20], $0x80, s22, s20, $0xb8;
	[tilespmem:$0x18800] =	vst v63  }
0x1ee: {  	_ =	swait.ge [sflag:s18], $0x4000  }
0x1ef: {  	[sflag:s18] =	ssyncset.done $0x0  }
0x1f0: {  	[sflag:s18] =	ssyncadd.s32 $0xFFFFC000  }
0x1f1: {  	[spmem:s2] =	stream.indirect.scatter.add.f32 [tilespmem:s17], [sflag:$0x1], $0x80, s23, s20, $0xb8;
	[tilespmem:$0x18800] =	vst v63  }
0x1f2: {  	_ =	swait.ge [sflag:s18], $0x4000  }
0x1f3: {  	[sflag:s18] =	ssyncset.done $0x0  }
0x1f4: {  	[sflag:s18] =	ssyncadd.s32 $0xFFFFC000  }
0x1f5: {  	[tilespmem:s17], [sflag:$0x1] =	stream.indirect.gather [hbm4b:s4+s20], $0x80, s24, s20, $0xb8;
	[tilespmem:$0x18800] =	vst v63  }
0x1f6: {  	_ =	swait.ge [sflag:s18], $0x4000  }
0x1f7: {  	[sflag:s18] =	ssyncset.done $0x0  }
0x1f8: {  	[sflag:s18] =	ssyncadd.s32 $0xFFFFC000  }
0x1f9: {  	[spmem:s2] =	stream.indirect.scatter.add.f32 [tilespmem:s17], [sflag:$0x1], $0x80, s25, s20, $0xb8;
	[tilespmem:$0x18800] =	vst v63  }
0x1fa: {  	_ =	swait.ge [sflag:s18], $0x4000  }
0x1fb: {  	[sflag:s18] =	ssyncset.done $0x0  }
0x1fc: {  	[sflag:s18] =	ssyncadd.s32 $0xFFFFC000  }
0x1fd: {  	[tilespmem:s17], [sflag:$0x1] =	stream.indirect.gather [hbm4b:s4+s20], $0x80, s26, s20, $0xb8;
	[tilespmem:$0x18800] =	vst v63  }
0x1fe: {  	_ =	swait.ge [sflag:s18], $0x4000  }
0x1ff: {  	[sflag:s18] =	ssyncset.done $0x0  }
0x200: {  	[sflag:s18] =	ssyncadd.s32 $0xFFFFC000  }
0x201: {  	[spmem:s2] =	stream.indirect.scatter.add.f32 [tilespmem:s17], [sflag:$0x1], $0x80, s28, s20, $0xb8;
	[tilespmem:$0x18800] =	vst v63  }
0x202: {  	_ =	swait.ge [sflag:s18], $0x4000  }
0x203: {  	[sflag:s18] =	ssyncset.done $0x0  }
0x204: {  	[sflag:s18] =	ssyncadd.s32 $0xFFFFC000  }
0x205: {  	[tilespmem:s17], [sflag:$0x1] =	stream.indirect.gather [hbm4b:s4+s20], $0x80, s29, s20, $0xb8;
	[tilespmem:$0x18800] =	vst v63  }
0x206: {  	_ =	swait.ge [sflag:s18], $0x4000  }
0x207: {  	[sflag:s18] =	ssyncset.done $0x0  }
0x208: {  	[sflag:s18] =	ssyncadd.s32 $0xFFFFC000  }
0x209: {  	[spmem:s2] =	stream.indirect.scatter.add.f32 [tilespmem:s17], [sflag:$0x1], $0x80, s30, s20, $0xb8;
	[tilespmem:$0x18800] =	vst v63  }
0x20a: {  	_ =	swait.ge [sflag:s18], $0x4000  }
0x20b: {  	[sflag:s18] =	ssyncset.done $0x0  }
0x20c: {  	[sflag:s18] =	ssyncadd.s32 $0xFFFFC000  }
0x20d: {  	[tilespmem:s17], [sflag:$0x1] =	stream.indirect.gather [hbm4b:s4+s20], $0x80, s31, s20, $0xb8;
	[tilespmem:$0x18800] =	vst v63  }
0x20e: {  	_ =	swait.ge [sflag:s18], $0x4000  }
0x20f: {  	[sflag:s18] =	ssyncset.done $0x0  }
0x210: {  	[sflag:s18] =	ssyncadd.s32 $0xFFFFC000  }
0x211: {  	[spmem:s2] =	stream.indirect.scatter.add.f32 [tilespmem:s17], [sflag:$0x1], $0x80, s0, s20, $0xb8;
	[tilespmem:$0x18800] =	vst v63  }
0x212: {  	_ =	swait.ge [sflag:s18], $0x4000  }
0x213: {  	[sflag:s18] =	ssyncset.done $0x0  }
0x214: {  	[sflag:s18] =	ssyncadd.s32 $0xFFFFC000  }
0x215: {  	[tilespmem:s17], [sflag:$0x1] =	stream.indirect.gather [hbm4b:s4+s20], $0x80, s6, s20, $0xb8;
	[tilespmem:$0x18800] =	vst v63  }
0x216: {  	_ =	swait.ge [sflag:s18], $0x4000  }
0x217: {  	[sflag:s18] =	ssyncset.done $0x0  }
.Ltmp8:
0x218: {  	[sflag:s18] =	ssyncadd.s32 $0xFFFFC000;
	(pc) =	sbr.rel .LBB2_10-.Ltmp8, $4  }
0x219: {  	[spmem:s2] =	stream.indirect.scatter.add.f32 [tilespmem:s17], [sflag:$0x1], $0x80, s7, s20, $0xb8;
	[tilespmem:$0x18800] =	vst v63  }
0x21a: {  	_ =	swait.ge [sflag:s18], $0x4000  }
0x21b: {  	[sflag:s18] =	ssyncset.done $0x0  }
0x21c: {  	s9 =	rddreg [dreg:$0x3];
	[sflag:s18] =	ssyncadd.s32 $0xFFFFC000  }
.LBB2_11:
0x21d: {  	_ =	sfence.sel $0x180000  }
0x21e: {  	[bflag:$0x0] =	sbarrier.arrive $0xFFFF  }
0x21f: {  	_ =	strace $0x9000004A  }
0x220: {  	s0 =	stileid.u32;
	[bflag:$0x2] =	sbarrier.arrive $0xFFFF  }
0x221: {  	p0 =	sne.s32 s0, $0x0;
	s0 =	rddreg [dreg:$0x2]  }
0x222: {  	s0 =	sadd.s32 @!p0 $0x100000, s0  }
0x223: {  	[sflag:s0] =	ssyncadd.tile.s32 @!p0 $0x1;
	_ =	shalt  }
.Lfunc_end2:
_tile_overlayer_lowered:
.L_overlay_start_2:
0x224: {  	(tag) =	ssettag $0x2  }
0x225: {  	s0 =	rddreg [dreg:$0x0];
	s2 =	stileid.u32  }
0x226: {  	s1 =	rddreg [dreg:$0x1];
	p0 =	sne.s32 s2, $0x0  }
0x227: {  	s3 =	rddreg [dreg:$0x2];
	[bflag:$0x3] =	sbarrier.arrive $0xFFFF;
	s2 =	simm.s32 @!p0 $0x1C01  }
0x228: {  	[timem:s3], [sflag:s2] =	dma.local @!p0 [hbm:s0], s1  }
0x229: {  	s0 =	simm.s32 @!p0 $0x1  }
0x22a: {  	_ =	swait.ge @!p0 [sflag:s0], s1  }
0x22b: {  	s1 =	ssub.s32 @!p0 $0x0, s1;
	[sflag:s0] =	ssyncset.done @!p0 $0x0  }
0x22c: {  	[sflag:s0] =	ssyncadd.s32 @!p0 s1  }
0x22d: {  	[bflag:$0x3] =	sbarrier.arrive $0xFFFF  }
0x22e: {  	_ =	shalt  }

// kernel: kernel.18.cloned.1.call-start
scs
__scs_entry_jumppad:
0x0: {  	(pc) =	sbr.rel $0x88, $3  }
0x1: {  	(tag) =	ssettag $0x0;
	lr =	simm.s32 $0x1  }
0x2: {  	[smem:$0x3F88] =	sst lr;
	_ =	strace $0xD0000000  }
0x3: {  	_ = 	snop  }
0x4: {  	_ = 	snop  }
0x5: {  	_ = 	snop  }
0x6: {  	_ = 	snop  }
0x7: {  	_ = 	snop  }
__scs_overlays_trampoline_lowered:
0x8: {  	[smem:$0x3F97] =	sst s0  }
0x9: {  	[smem:$0x3F98] =	sst s1  }
0xa: {  	[smem:$0x3F99] =	sst s2  }
0xb: {  	[smem:$0x3F9A] =	sst s3  }
0xc: {  	[smem:$0x3F9B] =	sst s4  }
0xd: {  	[smem:$0x3F9C] =	sst s5  }
0xe: {  	[smem:$0x3F9D] =	sst s6  }
0xf: {  	[smem:$0x3F9E] =	sst s7  }
0x10: {  	[smem:$0x3F9F] =	sst s8  }
0x11: {  	[smem:$0x3FA0] =	sst s9;
	s0 =	simm.s32 @!p0 $0x0  }
0x12: {  	s1 =	sld [smem:$0x3F86];
	s0 =	simm.s32 @p0 $0x1  }
0x13: {  	[smem:$0x3FA1] =	sst s0;
	s0 =	simm.s32 @!p1 $0x0  }
0x14: {  	s2 =	sld [smem:$0x3F85];
	s0 =	simm.s32 @p1 $0x1  }
0x15: {  	[smem:$0x3FA2] =	sst s0;
	s0 =	simm.s32 @!p2 $0x0  }
0x16: {  	s3 =	sld [smem:$0x3FDB];
	s0 =	simm.s32 @p2 $0x1  }
0x17: {  	s4 =	simm.s32 $0x1BF5;
	[smem:$0x3FA4] =	sst s0  }
0x18: {  	s0 =	sld [smem:$0x3F87];
	_ =	swait.ge [sflag:s4], $0x0  }
0x19: {  	s7 =	sld [smem:$0x3F88]  }
0x1a: {  	s8 =	sadd.s32 $0xFFFFE003, lr  }
0x1b: {  	s9 =	sadd.s32 $0xFFFFFEF7, lr;
	s5 =	simm.s32 $0xFFFFFFFF;
	p2 =	slt.u32 s8, $0xFFFFF086  }
0x1c: {  	p1 =	slt.u32 s9, $0xF7A;
	s5 =	simm.s32 @!p2 $0x0  }
0x1d: {  	s5 =	simm.s32 @p1 $0x1;
	p0 =	seq.s32 s7, s2  }
0x1e: {  	s7 =	smul.u32 @!p0 $0xF7A, s2;
	p2 =	seq.s32 @!p0 s5, $0x0  }
0x1f: {  	s9 =	smul.u32 $0xF7A, s1;
	s8 =	simm.s32 @!p0 $0x1BF5;
	p2 =	por !p2, p0  }
0x20: {  	[sflag:s8] =	ssyncset.s32 @!p0 $0xFFFFF086;
	s6 =	sadd.s32 @!p0 s3, s7;
	s7 =	simm.s32 @!p0 $0x108  }
0x21: {  	s3 =	sadd.s32 s3, s9;
	s6 =	sadd.s32 @!p0 $0x88, s6;
	s7 =	simm.s32 @p2 $0x1082  }
0x22: {  	[simem:s7], [sflag:s8] =	dma.local @!p0 [hbm:s6], $0xF7A  }
0x23: {  	s9 =	sor.u32 $0xD0000000, s2;
	s6 =	simm.s32 $0x108;
	_ =	swait.ge @!p0 [sflag:s8], $0x0  }
0x24: {  	s3 =	sadd.s32 $0x88, s3;
	s6 =	simm.s32 @!p1 $0x1082;
	[sflag:s4] =	ssyncset.s32 $0xFFFFF086  }
0x25: {  	[simem:s6], [sflag:s4] =	dma.local [hbm:s3], $0xF7A  }
0x26: {  	[smem:$0x3F88] =	sst s1;
	(tag) =	ssettag s2;
	_ =	strace s9  }
0x27: {  	s1 =	sld [smem:$0x3F98]  }
0x28: {  	s2 =	sld [smem:$0x3F99]  }
0x29: {  	s4 =	sld [smem:$0x3F9B]  }
0x2a: {  	p0 =	seq.s32 s5, $0x0;
	s5 =	sld [smem:$0x3F9C]  }
0x2b: {  	s6 =	sld [smem:$0x3F9D]  }
0x2c: {  	s7 =	sld [smem:$0x3F9E]  }
0x2d: {  	s3 =	simm.s32 $0x108;
	s8 =	sld [smem:$0x3F9F]  }
0x2e: {  	s3 =	simm.s32 @!p0 $0x1082;
	s9 =	sld [smem:$0x3FA0]  }
0x2f: {  	lr =	sadd.s32 s0, s3;
	s0 =	sld [smem:$0x3F97]  }
0x30: {  	s3 =	sld [smem:$0x3F9A]  }
0x31: {  	[smem:$0x3FA3] =	sst s10  }
0x32: {  	s10 =	sld [smem:$0x3FA1];
	_ =	sdelay $0x3  }
0x33: {  	p0 =	seq.s32 s10, $0x1;
	s10 =	sld [smem:$0x3FA3];
	_ =	sdelay $0x3  }
0x34: {  	[smem:$0x3FA3] =	sst s10  }
0x35: {  	s10 =	sld [smem:$0x3FA2];
	_ =	sdelay $0x3  }
0x36: {  	p1 =	seq.s32 s10, $0x1;
	s10 =	sld [smem:$0x3FA3];
	_ =	sdelay $0x3  }
0x37: {  	[smem:$0x3FA3] =	sst s10  }
0x38: {  	s10 =	sld [smem:$0x3FA4]  }
0x39: {  	_ = 	snop;
	(pc) =	sbr.ind lr, $3  }
0x3a: {  	_ = 	snop  }
0x3b: {  	_ = 	snop  }
0x3c: {  	p2 =	seq.s32 s10, $0x1;
	s10 =	sld [smem:$0x3FA3]  }
0x3d: {  	_ =	shalt  }
0x3e: {  	_ =	shalt  }
0x3f: {  	_ =	shalt  }
0x40: {  	_ =	shalt  }
0x41: {  	_ =	shalt  }
0x42: {  	_ =	shalt  }
0x43: {  	_ =	shalt  }
0x44: {  	_ =	shalt  }
0x45: {  	_ =	shalt  }
0x46: {  	_ =	shalt  }
0x47: {  	_ =	shalt  }
0x48: {  	_ =	shalt  }
0x49: {  	_ =	shalt  }
0x4a: {  	_ =	shalt  }
0x4b: {  	_ =	shalt  }
0x4c: {  	_ =	shalt  }
0x4d: {  	_ =	shalt  }
0x4e: {  	_ =	shalt  }
0x4f: {  	_ =	shalt  }
0x50: {  	_ =	shalt  }
0x51: {  	_ =	shalt  }
0x52: {  	_ =	shalt  }
0x53: {  	_ =	shalt  }
0x54: {  	_ =	shalt  }
0x55: {  	_ =	shalt  }
0x56: {  	_ =	shalt  }
0x57: {  	_ =	shalt  }
0x58: {  	_ =	shalt  }
0x59: {  	_ =	shalt  }
0x5a: {  	_ =	shalt  }
0x5b: {  	_ =	shalt  }
0x5c: {  	_ =	shalt  }
0x5d: {  	_ =	shalt  }
0x5e: {  	_ =	shalt  }
0x5f: {  	_ =	shalt  }
0x60: {  	_ =	shalt  }
0x61: {  	_ =	shalt  }
0x62: {  	_ =	shalt  }
0x63: {  	_ =	shalt  }
0x64: {  	_ =	shalt  }
0x65: {  	_ =	shalt  }
0x66: {  	_ =	shalt  }
0x67: {  	_ =	shalt  }
0x68: {  	_ =	shalt  }
0x69: {  	_ =	shalt  }
0x6a: {  	_ =	shalt  }
0x6b: {  	_ =	shalt  }
0x6c: {  	_ =	shalt  }
0x6d: {  	_ =	shalt  }
0x6e: {  	_ =	shalt  }
0x6f: {  	_ =	shalt  }
0x70: {  	_ =	shalt  }
0x71: {  	_ =	shalt  }
0x72: {  	_ =	shalt  }
0x73: {  	_ =	shalt  }
0x74: {  	_ =	shalt  }
0x75: {  	_ =	shalt  }
0x76: {  	_ =	shalt  }
0x77: {  	_ =	shalt  }
0x78: {  	_ =	shalt  }
0x79: {  	_ =	shalt  }
0x7a: {  	_ =	shalt  }
0x7b: {  	_ =	shalt  }
0x7c: {  	_ =	shalt  }
0x7d: {  	_ =	shalt  }
0x7e: {  	_ =	shalt  }
0x7f: {  	_ =	shalt  }
0x80: {  	_ =	shalt  }
0x81: {  	_ =	shalt  }
0x82: {  	_ =	shalt  }
0x83: {  	_ =	shalt  }
0x84: {  	_ =	shalt  }
0x85: {  	_ =	shalt  }
0x86: {  	_ =	shalt  }
0x87: {  	_ =	shalt  }
.Lfunc_end0:
.L_simem_size_0:
called_computation.2_lowered:
.L_overlay_start_0:
0x88: {  	s2 =	sld [smem:$0x3FD9]  }
0x89: {  	s3 =	sld [smem:$0x3FFE];
	_ =	sdelay $0x1  }
0x8a: {  	s1 =	srdreg.scid  }
0x8b: {  	s0 =	sand.u32 $0x1, s1  }
0x8c: {  	s16 =	sshll.u32 s0, $0xA;
	s2 =	sadd.s32 s3, s2  }
0x8d: {  	s2 =	sadd.s32 s2, s16  }
0x8e: {  	[smem:$0x3FAF] =	sst s2  }
0x8f: {  	_ = 	snop  }
0x90: {  	(tm) =	ssettm $0x1  }
0x91: {  	s17 =	sld [smem:$0x3FFB];
	_ =	sdelay $0x3  }
0x92: {  	_ =	strace s17  }
0x93: {  	s2 =	sld [smem:$0x3FFC];
	_ =	sdelay $0x3  }
0x94: {  	_ =	strace s2  }
0x95: {  	s2 =	sld [smem:$0x3FFD];
	_ =	sdelay $0x3  }
0x96: {  	_ =	strace s2  }
0x97: {  	_ =	strace $0x8FFFFFFF  }
0x98: {  	s18 =	sld [smem:$0x3FDB];
	_ =	sdelay $0x1  }
0x99: {  	s19 =	simm.s32 $_scs_section_size  }
0x9a: {  	s4 =	simm.s32 $_size__tile_overlayer_lowered;
	s5 =	simm.s32 $_tile_overlayer_lowered  }
0x9b: {  	s22 =	simm.s32 $0x1BFF;
	s21 =	sshll.u32 s5, $0x1;
	s2 =	sadd.s32 s19, s18  }
0x9c: {  	s6 =	simm.s32 $0x0;
	s20 =	sshll.u32 s4, $0x1;
	s4 =	sadd.s32 s21, s2  }
0x9d: {  	[timem:s6], [sflag:s22] =	dma.local [hbm:s4], s20  }
0x9e: {  	_ =	swait.ge [sflag:s22], s20  }
0x9f: {  	s3 =	ssub.s32 $0x0, s20;
	[sflag:s22] =	ssyncset.done $0x0  }
0xa0: {  	[sflag:s22] =	ssyncadd.s32 s3;
	_ =	sdelay $0x1  }
0xa1: {  	s23 =	simm.s32 $0x1B8B  }
0xa2: {  	_ =	swait.ge [sflag:s23], $0x1  }
0xa3: {  	[sflag:s23] =	ssyncset.done $0x0  }
0xa4: {  	s25 =	simm.s32 $0x1B8E;
	s24 =	sld [smem:$0x3FFE];
	[sflag:s23] =	ssyncadd.s32 $0xFFFFFFFF  }
0xa5: {  	s26 =	simm.s32 $execute0_lowered;
	[smem:$0x3FD2] =	sst s25  }
0xa6: {  	s4 =	sshll.u32 s26, $0x1;
	_ =	strace $0x8000004C;
	[dreg:$0x1] =	wrdreg $0xFFFFFFFF  }
0xa7: {  	s28 =	simm.s32 $_size_execute0_lowered;
	s2 =	sadd.s32 s2, s4;
	[dreg:$0x0] =	wrdreg $0x0  }
0xa8: {  	s4 =	sshll.u32 s28, $0x1;
	[dreg:$0x2] =	wrdreg s2  }
0xa9: {  	[dreg:$0x3] =	wrdreg s4  }
0xaa: {  	[dreg:$0x4] =	wrdreg $0xC0  }
0xab: {  	_ =	task [dreg:s6], $0x5FFFF  }
0xac: {  	[dreg:$0x1] =	wrdreg $0xFFFFFFFF  }
0xad: {  	[dreg:$0x0] =	wrdreg $0x60  }
0xae: {  	[dreg:$0x2] =	wrdreg s24  }
0xaf: {  	[dreg:$0x3] =	wrdreg $0x48000  }
0xb0: {  	[dreg:$0x4] =	wrdreg $0x9  }
0xb1: {  	_ =	task.clear_ibuf [dreg:s6], $0x5FFFF;
	_ =	strace $0x9000004C  }
0xb2: {  	s29 =	simm.s32 $0x9;
	_ =	strace $0x8000004E  }
0xb3: {  	_ =	swait.ge [sflag:s29], $0x1  }
0xb4: {  	[sflag:s29] =	ssyncadd.s32 $0xFFFFFFFF  }
0xb5: {  	_ =	strace $0x9000004E  }
0xb6: {  	_ =	sfence  }
0xb7: {  	s30 =	sld [smem:$0x0];
	_ =	sdelay $0x2  }
0xb8: {  	s31 =	sshll.u32 s1, $0xD;
	s1 =	sshrl.u32 s1, $0x2  }
0xb9: {  	s3 =	sand.u32 $0x4000, s31;
	s1 =	sadd.s32 s1, s30  }
0xba: {  	s0 =	sor.u32 s3, s0;
	s1 =	sshll.u32 s1, $0x11  }
0xbb: {  	s0 =	sor.u32 s1, s0  }
0xbc: {  	s0 =	sadd.s32 $0x8F2B, s0  }
0xbd: {  	[sflag:s0] =	ssyncadd.remote.s32 $0x1  }
0xbe: {  	_ =	sfence.sel $0xFFFF  }
0xbf: {  	[dreg:$0x0] =	wrdreg $0xFFFFFFFF;
	(pc) =	sbr.abs _section_cstart, $3  }
0xc0: {  	[dreg:$0x1] =	wrdreg $0xFFFFFFFF  }
0xc1: {  	_ =	task.clear_ibuf [dreg:s6], $0x2FFFF;
	_ =	strace $0x9FFFFFFF  }
0xc2: {  	(tm) =	ssettm $0x7FFFFFFF  }
0xc3: {  	_ =	shalt  }
tec
execute0_lowered:
.L_overlay_start_1:
0x0: {  	(tag) =	ssettag $0x1  }
0x1: {  	s0 =	rddreg [dreg:$0x0]  }
0x2: {  	s2 =	rddreg [dreg:$0x1];
	s3 =	simm.s32 $0x0;
	s10 =	stileid.u32  }
0x3: {  	s5 =	srdreg.scid;
	s17 =	simm.s32 $0x800;
	s18 =	simm.s32 $0x1  }
0x4: {  	s19 =	simm.s32 $0x400;
	s28 =	simm.s32 $0x600;
	s29 =	simm.s32 $0x280  }
0x5: {  	s30 =	simm.s32 $0x680;
	s31 =	simm.s32 $0x300;
	[smem:$0x7FF] =	sst s3  }
0x6: {  	s1 =	smul.u32 $0xA00, s10;
	s4 =	sadd.s32 $0x1C600, s0;
	s6 =	sand.u32 $0x1, s5  }
0x7: {  	s7 =	smul.u32 $0x50000, s10;
	s5 =	sadd.s32 $0x43800, s0;
	s9 =	sadd.s32 $0x6AA00, s0  }
0x8: {  	s26 =	smul.u32 $0x2800, s10;
	_ =	strace $0x8000004D;
	s8 =	ssub.s32 $0x2, s6  }
0x9: {  	[dreg:$0x3] =	wrdreg s9;
	p0 =	seq.s32 s6, $0x1;
	s6 =	simm.s32 $0x380  }
0xa: {  	s1 =	sadd.s32 s1, s0;
	s20 =	sshrl.u32 s8, $0x1;
	s7 =	sshrl.u32 s7, $0x2  }
0xb: {  	s0 =	sadd.s32 $0x92A00, s0;
	[dreg:$0x9] =	wrdreg s26;
	s26 =	simm.s32 $0x200  }
0xc: {  	[dreg:$0x4] =	wrdreg s0;
	s21 =	ssub.s32 s8, s20;
	s8 =	sadd.s32 s7, s2  }
0xd: {  	s15 =	sadd.s32 $0x12600, s1;
	s16 =	sadd.s32 $0x8600, s1;
	s20 =	simm.s32 $0x80  }
0xe: {  	s0 =	simm.s32 $0x700;
	s7 =	simm.s32 $0x780;
	s22 =	sadd.s32 $0x4000, s8  }
.Ltmp0:
0xf: {  	s23 =	sadd.s32 $0x8000, s8;
	[dreg:$0x5] =	wrdreg s22;
	(pc) =	sbr.rel .LBB2_1-.Ltmp0, $4  }
0x10: {  	s1 =	simm.s32 $0x0;
	s24 =	sadd.s32 $0xC000, s8;
	[dreg:$0x6] =	wrdreg s23  }
0x11: {  	s25 =	sadd.s32 $0x10000, s8;
	s14 =	smax.u32 s21, $0x1;
	[dreg:$0x7] =	wrdreg s24  }
0x12: {  	s21 =	simm.s32 $0x480;
	[dreg:$0x8] =	wrdreg s25;
	s22 =	simm.s32 $0x100  }
0x13: {  	v0 =	vimm.f32 $0.0e+00;
	s23 =	simm.s32 $0x500;
	s24 =	simm.s32 $0x180;
	s25 =	simm.s32 $0x580  }
.LBB2_9:
0x14: {  	s10 =	sadd.s32 s9, s16;
	[sflag:s18] =	ssyncadd.s32 $0xFFFFC000  }
0x15: {  	[tilespmem:s3], [sflag:$0x1] =	stream.linear.gather [hbm4b:s10+s3], $0x400, $0x38;
	[tilespmem:$0x18800] =	vst v63  }
0x16: {  	_ =	swait.ge [sflag:s18], $0x400  }
0x17: {  	[sflag:s18] =	ssyncset.done $0x0  }
0x18: {  	s13 =	sadd.s32 s9, s15;
	[sflag:s18] =	ssyncadd.s32 $0xFFFFFC00  }
0x19: {  	[tilespmem:s19], [sflag:$0x1] =	stream.linear.gather [hbm4b:s13+s3], $0x400, $0x38;
	[tilespmem:$0x18800] =	vst v63  }
0x1a: {  	_ =	swait.ge [sflag:s18], $0x400  }
0x1b: {  	[sflag:s18] =	ssyncset.done $0x0  }
0x1c: {  	[sflag:s18] =	ssyncadd.s32 $0xFFFFFC00  }
0x1d: {  	[tilespmem:s17], [sflag:$0x1] =	stream.indirect.gather [hbm4b:s5+s20], $0x80, s3, s20, $0xb8;
	[tilespmem:$0x18800] =	vst v63  }
0x1e: {  	_ =	swait.ge [sflag:s18], $0x4000  }
0x1f: {  	[sflag:s18] =	ssyncset.done $0x0  }
0x20: {  	[sflag:s18] =	ssyncadd.s32 $0xFFFFC000  }
0x21: {  	[spmem:s2] =	stream.indirect.scatter.add.f32 [tilespmem:s17], [sflag:$0x1], $0x80, s19, s20, $0xb8;
	[tilespmem:$0x18800] =	vst v63  }
0x22: {  	_ =	swait.ge [sflag:s18], $0x4000  }
0x23: {  	[sflag:s18] =	ssyncset.done $0x0  }
0x24: {  	[sflag:s18] =	ssyncadd.s32 $0xFFFFC000  }
0x25: {  	[tilespmem:s17], [sflag:$0x1] =	stream.indirect.gather [hbm4b:s5+s20], $0x80, s20, s20, $0xb8;
	[tilespmem:$0x18800] =	vst v63  }
0x26: {  	_ =	swait.ge [sflag:s18], $0x4000  }
0x27: {  	[sflag:s18] =	ssyncset.done $0x0  }
0x28: {  	[sflag:s18] =	ssyncadd.s32 $0xFFFFC000  }
0x29: {  	[spmem:s2] =	stream.indirect.scatter.add.f32 [tilespmem:s17], [sflag:$0x1], $0x80, s21, s20, $0xb8;
	[tilespmem:$0x18800] =	vst v63  }
0x2a: {  	_ =	swait.ge [sflag:s18], $0x4000  }
0x2b: {  	[sflag:s18] =	ssyncset.done $0x0  }
0x2c: {  	[sflag:s18] =	ssyncadd.s32 $0xFFFFC000  }
0x2d: {  	[tilespmem:s17], [sflag:$0x1] =	stream.indirect.gather [hbm4b:s5+s20], $0x80, s22, s20, $0xb8;
	[tilespmem:$0x18800] =	vst v63  }
0x2e: {  	_ =	swait.ge [sflag:s18], $0x4000  }
0x2f: {  	[sflag:s18] =	ssyncset.done $0x0  }
0x30: {  	[sflag:s18] =	ssyncadd.s32 $0xFFFFC000  }
0x31: {  	[spmem:s2] =	stream.indirect.scatter.add.f32 [tilespmem:s17], [sflag:$0x1], $0x80, s23, s20, $0xb8;
	[tilespmem:$0x18800] =	vst v63  }
0x32: {  	_ =	swait.ge [sflag:s18], $0x4000  }
0x33: {  	[sflag:s18] =	ssyncset.done $0x0  }
0x34: {  	[sflag:s18] =	ssyncadd.s32 $0xFFFFC000  }
0x35: {  	[tilespmem:s17], [sflag:$0x1] =	stream.indirect.gather [hbm4b:s5+s20], $0x80, s24, s20, $0xb8;
	[tilespmem:$0x18800] =	vst v63  }
0x36: {  	_ =	swait.ge [sflag:s18], $0x4000  }
0x37: {  	[sflag:s18] =	ssyncset.done $0x0  }
0x38: {  	[sflag:s18] =	ssyncadd.s32 $0xFFFFC000  }
0x39: {  	[spmem:s2] =	stream.indirect.scatter.add.f32 [tilespmem:s17], [sflag:$0x1], $0x80, s25, s20, $0xb8;
	[tilespmem:$0x18800] =	vst v63  }
0x3a: {  	_ =	swait.ge [sflag:s18], $0x4000  }
0x3b: {  	[sflag:s18] =	ssyncset.done $0x0  }
0x3c: {  	[sflag:s18] =	ssyncadd.s32 $0xFFFFC000  }
0x3d: {  	[tilespmem:s17], [sflag:$0x1] =	stream.indirect.gather [hbm4b:s5+s20], $0x80, s26, s20, $0xb8;
	[tilespmem:$0x18800] =	vst v63  }
0x3e: {  	_ =	swait.ge [sflag:s18], $0x4000  }
0x3f: {  	[sflag:s18] =	ssyncset.done $0x0  }
0x40: {  	[sflag:s18] =	ssyncadd.s32 $0xFFFFC000  }
0x41: {  	[spmem:s2] =	stream.indirect.scatter.add.f32 [tilespmem:s17], [sflag:$0x1], $0x80, s28, s20, $0xb8;
	[tilespmem:$0x18800] =	vst v63  }
0x42: {  	_ =	swait.ge [sflag:s18], $0x4000  }
0x43: {  	[sflag:s18] =	ssyncset.done $0x0  }
0x44: {  	[sflag:s18] =	ssyncadd.s32 $0xFFFFC000  }
0x45: {  	[tilespmem:s17], [sflag:$0x1] =	stream.indirect.gather [hbm4b:s5+s20], $0x80, s29, s20, $0xb8;
	[tilespmem:$0x18800] =	vst v63  }
0x46: {  	_ =	swait.ge [sflag:s18], $0x4000  }
0x47: {  	[sflag:s18] =	ssyncset.done $0x0  }
0x48: {  	[sflag:s18] =	ssyncadd.s32 $0xFFFFC000  }
0x49: {  	[spmem:s2] =	stream.indirect.scatter.add.f32 [tilespmem:s17], [sflag:$0x1], $0x80, s30, s20, $0xb8;
	[tilespmem:$0x18800] =	vst v63  }
0x4a: {  	_ =	swait.ge [sflag:s18], $0x4000  }
0x4b: {  	[sflag:s18] =	ssyncset.done $0x0  }
0x4c: {  	[sflag:s18] =	ssyncadd.s32 $0xFFFFC000  }
0x4d: {  	[tilespmem:s17], [sflag:$0x1] =	stream.indirect.gather [hbm4b:s5+s20], $0x80, s31, s20, $0xb8;
	[tilespmem:$0x18800] =	vst v63  }
0x4e: {  	_ =	swait.ge [sflag:s18], $0x4000  }
0x4f: {  	[sflag:s18] =	ssyncset.done $0x0  }
0x50: {  	[sflag:s18] =	ssyncadd.s32 $0xFFFFC000  }
0x51: {  	[spmem:s2] =	stream.indirect.scatter.add.f32 [tilespmem:s17], [sflag:$0x1], $0x80, s0, s20, $0xb8;
	[tilespmem:$0x18800] =	vst v63  }
0x52: {  	_ =	swait.ge [sflag:s18], $0x4000  }
0x53: {  	[sflag:s18] =	ssyncset.done $0x0  }
0x54: {  	[sflag:s18] =	ssyncadd.s32 $0xFFFFC000  }
0x55: {  	[tilespmem:s17], [sflag:$0x1] =	stream.indirect.gather [hbm4b:s5+s20], $0x80, s6, s20, $0xb8;
	[tilespmem:$0x18800] =	vst v63  }
0x56: {  	_ =	swait.ge [sflag:s18], $0x4000  }
0x57: {  	[sflag:s18] =	ssyncset.done $0x0  }
0x58: {  	[sflag:s18] =	ssyncadd.s32 $0xFFFFC000  }
0x59: {  	[spmem:s2] =	stream.indirect.scatter.add.f32 [tilespmem:s17], [sflag:$0x1], $0x80, s7, s20, $0xb8;
	[tilespmem:$0x18800] =	vst v63  }
0x5a: {  	_ =	swait.ge [sflag:s18], $0x4000  }
0x5b: {  	[sflag:s18] =	ssyncset.done $0x0  }
0x5c: {  	s9 =	rddreg [dreg:$0x4];
	[sflag:s18] =	ssyncadd.s32 $0xFFFFC000  }
.LBB2_10:
0x5d: {  	s10 =	rddreg [dreg:$0x9]  }
0x5e: {  	s13 =	stileid.u32;
	[bflag:$0x0] =	sbarrier.arrive $0xFFFF;
	s1 =	sadd.s32 $0x1, s1  }
0x5f: {  	s9 =	sadd.s32 s9, s10;
	s10 =	sshll.u32 s13, $0x6;
	p1 =	sne.s32 s1, s14  }
.Ltmp1:
0x60: {  	s11 =	sshrl.u32 s8, $0x3;
	s10 =	sor.u32 $0x1C01, s10;
	(pc) =	sbr.rel @!p1 .LBB2_11-.Ltmp1, $4  }
0x61: {  	[hbm:s9], [sflag:s10] =	dma.local [spmem:s11], $0x2800  }
0x62: {  	_ =	swait.ge [sflag:s18], $0x2800  }
0x63: {  	[sflag:s18] =	ssyncset.done $0x0  }
0x64: {  	[sflag:s18] =	ssyncadd.s32 $0xFFFFD800  }
.LBB2_1:
.Ltmp2:
0x65: {  	(pc) =	sbr.rel @!p0 .LBB2_2-.Ltmp2, $2  }
0x66: {  	_ =	sdelay $0x2  }
0x67: {  	s9 =	sshra.s32 s3, $0x2;
	s10 =	sadd.s32 $0x200, s3  }
.LBB2_6:
0x68: {  	p1 =	sne.s32 s10, $0xFE00;
	[tilespmem:s9+$0x870] =	vst v0  }
0x69: {  	[tilespmem:s9+$0x800] =	vst v0  }
0x6a: {  	[tilespmem:s9+$0x810] =	vst v0  }
.Ltmp3:
0x6b: {  	[tilespmem:s9+$0x820] =	vst v0;
	(pc) =	sbr.rel @p1 .LBB2_6-.Ltmp3, $4  }
0x6c: {  	[tilespmem:s9+$0x830] =	vst v0  }
0x6d: {  	[tilespmem:s9+$0x840] =	vst v0  }
0x6e: {  	[tilespmem:s9+$0x850] =	vst v0  }
0x6f: {  	[tilespmem:s9+$0x860] =	vst v0;
	s9 =	sshra.s32 s10, $0x2;
	s10 =	sadd.s32 $0x200, s10  }
0x70: {  	[tilespmem:s9+$0x870] =	vst v0  }
0x71: {  	[tilespmem:s9+$0x800] =	vst v0  }
0x72: {  	[tilespmem:s9+$0x810] =	vst v0  }
0x73: {  	[tilespmem:s9+$0x820] =	vst v0  }
0x74: {  	[tilespmem:s9+$0x830] =	vst v0  }
0x75: {  	[tilespmem:s9+$0x840] =	vst v0  }
0x76: {  	[tilespmem:s9+$0x850] =	vst v0  }
0x77: {  	[tilespmem:s9+$0x860] =	vst v0  }
0x78: {  	[spmem:s8] =	stream.linear.scatter [tilespmem:s17], [sflag:$0x1], $0x4000, $0x38;
	[tilespmem:$0x18800] =	vst v63  }
0x79: {  	_ =	swait.ge [sflag:s18], $0x4000  }
0x7a: {  	[sflag:s18] =	ssyncset.done $0x0  }
0x7b: {  	s12 =	rddreg [dreg:$0x5];
	[sflag:s18] =	ssyncadd.s32 $0xFFFFC000  }
0x7c: {  	[spmem:s12] =	stream.linear.scatter [tilespmem:s17], [sflag:$0x1], $0x4000, $0x38;
	[tilespmem:$0x18800] =	vst v63  }
0x7d: {  	_ =	swait.ge [sflag:s18], $0x4000  }
0x7e: {  	[sflag:s18] =	ssyncset.done $0x0  }
0x7f: {  	s13 =	rddreg [dreg:$0x6];
	[sflag:s18] =	ssyncadd.s32 $0xFFFFC000  }
0x80: {  	[spmem:s13] =	stream.linear.scatter [tilespmem:s17], [sflag:$0x1], $0x4000, $0x38;
	[tilespmem:$0x18800] =	vst v63  }
0x81: {  	_ =	swait.ge [sflag:s18], $0x4000  }
0x82: {  	[sflag:s18] =	ssyncset.done $0x0  }
0x83: {  	s10 =	rddreg [dreg:$0x7];
	[sflag:s18] =	ssyncadd.s32 $0xFFFFC000  }
0x84: {  	[spmem:s10] =	stream.linear.scatter [tilespmem:s17], [sflag:$0x1], $0x4000, $0x38;
	[tilespmem:$0x18800] =	vst v63  }
0x85: {  	_ =	swait.ge [sflag:s18], $0x4000  }
0x86: {  	[sflag:s18] =	ssyncset.done $0x0  }
0x87: {  	s11 =	rddreg [dreg:$0x8];
	[sflag:s18] =	ssyncadd.s32 $0xFFFFC000  }
0x88: {  	[spmem:s11] =	stream.linear.scatter [tilespmem:s17], [sflag:$0x1], $0x4000, $0x38;
	[tilespmem:$0x18800] =	vst v63  }
0x89: {  	_ =	swait.ge [sflag:s18], $0x4000  }
0x8a: {  	[sflag:s18] =	ssyncset.done $0x0  }
0x8b: {  	[sflag:s18] =	ssyncadd.s32 $0xFFFFC000  }
0x8c: {  	s12 =	sadd.s32 $0x0, s16;
	[bflag:$0x0] =	sbarrier.arrive $0xFFFF  }
0x8d: {  	[tilespmem:s3], [sflag:$0x1] =	stream.linear.gather [hbm4b:s12+s3], $0x400, $0x38;
	[tilespmem:$0x18800] =	vst v63  }
0x8e: {  	_ =	swait.ge [sflag:s18], $0x400  }
0x8f: {  	[sflag:s18] =	ssyncset.done $0x0  }
0x90: {  	s13 =	sadd.s32 $0x0, s15;
	[sflag:s18] =	ssyncadd.s32 $0xFFFFFC00  }
0x91: {  	[tilespmem:s19], [sflag:$0x1] =	stream.linear.gather [hbm4b:s13+s3], $0x400, $0x38;
	[tilespmem:$0x18800] =	vst v63  }
0x92: {  	_ =	swait.ge [sflag:s18], $0x400  }
0x93: {  	[sflag:s18] =	ssyncset.done $0x0  }
0x94: {  	[sflag:s18] =	ssyncadd.s32 $0xFFFFFC00  }
0x95: {  	[tilespmem:s17], [sflag:$0x1] =	stream.indirect.gather [hbm4b:s5+s20], $0x80, s3, s20, $0xb8;
	[tilespmem:$0x18800] =	vst v63  }
0x96: {  	_ =	swait.ge [sflag:s18], $0x4000  }
0x97: {  	[sflag:s18] =	ssyncset.done $0x0  }
0x98: {  	[sflag:s18] =	ssyncadd.s32 $0xFFFFC000  }
0x99: {  	[spmem:s2] =	stream.indirect.scatter.add.f32 [tilespmem:s17], [sflag:$0x1], $0x80, s19, s20, $0xb8;
	[tilespmem:$0x18800] =	vst v63  }
0x9a: {  	_ =	swait.ge [sflag:s18], $0x4000  }
0x9b: {  	[sflag:s18] =	ssyncset.done $0x0  }
0x9c: {  	[sflag:s18] =	ssyncadd.s32 $0xFFFFC000  }
0x9d: {  	[tilespmem:s17], [sflag:$0x1] =	stream.indirect.gather [hbm4b:s5+s20], $0x80, s20, s20, $0xb8;
	[tilespmem:$0x18800] =	vst v63  }
0x9e: {  	_ =	swait.ge [sflag:s18], $0x4000  }
0x9f: {  	[sflag:s18] =	ssyncset.done $0x0  }
0xa0: {  	[sflag:s18] =	ssyncadd.s32 $0xFFFFC000  }
0xa1: {  	[spmem:s2] =	stream.indirect.scatter.add.f32 [tilespmem:s17], [sflag:$0x1], $0x80, s21, s20, $0xb8;
	[tilespmem:$0x18800] =	vst v63  }
0xa2: {  	_ =	swait.ge [sflag:s18], $0x4000  }
0xa3: {  	[sflag:s18] =	ssyncset.done $0x0  }
0xa4: {  	[sflag:s18] =	ssyncadd.s32 $0xFFFFC000  }
0xa5: {  	[tilespmem:s17], [sflag:$0x1] =	stream.indirect.gather [hbm4b:s5+s20], $0x80, s22, s20, $0xb8;
	[tilespmem:$0x18800] =	vst v63  }
0xa6: {  	_ =	swait.ge [sflag:s18], $0x4000  }
0xa7: {  	[sflag:s18] =	ssyncset.done $0x0  }
0xa8: {  	[sflag:s18] =	ssyncadd.s32 $0xFFFFC000  }
0xa9: {  	[spmem:s2] =	stream.indirect.scatter.add.f32 [tilespmem:s17], [sflag:$0x1], $0x80, s23, s20, $0xb8;
	[tilespmem:$0x18800] =	vst v63  }
0xaa: {  	_ =	swait.ge [sflag:s18], $0x4000  }
0xab: {  	[sflag:s18] =	ssyncset.done $0x0  }
0xac: {  	[sflag:s18] =	ssyncadd.s32 $0xFFFFC000  }
0xad: {  	[tilespmem:s17], [sflag:$0x1] =	stream.indirect.gather [hbm4b:s5+s20], $0x80, s24, s20, $0xb8;
	[tilespmem:$0x18800] =	vst v63  }
0xae: {  	_ =	swait.ge [sflag:s18], $0x4000  }
0xaf: {  	[sflag:s18] =	ssyncset.done $0x0  }
0xb0: {  	[sflag:s18] =	ssyncadd.s32 $0xFFFFC000  }
0xb1: {  	[spmem:s2] =	stream.indirect.scatter.add.f32 [tilespmem:s17], [sflag:$0x1], $0x80, s25, s20, $0xb8;
	[tilespmem:$0x18800] =	vst v63  }
0xb2: {  	_ =	swait.ge [sflag:s18], $0x4000  }
0xb3: {  	[sflag:s18] =	ssyncset.done $0x0  }
0xb4: {  	[sflag:s18] =	ssyncadd.s32 $0xFFFFC000  }
0xb5: {  	[tilespmem:s17], [sflag:$0x1] =	stream.indirect.gather [hbm4b:s5+s20], $0x80, s26, s20, $0xb8;
	[tilespmem:$0x18800] =	vst v63  }
0xb6: {  	_ =	swait.ge [sflag:s18], $0x4000  }
0xb7: {  	[sflag:s18] =	ssyncset.done $0x0  }
0xb8: {  	[sflag:s18] =	ssyncadd.s32 $0xFFFFC000  }
0xb9: {  	[spmem:s2] =	stream.indirect.scatter.add.f32 [tilespmem:s17], [sflag:$0x1], $0x80, s28, s20, $0xb8;
	[tilespmem:$0x18800] =	vst v63  }
0xba: {  	_ =	swait.ge [sflag:s18], $0x4000  }
0xbb: {  	[sflag:s18] =	ssyncset.done $0x0  }
0xbc: {  	[sflag:s18] =	ssyncadd.s32 $0xFFFFC000  }
0xbd: {  	[tilespmem:s17], [sflag:$0x1] =	stream.indirect.gather [hbm4b:s5+s20], $0x80, s29, s20, $0xb8;
	[tilespmem:$0x18800] =	vst v63  }
0xbe: {  	_ =	swait.ge [sflag:s18], $0x4000  }
0xbf: {  	[sflag:s18] =	ssyncset.done $0x0  }
0xc0: {  	[sflag:s18] =	ssyncadd.s32 $0xFFFFC000  }
0xc1: {  	[spmem:s2] =	stream.indirect.scatter.add.f32 [tilespmem:s17], [sflag:$0x1], $0x80, s30, s20, $0xb8;
	[tilespmem:$0x18800] =	vst v63  }
0xc2: {  	_ =	swait.ge [sflag:s18], $0x4000  }
0xc3: {  	[sflag:s18] =	ssyncset.done $0x0  }
0xc4: {  	[sflag:s18] =	ssyncadd.s32 $0xFFFFC000  }
0xc5: {  	[tilespmem:s17], [sflag:$0x1] =	stream.indirect.gather [hbm4b:s5+s20], $0x80, s31, s20, $0xb8;
	[tilespmem:$0x18800] =	vst v63  }
0xc6: {  	_ =	swait.ge [sflag:s18], $0x4000  }
0xc7: {  	[sflag:s18] =	ssyncset.done $0x0  }
0xc8: {  	[sflag:s18] =	ssyncadd.s32 $0xFFFFC000  }
0xc9: {  	[spmem:s2] =	stream.indirect.scatter.add.f32 [tilespmem:s17], [sflag:$0x1], $0x80, s0, s20, $0xb8;
	[tilespmem:$0x18800] =	vst v63  }
0xca: {  	_ =	swait.ge [sflag:s18], $0x4000  }
0xcb: {  	[sflag:s18] =	ssyncset.done $0x0  }
0xcc: {  	[sflag:s18] =	ssyncadd.s32 $0xFFFFC000  }
0xcd: {  	[tilespmem:s17], [sflag:$0x1] =	stream.indirect.gather [hbm4b:s5+s20], $0x80, s6, s20, $0xb8;
	[tilespmem:$0x18800] =	vst v63  }
0xce: {  	_ =	swait.ge [sflag:s18], $0x4000  }
0xcf: {  	[sflag:s18] =	ssyncset.done $0x0  }
0xd0: {  	[sflag:s18] =	ssyncadd.s32 $0xFFFFC000  }
0xd1: {  	[spmem:s2] =	stream.indirect.scatter.add.f32 [tilespmem:s17], [sflag:$0x1], $0x80, s7, s20, $0xb8;
	[tilespmem:$0x18800] =	vst v63  }
0xd2: {  	_ =	swait.ge [sflag:s18], $0x4000  }
0xd3: {  	s9 =	simm.s32 $0x80;
	s11 =	simm.s32 $0x100;
	[sflag:s18] =	ssyncset.done $0x0  }
.LBB2_8:
0xd4: {  	s12 =	sadd.s32 s9, s16  }
0xd5: {  	[sflag:s18] =	ssyncadd.s32 $0xFFFFC000;
	s13 =	smov.u32 s11;
	s10 =	sadd.s32 $0x80, s11  }
0xd6: {  	[tilespmem:s3], [sflag:$0x1] =	stream.linear.gather [hbm4b:s12+s3], $0x400, $0x38;
	[tilespmem:$0x18800] =	vst v63  }
0xd7: {  	p1 =	sne.s32 s11, $0x980;
	_ =	swait.ge [sflag:s18], $0x400  }
0xd8: {  	[sflag:s18] =	ssyncset.done $0x0  }
0xd9: {  	s11 =	sadd.s32 s9, s15;
	s9 =	smov.u32 s13;
	[sflag:s18] =	ssyncadd.s32 $0xFFFFFC00  }
0xda: {  	[tilespmem:s19], [sflag:$0x1] =	stream.linear.gather [hbm4b:s11+s3], $0x400, $0x38;
	[tilespmem:$0x18800] =	vst v63  }
0xdb: {  	_ =	swait.ge [sflag:s18], $0x400  }
0xdc: {  	[sflag:s18] =	ssyncset.done $0x0  }
0xdd: {  	[sflag:s18] =	ssyncadd.s32 $0xFFFFFC00  }
0xde: {  	[tilespmem:s17], [sflag:$0x1] =	stream.indirect.gather [hbm4b:s5+s20], $0x80, s3, s20, $0xb8;
	[tilespmem:$0x18800] =	vst v63  }
0xdf: {  	_ =	swait.ge [sflag:s18], $0x4000  }
0xe0: {  	[sflag:s18] =	ssyncset.done $0x0  }
0xe1: {  	[sflag:s18] =	ssyncadd.s32 $0xFFFFC000  }
0xe2: {  	[spmem:s2] =	stream.indirect.scatter.add.f32 [tilespmem:s17], [sflag:$0x1], $0x80, s19, s20, $0xb8;
	[tilespmem:$0x18800] =	vst v63  }
0xe3: {  	_ =	swait.ge [sflag:s18], $0x4000  }
0xe4: {  	[sflag:s18] =	ssyncset.done $0x0  }
0xe5: {  	[sflag:s18] =	ssyncadd.s32 $0xFFFFC000  }
0xe6: {  	[tilespmem:s17], [sflag:$0x1] =	stream.indirect.gather [hbm4b:s5+s20], $0x80, s20, s20, $0xb8;
	[tilespmem:$0x18800] =	vst v63  }
0xe7: {  	_ =	swait.ge [sflag:s18], $0x4000  }
0xe8: {  	[sflag:s18] =	ssyncset.done $0x0  }
0xe9: {  	[sflag:s18] =	ssyncadd.s32 $0xFFFFC000  }
0xea: {  	[spmem:s2] =	stream.indirect.scatter.add.f32 [tilespmem:s17], [sflag:$0x1], $0x80, s21, s20, $0xb8;
	[tilespmem:$0x18800] =	vst v63  }
0xeb: {  	_ =	swait.ge [sflag:s18], $0x4000  }
0xec: {  	[sflag:s18] =	ssyncset.done $0x0  }
0xed: {  	[sflag:s18] =	ssyncadd.s32 $0xFFFFC000  }
0xee: {  	[tilespmem:s17], [sflag:$0x1] =	stream.indirect.gather [hbm4b:s5+s20], $0x80, s22, s20, $0xb8;
	[tilespmem:$0x18800] =	vst v63  }
0xef: {  	_ =	swait.ge [sflag:s18], $0x4000  }
0xf0: {  	[sflag:s18] =	ssyncset.done $0x0  }
0xf1: {  	[sflag:s18] =	ssyncadd.s32 $0xFFFFC000  }
0xf2: {  	[spmem:s2] =	stream.indirect.scatter.add.f32 [tilespmem:s17], [sflag:$0x1], $0x80, s23, s20, $0xb8;
	[tilespmem:$0x18800] =	vst v63  }
0xf3: {  	_ =	swait.ge [sflag:s18], $0x4000  }
0xf4: {  	[sflag:s18] =	ssyncset.done $0x0  }
0xf5: {  	[sflag:s18] =	ssyncadd.s32 $0xFFFFC000  }
0xf6: {  	[tilespmem:s17], [sflag:$0x1] =	stream.indirect.gather [hbm4b:s5+s20], $0x80, s24, s20, $0xb8;
	[tilespmem:$0x18800] =	vst v63  }
0xf7: {  	_ =	swait.ge [sflag:s18], $0x4000  }
0xf8: {  	[sflag:s18] =	ssyncset.done $0x0  }
0xf9: {  	[sflag:s18] =	ssyncadd.s32 $0xFFFFC000  }
0xfa: {  	[spmem:s2] =	stream.indirect.scatter.add.f32 [tilespmem:s17], [sflag:$0x1], $0x80, s25, s20, $0xb8;
	[tilespmem:$0x18800] =	vst v63  }
0xfb: {  	_ =	swait.ge [sflag:s18], $0x4000  }
0xfc: {  	[sflag:s18] =	ssyncset.done $0x0  }
0xfd: {  	[sflag:s18] =	ssyncadd.s32 $0xFFFFC000  }
0xfe: {  	[tilespmem:s17], [sflag:$0x1] =	stream.indirect.gather [hbm4b:s5+s20], $0x80, s26, s20, $0xb8;
	[tilespmem:$0x18800] =	vst v63  }
0xff: {  	_ =	swait.ge [sflag:s18], $0x4000  }
0x100: {  	[sflag:s18] =	ssyncset.done $0x0  }
0x101: {  	[sflag:s18] =	ssyncadd.s32 $0xFFFFC000  }
0x102: {  	[spmem:s2] =	stream.indirect.scatter.add.f32 [tilespmem:s17], [sflag:$0x1], $0x80, s28, s20, $0xb8;
	[tilespmem:$0x18800] =	vst v63  }
0x103: {  	_ =	swait.ge [sflag:s18], $0x4000  }
0x104: {  	[sflag:s18] =	ssyncset.done $0x0  }
0x105: {  	[sflag:s18] =	ssyncadd.s32 $0xFFFFC000  }
0x106: {  	[tilespmem:s17], [sflag:$0x1] =	stream.indirect.gather [hbm4b:s5+s20], $0x80, s29, s20, $0xb8;
	[tilespmem:$0x18800] =	vst v63  }
0x107: {  	_ =	swait.ge [sflag:s18], $0x4000  }
0x108: {  	[sflag:s18] =	ssyncset.done $0x0  }
0x109: {  	[sflag:s18] =	ssyncadd.s32 $0xFFFFC000  }
0x10a: {  	[spmem:s2] =	stream.indirect.scatter.add.f32 [tilespmem:s17], [sflag:$0x1], $0x80, s30, s20, $0xb8;
	[tilespmem:$0x18800] =	vst v63  }
0x10b: {  	_ =	swait.ge [sflag:s18], $0x4000  }
0x10c: {  	[sflag:s18] =	ssyncset.done $0x0  }
0x10d: {  	[sflag:s18] =	ssyncadd.s32 $0xFFFFC000  }
0x10e: {  	[tilespmem:s17], [sflag:$0x1] =	stream.indirect.gather [hbm4b:s5+s20], $0x80, s31, s20, $0xb8;
	[tilespmem:$0x18800] =	vst v63  }
0x10f: {  	_ =	swait.ge [sflag:s18], $0x4000  }
0x110: {  	[sflag:s18] =	ssyncset.done $0x0  }
0x111: {  	[sflag:s18] =	ssyncadd.s32 $0xFFFFC000  }
0x112: {  	[spmem:s2] =	stream.indirect.scatter.add.f32 [tilespmem:s17], [sflag:$0x1], $0x80, s0, s20, $0xb8;
	[tilespmem:$0x18800] =	vst v63  }
0x113: {  	_ =	swait.ge [sflag:s18], $0x4000  }
0x114: {  	[sflag:s18] =	ssyncset.done $0x0  }
0x115: {  	[sflag:s18] =	ssyncadd.s32 $0xFFFFC000  }
0x116: {  	[tilespmem:s17], [sflag:$0x1] =	stream.indirect.gather [hbm4b:s5+s20], $0x80, s6, s20, $0xb8;
	[tilespmem:$0x18800] =	vst v63  }
0x117: {  	_ =	swait.ge [sflag:s18], $0x4000  }
.Ltmp4:
0x118: {  	[sflag:s18] =	ssyncset.done $0x0;
	(pc) =	sbr.rel @p1 .LBB2_8-.Ltmp4, $4  }
0x119: {  	[sflag:s18] =	ssyncadd.s32 $0xFFFFC000  }
0x11a: {  	[spmem:s2] =	stream.indirect.scatter.add.f32 [tilespmem:s17], [sflag:$0x1], $0x80, s7, s20, $0xb8;
	[tilespmem:$0x18800] =	vst v63  }
0x11b: {  	_ =	swait.ge [sflag:s18], $0x4000  }
0x11c: {  	s11 =	smov.u32 s10;
	[sflag:s18] =	ssyncset.done $0x0  }
.Ltmp5:
0x11d: {  	_ = 	snop;
	(pc) =	sbr.rel .LBB2_9-.Ltmp5, $1  }
0x11e: {  	_ =	sdelay $0x3  }
.LBB2_2:
0x11f: {  	p1 =	sne.s32 s10, $0xFE00;
	[tilespmem:s9+$0x870] =	vst v0  }
0x120: {  	[tilespmem:s9+$0x800] =	vst v0  }
0x121: {  	[tilespmem:s9+$0x810] =	vst v0  }
.Ltmp6:
0x122: {  	[tilespmem:s9+$0x820] =	vst v0;
	(pc) =	sbr.rel @p1 .LBB2_2-.Ltmp6, $4  }
0x123: {  	[tilespmem:s9+$0x830] =	vst v0  }
0x124: {  	[tilespmem:s9+$0x840] =	vst v0  }
0x125: {  	[tilespmem:s9+$0x850] =	vst v0  }
0x126: {  	[tilespmem:s9+$0x860] =	vst v0;
	s9 =	sshra.s32 s10, $0x2;
	s10 =	sadd.s32 $0x200, s10  }
0x127: {  	[tilespmem:s9+$0x870] =	vst v0  }
0x128: {  	[tilespmem:s9+$0x800] =	vst v0  }
0x129: {  	[tilespmem:s9+$0x810] =	vst v0  }
0x12a: {  	[tilespmem:s9+$0x820] =	vst v0  }
0x12b: {  	[tilespmem:s9+$0x830] =	vst v0  }
0x12c: {  	[tilespmem:s9+$0x840] =	vst v0  }
0x12d: {  	[tilespmem:s9+$0x850] =	vst v0  }
0x12e: {  	[tilespmem:s9+$0x860] =	vst v0  }
0x12f: {  	[spmem:s8] =	stream.linear.scatter [tilespmem:s17], [sflag:$0x1], $0x4000, $0x38;
	[tilespmem:$0x18800] =	vst v63  }
0x130: {  	_ =	swait.ge [sflag:s18], $0x4000  }
0x131: {  	[sflag:s18] =	ssyncset.done $0x0  }
0x132: {  	s12 =	rddreg [dreg:$0x5];
	[sflag:s18] =	ssyncadd.s32 $0xFFFFC000  }
0x133: {  	[spmem:s12] =	stream.linear.scatter [tilespmem:s17], [sflag:$0x1], $0x4000, $0x38;
	[tilespmem:$0x18800] =	vst v63  }
0x134: {  	_ =	swait.ge [sflag:s18], $0x4000  }
0x135: {  	[sflag:s18] =	ssyncset.done $0x0  }
0x136: {  	s13 =	rddreg [dreg:$0x6];
	[sflag:s18] =	ssyncadd.s32 $0xFFFFC000  }
0x137: {  	[spmem:s13] =	stream.linear.scatter [tilespmem:s17], [sflag:$0x1], $0x4000, $0x38;
	[tilespmem:$0x18800] =	vst v63  }
0x138: {  	_ =	swait.ge [sflag:s18], $0x4000  }
0x139: {  	[sflag:s18] =	ssyncset.done $0x0  }
0x13a: {  	s10 =	rddreg [dreg:$0x7];
	[sflag:s18] =	ssyncadd.s32 $0xFFFFC000  }
0x13b: {  	[spmem:s10] =	stream.linear.scatter [tilespmem:s17], [sflag:$0x1], $0x4000, $0x38;
	[tilespmem:$0x18800] =	vst v63  }
0x13c: {  	_ =	swait.ge [sflag:s18], $0x4000  }
0x13d: {  	[sflag:s18] =	ssyncset.done $0x0  }
0x13e: {  	s11 =	rddreg [dreg:$0x8];
	[sflag:s18] =	ssyncadd.s32 $0xFFFFC000  }
0x13f: {  	[spmem:s11] =	stream.linear.scatter [tilespmem:s17], [sflag:$0x1], $0x4000, $0x38;
	[tilespmem:$0x18800] =	vst v63  }
0x140: {  	_ =	swait.ge [sflag:s18], $0x4000  }
0x141: {  	[sflag:s18] =	ssyncset.done $0x0  }
0x142: {  	[sflag:s18] =	ssyncadd.s32 $0xFFFFC000  }
0x143: {  	s12 =	sadd.s32 $0x0, s16;
	[bflag:$0x0] =	sbarrier.arrive $0xFFFF  }
0x144: {  	[tilespmem:s3], [sflag:$0x1] =	stream.linear.gather [hbm4b:s12+s3], $0x400, $0x38;
	[tilespmem:$0x18800] =	vst v63  }
0x145: {  	_ =	swait.ge [sflag:s18], $0x400  }
0x146: {  	[sflag:s18] =	ssyncset.done $0x0  }
0x147: {  	s13 =	sadd.s32 $0x0, s15;
	[sflag:s18] =	ssyncadd.s32 $0xFFFFFC00  }
0x148: {  	[tilespmem:s19], [sflag:$0x1] =	stream.linear.gather [hbm4b:s13+s3], $0x400, $0x38;
	[tilespmem:$0x18800] =	vst v63  }
0x149: {  	_ =	swait.ge [sflag:s18], $0x400  }
0x14a: {  	[sflag:s18] =	ssyncset.done $0x0  }
0x14b: {  	[sflag:s18] =	ssyncadd.s32 $0xFFFFFC00  }
0x14c: {  	[tilespmem:s17], [sflag:$0x1] =	stream.indirect.gather [hbm4b:s4+s20], $0x80, s3, s20, $0xb8;
	[tilespmem:$0x18800] =	vst v63  }
0x14d: {  	_ =	swait.ge [sflag:s18], $0x4000  }
0x14e: {  	[sflag:s18] =	ssyncset.done $0x0  }
0x14f: {  	[sflag:s18] =	ssyncadd.s32 $0xFFFFC000  }
0x150: {  	[spmem:s2] =	stream.indirect.scatter.add.f32 [tilespmem:s17], [sflag:$0x1], $0x80, s19, s20, $0xb8;
	[tilespmem:$0x18800] =	vst v63  }
0x151: {  	_ =	swait.ge [sflag:s18], $0x4000  }
0x152: {  	[sflag:s18] =	ssyncset.done $0x0  }
0x153: {  	[sflag:s18] =	ssyncadd.s32 $0xFFFFC000  }
0x154: {  	[tilespmem:s17], [sflag:$0x1] =	stream.indirect.gather [hbm4b:s4+s20], $0x80, s20, s20, $0xb8;
	[tilespmem:$0x18800] =	vst v63  }
0x155: {  	_ =	swait.ge [sflag:s18], $0x4000  }
0x156: {  	[sflag:s18] =	ssyncset.done $0x0  }
0x157: {  	[sflag:s18] =	ssyncadd.s32 $0xFFFFC000  }
0x158: {  	[spmem:s2] =	stream.indirect.scatter.add.f32 [tilespmem:s17], [sflag:$0x1], $0x80, s21, s20, $0xb8;
	[tilespmem:$0x18800] =	vst v63  }
0x159: {  	_ =	swait.ge [sflag:s18], $0x4000  }
0x15a: {  	[sflag:s18] =	ssyncset.done $0x0  }
0x15b: {  	[sflag:s18] =	ssyncadd.s32 $0xFFFFC000  }
0x15c: {  	[tilespmem:s17], [sflag:$0x1] =	stream.indirect.gather [hbm4b:s4+s20], $0x80, s22, s20, $0xb8;
	[tilespmem:$0x18800] =	vst v63  }
0x15d: {  	_ =	swait.ge [sflag:s18], $0x4000  }
0x15e: {  	[sflag:s18] =	ssyncset.done $0x0  }
0x15f: {  	[sflag:s18] =	ssyncadd.s32 $0xFFFFC000  }
0x160: {  	[spmem:s2] =	stream.indirect.scatter.add.f32 [tilespmem:s17], [sflag:$0x1], $0x80, s23, s20, $0xb8;
	[tilespmem:$0x18800] =	vst v63  }
0x161: {  	_ =	swait.ge [sflag:s18], $0x4000  }
0x162: {  	[sflag:s18] =	ssyncset.done $0x0  }
0x163: {  	[sflag:s18] =	ssyncadd.s32 $0xFFFFC000  }
0x164: {  	[tilespmem:s17], [sflag:$0x1] =	stream.indirect.gather [hbm4b:s4+s20], $0x80, s24, s20, $0xb8;
	[tilespmem:$0x18800] =	vst v63  }
0x165: {  	_ =	swait.ge [sflag:s18], $0x4000  }
0x166: {  	[sflag:s18] =	ssyncset.done $0x0  }
0x167: {  	[sflag:s18] =	ssyncadd.s32 $0xFFFFC000  }
0x168: {  	[spmem:s2] =	stream.indirect.scatter.add.f32 [tilespmem:s17], [sflag:$0x1], $0x80, s25, s20, $0xb8;
	[tilespmem:$0x18800] =	vst v63  }
0x169: {  	_ =	swait.ge [sflag:s18], $0x4000  }
0x16a: {  	[sflag:s18] =	ssyncset.done $0x0  }
0x16b: {  	[sflag:s18] =	ssyncadd.s32 $0xFFFFC000  }
0x16c: {  	[tilespmem:s17], [sflag:$0x1] =	stream.indirect.gather [hbm4b:s4+s20], $0x80, s26, s20, $0xb8;
	[tilespmem:$0x18800] =	vst v63  }
0x16d: {  	_ =	swait.ge [sflag:s18], $0x4000  }
0x16e: {  	[sflag:s18] =	ssyncset.done $0x0  }
0x16f: {  	[sflag:s18] =	ssyncadd.s32 $0xFFFFC000  }
0x170: {  	[spmem:s2] =	stream.indirect.scatter.add.f32 [tilespmem:s17], [sflag:$0x1], $0x80, s28, s20, $0xb8;
	[tilespmem:$0x18800] =	vst v63  }
0x171: {  	_ =	swait.ge [sflag:s18], $0x4000  }
0x172: {  	[sflag:s18] =	ssyncset.done $0x0  }
0x173: {  	[sflag:s18] =	ssyncadd.s32 $0xFFFFC000  }
0x174: {  	[tilespmem:s17], [sflag:$0x1] =	stream.indirect.gather [hbm4b:s4+s20], $0x80, s29, s20, $0xb8;
	[tilespmem:$0x18800] =	vst v63  }
0x175: {  	_ =	swait.ge [sflag:s18], $0x4000  }
0x176: {  	[sflag:s18] =	ssyncset.done $0x0  }
0x177: {  	[sflag:s18] =	ssyncadd.s32 $0xFFFFC000  }
0x178: {  	[spmem:s2] =	stream.indirect.scatter.add.f32 [tilespmem:s17], [sflag:$0x1], $0x80, s30, s20, $0xb8;
	[tilespmem:$0x18800] =	vst v63  }
0x179: {  	_ =	swait.ge [sflag:s18], $0x4000  }
0x17a: {  	[sflag:s18] =	ssyncset.done $0x0  }
0x17b: {  	[sflag:s18] =	ssyncadd.s32 $0xFFFFC000  }
0x17c: {  	[tilespmem:s17], [sflag:$0x1] =	stream.indirect.gather [hbm4b:s4+s20], $0x80, s31, s20, $0xb8;
	[tilespmem:$0x18800] =	vst v63  }
0x17d: {  	_ =	swait.ge [sflag:s18], $0x4000  }
0x17e: {  	[sflag:s18] =	ssyncset.done $0x0  }
0x17f: {  	[sflag:s18] =	ssyncadd.s32 $0xFFFFC000  }
0x180: {  	[spmem:s2] =	stream.indirect.scatter.add.f32 [tilespmem:s17], [sflag:$0x1], $0x80, s0, s20, $0xb8;
	[tilespmem:$0x18800] =	vst v63  }
0x181: {  	_ =	swait.ge [sflag:s18], $0x4000  }
0x182: {  	[sflag:s18] =	ssyncset.done $0x0  }
0x183: {  	[sflag:s18] =	ssyncadd.s32 $0xFFFFC000  }
0x184: {  	[tilespmem:s17], [sflag:$0x1] =	stream.indirect.gather [hbm4b:s4+s20], $0x80, s6, s20, $0xb8;
	[tilespmem:$0x18800] =	vst v63  }
0x185: {  	_ =	swait.ge [sflag:s18], $0x4000  }
0x186: {  	[sflag:s18] =	ssyncset.done $0x0  }
0x187: {  	[sflag:s18] =	ssyncadd.s32 $0xFFFFC000  }
0x188: {  	[spmem:s2] =	stream.indirect.scatter.add.f32 [tilespmem:s17], [sflag:$0x1], $0x80, s7, s20, $0xb8;
	[tilespmem:$0x18800] =	vst v63  }
0x189: {  	_ =	swait.ge [sflag:s18], $0x4000  }
0x18a: {  	s9 =	simm.s32 $0x80;
	s10 =	simm.s32 $0x100;
	[sflag:s18] =	ssyncset.done $0x0  }
.LBB2_4:
0x18b: {  	s12 =	sadd.s32 s9, s16  }
0x18c: {  	[sflag:s18] =	ssyncadd.s32 $0xFFFFC000;
	s13 =	smov.u32 s10;
	s11 =	sadd.s32 $0x80, s10  }
0x18d: {  	[tilespmem:s3], [sflag:$0x1] =	stream.linear.gather [hbm4b:s12+s3], $0x400, $0x38;
	[tilespmem:$0x18800] =	vst v63  }
0x18e: {  	p1 =	seq.s32 s10, $0x980;
	_ =	swait.ge [sflag:s18], $0x400  }
0x18f: {  	[sflag:s18] =	ssyncset.done $0x0  }
0x190: {  	s10 =	sadd.s32 s9, s15;
	s9 =	smov.u32 s13;
	[sflag:s18] =	ssyncadd.s32 $0xFFFFFC00  }
0x191: {  	[tilespmem:s19], [sflag:$0x1] =	stream.linear.gather [hbm4b:s10+s3], $0x400, $0x38;
	[tilespmem:$0x18800] =	vst v63  }
0x192: {  	_ =	swait.ge [sflag:s18], $0x400  }
0x193: {  	[sflag:s18] =	ssyncset.done $0x0  }
0x194: {  	[sflag:s18] =	ssyncadd.s32 $0xFFFFFC00  }
0x195: {  	[tilespmem:s17], [sflag:$0x1] =	stream.indirect.gather [hbm4b:s4+s20], $0x80, s3, s20, $0xb8;
	[tilespmem:$0x18800] =	vst v63  }
0x196: {  	_ =	swait.ge [sflag:s18], $0x4000  }
0x197: {  	[sflag:s18] =	ssyncset.done $0x0  }
0x198: {  	[sflag:s18] =	ssyncadd.s32 $0xFFFFC000  }
0x199: {  	[spmem:s2] =	stream.indirect.scatter.add.f32 [tilespmem:s17], [sflag:$0x1], $0x80, s19, s20, $0xb8;
	[tilespmem:$0x18800] =	vst v63  }
0x19a: {  	_ =	swait.ge [sflag:s18], $0x4000  }
0x19b: {  	[sflag:s18] =	ssyncset.done $0x0  }
0x19c: {  	[sflag:s18] =	ssyncadd.s32 $0xFFFFC000  }
0x19d: {  	[tilespmem:s17], [sflag:$0x1] =	stream.indirect.gather [hbm4b:s4+s20], $0x80, s20, s20, $0xb8;
	[tilespmem:$0x18800] =	vst v63  }
0x19e: {  	_ =	swait.ge [sflag:s18], $0x4000  }
0x19f: {  	[sflag:s18] =	ssyncset.done $0x0  }
0x1a0: {  	[sflag:s18] =	ssyncadd.s32 $0xFFFFC000  }
0x1a1: {  	[spmem:s2] =	stream.indirect.scatter.add.f32 [tilespmem:s17], [sflag:$0x1], $0x80, s21, s20, $0xb8;
	[tilespmem:$0x18800] =	vst v63  }
0x1a2: {  	_ =	swait.ge [sflag:s18], $0x4000  }
0x1a3: {  	[sflag:s18] =	ssyncset.done $0x0  }
0x1a4: {  	[sflag:s18] =	ssyncadd.s32 $0xFFFFC000  }
0x1a5: {  	[tilespmem:s17], [sflag:$0x1] =	stream.indirect.gather [hbm4b:s4+s20], $0x80, s22, s20, $0xb8;
	[tilespmem:$0x18800] =	vst v63  }
0x1a6: {  	_ =	swait.ge [sflag:s18], $0x4000  }
0x1a7: {  	[sflag:s18] =	ssyncset.done $0x0  }
0x1a8: {  	[sflag:s18] =	ssyncadd.s32 $0xFFFFC000  }
0x1a9: {  	[spmem:s2] =	stream.indirect.scatter.add.f32 [tilespmem:s17], [sflag:$0x1], $0x80, s23, s20, $0xb8;
	[tilespmem:$0x18800] =	vst v63  }
0x1aa: {  	_ =	swait.ge [sflag:s18], $0x4000  }
0x1ab: {  	[sflag:s18] =	ssyncset.done $0x0  }
0x1ac: {  	[sflag:s18] =	ssyncadd.s32 $0xFFFFC000  }
0x1ad: {  	[tilespmem:s17], [sflag:$0x1] =	stream.indirect.gather [hbm4b:s4+s20], $0x80, s24, s20, $0xb8;
	[tilespmem:$0x18800] =	vst v63  }
0x1ae: {  	_ =	swait.ge [sflag:s18], $0x4000  }
0x1af: {  	[sflag:s18] =	ssyncset.done $0x0  }
0x1b0: {  	[sflag:s18] =	ssyncadd.s32 $0xFFFFC000  }
0x1b1: {  	[spmem:s2] =	stream.indirect.scatter.add.f32 [tilespmem:s17], [sflag:$0x1], $0x80, s25, s20, $0xb8;
	[tilespmem:$0x18800] =	vst v63  }
0x1b2: {  	_ =	swait.ge [sflag:s18], $0x4000  }
0x1b3: {  	[sflag:s18] =	ssyncset.done $0x0  }
0x1b4: {  	[sflag:s18] =	ssyncadd.s32 $0xFFFFC000  }
0x1b5: {  	[tilespmem:s17], [sflag:$0x1] =	stream.indirect.gather [hbm4b:s4+s20], $0x80, s26, s20, $0xb8;
	[tilespmem:$0x18800] =	vst v63  }
0x1b6: {  	_ =	swait.ge [sflag:s18], $0x4000  }
0x1b7: {  	[sflag:s18] =	ssyncset.done $0x0  }
0x1b8: {  	[sflag:s18] =	ssyncadd.s32 $0xFFFFC000  }
0x1b9: {  	[spmem:s2] =	stream.indirect.scatter.add.f32 [tilespmem:s17], [sflag:$0x1], $0x80, s28, s20, $0xb8;
	[tilespmem:$0x18800] =	vst v63  }
0x1ba: {  	_ =	swait.ge [sflag:s18], $0x4000  }
0x1bb: {  	[sflag:s18] =	ssyncset.done $0x0  }
0x1bc: {  	[sflag:s18] =	ssyncadd.s32 $0xFFFFC000  }
0x1bd: {  	[tilespmem:s17], [sflag:$0x1] =	stream.indirect.gather [hbm4b:s4+s20], $0x80, s29, s20, $0xb8;
	[tilespmem:$0x18800] =	vst v63  }
0x1be: {  	_ =	swait.ge [sflag:s18], $0x4000  }
0x1bf: {  	[sflag:s18] =	ssyncset.done $0x0  }
0x1c0: {  	[sflag:s18] =	ssyncadd.s32 $0xFFFFC000  }
0x1c1: {  	[spmem:s2] =	stream.indirect.scatter.add.f32 [tilespmem:s17], [sflag:$0x1], $0x80, s30, s20, $0xb8;
	[tilespmem:$0x18800] =	vst v63  }
0x1c2: {  	_ =	swait.ge [sflag:s18], $0x4000  }
0x1c3: {  	[sflag:s18] =	ssyncset.done $0x0  }
0x1c4: {  	[sflag:s18] =	ssyncadd.s32 $0xFFFFC000  }
0x1c5: {  	[tilespmem:s17], [sflag:$0x1] =	stream.indirect.gather [hbm4b:s4+s20], $0x80, s31, s20, $0xb8;
	[tilespmem:$0x18800] =	vst v63  }
0x1c6: {  	_ =	swait.ge [sflag:s18], $0x4000  }
0x1c7: {  	[sflag:s18] =	ssyncset.done $0x0  }
0x1c8: {  	[sflag:s18] =	ssyncadd.s32 $0xFFFFC000  }
0x1c9: {  	[spmem:s2] =	stream.indirect.scatter.add.f32 [tilespmem:s17], [sflag:$0x1], $0x80, s0, s20, $0xb8;
	[tilespmem:$0x18800] =	vst v63  }
0x1ca: {  	_ =	swait.ge [sflag:s18], $0x4000  }
0x1cb: {  	[sflag:s18] =	ssyncset.done $0x0  }
0x1cc: {  	[sflag:s18] =	ssyncadd.s32 $0xFFFFC000  }
0x1cd: {  	[tilespmem:s17], [sflag:$0x1] =	stream.indirect.gather [hbm4b:s4+s20], $0x80, s6, s20, $0xb8;
	[tilespmem:$0x18800] =	vst v63  }
0x1ce: {  	_ =	swait.ge [sflag:s18], $0x4000  }
.Ltmp7:
0x1cf: {  	[sflag:s18] =	ssyncset.done $0x0;
	(pc) =	sbr.rel @!p1 .LBB2_4-.Ltmp7, $4  }
0x1d0: {  	[sflag:s18] =	ssyncadd.s32 $0xFFFFC000  }
0x1d1: {  	[spmem:s2] =	stream.indirect.scatter.add.f32 [tilespmem:s17], [sflag:$0x1], $0x80, s7, s20, $0xb8;
	[tilespmem:$0x18800] =	vst v63  }
0x1d2: {  	_ =	swait.ge [sflag:s18], $0x4000  }
0x1d3: {  	s10 =	smov.u32 s11;
	[sflag:s18] =	ssyncset.done $0x0  }
0x1d4: {  	s10 =	sadd.s32 s9, s16;
	[sflag:s18] =	ssyncadd.s32 $0xFFFFC000  }
0x1d5: {  	[tilespmem:s3], [sflag:$0x1] =	stream.linear.gather [hbm4b:s10+s3], $0x400, $0x38;
	[tilespmem:$0x18800] =	vst v63  }
0x1d6: {  	_ =	swait.ge [sflag:s18], $0x400  }
0x1d7: {  	[sflag:s18] =	ssyncset.done $0x0  }
0x1d8: {  	s13 =	sadd.s32 s9, s15;
	[sflag:s18] =	ssyncadd.s32 $0xFFFFFC00  }
0x1d9: {  	[tilespmem:s19], [sflag:$0x1] =	stream.linear.gather [hbm4b:s13+s3], $0x400, $0x38;
	[tilespmem:$0x18800] =	vst v63  }
0x1da: {  	_ =	swait.ge [sflag:s18], $0x400  }
0x1db: {  	[sflag:s18] =	ssyncset.done $0x0  }
0x1dc: {  	[sflag:s18] =	ssyncadd.s32 $0xFFFFFC00  }
0x1dd: {  	[tilespmem:s17], [sflag:$0x1] =	stream.indirect.gather [hbm4b:s4+s20], $0x80, s3, s20, $0xb8;
	[tilespmem:$0x18800] =	vst v63  }
0x1de: {  	_ =	swait.ge [sflag:s18], $0x4000  }
0x1df: {  	[sflag:s18] =	ssyncset.done $0x0  }
0x1e0: {  	[sflag:s18] =	ssyncadd.s32 $0xFFFFC000  }
0x1e1: {  	[spmem:s2] =	stream.indirect.scatter.add.f32 [tilespmem:s17], [sflag:$0x1], $0x80, s19, s20, $0xb8;
	[tilespmem:$0x18800] =	vst v63  }
0x1e2: {  	_ =	swait.ge [sflag:s18], $0x4000  }
0x1e3: {  	[sflag:s18] =	ssyncset.done $0x0  }
0x1e4: {  	[sflag:s18] =	ssyncadd.s32 $0xFFFFC000  }
0x1e5: {  	[tilespmem:s17], [sflag:$0x1] =	stream.indirect.gather [hbm4b:s4+s20], $0x80, s20, s20, $0xb8;
	[tilespmem:$0x18800] =	vst v63  }
0x1e6: {  	_ =	swait.ge [sflag:s18], $0x4000  }
0x1e7: {  	[sflag:s18] =	ssyncset.done $0x0  }
0x1e8: {  	[sflag:s18] =	ssyncadd.s32 $0xFFFFC000  }
0x1e9: {  	[spmem:s2] =	stream.indirect.scatter.add.f32 [tilespmem:s17], [sflag:$0x1], $0x80, s21, s20, $0xb8;
	[tilespmem:$0x18800] =	vst v63  }
0x1ea: {  	_ =	swait.ge [sflag:s18], $0x4000  }
0x1eb: {  	[sflag:s18] =	ssyncset.done $0x0  }
0x1ec: {  	[sflag:s18] =	ssyncadd.s32 $0xFFFFC000  }
0x1ed: {  	[tilespmem:s17], [sflag:$0x1] =	stream.indirect.gather [hbm4b:s4+s20], $0x80, s22, s20, $0xb8;
	[tilespmem:$0x18800] =	vst v63  }
0x1ee: {  	_ =	swait.ge [sflag:s18], $0x4000  }
0x1ef: {  	[sflag:s18] =	ssyncset.done $0x0  }
0x1f0: {  	[sflag:s18] =	ssyncadd.s32 $0xFFFFC000  }
0x1f1: {  	[spmem:s2] =	stream.indirect.scatter.add.f32 [tilespmem:s17], [sflag:$0x1], $0x80, s23, s20, $0xb8;
	[tilespmem:$0x18800] =	vst v63  }
0x1f2: {  	_ =	swait.ge [sflag:s18], $0x4000  }
0x1f3: {  	[sflag:s18] =	ssyncset.done $0x0  }
0x1f4: {  	[sflag:s18] =	ssyncadd.s32 $0xFFFFC000  }
0x1f5: {  	[tilespmem:s17], [sflag:$0x1] =	stream.indirect.gather [hbm4b:s4+s20], $0x80, s24, s20, $0xb8;
	[tilespmem:$0x18800] =	vst v63  }
0x1f6: {  	_ =	swait.ge [sflag:s18], $0x4000  }
0x1f7: {  	[sflag:s18] =	ssyncset.done $0x0  }
0x1f8: {  	[sflag:s18] =	ssyncadd.s32 $0xFFFFC000  }
0x1f9: {  	[spmem:s2] =	stream.indirect.scatter.add.f32 [tilespmem:s17], [sflag:$0x1], $0x80, s25, s20, $0xb8;
	[tilespmem:$0x18800] =	vst v63  }
0x1fa: {  	_ =	swait.ge [sflag:s18], $0x4000  }
0x1fb: {  	[sflag:s18] =	ssyncset.done $0x0  }
0x1fc: {  	[sflag:s18] =	ssyncadd.s32 $0xFFFFC000  }
0x1fd: {  	[tilespmem:s17], [sflag:$0x1] =	stream.indirect.gather [hbm4b:s4+s20], $0x80, s26, s20, $0xb8;
	[tilespmem:$0x18800] =	vst v63  }
0x1fe: {  	_ =	swait.ge [sflag:s18], $0x4000  }
0x1ff: {  	[sflag:s18] =	ssyncset.done $0x0  }
0x200: {  	[sflag:s18] =	ssyncadd.s32 $0xFFFFC000  }
0x201: {  	[spmem:s2] =	stream.indirect.scatter.add.f32 [tilespmem:s17], [sflag:$0x1], $0x80, s28, s20, $0xb8;
	[tilespmem:$0x18800] =	vst v63  }
0x202: {  	_ =	swait.ge [sflag:s18], $0x4000  }
0x203: {  	[sflag:s18] =	ssyncset.done $0x0  }
0x204: {  	[sflag:s18] =	ssyncadd.s32 $0xFFFFC000  }
0x205: {  	[tilespmem:s17], [sflag:$0x1] =	stream.indirect.gather [hbm4b:s4+s20], $0x80, s29, s20, $0xb8;
	[tilespmem:$0x18800] =	vst v63  }
0x206: {  	_ =	swait.ge [sflag:s18], $0x4000  }
0x207: {  	[sflag:s18] =	ssyncset.done $0x0  }
0x208: {  	[sflag:s18] =	ssyncadd.s32 $0xFFFFC000  }
0x209: {  	[spmem:s2] =	stream.indirect.scatter.add.f32 [tilespmem:s17], [sflag:$0x1], $0x80, s30, s20, $0xb8;
	[tilespmem:$0x18800] =	vst v63  }
0x20a: {  	_ =	swait.ge [sflag:s18], $0x4000  }
0x20b: {  	[sflag:s18] =	ssyncset.done $0x0  }
0x20c: {  	[sflag:s18] =	ssyncadd.s32 $0xFFFFC000  }
0x20d: {  	[tilespmem:s17], [sflag:$0x1] =	stream.indirect.gather [hbm4b:s4+s20], $0x80, s31, s20, $0xb8;
	[tilespmem:$0x18800] =	vst v63  }
0x20e: {  	_ =	swait.ge [sflag:s18], $0x4000  }
0x20f: {  	[sflag:s18] =	ssyncset.done $0x0  }
0x210: {  	[sflag:s18] =	ssyncadd.s32 $0xFFFFC000  }
0x211: {  	[spmem:s2] =	stream.indirect.scatter.add.f32 [tilespmem:s17], [sflag:$0x1], $0x80, s0, s20, $0xb8;
	[tilespmem:$0x18800] =	vst v63  }
0x212: {  	_ =	swait.ge [sflag:s18], $0x4000  }
0x213: {  	[sflag:s18] =	ssyncset.done $0x0  }
0x214: {  	[sflag:s18] =	ssyncadd.s32 $0xFFFFC000  }
0x215: {  	[tilespmem:s17], [sflag:$0x1] =	stream.indirect.gather [hbm4b:s4+s20], $0x80, s6, s20, $0xb8;
	[tilespmem:$0x18800] =	vst v63  }
0x216: {  	_ =	swait.ge [sflag:s18], $0x4000  }
0x217: {  	[sflag:s18] =	ssyncset.done $0x0  }
.Ltmp8:
0x218: {  	[sflag:s18] =	ssyncadd.s32 $0xFFFFC000;
	(pc) =	sbr.rel .LBB2_10-.Ltmp8, $4  }
0x219: {  	[spmem:s2] =	stream.indirect.scatter.add.f32 [tilespmem:s17], [sflag:$0x1], $0x80, s7, s20, $0xb8;
	[tilespmem:$0x18800] =	vst v63  }
0x21a: {  	_ =	swait.ge [sflag:s18], $0x4000  }
0x21b: {  	[sflag:s18] =	ssyncset.done $0x0  }
0x21c: {  	s9 =	rddreg [dreg:$0x3];
	[sflag:s18] =	ssyncadd.s32 $0xFFFFC000  }
.LBB2_11:
0x21d: {  	_ =	sfence.sel $0x180000  }
0x21e: {  	[bflag:$0x0] =	sbarrier.arrive $0xFFFF  }
0x21f: {  	_ =	strace $0x9000004D  }
0x220: {  	s0 =	stileid.u32;
	[bflag:$0x2] =	sbarrier.arrive $0xFFFF  }
0x221: {  	p0 =	sne.s32 s0, $0x0;
	s0 =	rddreg [dreg:$0x2]  }
0x222: {  	s0 =	sadd.s32 @!p0 $0x100000, s0  }
0x223: {  	[sflag:s0] =	ssyncadd.tile.s32 @!p0 $0x1;
	_ =	shalt  }
.Lfunc_end2:
_tile_overlayer_lowered:
.L_overlay_start_2:
0x224: {  	(tag) =	ssettag $0x2  }
0x225: {  	s0 =	rddreg [dreg:$0x0];
	s2 =	stileid.u32  }
0x226: {  	s1 =	rddreg [dreg:$0x1];
	p0 =	sne.s32 s2, $0x0  }
0x227: {  	s3 =	rddreg [dreg:$0x2];
	[bflag:$0x3] =	sbarrier.arrive $0xFFFF;
	s2 =	simm.s32 @!p0 $0x1C01  }
0x228: {  	[timem:s3], [sflag:s2] =	dma.local @!p0 [hbm:s0], s1  }
0x229: {  	s0 =	simm.s32 @!p0 $0x1  }
0x22a: {  	_ =	swait.ge @!p0 [sflag:s0], s1  }
0x22b: {  	s1 =	ssub.s32 @!p0 $0x0, s1;
	[sflag:s0] =	ssyncset.done @!p0 $0x0  }
0x22c: {  	[sflag:s0] =	ssyncadd.s32 @!p0 s1  }
0x22d: {  	[bflag:$0x3] =	sbarrier.arrive $0xFFFF  }
0x22e: {  	_ =	shalt  }

</sc_bundles>
